<compile_context>
chip_gen: v7x
topology: tpu7x:2x2x1
jax: 0.10.2.dev20260603
libtpu: 0.0.44.dev20260713+nightly
codegen_flags: <defaults>
</compile_context>

<pallas_src>
import functools

import jax
import jax.numpy as jnp
from jax import lax
from jax.experimental import pallas as pl
from jax.experimental.pallas import tpu as pltpu
from jax.experimental.pallas import tpu_sc as plsc

_NC, _NS = 2, 16
_NW = _NC * _NS
_L = 16
_NIN = 3
_NOUT = 2


@functools.partial(jax.jit, static_argnums=(2, 3, 4))
def _sc_pos_add(x2, pe, B, S, D):
    RPW = S // _NW
    RB = 16
    NI = RPW // RB
    NBLK = NI * B
    NCOL = D // _L

    mesh = plsc.VectorSubcoreMesh(
        core_axis_name="c", subcore_axis_name="s",
        num_cores=_NC, num_subcores=_NS)

    def body(x_hbm, pe_hbm, out_hbm, pe0, pe1, in0, in1, in2, out0, out1,
             sem_p0, sem_p1, sem_i0, sem_i1, sem_i2, sem_o0, sem_o1):
        wid = lax.axis_index("s") * _NC + lax.axis_index("c")
        base = wid * RPW
        pes, sem_pe = (pe0, pe1), (sem_p0, sem_p1)
        ins, sem_in = (in0, in1, in2), (sem_i0, sem_i1, sem_i2)
        outs, sem_out = (out0, out1), (sem_o0, sem_o1)

        def x_row(k):
            return (k % B) * S + base + (k // B) * RB

        def start_pe(i, p):
            pltpu.make_async_copy(
                pe_hbm.at[pl.ds(base + i * RB, RB)], pes[p], sem_pe[p]).start()

        def wait_pe(p):
            pltpu.make_async_copy(
                pe_hbm.at[pl.ds(0, RB)], pes[p], sem_pe[p]).wait()

        def start_in(k, j):
            pltpu.make_async_copy(
                x_hbm.at[pl.ds(x_row(k), RB)], ins[j], sem_in[j]).start()

        def wait_in(j):
            pltpu.make_async_copy(
                x_hbm.at[pl.ds(0, RB)], ins[j], sem_in[j]).wait()

        def start_out_half(k, j, h):
            pltpu.make_async_copy(
                outs[j].at[pl.ds(h * (RB // 2), RB // 2)],
                out_hbm.at[pl.ds(x_row(k) + h * (RB // 2), RB // 2)],
                sem_out[j]).start()

        def wait_out(j):
            pltpu.make_async_copy(
                outs[j], out_hbm.at[pl.ds(0, RB)], sem_out[j]).wait()

        def compute_half(ji, jo, p, h):
            @plsc.parallel_loop(h * (RB // 2) * NCOL, (h + 1) * (RB // 2) * NCOL,
                                unroll=8)
            def _(t):
                r = t // NCOL
                sl = pl.ds((t % NCOL) * _L, _L)
                outs[jo][r, sl] = ins[ji][r, sl] + pes[p][r, sl]

        start_pe(0, 0)
        start_pe(1, 1)
        for j in range(_NIN):
            start_in(j, j)

        for k in range(NBLK):
            ji, jo, i, p = k % _NIN, k % _NOUT, k // B, (k // B) % 2
            if k % B == 0:
                if 1 <= i < NI - 1:
                    start_pe(i + 1, (i + 1) % 2)
                wait_pe(p)
            wait_in(ji)
            if k >= _NOUT:
                wait_out(jo)
            compute_half(ji, jo, p, 0)
            start_out_half(k, jo, 0)
            compute_half(ji, jo, p, 1)
            start_out_half(k, jo, 1)
            if k + _NIN < NBLK:
                start_in(k + _NIN, ji)
        for j in range(_NOUT):
            wait_out(j)

    return pl.kernel(
        body,
        out_type=jax.ShapeDtypeStruct((B * S, D), jnp.float32),
        mesh=mesh,
        scratch_types=[
            pltpu.VMEM((RB, D), jnp.float32),
            pltpu.VMEM((RB, D), jnp.float32),
            pltpu.VMEM((RB, D), jnp.float32),
            pltpu.VMEM((RB, D), jnp.float32),
            pltpu.VMEM((RB, D), jnp.float32),
            pltpu.VMEM((RB, D), jnp.float32),
            pltpu.VMEM((RB, D), jnp.float32),
            pltpu.SemaphoreType.DMA,
            pltpu.SemaphoreType.DMA,
            pltpu.SemaphoreType.DMA,
            pltpu.SemaphoreType.DMA,
            pltpu.SemaphoreType.DMA,
            pltpu.SemaphoreType.DMA,
            pltpu.SemaphoreType.DMA,
        ],
    )(x2, pe)


def kernel(x, pos_embedding):
    B, S, D = x.shape
    out = _sc_pos_add(x.reshape(B * S, D), pos_embedding, B, S, D)
    return out.reshape(B, S, D)

# --- scband reference (transcript-rebuilt; emitter-appended) ---
"""Pipeline reference for scband-learned-positional-encoding-37056977830329 (READ-ONLY COPY).

The authoritative reference and input builder live on the scoring server;
editing this copy changes nothing except your own understanding.
"""

import jax, jax.numpy as jnp
import numpy as np


def setup_inputs(seed: int = 0) -> dict:
    key = jax.random.key(seed)
    k1, k2 = jax.random.split(key)
    x = jax.random.normal(k1, (4, 2048, 1024), dtype=jnp.float32)
    # learned positional embedding table: [max_len, d_model]
    pos_embedding = jax.random.normal(k2, (2048, 1024), dtype=jnp.float32) * 0.02
    return {"x": x, "pos_embedding": pos_embedding}


def reference(x, pos_embedding):
    # positions = arange(seq_len)[None, :]
    seq_len = x.shape[1]
    positions = jnp.arange(seq_len, dtype=jnp.int32)
    # embedding lookup -> [1, seq_len, d_model], broadcast-add over batch
    pe = jnp.take(pos_embedding, positions, axis=0)[None, :, :]
    # dropout is identity in eval/inference mode
    return x + pe

if __name__ == "__main__":
    import jax
    _d = setup_inputs()
    print(jax.jit(kernel)(*tuple(_d.values())))

</pallas_src>

<mosaic_0001>
#map = affine_map<(d0, d1) -> (0, 0)>
module attributes {stable_mosaic.version = 14 : i64} {
  func.func @body(%arg0: i32, %arg1: i32, %arg2: memref<8192x1024xf32, #tpu.memory_space<hbm>>, %arg3: memref<2048x1024xf32, #tpu.memory_space<hbm>>, %arg4: memref<8192x1024xf32, #tpu.memory_space<hbm>>, %arg5: memref<16x1024xf32, #tpu.memory_space<vmem>>, %arg6: memref<16x1024xf32, #tpu.memory_space<vmem>>, %arg7: memref<16x1024xf32, #tpu.memory_space<vmem>>, %arg8: memref<16x1024xf32, #tpu.memory_space<vmem>>, %arg9: memref<16x1024xf32, #tpu.memory_space<vmem>>, %arg10: memref<16x1024xf32, #tpu.memory_space<vmem>>, %arg11: memref<16x1024xf32, #tpu.memory_space<vmem>>, %arg12: memref<!tpu.dma_semaphore, #tpu.memory_space<semaphore_mem>>, %arg13: memref<!tpu.dma_semaphore, #tpu.memory_space<semaphore_mem>>, %arg14: memref<!tpu.dma_semaphore, #tpu.memory_space<semaphore_mem>>, %arg15: memref<!tpu.dma_semaphore, #tpu.memory_space<semaphore_mem>>, %arg16: memref<!tpu.dma_semaphore, #tpu.memory_space<semaphore_mem>>, %arg17: memref<!tpu.dma_semaphore, #tpu.memory_space<semaphore_mem>>, %arg18: memref<!tpu.dma_semaphore, #tpu.memory_space<semaphore_mem>>) attributes {dimension_semantics = [#tpu.dimension_semantics<core_parallel>, #tpu.dimension_semantics<subcore_parallel>], iteration_bounds = array<i64: 2, 16>, scalar_prefetch = 0 : i64, scratch_operands = 14 : i64, tpu.core_type = #tpu.core_type<sc_vector_subcore>, window_params = [{transform_indices = #map}, {transform_indices = #map}, {transform_indices = #map}]} {
    %mul3A = arith.constant 2 : i32
    %mul3A_0 = arith.muli %arg1, %mul3A : i32
    %add3A = arith.addi %mul3A_0, %arg0 : i32
    %mul3A_1 = arith.constant 64 : i32
    %mul3A_2 = arith.muli %add3A, %mul3A_1 : i32
    %add3A_3 = arith.constant 0 : i32
    %add3A_4 = arith.addi %mul3A_2, %add3A_3 : i32
    %dma_start3A = arith.constant 0 : i32
    %dma_start3A_5 = tpu.memref_slice %arg3[%add3A_4, %dma_start3A] : memref<2048x1024xf32, #tpu.memory_space<hbm>> -> memref<16x1024xf32, #tpu.memory_space<hbm>>
    %dma_start3A_6 = arith.constant 0 : i32
    %dma_start3A_7 = tpu.memref_slice %arg3[%add3A_4, %dma_start3A_6] : memref<2048x1024xf32, #tpu.memory_space<hbm>> -> memref<16x1024xf32, #tpu.memory_space<hbm>>
    tpu.enqueue_dma source(%dma_start3A_7 : memref<16x1024xf32, #tpu.memory_space<hbm>>) target(%arg5 : memref<16x1024xf32, #tpu.memory_space<vmem>>) target_semaphore(%arg12 : memref<!tpu.dma_semaphore, #tpu.memory_space<semaphore_mem>>)
    %add3A_8 = arith.constant 16 : i32
    %add3A_9 = arith.addi %mul3A_2, %add3A_8 : i32
    %dma_start3A_10 = arith.constant 0 : i32
    %dma_start3A_11 = tpu.memref_slice %arg3[%add3A_9, %dma_start3A_10] : memref<2048x1024xf32, #tpu.memory_space<hbm>> -> memref<16x1024xf32, #tpu.memory_space<hbm>>
    %dma_start3A_12 = arith.constant 0 : i32
    %dma_start3A_13 = tpu.memref_slice %arg3[%add3A_9, %dma_start3A_12] : memref<2048x1024xf32, #tpu.memory_space<hbm>> -> memref<16x1024xf32, #tpu.memory_space<hbm>>
    tpu.enqueue_dma source(%dma_start3A_13 : memref<16x1024xf32, #tpu.memory_space<hbm>>) target(%arg6 : memref<16x1024xf32, #tpu.memory_space<vmem>>) target_semaphore(%arg13 : memref<!tpu.dma_semaphore, #tpu.memory_space<semaphore_mem>>)
    %add3A_14 = arith.constant 0 : i32
    %add3A_15 = arith.addi %add3A_14, %mul3A_2 : i32
    %add3A_16 = arith.constant 0 : i32
    %add3A_17 = arith.addi %add3A_15, %add3A_16 : i32
    %dma_start3A_18 = arith.constant 0 : i32
    %dma_start3A_19 = tpu.memref_slice %arg2[%add3A_17, %dma_start3A_18] : memref<8192x1024xf32, #tpu.memory_space<hbm>> -> memref<16x1024xf32, #tpu.memory_space<hbm>>
    %dma_start3A_20 = arith.constant 0 : i32
    %dma_start3A_21 = tpu.memref_slice %arg2[%add3A_17, %dma_start3A_20] : memref<8192x1024xf32, #tpu.memory_space<hbm>> -> memref<16x1024xf32, #tpu.memory_space<hbm>>
    tpu.enqueue_dma source(%dma_start3A_21 : memref<16x1024xf32, #tpu.memory_space<hbm>>) target(%arg7 : memref<16x1024xf32, #tpu.memory_space<vmem>>) target_semaphore(%arg14 : memref<!tpu.dma_semaphore, #tpu.memory_space<semaphore_mem>>)
    %add3A_22 = arith.constant 2048 : i32
    %add3A_23 = arith.addi %add3A_22, %mul3A_2 : i32
    %add3A_24 = arith.constant 0 : i32
    %add3A_25 = arith.addi %add3A_23, %add3A_24 : i32
    %dma_start3A_26 = arith.constant 0 : i32
    %dma_start3A_27 = tpu.memref_slice %arg2[%add3A_25, %dma_start3A_26] : memref<8192x1024xf32, #tpu.memory_space<hbm>> -> memref<16x1024xf32, #tpu.memory_space<hbm>>
    %dma_start3A_28 = arith.constant 0 : i32
    %dma_start3A_29 = tpu.memref_slice %arg2[%add3A_25, %dma_start3A_28] : memref<8192x1024xf32, #tpu.memory_space<hbm>> -> memref<16x1024xf32, #tpu.memory_space<hbm>>
    tpu.enqueue_dma source(%dma_start3A_29 : memref<16x1024xf32, #tpu.memory_space<hbm>>) target(%arg8 : memref<16x1024xf32, #tpu.memory_space<vmem>>) target_semaphore(%arg15 : memref<!tpu.dma_semaphore, #tpu.memory_space<semaphore_mem>>)
    %add3A_30 = arith.constant 4096 : i32
    %add3A_31 = arith.addi %add3A_30, %mul3A_2 : i32
    %add3A_32 = arith.constant 0 : i32
    %add3A_33 = arith.addi %add3A_31, %add3A_32 : i32
    %dma_start3A_34 = arith.constant 0 : i32
    %dma_start3A_35 = tpu.memref_slice %arg2[%add3A_33, %dma_start3A_34] : memref<8192x1024xf32, #tpu.memory_space<hbm>> -> memref<16x1024xf32, #tpu.memory_space<hbm>>
    %dma_start3A_36 = arith.constant 0 : i32
    %dma_start3A_37 = tpu.memref_slice %arg2[%add3A_33, %dma_start3A_36] : memref<8192x1024xf32, #tpu.memory_space<hbm>> -> memref<16x1024xf32, #tpu.memory_space<hbm>>
    tpu.enqueue_dma source(%dma_start3A_37 : memref<16x1024xf32, #tpu.memory_space<hbm>>) target(%arg9 : memref<16x1024xf32, #tpu.memory_space<vmem>>) target_semaphore(%arg16 : memref<!tpu.dma_semaphore, #tpu.memory_space<semaphore_mem>>)
    %dma_wait3A = arith.constant 0 : i32
    %dma_wait3A_38 = arith.constant 0 : i32
    %dma_wait3A_39 = tpu.memref_slice %arg3[%dma_wait3A, %dma_wait3A_38] : memref<2048x1024xf32, #tpu.memory_space<hbm>> -> memref<16x1024xf32, #tpu.memory_space<hbm>>
    %dma_wait3A_40 = arith.constant 0 : i32
    %dma_wait3A_41 = arith.constant 0 : i32
    %dma_wait3A_42 = tpu.memref_slice %arg3[%dma_wait3A_40, %dma_wait3A_41] : memref<2048x1024xf32, #tpu.memory_space<hbm>> -> memref<16x1024xf32, #tpu.memory_space<hbm>>
    tpu.wait_dma2 semaphore(%arg12 : memref<!tpu.dma_semaphore, #tpu.memory_space<semaphore_mem>>) src(%dma_wait3A_42 : memref<16x1024xf32, #tpu.memory_space<hbm>>) dst(%arg5 : memref<16x1024xf32, #tpu.memory_space<vmem>>)
    %dma_wait3A_43 = arith.constant 0 : i32
    %dma_wait3A_44 = arith.constant 0 : i32
    %dma_wait3A_45 = tpu.memref_slice %arg2[%dma_wait3A_43, %dma_wait3A_44] : memref<8192x1024xf32, #tpu.memory_space<hbm>> -> memref<16x1024xf32, #tpu.memory_space<hbm>>
    %dma_wait3A_46 = arith.constant 0 : i32
    %dma_wait3A_47 = arith.constant 0 : i32
    %dma_wait3A_48 = tpu.memref_slice %arg2[%dma_wait3A_46, %dma_wait3A_47] : memref<8192x1024xf32, #tpu.memory_space<hbm>> -> memref<16x1024xf32, #tpu.memory_space<hbm>>
    tpu.wait_dma2 semaphore(%arg14 : memref<!tpu.dma_semaphore, #tpu.memory_space<semaphore_mem>>) src(%dma_wait3A_48 : memref<16x1024xf32, #tpu.memory_space<hbm>>) dst(%arg7 : memref<16x1024xf32, #tpu.memory_space<vmem>>)
    %parallel_loop3A = arith.constant 0 : i32
    %parallel_loop3A_49 = arith.constant 512 : i32
    %parallel_loop3A_50 = arith.constant 1 : i32
    scf.for %parallel_loop3A_976 = %parallel_loop3A to %parallel_loop3A_49 step %parallel_loop3A_50  : i32 {
      %parallel_loop3A_977 = arith.constant 64 : i32
      %parallel_loop3A_978 = arith.divsi %parallel_loop3A_976, %parallel_loop3A_977 : i32
      %parallel_loop3A_979 = arith.constant 0 : i32
      %parallel_loop3A_980 = arith.cmpi sgt, %parallel_loop3A_976, %parallel_loop3A_979 : i32
      %parallel_loop3A_981 = arith.extui %parallel_loop3A_980 : i1 to i32
      %parallel_loop3A_982 = arith.constant 0 : i32
      %parallel_loop3A_983 = arith.cmpi slt, %parallel_loop3A_976, %parallel_loop3A_982 : i32
      %parallel_loop3A_984 = arith.extui %parallel_loop3A_983 : i1 to i32
      %parallel_loop3A_985 = arith.subi %parallel_loop3A_981, %parallel_loop3A_984 : i32
      %parallel_loop3A_986 = arith.constant 0 : i32
      %parallel_loop3A_987 = arith.cmpi sgt, %parallel_loop3A_977, %parallel_loop3A_986 : i32
      %parallel_loop3A_988 = arith.extui %parallel_loop3A_987 : i1 to i32
      %parallel_loop3A_989 = arith.constant 0 : i32
      %parallel_loop3A_990 = arith.cmpi slt, %parallel_loop3A_977, %parallel_loop3A_989 : i32
      %parallel_loop3A_991 = arith.extui %parallel_loop3A_990 : i1 to i32
      %parallel_loop3A_992 = arith.subi %parallel_loop3A_988, %parallel_loop3A_991 : i32
      %parallel_loop3A_993 = arith.cmpi ne, %parallel_loop3A_985, %parallel_loop3A_992 : i32
      %parallel_loop3A_994 = arith.remsi %parallel_loop3A_976, %parallel_loop3A_977 : i32
      %parallel_loop3A_995 = arith.constant 0 : i32
      %parallel_loop3A_996 = arith.cmpi ne, %parallel_loop3A_994, %parallel_loop3A_995 : i32
      %parallel_loop3A_997 = arith.andi %parallel_loop3A_993, %parallel_loop3A_996 : i1
      %parallel_loop3A_998 = arith.constant 1 : i32
      %parallel_loop3A_999 = arith.subi %parallel_loop3A_978, %parallel_loop3A_998 : i32
      %parallel_loop3A_1000 = arith.select %parallel_loop3A_997, %parallel_loop3A_999, %parallel_loop3A_978 : i32
      %parallel_loop3A_1001 = arith.constant 64 : i32
      %parallel_loop3A_1002 = arith.constant 0 : i32
      %parallel_loop3A_1003 = arith.cmpi eq, %parallel_loop3A_1001, %parallel_loop3A_1002 : i32
      %parallel_loop3A_1004 = arith.constant 1 : i32
      %parallel_loop3A_1005 = arith.select %parallel_loop3A_1003, %parallel_loop3A_1004, %parallel_loop3A_1001 : i32
      %parallel_loop3A_1006 = arith.remsi %parallel_loop3A_976, %parallel_loop3A_1005 : i32
      %parallel_loop3A_1007 = arith.constant 0 : i32
      %parallel_loop3A_1008 = arith.cmpi ne, %parallel_loop3A_1006, %parallel_loop3A_1007 : i32
      %parallel_loop3A_1009 = arith.constant 0 : i32
      %parallel_loop3A_1010 = arith.cmpi slt, %parallel_loop3A_1006, %parallel_loop3A_1009 : i32
      %parallel_loop3A_1011 = arith.constant 0 : i32
      %parallel_loop3A_1012 = arith.cmpi slt, %parallel_loop3A_1005, %parallel_loop3A_1011 : i32
      %parallel_loop3A_1013 = arith.xori %parallel_loop3A_1010, %parallel_loop3A_1012 : i1
      %parallel_loop3A_1014 = arith.andi %parallel_loop3A_1013, %parallel_loop3A_1008 : i1
      %parallel_loop3A_1015 = arith.addi %parallel_loop3A_1006, %parallel_loop3A_1005 : i32
      %parallel_loop3A_1016 = arith.select %parallel_loop3A_1014, %parallel_loop3A_1015, %parallel_loop3A_1006 : i32
      %parallel_loop3A_1017 = arith.constant 16 : i32
      %parallel_loop3A_1018 = arith.muli %parallel_loop3A_1016, %parallel_loop3A_1017 : i32
      %parallel_loop3A_1019 = arith.index_cast %parallel_loop3A_1000 : i32 to index
      %parallel_loop3A_1020 = arith.index_cast %parallel_loop3A_1018 : i32 to index
      %parallel_loop3A_1021 = tpu.vector_load %arg7[%parallel_loop3A_1019, %parallel_loop3A_1020] {strides = array<i32>} : memref<16x1024xf32, #tpu.memory_space<vmem>>, vector<1x16xf32>,
      %parallel_loop3A_1022 = vector.shape_cast %parallel_loop3A_1021 : vector<1x16xf32> to vector<16xf32>
      %parallel_loop3A_1023 = arith.index_cast %parallel_loop3A_1000 : i32 to index
      %parallel_loop3A_1024 = arith.index_cast %parallel_loop3A_1018 : i32 to index
      %parallel_loop3A_1025 = tpu.vector_load %arg5[%parallel_loop3A_1023, %parallel_loop3A_1024] {strides = array<i32>} : memref<16x1024xf32, #tpu.memory_space<vmem>>, vector<1x16xf32>,
      %parallel_loop3A_1026 = vector.shape_cast %parallel_loop3A_1025 : vector<1x16xf32> to vector<16xf32>
      %parallel_loop3A_1027 = arith.addf %parallel_loop3A_1022, %parallel_loop3A_1026 : vector<16xf32>
      %parallel_loop3A_1028 = arith.index_cast %parallel_loop3A_1000 : i32 to index
      %parallel_loop3A_1029 = arith.index_cast %parallel_loop3A_1018 : i32 to index
      %parallel_loop3A_1030 = tpu.vector_load %arg10[%parallel_loop3A_1028, %parallel_loop3A_1029] {strides = array<i32>} : memref<16x1024xf32, #tpu.memory_space<vmem>>, vector<1x16xf32>,
      %parallel_loop3A_1031 = vector.shape_cast %parallel_loop3A_1030 : vector<1x16xf32> to vector<16xf32>
      %parallel_loop3A_1032 = vector.shape_cast %parallel_loop3A_1027 : vector<16xf32> to vector<1x16xf32>
      tpu.vector_store %arg10[%parallel_loop3A_1028, %parallel_loop3A_1029], %parallel_loop3A_1032 {strides = array<i32>} : memref<16x1024xf32, #tpu.memory_space<vmem>>, vector<1x16xf32>,
    } {sc.loop_unroll_factor = 8 : i64, sc.parallel_access}
    %add3A_51 = arith.constant 0 : i32
    %add3A_52 = arith.addi %add3A_51, %mul3A_2 : i32
    %add3A_53 = arith.constant 0 : i32
    %add3A_54 = arith.addi %add3A_52, %add3A_53 : i32
    %add3A_55 = arith.constant 0 : i32
    %add3A_56 = arith.addi %add3A_54, %add3A_55 : i32
    %dma_start3A_57 = arith.constant 0 : i32
    %dma_start3A_58 = arith.constant 0 : i32
    %dma_start3A_59 = tpu.memref_slice %arg10[%dma_start3A_57, %dma_start3A_58] : memref<16x1024xf32, #tpu.memory_space<vmem>> -> memref<8x1024xf32, #tpu.memory_space<vmem>>
    %dma_start3A_60 = arith.constant 0 : i32
    %dma_start3A_61 = tpu.memref_slice %arg4[%add3A_56, %dma_start3A_60] : memref<8192x1024xf32, #tpu.memory_space<hbm>> -> memref<8x1024xf32, #tpu.memory_space<hbm>>
    %dma_start3A_62 = arith.constant 0 : i32
    %dma_start3A_63 = tpu.memref_slice %arg4[%add3A_56, %dma_start3A_62] : memref<8192x1024xf32, #tpu.memory_space<hbm>> -> memref<8x1024xf32, #tpu.memory_space<hbm>>
    %dma_start3A_64 = arith.constant 0 : i32
    %dma_start3A_65 = arith.constant 0 : i32
    %dma_start3A_66 = tpu.memref_slice %arg10[%dma_start3A_64, %dma_start3A_65] : memref<16x1024xf32, #tpu.memory_space<vmem>> -> memref<8x1024xf32, #tpu.memory_space<vmem>>
    tpu.enqueue_dma source(%dma_start3A_66 : memref<8x1024xf32, #tpu.memory_space<vmem>>) target(%dma_start3A_63 : memref<8x1024xf32, #tpu.memory_space<hbm>>) target_semaphore(%arg17 : memref<!tpu.dma_semaphore, #tpu.memory_space<semaphore_mem>>)
    %parallel_loop3A_67 = arith.constant 512 : i32
    %parallel_loop3A_68 = arith.constant 1024 : i32
    %parallel_loop3A_69 = arith.constant 1 : i32
    scf.for %parallel_loop3A_976 = %parallel_loop3A_67 to %parallel_loop3A_68 step %parallel_loop3A_69  : i32 {
      %parallel_loop3A_977 = arith.constant 64 : i32
      %parallel_loop3A_978 = arith.divsi %parallel_loop3A_976, %parallel_loop3A_977 : i32
      %parallel_loop3A_979 = arith.constant 0 : i32
      %parallel_loop3A_980 = arith.cmpi sgt, %parallel_loop3A_976, %parallel_loop3A_979 : i32
      %parallel_loop3A_981 = arith.extui %parallel_loop3A_980 : i1 to i32
      %parallel_loop3A_982 = arith.constant 0 : i32
      %parallel_loop3A_983 = arith.cmpi slt, %parallel_loop3A_976, %parallel_loop3A_982 : i32
      %parallel_loop3A_984 = arith.extui %parallel_loop3A_983 : i1 to i32
      %parallel_loop3A_985 = arith.subi %parallel_loop3A_981, %parallel_loop3A_984 : i32
      %parallel_loop3A_986 = arith.constant 0 : i32
      %parallel_loop3A_987 = arith.cmpi sgt, %parallel_loop3A_977, %parallel_loop3A_986 : i32
      %parallel_loop3A_988 = arith.extui %parallel_loop3A_987 : i1 to i32
      %parallel_loop3A_989 = arith.constant 0 : i32
      %parallel_loop3A_990 = arith.cmpi slt, %parallel_loop3A_977, %parallel_loop3A_989 : i32
      %parallel_loop3A_991 = arith.extui %parallel_loop3A_990 : i1 to i32
      %parallel_loop3A_992 = arith.subi %parallel_loop3A_988, %parallel_loop3A_991 : i32
      %parallel_loop3A_993 = arith.cmpi ne, %parallel_loop3A_985, %parallel_loop3A_992 : i32
      %parallel_loop3A_994 = arith.remsi %parallel_loop3A_976, %parallel_loop3A_977 : i32
      %parallel_loop3A_995 = arith.constant 0 : i32
      %parallel_loop3A_996 = arith.cmpi ne, %parallel_loop3A_994, %parallel_loop3A_995 : i32
      %parallel_loop3A_997 = arith.andi %parallel_loop3A_993, %parallel_loop3A_996 : i1
      %parallel_loop3A_998 = arith.constant 1 : i32
      %parallel_loop3A_999 = arith.subi %parallel_loop3A_978, %parallel_loop3A_998 : i32
      %parallel_loop3A_1000 = arith.select %parallel_loop3A_997, %parallel_loop3A_999, %parallel_loop3A_978 : i32
      %parallel_loop3A_1001 = arith.constant 64 : i32
      %parallel_loop3A_1002 = arith.constant 0 : i32
      %parallel_loop3A_1003 = arith.cmpi eq, %parallel_loop3A_1001, %parallel_loop3A_1002 : i32
      %parallel_loop3A_1004 = arith.constant 1 : i32
      %parallel_loop3A_1005 = arith.select %parallel_loop3A_1003, %parallel_loop3A_1004, %parallel_loop3A_1001 : i32
      %parallel_loop3A_1006 = arith.remsi %parallel_loop3A_976, %parallel_loop3A_1005 : i32
      %parallel_loop3A_1007 = arith.constant 0 : i32
      %parallel_loop3A_1008 = arith.cmpi ne, %parallel_loop3A_1006, %parallel_loop3A_1007 : i32
      %parallel_loop3A_1009 = arith.constant 0 : i32
      %parallel_loop3A_1010 = arith.cmpi slt, %parallel_loop3A_1006, %parallel_loop3A_1009 : i32
      %parallel_loop3A_1011 = arith.constant 0 : i32
      %parallel_loop3A_1012 = arith.cmpi slt, %parallel_loop3A_1005, %parallel_loop3A_1011 : i32
      %parallel_loop3A_1013 = arith.xori %parallel_loop3A_1010, %parallel_loop3A_1012 : i1
      %parallel_loop3A_1014 = arith.andi %parallel_loop3A_1013, %parallel_loop3A_1008 : i1
      %parallel_loop3A_1015 = arith.addi %parallel_loop3A_1006, %parallel_loop3A_1005 : i32
      %parallel_loop3A_1016 = arith.select %parallel_loop3A_1014, %parallel_loop3A_1015, %parallel_loop3A_1006 : i32
      %parallel_loop3A_1017 = arith.constant 16 : i32
      %parallel_loop3A_1018 = arith.muli %parallel_loop3A_1016, %parallel_loop3A_1017 : i32
      %parallel_loop3A_1019 = arith.index_cast %parallel_loop3A_1000 : i32 to index
      %parallel_loop3A_1020 = arith.index_cast %parallel_loop3A_1018 : i32 to index
      %parallel_loop3A_1021 = tpu.vector_load %arg7[%parallel_loop3A_1019, %parallel_loop3A_1020] {strides = array<i32>} : memref<16x1024xf32, #tpu.memory_space<vmem>>, vector<1x16xf32>,
      %parallel_loop3A_1022 = vector.shape_cast %parallel_loop3A_1021 : vector<1x16xf32> to vector<16xf32>
      %parallel_loop3A_1023 = arith.index_cast %parallel_loop3A_1000 : i32 to index
      %parallel_loop3A_1024 = arith.index_cast %parallel_loop3A_1018 : i32 to index
      %parallel_loop3A_1025 = tpu.vector_load %arg5[%parallel_loop3A_1023, %parallel_loop3A_1024] {strides = array<i32>} : memref<16x1024xf32, #tpu.memory_space<vmem>>, vector<1x16xf32>,
      %parallel_loop3A_1026 = vector.shape_cast %parallel_loop3A_1025 : vector<1x16xf32> to vector<16xf32>
      %parallel_loop3A_1027 = arith.addf %parallel_loop3A_1022, %parallel_loop3A_1026 : vector<16xf32>
      %parallel_loop3A_1028 = arith.index_cast %parallel_loop3A_1000 : i32 to index
      %parallel_loop3A_1029 = arith.index_cast %parallel_loop3A_1018 : i32 to index
      %parallel_loop3A_1030 = tpu.vector_load %arg10[%parallel_loop3A_1028, %parallel_loop3A_1029] {strides = array<i32>} : memref<16x1024xf32, #tpu.memory_space<vmem>>, vector<1x16xf32>,
      %parallel_loop3A_1031 = vector.shape_cast %parallel_loop3A_1030 : vector<1x16xf32> to vector<16xf32>
      %parallel_loop3A_1032 = vector.shape_cast %parallel_loop3A_1027 : vector<16xf32> to vector<1x16xf32>
      tpu.vector_store %arg10[%parallel_loop3A_1028, %parallel_loop3A_1029], %parallel_loop3A_1032 {strides = array<i32>} : memref<16x1024xf32, #tpu.memory_space<vmem>>, vector<1x16xf32>,
    } {sc.loop_unroll_factor = 8 : i64, sc.parallel_access}
    %add3A_70 = arith.constant 0 : i32
    %add3A_71 = arith.addi %add3A_70, %mul3A_2 : i32
    %add3A_72 = arith.constant 0 : i32
    %add3A_73 = arith.addi %add3A_71, %add3A_72 : i32
    %add3A_74 = arith.constant 8 : i32
    %add3A_75 = arith.addi %add3A_73, %add3A_74 : i32
    %dma_start3A_76 = arith.constant 8 : i32
    %dma_start3A_77 = arith.constant 0 : i32
    %dma_start3A_78 = tpu.memref_slice %arg10[%dma_start3A_76, %dma_start3A_77] : memref<16x1024xf32, #tpu.memory_space<vmem>> -> memref<8x1024xf32, #tpu.memory_space<vmem>>
    %dma_start3A_79 = arith.constant 0 : i32
    %dma_start3A_80 = tpu.memref_slice %arg4[%add3A_75, %dma_start3A_79] : memref<8192x1024xf32, #tpu.memory_space<hbm>> -> memref<8x1024xf32, #tpu.memory_space<hbm>>
    %dma_start3A_81 = arith.constant 0 : i32
    %dma_start3A_82 = tpu.memref_slice %arg4[%add3A_75, %dma_start3A_81] : memref<8192x1024xf32, #tpu.memory_space<hbm>> -> memref<8x1024xf32, #tpu.memory_space<hbm>>
    %dma_start3A_83 = arith.constant 8 : i32
    %dma_start3A_84 = arith.constant 0 : i32
    %dma_start3A_85 = tpu.memref_slice %arg10[%dma_start3A_83, %dma_start3A_84] : memref<16x1024xf32, #tpu.memory_space<vmem>> -> memref<8x1024xf32, #tpu.memory_space<vmem>>
    tpu.enqueue_dma source(%dma_start3A_85 : memref<8x1024xf32, #tpu.memory_space<vmem>>) target(%dma_start3A_82 : memref<8x1024xf32, #tpu.memory_space<hbm>>) target_semaphore(%arg17 : memref<!tpu.dma_semaphore, #tpu.memory_space<semaphore_mem>>)
    %add3A_86 = arith.constant 6144 : i32
    %add3A_87 = arith.addi %add3A_86, %mul3A_2 : i32
    %add3A_88 = arith.constant 0 : i32
    %add3A_89 = arith.addi %add3A_87, %add3A_88 : i32
    %dma_start3A_90 = arith.constant 0 : i32
    %dma_start3A_91 = tpu.memref_slice %arg2[%add3A_89, %dma_start3A_90] : memref<8192x1024xf32, #tpu.memory_space<hbm>> -> memref<16x1024xf32, #tpu.memory_space<hbm>>
    %dma_start3A_92 = arith.constant 0 : i32
    %dma_start3A_93 = tpu.memref_slice %arg2[%add3A_89, %dma_start3A_92] : memref<8192x1024xf32, #tpu.memory_space<hbm>> -> memref<16x1024xf32, #tpu.memory_space<hbm>>
    tpu.enqueue_dma source(%dma_start3A_93 : memref<16x1024xf32, #tpu.memory_space<hbm>>) target(%arg7 : memref<16x1024xf32, #tpu.memory_space<vmem>>) target_semaphore(%arg14 : memref<!tpu.dma_semaphore, #tpu.memory_space<semaphore_mem>>)
    %dma_wait3A_94 = arith.constant 0 : i32
    %dma_wait3A_95 = arith.constant 0 : i32
    %dma_wait3A_96 = tpu.memref_slice %arg2[%dma_wait3A_94, %dma_wait3A_95] : memref<8192x1024xf32, #tpu.memory_space<hbm>> -> memref<16x1024xf32, #tpu.memory_space<hbm>>
    %dma_wait3A_97 = arith.constant 0 : i32
    %dma_wait3A_98 = arith.constant 0 : i32
    %dma_wait3A_99 = tpu.memref_slice %arg2[%dma_wait3A_97, %dma_wait3A_98] : memref<8192x1024xf32, #tpu.memory_space<hbm>> -> memref<16x1024xf32, #tpu.memory_space<hbm>>
    tpu.wait_dma2 semaphore(%arg15 : memref<!tpu.dma_semaphore, #tpu.memory_space<semaphore_mem>>) src(%dma_wait3A_99 : memref<16x1024xf32, #tpu.memory_space<hbm>>) dst(%arg8 : memref<16x1024xf32, #tpu.memory_space<vmem>>)
    %parallel_loop3A_100 = arith.constant 0 : i32
    %parallel_loop3A_101 = arith.constant 512 : i32
    %parallel_loop3A_102 = arith.constant 1 : i32
    scf.for %parallel_loop3A_976 = %parallel_loop3A_100 to %parallel_loop3A_101 step %parallel_loop3A_102  : i32 {
      %parallel_loop3A_977 = arith.constant 64 : i32
      %parallel_loop3A_978 = arith.divsi %parallel_loop3A_976, %parallel_loop3A_977 : i32
      %parallel_loop3A_979 = arith.constant 0 : i32
      %parallel_loop3A_980 = arith.cmpi sgt, %parallel_loop3A_976, %parallel_loop3A_979 : i32
      %parallel_loop3A_981 = arith.extui %parallel_loop3A_980 : i1 to i32
      %parallel_loop3A_982 = arith.constant 0 : i32
      %parallel_loop3A_983 = arith.cmpi slt, %parallel_loop3A_976, %parallel_loop3A_982 : i32
      %parallel_loop3A_984 = arith.extui %parallel_loop3A_983 : i1 to i32
      %parallel_loop3A_985 = arith.subi %parallel_loop3A_981, %parallel_loop3A_984 : i32
      %parallel_loop3A_986 = arith.constant 0 : i32
      %parallel_loop3A_987 = arith.cmpi sgt, %parallel_loop3A_977, %parallel_loop3A_986 : i32
      %parallel_loop3A_988 = arith.extui %parallel_loop3A_987 : i1 to i32
      %parallel_loop3A_989 = arith.constant 0 : i32
      %parallel_loop3A_990 = arith.cmpi slt, %parallel_loop3A_977, %parallel_loop3A_989 : i32
      %parallel_loop3A_991 = arith.extui %parallel_loop3A_990 : i1 to i32
      %parallel_loop3A_992 = arith.subi %parallel_loop3A_988, %parallel_loop3A_991 : i32
      %parallel_loop3A_993 = arith.cmpi ne, %parallel_loop3A_985, %parallel_loop3A_992 : i32
      %parallel_loop3A_994 = arith.remsi %parallel_loop3A_976, %parallel_loop3A_977 : i32
      %parallel_loop3A_995 = arith.constant 0 : i32
      %parallel_loop3A_996 = arith.cmpi ne, %parallel_loop3A_994, %parallel_loop3A_995 : i32
      %parallel_loop3A_997 = arith.andi %parallel_loop3A_993, %parallel_loop3A_996 : i1
      %parallel_loop3A_998 = arith.constant 1 : i32
      %parallel_loop3A_999 = arith.subi %parallel_loop3A_978, %parallel_loop3A_998 : i32
      %parallel_loop3A_1000 = arith.select %parallel_loop3A_997, %parallel_loop3A_999, %parallel_loop3A_978 : i32
      %parallel_loop3A_1001 = arith.constant 64 : i32
      %parallel_loop3A_1002 = arith.constant 0 : i32
      %parallel_loop3A_1003 = arith.cmpi eq, %parallel_loop3A_1001, %parallel_loop3A_1002 : i32
      %parallel_loop3A_1004 = arith.constant 1 : i32
      %parallel_loop3A_1005 = arith.select %parallel_loop3A_1003, %parallel_loop3A_1004, %parallel_loop3A_1001 : i32
      %parallel_loop3A_1006 = arith.remsi %parallel_loop3A_976, %parallel_loop3A_1005 : i32
      %parallel_loop3A_1007 = arith.constant 0 : i32
      %parallel_loop3A_1008 = arith.cmpi ne, %parallel_loop3A_1006, %parallel_loop3A_1007 : i32
      %parallel_loop3A_1009 = arith.constant 0 : i32
      %parallel_loop3A_1010 = arith.cmpi slt, %parallel_loop3A_1006, %parallel_loop3A_1009 : i32
      %parallel_loop3A_1011 = arith.constant 0 : i32
      %parallel_loop3A_1012 = arith.cmpi slt, %parallel_loop3A_1005, %parallel_loop3A_1011 : i32
      %parallel_loop3A_1013 = arith.xori %parallel_loop3A_1010, %parallel_loop3A_1012 : i1
      %parallel_loop3A_1014 = arith.andi %parallel_loop3A_1013, %parallel_loop3A_1008 : i1
      %parallel_loop3A_1015 = arith.addi %parallel_loop3A_1006, %parallel_loop3A_1005 : i32
      %parallel_loop3A_1016 = arith.select %parallel_loop3A_1014, %parallel_loop3A_1015, %parallel_loop3A_1006 : i32
      %parallel_loop3A_1017 = arith.constant 16 : i32
      %parallel_loop3A_1018 = arith.muli %parallel_loop3A_1016, %parallel_loop3A_1017 : i32
      %parallel_loop3A_1019 = arith.index_cast %parallel_loop3A_1000 : i32 to index
      %parallel_loop3A_1020 = arith.index_cast %parallel_loop3A_1018 : i32 to index
      %parallel_loop3A_1021 = tpu.vector_load %arg8[%parallel_loop3A_1019, %parallel_loop3A_1020] {strides = array<i32>} : memref<16x1024xf32, #tpu.memory_space<vmem>>, vector<1x16xf32>,
      %parallel_loop3A_1022 = vector.shape_cast %parallel_loop3A_1021 : vector<1x16xf32> to vector<16xf32>
      %parallel_loop3A_1023 = arith.index_cast %parallel_loop3A_1000 : i32 to index
      %parallel_loop3A_1024 = arith.index_cast %parallel_loop3A_1018 : i32 to index
      %parallel_loop3A_1025 = tpu.vector_load %arg5[%parallel_loop3A_1023, %parallel_loop3A_1024] {strides = array<i32>} : memref<16x1024xf32, #tpu.memory_space<vmem>>, vector<1x16xf32>,
      %parallel_loop3A_1026 = vector.shape_cast %parallel_loop3A_1025 : vector<1x16xf32> to vector<16xf32>
      %parallel_loop3A_1027 = arith.addf %parallel_loop3A_1022, %parallel_loop3A_1026 : vector<16xf32>
      %parallel_loop3A_1028 = arith.index_cast %parallel_loop3A_1000 : i32 to index
      %parallel_loop3A_1029 = arith.index_cast %parallel_loop3A_1018 : i32 to index
      %parallel_loop3A_1030 = tpu.vector_load %arg11[%parallel_loop3A_1028, %parallel_loop3A_1029] {strides = array<i32>} : memref<16x1024xf32, #tpu.memory_space<vmem>>, vector<1x16xf32>,
      %parallel_loop3A_1031 = vector.shape_cast %parallel_loop3A_1030 : vector<1x16xf32> to vector<16xf32>
      %parallel_loop3A_1032 = vector.shape_cast %parallel_loop3A_1027 : vector<16xf32> to vector<1x16xf32>
      tpu.vector_store %arg11[%parallel_loop3A_1028, %parallel_loop3A_1029], %parallel_loop3A_1032 {strides = array<i32>} : memref<16x1024xf32, #tpu.memory_space<vmem>>, vector<1x16xf32>,
    } {sc.loop_unroll_factor = 8 : i64, sc.parallel_access}
    %add3A_103 = arith.constant 2048 : i32
    %add3A_104 = arith.addi %add3A_103, %mul3A_2 : i32
    %add3A_105 = arith.constant 0 : i32
    %add3A_106 = arith.addi %add3A_104, %add3A_105 : i32
    %add3A_107 = arith.constant 0 : i32
    %add3A_108 = arith.addi %add3A_106, %add3A_107 : i32
    %dma_start3A_109 = arith.constant 0 : i32
    %dma_start3A_110 = arith.constant 0 : i32
    %dma_start3A_111 = tpu.memref_slice %arg11[%dma_start3A_109, %dma_start3A_110] : memref<16x1024xf32, #tpu.memory_space<vmem>> -> memref<8x1024xf32, #tpu.memory_space<vmem>>
    %dma_start3A_112 = arith.constant 0 : i32
    %dma_start3A_113 = tpu.memref_slice %arg4[%add3A_108, %dma_start3A_112] : memref<8192x1024xf32, #tpu.memory_space<hbm>> -> memref<8x1024xf32, #tpu.memory_space<hbm>>
    %dma_start3A_114 = arith.constant 0 : i32
    %dma_start3A_115 = tpu.memref_slice %arg4[%add3A_108, %dma_start3A_114] : memref<8192x1024xf32, #tpu.memory_space<hbm>> -> memref<8x1024xf32, #tpu.memory_space<hbm>>
    %dma_start3A_116 = arith.constant 0 : i32
    %dma_start3A_117 = arith.constant 0 : i32
    %dma_start3A_118 = tpu.memref_slice %arg11[%dma_start3A_116, %dma_start3A_117] : memref<16x1024xf32, #tpu.memory_space<vmem>> -> memref<8x1024xf32, #tpu.memory_space<vmem>>
    tpu.enqueue_dma source(%dma_start3A_118 : memref<8x1024xf32, #tpu.memory_space<vmem>>) target(%dma_start3A_115 : memref<8x1024xf32, #tpu.memory_space<hbm>>) target_semaphore(%arg18 : memref<!tpu.dma_semaphore, #tpu.memory_space<semaphore_mem>>)
    %parallel_loop3A_119 = arith.constant 512 : i32
    %parallel_loop3A_120 = arith.constant 1024 : i32
    %parallel_loop3A_121 = arith.constant 1 : i32
    scf.for %parallel_loop3A_976 = %parallel_loop3A_119 to %parallel_loop3A_120 step %parallel_loop3A_121  : i32 {
      %parallel_loop3A_977 = arith.constant 64 : i32
      %parallel_loop3A_978 = arith.divsi %parallel_loop3A_976, %parallel_loop3A_977 : i32
      %parallel_loop3A_979 = arith.constant 0 : i32
      %parallel_loop3A_980 = arith.cmpi sgt, %parallel_loop3A_976, %parallel_loop3A_979 : i32
      %parallel_loop3A_981 = arith.extui %parallel_loop3A_980 : i1 to i32
      %parallel_loop3A_982 = arith.constant 0 : i32
      %parallel_loop3A_983 = arith.cmpi slt, %parallel_loop3A_976, %parallel_loop3A_982 : i32
      %parallel_loop3A_984 = arith.extui %parallel_loop3A_983 : i1 to i32
      %parallel_loop3A_985 = arith.subi %parallel_loop3A_981, %parallel_loop3A_984 : i32
      %parallel_loop3A_986 = arith.constant 0 : i32
      %parallel_loop3A_987 = arith.cmpi sgt, %parallel_loop3A_977, %parallel_loop3A_986 : i32
      %parallel_loop3A_988 = arith.extui %parallel_loop3A_987 : i1 to i32
      %parallel_loop3A_989 = arith.constant 0 : i32
      %parallel_loop3A_990 = arith.cmpi slt, %parallel_loop3A_977, %parallel_loop3A_989 : i32
      %parallel_loop3A_991 = arith.extui %parallel_loop3A_990 : i1 to i32
      %parallel_loop3A_992 = arith.subi %parallel_loop3A_988, %parallel_loop3A_991 : i32
      %parallel_loop3A_993 = arith.cmpi ne, %parallel_loop3A_985, %parallel_loop3A_992 : i32
      %parallel_loop3A_994 = arith.remsi %parallel_loop3A_976, %parallel_loop3A_977 : i32
      %parallel_loop3A_995 = arith.constant 0 : i32
      %parallel_loop3A_996 = arith.cmpi ne, %parallel_loop3A_994, %parallel_loop3A_995 : i32
      %parallel_loop3A_997 = arith.andi %parallel_loop3A_993, %parallel_loop3A_996 : i1
      %parallel_loop3A_998 = arith.constant 1 : i32
      %parallel_loop3A_999 = arith.subi %parallel_loop3A_978, %parallel_loop3A_998 : i32
      %parallel_loop3A_1000 = arith.select %parallel_loop3A_997, %parallel_loop3A_999, %parallel_loop3A_978 : i32
      %parallel_loop3A_1001 = arith.constant 64 : i32
      %parallel_loop3A_1002 = arith.constant 0 : i32
      %parallel_loop3A_1003 = arith.cmpi eq, %parallel_loop3A_1001, %parallel_loop3A_1002 : i32
      %parallel_loop3A_1004 = arith.constant 1 : i32
      %parallel_loop3A_1005 = arith.select %parallel_loop3A_1003, %parallel_loop3A_1004, %parallel_loop3A_1001 : i32
      %parallel_loop3A_1006 = arith.remsi %parallel_loop3A_976, %parallel_loop3A_1005 : i32
      %parallel_loop3A_1007 = arith.constant 0 : i32
      %parallel_loop3A_1008 = arith.cmpi ne, %parallel_loop3A_1006, %parallel_loop3A_1007 : i32
      %parallel_loop3A_1009 = arith.constant 0 : i32
      %parallel_loop3A_1010 = arith.cmpi slt, %parallel_loop3A_1006, %parallel_loop3A_1009 : i32
      %parallel_loop3A_1011 = arith.constant 0 : i32
      %parallel_loop3A_1012 = arith.cmpi slt, %parallel_loop3A_1005, %parallel_loop3A_1011 : i32
      %parallel_loop3A_1013 = arith.xori %parallel_loop3A_1010, %parallel_loop3A_1012 : i1
      %parallel_loop3A_1014 = arith.andi %parallel_loop3A_1013, %parallel_loop3A_1008 : i1
      %parallel_loop3A_1015 = arith.addi %parallel_loop3A_1006, %parallel_loop3A_1005 : i32
      %parallel_loop3A_1016 = arith.select %parallel_loop3A_1014, %parallel_loop3A_1015, %parallel_loop3A_1006 : i32
      %parallel_loop3A_1017 = arith.constant 16 : i32
      %parallel_loop3A_1018 = arith.muli %parallel_loop3A_1016, %parallel_loop3A_1017 : i32
      %parallel_loop3A_1019 = arith.index_cast %parallel_loop3A_1000 : i32 to index
      %parallel_loop3A_1020 = arith.index_cast %parallel_loop3A_1018 : i32 to index
      %parallel_loop3A_1021 = tpu.vector_load %arg8[%parallel_loop3A_1019, %parallel_loop3A_1020] {strides = array<i32>} : memref<16x1024xf32, #tpu.memory_space<vmem>>, vector<1x16xf32>,
      %parallel_loop3A_1022 = vector.shape_cast %parallel_loop3A_1021 : vector<1x16xf32> to vector<16xf32>
      %parallel_loop3A_1023 = arith.index_cast %parallel_loop3A_1000 : i32 to index
      %parallel_loop3A_1024 = arith.index_cast %parallel_loop3A_1018 : i32 to index
      %parallel_loop3A_1025 = tpu.vector_load %arg5[%parallel_loop3A_1023, %parallel_loop3A_1024] {strides = array<i32>} : memref<16x1024xf32, #tpu.memory_space<vmem>>, vector<1x16xf32>,
      %parallel_loop3A_1026 = vector.shape_cast %parallel_loop3A_1025 : vector<1x16xf32> to vector<16xf32>
      %parallel_loop3A_1027 = arith.addf %parallel_loop3A_1022, %parallel_loop3A_1026 : vector<16xf32>
      %parallel_loop3A_1028 = arith.index_cast %parallel_loop3A_1000 : i32 to index
      %parallel_loop3A_1029 = arith.index_cast %parallel_loop3A_1018 : i32 to index
      %parallel_loop3A_1030 = tpu.vector_load %arg11[%parallel_loop3A_1028, %parallel_loop3A_1029] {strides = array<i32>} : memref<16x1024xf32, #tpu.memory_space<vmem>>, vector<1x16xf32>,
      %parallel_loop3A_1031 = vector.shape_cast %parallel_loop3A_1030 : vector<1x16xf32> to vector<16xf32>
      %parallel_loop3A_1032 = vector.shape_cast %parallel_loop3A_1027 : vector<16xf32> to vector<1x16xf32>
      tpu.vector_store %arg11[%parallel_loop3A_1028, %parallel_loop3A_1029], %parallel_loop3A_1032 {strides = array<i32>} : memref<16x1024xf32, #tpu.memory_space<vmem>>, vector<1x16xf32>,
    } {sc.loop_unroll_factor = 8 : i64, sc.parallel_access}
    %add3A_122 = arith.constant 2048 : i32
    %add3A_123 = arith.addi %add3A_122, %mul3A_2 : i32
    %add3A_124 = arith.constant 0 : i32
    %add3A_125 = arith.addi %add3A_123, %add3A_124 : i32
    %add3A_126 = arith.constant 8 : i32
    %add3A_127 = arith.addi %add3A_125, %add3A_126 : i32
    %dma_start3A_128 = arith.constant 8 : i32
    %dma_start3A_129 = arith.constant 0 : i32
    %dma_start3A_130 = tpu.memref_slice %arg11[%dma_start3A_128, %dma_start3A_129] : memref<16x1024xf32, #tpu.memory_space<vmem>> -> memref<8x1024xf32, #tpu.memory_space<vmem>>
    %dma_start3A_131 = arith.constant 0 : i32
    %dma_start3A_132 = tpu.memref_slice %arg4[%add3A_127, %dma_start3A_131] : memref<8192x1024xf32, #tpu.memory_space<hbm>> -> memref<8x1024xf32, #tpu.memory_space<hbm>>
    %dma_start3A_133 = arith.constant 0 : i32
    %dma_start3A_134 = tpu.memref_slice %arg4[%add3A_127, %dma_start3A_133] : memref<8192x1024xf32, #tpu.memory_space<hbm>> -> memref<8x1024xf32, #tpu.memory_space<hbm>>
    %dma_start3A_135 = arith.constant 8 : i32
    %dma_start3A_136 = arith.constant 0 : i32
    %dma_start3A_137 = tpu.memref_slice %arg11[%dma_start3A_135, %dma_start3A_136] : memref<16x1024xf32, #tpu.memory_space<vmem>> -> memref<8x1024xf32, #tpu.memory_space<vmem>>
    tpu.enqueue_dma source(%dma_start3A_137 : memref<8x1024xf32, #tpu.memory_space<vmem>>) target(%dma_start3A_134 : memref<8x1024xf32, #tpu.memory_space<hbm>>) target_semaphore(%arg18 : memref<!tpu.dma_semaphore, #tpu.memory_space<semaphore_mem>>)
    %add3A_138 = arith.constant 0 : i32
    %add3A_139 = arith.addi %add3A_138, %mul3A_2 : i32
    %add3A_140 = arith.constant 16 : i32
    %add3A_141 = arith.addi %add3A_139, %add3A_140 : i32
    %dma_start3A_142 = arith.constant 0 : i32
    %dma_start3A_143 = tpu.memref_slice %arg2[%add3A_141, %dma_start3A_142] : memref<8192x1024xf32, #tpu.memory_space<hbm>> -> memref<16x1024xf32, #tpu.memory_space<hbm>>
    %dma_start3A_144 = arith.constant 0 : i32
    %dma_start3A_145 = tpu.memref_slice %arg2[%add3A_141, %dma_start3A_144] : memref<8192x1024xf32, #tpu.memory_space<hbm>> -> memref<16x1024xf32, #tpu.memory_space<hbm>>
    tpu.enqueue_dma source(%dma_start3A_145 : memref<16x1024xf32, #tpu.memory_space<hbm>>) target(%arg8 : memref<16x1024xf32, #tpu.memory_space<vmem>>) target_semaphore(%arg15 : memref<!tpu.dma_semaphore, #tpu.memory_space<semaphore_mem>>)
    %dma_wait3A_146 = arith.constant 0 : i32
    %dma_wait3A_147 = arith.constant 0 : i32
    %dma_wait3A_148 = tpu.memref_slice %arg2[%dma_wait3A_146, %dma_wait3A_147] : memref<8192x1024xf32, #tpu.memory_space<hbm>> -> memref<16x1024xf32, #tpu.memory_space<hbm>>
    %dma_wait3A_149 = arith.constant 0 : i32
    %dma_wait3A_150 = arith.constant 0 : i32
    %dma_wait3A_151 = tpu.memref_slice %arg2[%dma_wait3A_149, %dma_wait3A_150] : memref<8192x1024xf32, #tpu.memory_space<hbm>> -> memref<16x1024xf32, #tpu.memory_space<hbm>>
    tpu.wait_dma2 semaphore(%arg16 : memref<!tpu.dma_semaphore, #tpu.memory_space<semaphore_mem>>) src(%dma_wait3A_151 : memref<16x1024xf32, #tpu.memory_space<hbm>>) dst(%arg9 : memref<16x1024xf32, #tpu.memory_space<vmem>>)
    %dma_wait3A_152 = arith.constant 0 : i32
    %dma_wait3A_153 = arith.constant 0 : i32
    %dma_wait3A_154 = tpu.memref_slice %arg4[%dma_wait3A_152, %dma_wait3A_153] : memref<8192x1024xf32, #tpu.memory_space<hbm>> -> memref<16x1024xf32, #tpu.memory_space<hbm>>
    %dma_wait3A_155 = arith.constant 0 : i32
    %dma_wait3A_156 = arith.constant 0 : i32
    %dma_wait3A_157 = tpu.memref_slice %arg4[%dma_wait3A_155, %dma_wait3A_156] : memref<8192x1024xf32, #tpu.memory_space<hbm>> -> memref<16x1024xf32, #tpu.memory_space<hbm>>
    tpu.wait_dma2 semaphore(%arg17 : memref<!tpu.dma_semaphore, #tpu.memory_space<semaphore_mem>>) src(%arg10 : memref<16x1024xf32, #tpu.memory_space<vmem>>) dst(%dma_wait3A_157 : memref<16x1024xf32, #tpu.memory_space<hbm>>)
    %parallel_loop3A_158 = arith.constant 0 : i32
    %parallel_loop3A_159 = arith.constant 512 : i32
    %parallel_loop3A_160 = arith.constant 1 : i32
    scf.for %parallel_loop3A_976 = %parallel_loop3A_158 to %parallel_loop3A_159 step %parallel_loop3A_160  : i32 {
      %parallel_loop3A_977 = arith.constant 64 : i32
      %parallel_loop3A_978 = arith.divsi %parallel_loop3A_976, %parallel_loop3A_977 : i32
      %parallel_loop3A_979 = arith.constant 0 : i32
      %parallel_loop3A_980 = arith.cmpi sgt, %parallel_loop3A_976, %parallel_loop3A_979 : i32
      %parallel_loop3A_981 = arith.extui %parallel_loop3A_980 : i1 to i32
      %parallel_loop3A_982 = arith.constant 0 : i32
      %parallel_loop3A_983 = arith.cmpi slt, %parallel_loop3A_976, %parallel_loop3A_982 : i32
      %parallel_loop3A_984 = arith.extui %parallel_loop3A_983 : i1 to i32
      %parallel_loop3A_985 = arith.subi %parallel_loop3A_981, %parallel_loop3A_984 : i32
      %parallel_loop3A_986 = arith.constant 0 : i32
      %parallel_loop3A_987 = arith.cmpi sgt, %parallel_loop3A_977, %parallel_loop3A_986 : i32
      %parallel_loop3A_988 = arith.extui %parallel_loop3A_987 : i1 to i32
      %parallel_loop3A_989 = arith.constant 0 : i32
      %parallel_loop3A_990 = arith.cmpi slt, %parallel_loop3A_977, %parallel_loop3A_989 : i32
      %parallel_loop3A_991 = arith.extui %parallel_loop3A_990 : i1 to i32
      %parallel_loop3A_992 = arith.subi %parallel_loop3A_988, %parallel_loop3A_991 : i32
      %parallel_loop3A_993 = arith.cmpi ne, %parallel_loop3A_985, %parallel_loop3A_992 : i32
      %parallel_loop3A_994 = arith.remsi %parallel_loop3A_976, %parallel_loop3A_977 : i32
      %parallel_loop3A_995 = arith.constant 0 : i32
      %parallel_loop3A_996 = arith.cmpi ne, %parallel_loop3A_994, %parallel_loop3A_995 : i32
      %parallel_loop3A_997 = arith.andi %parallel_loop3A_993, %parallel_loop3A_996 : i1
      %parallel_loop3A_998 = arith.constant 1 : i32
      %parallel_loop3A_999 = arith.subi %parallel_loop3A_978, %parallel_loop3A_998 : i32
      %parallel_loop3A_1000 = arith.select %parallel_loop3A_997, %parallel_loop3A_999, %parallel_loop3A_978 : i32
      %parallel_loop3A_1001 = arith.constant 64 : i32
      %parallel_loop3A_1002 = arith.constant 0 : i32
      %parallel_loop3A_1003 = arith.cmpi eq, %parallel_loop3A_1001, %parallel_loop3A_1002 : i32
      %parallel_loop3A_1004 = arith.constant 1 : i32
      %parallel_loop3A_1005 = arith.select %parallel_loop3A_1003, %parallel_loop3A_1004, %parallel_loop3A_1001 : i32
      %parallel_loop3A_1006 = arith.remsi %parallel_loop3A_976, %parallel_loop3A_1005 : i32
      %parallel_loop3A_1007 = arith.constant 0 : i32
      %parallel_loop3A_1008 = arith.cmpi ne, %parallel_loop3A_1006, %parallel_loop3A_1007 : i32
      %parallel_loop3A_1009 = arith.constant 0 : i32
      %parallel_loop3A_1010 = arith.cmpi slt, %parallel_loop3A_1006, %parallel_loop3A_1009 : i32
      %parallel_loop3A_1011 = arith.constant 0 : i32
      %parallel_loop3A_1012 = arith.cmpi slt, %parallel_loop3A_1005, %parallel_loop3A_1011 : i32
      %parallel_loop3A_1013 = arith.xori %parallel_loop3A_1010, %parallel_loop3A_1012 : i1
      %parallel_loop3A_1014 = arith.andi %parallel_loop3A_1013, %parallel_loop3A_1008 : i1
      %parallel_loop3A_1015 = arith.addi %parallel_loop3A_1006, %parallel_loop3A_1005 : i32
      %parallel_loop3A_1016 = arith.select %parallel_loop3A_1014, %parallel_loop3A_1015, %parallel_loop3A_1006 : i32
      %parallel_loop3A_1017 = arith.constant 16 : i32
      %parallel_loop3A_1018 = arith.muli %parallel_loop3A_1016, %parallel_loop3A_1017 : i32
      %parallel_loop3A_1019 = arith.index_cast %parallel_loop3A_1000 : i32 to index
      %parallel_loop3A_1020 = arith.index_cast %parallel_loop3A_1018 : i32 to index
      %parallel_loop3A_1021 = tpu.vector_load %arg9[%parallel_loop3A_1019, %parallel_loop3A_1020] {strides = array<i32>} : memref<16x1024xf32, #tpu.memory_space<vmem>>, vector<1x16xf32>,
      %parallel_loop3A_1022 = vector.shape_cast %parallel_loop3A_1021 : vector<1x16xf32> to vector<16xf32>
      %parallel_loop3A_1023 = arith.index_cast %parallel_loop3A_1000 : i32 to index
      %parallel_loop3A_1024 = arith.index_cast %parallel_loop3A_1018 : i32 to index
      %parallel_loop3A_1025 = tpu.vector_load %arg5[%parallel_loop3A_1023, %parallel_loop3A_1024] {strides = array<i32>} : memref<16x1024xf32, #tpu.memory_space<vmem>>, vector<1x16xf32>,
      %parallel_loop3A_1026 = vector.shape_cast %parallel_loop3A_1025 : vector<1x16xf32> to vector<16xf32>
      %parallel_loop3A_1027 = arith.addf %parallel_loop3A_1022, %parallel_loop3A_1026 : vector<16xf32>
      %parallel_loop3A_1028 = arith.index_cast %parallel_loop3A_1000 : i32 to index
      %parallel_loop3A_1029 = arith.index_cast %parallel_loop3A_1018 : i32 to index
      %parallel_loop3A_1030 = tpu.vector_load %arg10[%parallel_loop3A_1028, %parallel_loop3A_1029] {strides = array<i32>} : memref<16x1024xf32, #tpu.memory_space<vmem>>, vector<1x16xf32>,
      %parallel_loop3A_1031 = vector.shape_cast %parallel_loop3A_1030 : vector<1x16xf32> to vector<16xf32>
      %parallel_loop3A_1032 = vector.shape_cast %parallel_loop3A_1027 : vector<16xf32> to vector<1x16xf32>
      tpu.vector_store %arg10[%parallel_loop3A_1028, %parallel_loop3A_1029], %parallel_loop3A_1032 {strides = array<i32>} : memref<16x1024xf32, #tpu.memory_space<vmem>>, vector<1x16xf32>,
    } {sc.loop_unroll_factor = 8 : i64, sc.parallel_access}
    %add3A_161 = arith.constant 4096 : i32
    %add3A_162 = arith.addi %add3A_161, %mul3A_2 : i32
    %add3A_163 = arith.constant 0 : i32
    %add3A_164 = arith.addi %add3A_162, %add3A_163 : i32
    %add3A_165 = arith.constant 0 : i32
    %add3A_166 = arith.addi %add3A_164, %add3A_165 : i32
    %dma_start3A_167 = arith.constant 0 : i32
    %dma_start3A_168 = arith.constant 0 : i32
    %dma_start3A_169 = tpu.memref_slice %arg10[%dma_start3A_167, %dma_start3A_168] : memref<16x1024xf32, #tpu.memory_space<vmem>> -> memref<8x1024xf32, #tpu.memory_space<vmem>>
    %dma_start3A_170 = arith.constant 0 : i32
    %dma_start3A_171 = tpu.memref_slice %arg4[%add3A_166, %dma_start3A_170] : memref<8192x1024xf32, #tpu.memory_space<hbm>> -> memref<8x1024xf32, #tpu.memory_space<hbm>>
    %dma_start3A_172 = arith.constant 0 : i32
    %dma_start3A_173 = tpu.memref_slice %arg4[%add3A_166, %dma_start3A_172] : memref<8192x1024xf32, #tpu.memory_space<hbm>> -> memref<8x1024xf32, #tpu.memory_space<hbm>>
    %dma_start3A_174 = arith.constant 0 : i32
    %dma_start3A_175 = arith.constant 0 : i32
    %dma_start3A_176 = tpu.memref_slice %arg10[%dma_start3A_174, %dma_start3A_175] : memref<16x1024xf32, #tpu.memory_space<vmem>> -> memref<8x1024xf32, #tpu.memory_space<vmem>>
    tpu.enqueue_dma source(%dma_start3A_176 : memref<8x1024xf32, #tpu.memory_space<vmem>>) target(%dma_start3A_173 : memref<8x1024xf32, #tpu.memory_space<hbm>>) target_semaphore(%arg17 : memref<!tpu.dma_semaphore, #tpu.memory_space<semaphore_mem>>)
    %parallel_loop3A_177 = arith.constant 512 : i32
    %parallel_loop3A_178 = arith.constant 1024 : i32
    %parallel_loop3A_179 = arith.constant 1 : i32
    scf.for %parallel_loop3A_976 = %parallel_loop3A_177 to %parallel_loop3A_178 step %parallel_loop3A_179  : i32 {
      %parallel_loop3A_977 = arith.constant 64 : i32
      %parallel_loop3A_978 = arith.divsi %parallel_loop3A_976, %parallel_loop3A_977 : i32
      %parallel_loop3A_979 = arith.constant 0 : i32
      %parallel_loop3A_980 = arith.cmpi sgt, %parallel_loop3A_976, %parallel_loop3A_979 : i32
      %parallel_loop3A_981 = arith.extui %parallel_loop3A_980 : i1 to i32
      %parallel_loop3A_982 = arith.constant 0 : i32
      %parallel_loop3A_983 = arith.cmpi slt, %parallel_loop3A_976, %parallel_loop3A_982 : i32
      %parallel_loop3A_984 = arith.extui %parallel_loop3A_983 : i1 to i32
      %parallel_loop3A_985 = arith.subi %parallel_loop3A_981, %parallel_loop3A_984 : i32
      %parallel_loop3A_986 = arith.constant 0 : i32
      %parallel_loop3A_987 = arith.cmpi sgt, %parallel_loop3A_977, %parallel_loop3A_986 : i32
      %parallel_loop3A_988 = arith.extui %parallel_loop3A_987 : i1 to i32
      %parallel_loop3A_989 = arith.constant 0 : i32
      %parallel_loop3A_990 = arith.cmpi slt, %parallel_loop3A_977, %parallel_loop3A_989 : i32
      %parallel_loop3A_991 = arith.extui %parallel_loop3A_990 : i1 to i32
      %parallel_loop3A_992 = arith.subi %parallel_loop3A_988, %parallel_loop3A_991 : i32
      %parallel_loop3A_993 = arith.cmpi ne, %parallel_loop3A_985, %parallel_loop3A_992 : i32
      %parallel_loop3A_994 = arith.remsi %parallel_loop3A_976, %parallel_loop3A_977 : i32
      %parallel_loop3A_995 = arith.constant 0 : i32
      %parallel_loop3A_996 = arith.cmpi ne, %parallel_loop3A_994, %parallel_loop3A_995 : i32
      %parallel_loop3A_997 = arith.andi %parallel_loop3A_993, %parallel_loop3A_996 : i1
      %parallel_loop3A_998 = arith.constant 1 : i32
      %parallel_loop3A_999 = arith.subi %parallel_loop3A_978, %parallel_loop3A_998 : i32
      %parallel_loop3A_1000 = arith.select %parallel_loop3A_997, %parallel_loop3A_999, %parallel_loop3A_978 : i32
      %parallel_loop3A_1001 = arith.constant 64 : i32
      %parallel_loop3A_1002 = arith.constant 0 : i32
      %parallel_loop3A_1003 = arith.cmpi eq, %parallel_loop3A_1001, %parallel_loop3A_1002 : i32
      %parallel_loop3A_1004 = arith.constant 1 : i32
      %parallel_loop3A_1005 = arith.select %parallel_loop3A_1003, %parallel_loop3A_1004, %parallel_loop3A_1001 : i32
      %parallel_loop3A_1006 = arith.remsi %parallel_loop3A_976, %parallel_loop3A_1005 : i32
      %parallel_loop3A_1007 = arith.constant 0 : i32
      %parallel_loop3A_1008 = arith.cmpi ne, %parallel_loop3A_1006, %parallel_loop3A_1007 : i32
      %parallel_loop3A_1009 = arith.constant 0 : i32
      %parallel_loop3A_1010 = arith.cmpi slt, %parallel_loop3A_1006, %parallel_loop3A_1009 : i32
      %parallel_loop3A_1011 = arith.constant 0 : i32
      %parallel_loop3A_1012 = arith.cmpi slt, %parallel_loop3A_1005, %parallel_loop3A_1011 : i32
      %parallel_loop3A_1013 = arith.xori %parallel_loop3A_1010, %parallel_loop3A_1012 : i1
      %parallel_loop3A_1014 = arith.andi %parallel_loop3A_1013, %parallel_loop3A_1008 : i1
      %parallel_loop3A_1015 = arith.addi %parallel_loop3A_1006, %parallel_loop3A_1005 : i32
      %parallel_loop3A_1016 = arith.select %parallel_loop3A_1014, %parallel_loop3A_1015, %parallel_loop3A_1006 : i32
      %parallel_loop3A_1017 = arith.constant 16 : i32
      %parallel_loop3A_1018 = arith.muli %parallel_loop3A_1016, %parallel_loop3A_1017 : i32
      %parallel_loop3A_1019 = arith.index_cast %parallel_loop3A_1000 : i32 to index
      %parallel_loop3A_1020 = arith.index_cast %parallel_loop3A_1018 : i32 to index
      %parallel_loop3A_1021 = tpu.vector_load %arg9[%parallel_loop3A_1019, %parallel_loop3A_1020] {strides = array<i32>} : memref<16x1024xf32, #tpu.memory_space<vmem>>, vector<1x16xf32>,
      %parallel_loop3A_1022 = vector.shape_cast %parallel_loop3A_1021 : vector<1x16xf32> to vector<16xf32>
      %parallel_loop3A_1023 = arith.index_cast %parallel_loop3A_1000 : i32 to index
      %parallel_loop3A_1024 = arith.index_cast %parallel_loop3A_1018 : i32 to index
      %parallel_loop3A_1025 = tpu.vector_load %arg5[%parallel_loop3A_1023, %parallel_loop3A_1024] {strides = array<i32>} : memref<16x1024xf32, #tpu.memory_space<vmem>>, vector<1x16xf32>,
      %parallel_loop3A_1026 = vector.shape_cast %parallel_loop3A_1025 : vector<1x16xf32> to vector<16xf32>
      %parallel_loop3A_1027 = arith.addf %parallel_loop3A_1022, %parallel_loop3A_1026 : vector<16xf32>
      %parallel_loop3A_1028 = arith.index_cast %parallel_loop3A_1000 : i32 to index
      %parallel_loop3A_1029 = arith.index_cast %parallel_loop3A_1018 : i32 to index
      %parallel_loop3A_1030 = tpu.vector_load %arg10[%parallel_loop3A_1028, %parallel_loop3A_1029] {strides = array<i32>} : memref<16x1024xf32, #tpu.memory_space<vmem>>, vector<1x16xf32>,
      %parallel_loop3A_1031 = vector.shape_cast %parallel_loop3A_1030 : vector<1x16xf32> to vector<16xf32>
      %parallel_loop3A_1032 = vector.shape_cast %parallel_loop3A_1027 : vector<16xf32> to vector<1x16xf32>
      tpu.vector_store %arg10[%parallel_loop3A_1028, %parallel_loop3A_1029], %parallel_loop3A_1032 {strides = array<i32>} : memref<16x1024xf32, #tpu.memory_space<vmem>>, vector<1x16xf32>,
    } {sc.loop_unroll_factor = 8 : i64, sc.parallel_access}
    %add3A_180 = arith.constant 4096 : i32
    %add3A_181 = arith.addi %add3A_180, %mul3A_2 : i32
    %add3A_182 = arith.constant 0 : i32
    %add3A_183 = arith.addi %add3A_181, %add3A_182 : i32
    %add3A_184 = arith.constant 8 : i32
    %add3A_185 = arith.addi %add3A_183, %add3A_184 : i32
    %dma_start3A_186 = arith.constant 8 : i32
    %dma_start3A_187 = arith.constant 0 : i32
    %dma_start3A_188 = tpu.memref_slice %arg10[%dma_start3A_186, %dma_start3A_187] : memref<16x1024xf32, #tpu.memory_space<vmem>> -> memref<8x1024xf32, #tpu.memory_space<vmem>>
    %dma_start3A_189 = arith.constant 0 : i32
    %dma_start3A_190 = tpu.memref_slice %arg4[%add3A_185, %dma_start3A_189] : memref<8192x1024xf32, #tpu.memory_space<hbm>> -> memref<8x1024xf32, #tpu.memory_space<hbm>>
    %dma_start3A_191 = arith.constant 0 : i32
    %dma_start3A_192 = tpu.memref_slice %arg4[%add3A_185, %dma_start3A_191] : memref<8192x1024xf32, #tpu.memory_space<hbm>> -> memref<8x1024xf32, #tpu.memory_space<hbm>>
    %dma_start3A_193 = arith.constant 8 : i32
    %dma_start3A_194 = arith.constant 0 : i32
    %dma_start3A_195 = tpu.memref_slice %arg10[%dma_start3A_193, %dma_start3A_194] : memref<16x1024xf32, #tpu.memory_space<vmem>> -> memref<8x1024xf32, #tpu.memory_space<vmem>>
    tpu.enqueue_dma source(%dma_start3A_195 : memref<8x1024xf32, #tpu.memory_space<vmem>>) target(%dma_start3A_192 : memref<8x1024xf32, #tpu.memory_space<hbm>>) target_semaphore(%arg17 : memref<!tpu.dma_semaphore, #tpu.memory_space<semaphore_mem>>)
    %add3A_196 = arith.constant 2048 : i32
    %add3A_197 = arith.addi %add3A_196, %mul3A_2 : i32
    %add3A_198 = arith.constant 16 : i32
    %add3A_199 = arith.addi %add3A_197, %add3A_198 : i32
    %dma_start3A_200 = arith.constant 0 : i32
    %dma_start3A_201 = tpu.memref_slice %arg2[%add3A_199, %dma_start3A_200] : memref<8192x1024xf32, #tpu.memory_space<hbm>> -> memref<16x1024xf32, #tpu.memory_space<hbm>>
    %dma_start3A_202 = arith.constant 0 : i32
    %dma_start3A_203 = tpu.memref_slice %arg2[%add3A_199, %dma_start3A_202] : memref<8192x1024xf32, #tpu.memory_space<hbm>> -> memref<16x1024xf32, #tpu.memory_space<hbm>>
    tpu.enqueue_dma source(%dma_start3A_203 : memref<16x1024xf32, #tpu.memory_space<hbm>>) target(%arg9 : memref<16x1024xf32, #tpu.memory_space<vmem>>) target_semaphore(%arg16 : memref<!tpu.dma_semaphore, #tpu.memory_space<semaphore_mem>>)
    %dma_wait3A_204 = arith.constant 0 : i32
    %dma_wait3A_205 = arith.constant 0 : i32
    %dma_wait3A_206 = tpu.memref_slice %arg2[%dma_wait3A_204, %dma_wait3A_205] : memref<8192x1024xf32, #tpu.memory_space<hbm>> -> memref<16x1024xf32, #tpu.memory_space<hbm>>
    %dma_wait3A_207 = arith.constant 0 : i32
    %dma_wait3A_208 = arith.constant 0 : i32
    %dma_wait3A_209 = tpu.memref_slice %arg2[%dma_wait3A_207, %dma_wait3A_208] : memref<8192x1024xf32, #tpu.memory_space<hbm>> -> memref<16x1024xf32, #tpu.memory_space<hbm>>
    tpu.wait_dma2 semaphore(%arg14 : memref<!tpu.dma_semaphore, #tpu.memory_space<semaphore_mem>>) src(%dma_wait3A_209 : memref<16x1024xf32, #tpu.memory_space<hbm>>) dst(%arg7 : memref<16x1024xf32, #tpu.memory_space<vmem>>)
    %dma_wait3A_210 = arith.constant 0 : i32
    %dma_wait3A_211 = arith.constant 0 : i32
    %dma_wait3A_212 = tpu.memref_slice %arg4[%dma_wait3A_210, %dma_wait3A_211] : memref<8192x1024xf32, #tpu.memory_space<hbm>> -> memref<16x1024xf32, #tpu.memory_space<hbm>>
    %dma_wait3A_213 = arith.constant 0 : i32
    %dma_wait3A_214 = arith.constant 0 : i32
    %dma_wait3A_215 = tpu.memref_slice %arg4[%dma_wait3A_213, %dma_wait3A_214] : memref<8192x1024xf32, #tpu.memory_space<hbm>> -> memref<16x1024xf32, #tpu.memory_space<hbm>>
    tpu.wait_dma2 semaphore(%arg18 : memref<!tpu.dma_semaphore, #tpu.memory_space<semaphore_mem>>) src(%arg11 : memref<16x1024xf32, #tpu.memory_space<vmem>>) dst(%dma_wait3A_215 : memref<16x1024xf32, #tpu.memory_space<hbm>>)
    %parallel_loop3A_216 = arith.constant 0 : i32
    %parallel_loop3A_217 = arith.constant 512 : i32
    %parallel_loop3A_218 = arith.constant 1 : i32
    scf.for %parallel_loop3A_976 = %parallel_loop3A_216 to %parallel_loop3A_217 step %parallel_loop3A_218  : i32 {
      %parallel_loop3A_977 = arith.constant 64 : i32
      %parallel_loop3A_978 = arith.divsi %parallel_loop3A_976, %parallel_loop3A_977 : i32
      %parallel_loop3A_979 = arith.constant 0 : i32
      %parallel_loop3A_980 = arith.cmpi sgt, %parallel_loop3A_976, %parallel_loop3A_979 : i32
      %parallel_loop3A_981 = arith.extui %parallel_loop3A_980 : i1 to i32
      %parallel_loop3A_982 = arith.constant 0 : i32
      %parallel_loop3A_983 = arith.cmpi slt, %parallel_loop3A_976, %parallel_loop3A_982 : i32
      %parallel_loop3A_984 = arith.extui %parallel_loop3A_983 : i1 to i32
      %parallel_loop3A_985 = arith.subi %parallel_loop3A_981, %parallel_loop3A_984 : i32
      %parallel_loop3A_986 = arith.constant 0 : i32
      %parallel_loop3A_987 = arith.cmpi sgt, %parallel_loop3A_977, %parallel_loop3A_986 : i32
      %parallel_loop3A_988 = arith.extui %parallel_loop3A_987 : i1 to i32
      %parallel_loop3A_989 = arith.constant 0 : i32
      %parallel_loop3A_990 = arith.cmpi slt, %parallel_loop3A_977, %parallel_loop3A_989 : i32
      %parallel_loop3A_991 = arith.extui %parallel_loop3A_990 : i1 to i32
      %parallel_loop3A_992 = arith.subi %parallel_loop3A_988, %parallel_loop3A_991 : i32
      %parallel_loop3A_993 = arith.cmpi ne, %parallel_loop3A_985, %parallel_loop3A_992 : i32
      %parallel_loop3A_994 = arith.remsi %parallel_loop3A_976, %parallel_loop3A_977 : i32
      %parallel_loop3A_995 = arith.constant 0 : i32
      %parallel_loop3A_996 = arith.cmpi ne, %parallel_loop3A_994, %parallel_loop3A_995 : i32
      %parallel_loop3A_997 = arith.andi %parallel_loop3A_993, %parallel_loop3A_996 : i1
      %parallel_loop3A_998 = arith.constant 1 : i32
      %parallel_loop3A_999 = arith.subi %parallel_loop3A_978, %parallel_loop3A_998 : i32
      %parallel_loop3A_1000 = arith.select %parallel_loop3A_997, %parallel_loop3A_999, %parallel_loop3A_978 : i32
      %parallel_loop3A_1001 = arith.constant 64 : i32
      %parallel_loop3A_1002 = arith.constant 0 : i32
      %parallel_loop3A_1003 = arith.cmpi eq, %parallel_loop3A_1001, %parallel_loop3A_1002 : i32
      %parallel_loop3A_1004 = arith.constant 1 : i32
      %parallel_loop3A_1005 = arith.select %parallel_loop3A_1003, %parallel_loop3A_1004, %parallel_loop3A_1001 : i32
      %parallel_loop3A_1006 = arith.remsi %parallel_loop3A_976, %parallel_loop3A_1005 : i32
      %parallel_loop3A_1007 = arith.constant 0 : i32
      %parallel_loop3A_1008 = arith.cmpi ne, %parallel_loop3A_1006, %parallel_loop3A_1007 : i32
      %parallel_loop3A_1009 = arith.constant 0 : i32
      %parallel_loop3A_1010 = arith.cmpi slt, %parallel_loop3A_1006, %parallel_loop3A_1009 : i32
      %parallel_loop3A_1011 = arith.constant 0 : i32
      %parallel_loop3A_1012 = arith.cmpi slt, %parallel_loop3A_1005, %parallel_loop3A_1011 : i32
      %parallel_loop3A_1013 = arith.xori %parallel_loop3A_1010, %parallel_loop3A_1012 : i1
      %parallel_loop3A_1014 = arith.andi %parallel_loop3A_1013, %parallel_loop3A_1008 : i1
      %parallel_loop3A_1015 = arith.addi %parallel_loop3A_1006, %parallel_loop3A_1005 : i32
      %parallel_loop3A_1016 = arith.select %parallel_loop3A_1014, %parallel_loop3A_1015, %parallel_loop3A_1006 : i32
      %parallel_loop3A_1017 = arith.constant 16 : i32
      %parallel_loop3A_1018 = arith.muli %parallel_loop3A_1016, %parallel_loop3A_1017 : i32
      %parallel_loop3A_1019 = arith.index_cast %parallel_loop3A_1000 : i32 to index
      %parallel_loop3A_1020 = arith.index_cast %parallel_loop3A_1018 : i32 to index
      %parallel_loop3A_1021 = tpu.vector_load %arg7[%parallel_loop3A_1019, %parallel_loop3A_1020] {strides = array<i32>} : memref<16x1024xf32, #tpu.memory_space<vmem>>, vector<1x16xf32>,
      %parallel_loop3A_1022 = vector.shape_cast %parallel_loop3A_1021 : vector<1x16xf32> to vector<16xf32>
      %parallel_loop3A_1023 = arith.index_cast %parallel_loop3A_1000 : i32 to index
      %parallel_loop3A_1024 = arith.index_cast %parallel_loop3A_1018 : i32 to index
      %parallel_loop3A_1025 = tpu.vector_load %arg5[%parallel_loop3A_1023, %parallel_loop3A_1024] {strides = array<i32>} : memref<16x1024xf32, #tpu.memory_space<vmem>>, vector<1x16xf32>,
      %parallel_loop3A_1026 = vector.shape_cast %parallel_loop3A_1025 : vector<1x16xf32> to vector<16xf32>
      %parallel_loop3A_1027 = arith.addf %parallel_loop3A_1022, %parallel_loop3A_1026 : vector<16xf32>
      %parallel_loop3A_1028 = arith.index_cast %parallel_loop3A_1000 : i32 to index
      %parallel_loop3A_1029 = arith.index_cast %parallel_loop3A_1018 : i32 to index
      %parallel_loop3A_1030 = tpu.vector_load %arg11[%parallel_loop3A_1028, %parallel_loop3A_1029] {strides = array<i32>} : memref<16x1024xf32, #tpu.memory_space<vmem>>, vector<1x16xf32>,
      %parallel_loop3A_1031 = vector.shape_cast %parallel_loop3A_1030 : vector<1x16xf32> to vector<16xf32>
      %parallel_loop3A_1032 = vector.shape_cast %parallel_loop3A_1027 : vector<16xf32> to vector<1x16xf32>
      tpu.vector_store %arg11[%parallel_loop3A_1028, %parallel_loop3A_1029], %parallel_loop3A_1032 {strides = array<i32>} : memref<16x1024xf32, #tpu.memory_space<vmem>>, vector<1x16xf32>,
    } {sc.loop_unroll_factor = 8 : i64, sc.parallel_access}
    %add3A_219 = arith.constant 6144 : i32
    %add3A_220 = arith.addi %add3A_219, %mul3A_2 : i32
    %add3A_221 = arith.constant 0 : i32
    %add3A_222 = arith.addi %add3A_220, %add3A_221 : i32
    %add3A_223 = arith.constant 0 : i32
    %add3A_224 = arith.addi %add3A_222, %add3A_223 : i32
    %dma_start3A_225 = arith.constant 0 : i32
    %dma_start3A_226 = arith.constant 0 : i32
    %dma_start3A_227 = tpu.memref_slice %arg11[%dma_start3A_225, %dma_start3A_226] : memref<16x1024xf32, #tpu.memory_space<vmem>> -> memref<8x1024xf32, #tpu.memory_space<vmem>>
    %dma_start3A_228 = arith.constant 0 : i32
    %dma_start3A_229 = tpu.memref_slice %arg4[%add3A_224, %dma_start3A_228] : memref<8192x1024xf32, #tpu.memory_space<hbm>> -> memref<8x1024xf32, #tpu.memory_space<hbm>>
    %dma_start3A_230 = arith.constant 0 : i32
    %dma_start3A_231 = tpu.memref_slice %arg4[%add3A_224, %dma_start3A_230] : memref<8192x1024xf32, #tpu.memory_space<hbm>> -> memref<8x1024xf32, #tpu.memory_space<hbm>>
    %dma_start3A_232 = arith.constant 0 : i32
    %dma_start3A_233 = arith.constant 0 : i32
    %dma_start3A_234 = tpu.memref_slice %arg11[%dma_start3A_232, %dma_start3A_233] : memref<16x1024xf32, #tpu.memory_space<vmem>> -> memref<8x1024xf32, #tpu.memory_space<vmem>>
    tpu.enqueue_dma source(%dma_start3A_234 : memref<8x1024xf32, #tpu.memory_space<vmem>>) target(%dma_start3A_231 : memref<8x1024xf32, #tpu.memory_space<hbm>>) target_semaphore(%arg18 : memref<!tpu.dma_semaphore, #tpu.memory_space<semaphore_mem>>)
    %parallel_loop3A_235 = arith.constant 512 : i32
    %parallel_loop3A_236 = arith.constant 1024 : i32
    %parallel_loop3A_237 = arith.constant 1 : i32
    scf.for %parallel_loop3A_976 = %parallel_loop3A_235 to %parallel_loop3A_236 step %parallel_loop3A_237  : i32 {
      %parallel_loop3A_977 = arith.constant 64 : i32
      %parallel_loop3A_978 = arith.divsi %parallel_loop3A_976, %parallel_loop3A_977 : i32
      %parallel_loop3A_979 = arith.constant 0 : i32
      %parallel_loop3A_980 = arith.cmpi sgt, %parallel_loop3A_976, %parallel_loop3A_979 : i32
      %parallel_loop3A_981 = arith.extui %parallel_loop3A_980 : i1 to i32
      %parallel_loop3A_982 = arith.constant 0 : i32
      %parallel_loop3A_983 = arith.cmpi slt, %parallel_loop3A_976, %parallel_loop3A_982 : i32
      %parallel_loop3A_984 = arith.extui %parallel_loop3A_983 : i1 to i32
      %parallel_loop3A_985 = arith.subi %parallel_loop3A_981, %parallel_loop3A_984 : i32
      %parallel_loop3A_986 = arith.constant 0 : i32
      %parallel_loop3A_987 = arith.cmpi sgt, %parallel_loop3A_977, %parallel_loop3A_986 : i32
      %parallel_loop3A_988 = arith.extui %parallel_loop3A_987 : i1 to i32
      %parallel_loop3A_989 = arith.constant 0 : i32
      %parallel_loop3A_990 = arith.cmpi slt, %parallel_loop3A_977, %parallel_loop3A_989 : i32
      %parallel_loop3A_991 = arith.extui %parallel_loop3A_990 : i1 to i32
      %parallel_loop3A_992 = arith.subi %parallel_loop3A_988, %parallel_loop3A_991 : i32
      %parallel_loop3A_993 = arith.cmpi ne, %parallel_loop3A_985, %parallel_loop3A_992 : i32
      %parallel_loop3A_994 = arith.remsi %parallel_loop3A_976, %parallel_loop3A_977 : i32
      %parallel_loop3A_995 = arith.constant 0 : i32
      %parallel_loop3A_996 = arith.cmpi ne, %parallel_loop3A_994, %parallel_loop3A_995 : i32
      %parallel_loop3A_997 = arith.andi %parallel_loop3A_993, %parallel_loop3A_996 : i1
      %parallel_loop3A_998 = arith.constant 1 : i32
      %parallel_loop3A_999 = arith.subi %parallel_loop3A_978, %parallel_loop3A_998 : i32
      %parallel_loop3A_1000 = arith.select %parallel_loop3A_997, %parallel_loop3A_999, %parallel_loop3A_978 : i32
      %parallel_loop3A_1001 = arith.constant 64 : i32
      %parallel_loop3A_1002 = arith.constant 0 : i32
      %parallel_loop3A_1003 = arith.cmpi eq, %parallel_loop3A_1001, %parallel_loop3A_1002 : i32
      %parallel_loop3A_1004 = arith.constant 1 : i32
      %parallel_loop3A_1005 = arith.select %parallel_loop3A_1003, %parallel_loop3A_1004, %parallel_loop3A_1001 : i32
      %parallel_loop3A_1006 = arith.remsi %parallel_loop3A_976, %parallel_loop3A_1005 : i32
      %parallel_loop3A_1007 = arith.constant 0 : i32
      %parallel_loop3A_1008 = arith.cmpi ne, %parallel_loop3A_1006, %parallel_loop3A_1007 : i32
      %parallel_loop3A_1009 = arith.constant 0 : i32
      %parallel_loop3A_1010 = arith.cmpi slt, %parallel_loop3A_1006, %parallel_loop3A_1009 : i32
      %parallel_loop3A_1011 = arith.constant 0 : i32
      %parallel_loop3A_1012 = arith.cmpi slt, %parallel_loop3A_1005, %parallel_loop3A_1011 : i32
      %parallel_loop3A_1013 = arith.xori %parallel_loop3A_1010, %parallel_loop3A_1012 : i1
      %parallel_loop3A_1014 = arith.andi %parallel_loop3A_1013, %parallel_loop3A_1008 : i1
      %parallel_loop3A_1015 = arith.addi %parallel_loop3A_1006, %parallel_loop3A_1005 : i32
      %parallel_loop3A_1016 = arith.select %parallel_loop3A_1014, %parallel_loop3A_1015, %parallel_loop3A_1006 : i32
      %parallel_loop3A_1017 = arith.constant 16 : i32
      %parallel_loop3A_1018 = arith.muli %parallel_loop3A_1016, %parallel_loop3A_1017 : i32
      %parallel_loop3A_1019 = arith.index_cast %parallel_loop3A_1000 : i32 to index
      %parallel_loop3A_1020 = arith.index_cast %parallel_loop3A_1018 : i32 to index
      %parallel_loop3A_1021 = tpu.vector_load %arg7[%parallel_loop3A_1019, %parallel_loop3A_1020] {strides = array<i32>} : memref<16x1024xf32, #tpu.memory_space<vmem>>, vector<1x16xf32>,
      %parallel_loop3A_1022 = vector.shape_cast %parallel_loop3A_1021 : vector<1x16xf32> to vector<16xf32>
      %parallel_loop3A_1023 = arith.index_cast %parallel_loop3A_1000 : i32 to index
      %parallel_loop3A_1024 = arith.index_cast %parallel_loop3A_1018 : i32 to index
      %parallel_loop3A_1025 = tpu.vector_load %arg5[%parallel_loop3A_1023, %parallel_loop3A_1024] {strides = array<i32>} : memref<16x1024xf32, #tpu.memory_space<vmem>>, vector<1x16xf32>,
      %parallel_loop3A_1026 = vector.shape_cast %parallel_loop3A_1025 : vector<1x16xf32> to vector<16xf32>
      %parallel_loop3A_1027 = arith.addf %parallel_loop3A_1022, %parallel_loop3A_1026 : vector<16xf32>
      %parallel_loop3A_1028 = arith.index_cast %parallel_loop3A_1000 : i32 to index
      %parallel_loop3A_1029 = arith.index_cast %parallel_loop3A_1018 : i32 to index
      %parallel_loop3A_1030 = tpu.vector_load %arg11[%parallel_loop3A_1028, %parallel_loop3A_1029] {strides = array<i32>} : memref<16x1024xf32, #tpu.memory_space<vmem>>, vector<1x16xf32>,
      %parallel_loop3A_1031 = vector.shape_cast %parallel_loop3A_1030 : vector<1x16xf32> to vector<16xf32>
      %parallel_loop3A_1032 = vector.shape_cast %parallel_loop3A_1027 : vector<16xf32> to vector<1x16xf32>
      tpu.vector_store %arg11[%parallel_loop3A_1028, %parallel_loop3A_1029], %parallel_loop3A_1032 {strides = array<i32>} : memref<16x1024xf32, #tpu.memory_space<vmem>>, vector<1x16xf32>,
    } {sc.loop_unroll_factor = 8 : i64, sc.parallel_access}
    %add3A_238 = arith.constant 6144 : i32
    %add3A_239 = arith.addi %add3A_238, %mul3A_2 : i32
    %add3A_240 = arith.constant 0 : i32
    %add3A_241 = arith.addi %add3A_239, %add3A_240 : i32
    %add3A_242 = arith.constant 8 : i32
    %add3A_243 = arith.addi %add3A_241, %add3A_242 : i32
    %dma_start3A_244 = arith.constant 8 : i32
    %dma_start3A_245 = arith.constant 0 : i32
    %dma_start3A_246 = tpu.memref_slice %arg11[%dma_start3A_244, %dma_start3A_245] : memref<16x1024xf32, #tpu.memory_space<vmem>> -> memref<8x1024xf32, #tpu.memory_space<vmem>>
    %dma_start3A_247 = arith.constant 0 : i32
    %dma_start3A_248 = tpu.memref_slice %arg4[%add3A_243, %dma_start3A_247] : memref<8192x1024xf32, #tpu.memory_space<hbm>> -> memref<8x1024xf32, #tpu.memory_space<hbm>>
    %dma_start3A_249 = arith.constant 0 : i32
    %dma_start3A_250 = tpu.memref_slice %arg4[%add3A_243, %dma_start3A_249] : memref<8192x1024xf32, #tpu.memory_space<hbm>> -> memref<8x1024xf32, #tpu.memory_space<hbm>>
    %dma_start3A_251 = arith.constant 8 : i32
    %dma_start3A_252 = arith.constant 0 : i32
    %dma_start3A_253 = tpu.memref_slice %arg11[%dma_start3A_251, %dma_start3A_252] : memref<16x1024xf32, #tpu.memory_space<vmem>> -> memref<8x1024xf32, #tpu.memory_space<vmem>>
    tpu.enqueue_dma source(%dma_start3A_253 : memref<8x1024xf32, #tpu.memory_space<vmem>>) target(%dma_start3A_250 : memref<8x1024xf32, #tpu.memory_space<hbm>>) target_semaphore(%arg18 : memref<!tpu.dma_semaphore, #tpu.memory_space<semaphore_mem>>)
    %add3A_254 = arith.constant 4096 : i32
    %add3A_255 = arith.addi %add3A_254, %mul3A_2 : i32
    %add3A_256 = arith.constant 16 : i32
    %add3A_257 = arith.addi %add3A_255, %add3A_256 : i32
    %dma_start3A_258 = arith.constant 0 : i32
    %dma_start3A_259 = tpu.memref_slice %arg2[%add3A_257, %dma_start3A_258] : memref<8192x1024xf32, #tpu.memory_space<hbm>> -> memref<16x1024xf32, #tpu.memory_space<hbm>>
    %dma_start3A_260 = arith.constant 0 : i32
    %dma_start3A_261 = tpu.memref_slice %arg2[%add3A_257, %dma_start3A_260] : memref<8192x1024xf32, #tpu.memory_space<hbm>> -> memref<16x1024xf32, #tpu.memory_space<hbm>>
    tpu.enqueue_dma source(%dma_start3A_261 : memref<16x1024xf32, #tpu.memory_space<hbm>>) target(%arg7 : memref<16x1024xf32, #tpu.memory_space<vmem>>) target_semaphore(%arg14 : memref<!tpu.dma_semaphore, #tpu.memory_space<semaphore_mem>>)
    %add3A_262 = arith.constant 32 : i32
    %add3A_263 = arith.addi %mul3A_2, %add3A_262 : i32
    %dma_start3A_264 = arith.constant 0 : i32
    %dma_start3A_265 = tpu.memref_slice %arg3[%add3A_263, %dma_start3A_264] : memref<2048x1024xf32, #tpu.memory_space<hbm>> -> memref<16x1024xf32, #tpu.memory_space<hbm>>
    %dma_start3A_266 = arith.constant 0 : i32
    %dma_start3A_267 = tpu.memref_slice %arg3[%add3A_263, %dma_start3A_266] : memref<2048x1024xf32, #tpu.memory_space<hbm>> -> memref<16x1024xf32, #tpu.memory_space<hbm>>
    tpu.enqueue_dma source(%dma_start3A_267 : memref<16x1024xf32, #tpu.memory_space<hbm>>) target(%arg5 : memref<16x1024xf32, #tpu.memory_space<vmem>>) target_semaphore(%arg12 : memref<!tpu.dma_semaphore, #tpu.memory_space<semaphore_mem>>)
    %dma_wait3A_268 = arith.constant 0 : i32
    %dma_wait3A_269 = arith.constant 0 : i32
    %dma_wait3A_270 = tpu.memref_slice %arg3[%dma_wait3A_268, %dma_wait3A_269] : memref<2048x1024xf32, #tpu.memory_space<hbm>> -> memref<16x1024xf32, #tpu.memory_space<hbm>>
    %dma_wait3A_271 = arith.constant 0 : i32
    %dma_wait3A_272 = arith.constant 0 : i32
    %dma_wait3A_273 = tpu.memref_slice %arg3[%dma_wait3A_271, %dma_wait3A_272] : memref<2048x1024xf32, #tpu.memory_space<hbm>> -> memref<16x1024xf32, #tpu.memory_space<hbm>>
    tpu.wait_dma2 semaphore(%arg13 : memref<!tpu.dma_semaphore, #tpu.memory_space<semaphore_mem>>) src(%dma_wait3A_273 : memref<16x1024xf32, #tpu.memory_space<hbm>>) dst(%arg6 : memref<16x1024xf32, #tpu.memory_space<vmem>>)
    %dma_wait3A_274 = arith.constant 0 : i32
    %dma_wait3A_275 = arith.constant 0 : i32
    %dma_wait3A_276 = tpu.memref_slice %arg2[%dma_wait3A_274, %dma_wait3A_275] : memref<8192x1024xf32, #tpu.memory_space<hbm>> -> memref<16x1024xf32, #tpu.memory_space<hbm>>
    %dma_wait3A_277 = arith.constant 0 : i32
    %dma_wait3A_278 = arith.constant 0 : i32
    %dma_wait3A_279 = tpu.memref_slice %arg2[%dma_wait3A_277, %dma_wait3A_278] : memref<8192x1024xf32, #tpu.memory_space<hbm>> -> memref<16x1024xf32, #tpu.memory_space<hbm>>
    tpu.wait_dma2 semaphore(%arg15 : memref<!tpu.dma_semaphore, #tpu.memory_space<semaphore_mem>>) src(%dma_wait3A_279 : memref<16x1024xf32, #tpu.memory_space<hbm>>) dst(%arg8 : memref<16x1024xf32, #tpu.memory_space<vmem>>)
    %dma_wait3A_280 = arith.constant 0 : i32
    %dma_wait3A_281 = arith.constant 0 : i32
    %dma_wait3A_282 = tpu.memref_slice %arg4[%dma_wait3A_280, %dma_wait3A_281] : memref<8192x1024xf32, #tpu.memory_space<hbm>> -> memref<16x1024xf32, #tpu.memory_space<hbm>>
    %dma_wait3A_283 = arith.constant 0 : i32
    %dma_wait3A_284 = arith.constant 0 : i32
    %dma_wait3A_285 = tpu.memref_slice %arg4[%dma_wait3A_283, %dma_wait3A_284] : memref<8192x1024xf32, #tpu.memory_space<hbm>> -> memref<16x1024xf32, #tpu.memory_space<hbm>>
    tpu.wait_dma2 semaphore(%arg17 : memref<!tpu.dma_semaphore, #tpu.memory_space<semaphore_mem>>) src(%arg10 : memref<16x1024xf32, #tpu.memory_space<vmem>>) dst(%dma_wait3A_285 : memref<16x1024xf32, #tpu.memory_space<hbm>>)
    %parallel_loop3A_286 = arith.constant 0 : i32
    %parallel_loop3A_287 = arith.constant 512 : i32
    %parallel_loop3A_288 = arith.constant 1 : i32
    scf.for %parallel_loop3A_976 = %parallel_loop3A_286 to %parallel_loop3A_287 step %parallel_loop3A_288  : i32 {
      %parallel_loop3A_977 = arith.constant 64 : i32
      %parallel_loop3A_978 = arith.divsi %parallel_loop3A_976, %parallel_loop3A_977 : i32
      %parallel_loop3A_979 = arith.constant 0 : i32
      %parallel_loop3A_980 = arith.cmpi sgt, %parallel_loop3A_976, %parallel_loop3A_979 : i32
      %parallel_loop3A_981 = arith.extui %parallel_loop3A_980 : i1 to i32
      %parallel_loop3A_982 = arith.constant 0 : i32
      %parallel_loop3A_983 = arith.cmpi slt, %parallel_loop3A_976, %parallel_loop3A_982 : i32
      %parallel_loop3A_984 = arith.extui %parallel_loop3A_983 : i1 to i32
      %parallel_loop3A_985 = arith.subi %parallel_loop3A_981, %parallel_loop3A_984 : i32
      %parallel_loop3A_986 = arith.constant 0 : i32
      %parallel_loop3A_987 = arith.cmpi sgt, %parallel_loop3A_977, %parallel_loop3A_986 : i32
      %parallel_loop3A_988 = arith.extui %parallel_loop3A_987 : i1 to i32
      %parallel_loop3A_989 = arith.constant 0 : i32
      %parallel_loop3A_990 = arith.cmpi slt, %parallel_loop3A_977, %parallel_loop3A_989 : i32
      %parallel_loop3A_991 = arith.extui %parallel_loop3A_990 : i1 to i32
      %parallel_loop3A_992 = arith.subi %parallel_loop3A_988, %parallel_loop3A_991 : i32
      %parallel_loop3A_993 = arith.cmpi ne, %parallel_loop3A_985, %parallel_loop3A_992 : i32
      %parallel_loop3A_994 = arith.remsi %parallel_loop3A_976, %parallel_loop3A_977 : i32
      %parallel_loop3A_995 = arith.constant 0 : i32
      %parallel_loop3A_996 = arith.cmpi ne, %parallel_loop3A_994, %parallel_loop3A_995 : i32
      %parallel_loop3A_997 = arith.andi %parallel_loop3A_993, %parallel_loop3A_996 : i1
      %parallel_loop3A_998 = arith.constant 1 : i32
      %parallel_loop3A_999 = arith.subi %parallel_loop3A_978, %parallel_loop3A_998 : i32
      %parallel_loop3A_1000 = arith.select %parallel_loop3A_997, %parallel_loop3A_999, %parallel_loop3A_978 : i32
      %parallel_loop3A_1001 = arith.constant 64 : i32
      %parallel_loop3A_1002 = arith.constant 0 : i32
      %parallel_loop3A_1003 = arith.cmpi eq, %parallel_loop3A_1001, %parallel_loop3A_1002 : i32
      %parallel_loop3A_1004 = arith.constant 1 : i32
      %parallel_loop3A_1005 = arith.select %parallel_loop3A_1003, %parallel_loop3A_1004, %parallel_loop3A_1001 : i32
      %parallel_loop3A_1006 = arith.remsi %parallel_loop3A_976, %parallel_loop3A_1005 : i32
      %parallel_loop3A_1007 = arith.constant 0 : i32
      %parallel_loop3A_1008 = arith.cmpi ne, %parallel_loop3A_1006, %parallel_loop3A_1007 : i32
      %parallel_loop3A_1009 = arith.constant 0 : i32
      %parallel_loop3A_1010 = arith.cmpi slt, %parallel_loop3A_1006, %parallel_loop3A_1009 : i32
      %parallel_loop3A_1011 = arith.constant 0 : i32
      %parallel_loop3A_1012 = arith.cmpi slt, %parallel_loop3A_1005, %parallel_loop3A_1011 : i32
      %parallel_loop3A_1013 = arith.xori %parallel_loop3A_1010, %parallel_loop3A_1012 : i1
      %parallel_loop3A_1014 = arith.andi %parallel_loop3A_1013, %parallel_loop3A_1008 : i1
      %parallel_loop3A_1015 = arith.addi %parallel_loop3A_1006, %parallel_loop3A_1005 : i32
      %parallel_loop3A_1016 = arith.select %parallel_loop3A_1014, %parallel_loop3A_1015, %parallel_loop3A_1006 : i32
      %parallel_loop3A_1017 = arith.constant 16 : i32
      %parallel_loop3A_1018 = arith.muli %parallel_loop3A_1016, %parallel_loop3A_1017 : i32
      %parallel_loop3A_1019 = arith.index_cast %parallel_loop3A_1000 : i32 to index
      %parallel_loop3A_1020 = arith.index_cast %parallel_loop3A_1018 : i32 to index
      %parallel_loop3A_1021 = tpu.vector_load %arg8[%parallel_loop3A_1019, %parallel_loop3A_1020] {strides = array<i32>} : memref<16x1024xf32, #tpu.memory_space<vmem>>, vector<1x16xf32>,
      %parallel_loop3A_1022 = vector.shape_cast %parallel_loop3A_1021 : vector<1x16xf32> to vector<16xf32>
      %parallel_loop3A_1023 = arith.index_cast %parallel_loop3A_1000 : i32 to index
      %parallel_loop3A_1024 = arith.index_cast %parallel_loop3A_1018 : i32 to index
      %parallel_loop3A_1025 = tpu.vector_load %arg6[%parallel_loop3A_1023, %parallel_loop3A_1024] {strides = array<i32>} : memref<16x1024xf32, #tpu.memory_space<vmem>>, vector<1x16xf32>,
      %parallel_loop3A_1026 = vector.shape_cast %parallel_loop3A_1025 : vector<1x16xf32> to vector<16xf32>
      %parallel_loop3A_1027 = arith.addf %parallel_loop3A_1022, %parallel_loop3A_1026 : vector<16xf32>
      %parallel_loop3A_1028 = arith.index_cast %parallel_loop3A_1000 : i32 to index
      %parallel_loop3A_1029 = arith.index_cast %parallel_loop3A_1018 : i32 to index
      %parallel_loop3A_1030 = tpu.vector_load %arg10[%parallel_loop3A_1028, %parallel_loop3A_1029] {strides = array<i32>} : memref<16x1024xf32, #tpu.memory_space<vmem>>, vector<1x16xf32>,
      %parallel_loop3A_1031 = vector.shape_cast %parallel_loop3A_1030 : vector<1x16xf32> to vector<16xf32>
      %parallel_loop3A_1032 = vector.shape_cast %parallel_loop3A_1027 : vector<16xf32> to vector<1x16xf32>
      tpu.vector_store %arg10[%parallel_loop3A_1028, %parallel_loop3A_1029], %parallel_loop3A_1032 {strides = array<i32>} : memref<16x1024xf32, #tpu.memory_space<vmem>>, vector<1x16xf32>,
    } {sc.loop_unroll_factor = 8 : i64, sc.parallel_access}
    %add3A_289 = arith.constant 0 : i32
    %add3A_290 = arith.addi %add3A_289, %mul3A_2 : i32
    %add3A_291 = arith.constant 16 : i32
    %add3A_292 = arith.addi %add3A_290, %add3A_291 : i32
    %add3A_293 = arith.constant 0 : i32
    %add3A_294 = arith.addi %add3A_292, %add3A_293 : i32
    %dma_start3A_295 = arith.constant 0 : i32
    %dma_start3A_296 = arith.constant 0 : i32
    %dma_start3A_297 = tpu.memref_slice %arg10[%dma_start3A_295, %dma_start3A_296] : memref<16x1024xf32, #tpu.memory_space<vmem>> -> memref<8x1024xf32, #tpu.memory_space<vmem>>
    %dma_start3A_298 = arith.constant 0 : i32
    %dma_start3A_299 = tpu.memref_slice %arg4[%add3A_294, %dma_start3A_298] : memref<8192x1024xf32, #tpu.memory_space<hbm>> -> memref<8x1024xf32, #tpu.memory_space<hbm>>
    %dma_start3A_300 = arith.constant 0 : i32
    %dma_start3A_301 = tpu.memref_slice %arg4[%add3A_294, %dma_start3A_300] : memref<8192x1024xf32, #tpu.memory_space<hbm>> -> memref<8x1024xf32, #tpu.memory_space<hbm>>
    %dma_start3A_302 = arith.constant 0 : i32
    %dma_start3A_303 = arith.constant 0 : i32
    %dma_start3A_304 = tpu.memref_slice %arg10[%dma_start3A_302, %dma_start3A_303] : memref<16x1024xf32, #tpu.memory_space<vmem>> -> memref<8x1024xf32, #tpu.memory_space<vmem>>
    tpu.enqueue_dma source(%dma_start3A_304 : memref<8x1024xf32, #tpu.memory_space<vmem>>) target(%dma_start3A_301 : memref<8x1024xf32, #tpu.memory_space<hbm>>) target_semaphore(%arg17 : memref<!tpu.dma_semaphore, #tpu.memory_space<semaphore_mem>>)
    %parallel_loop3A_305 = arith.constant 512 : i32
    %parallel_loop3A_306 = arith.constant 1024 : i32
    %parallel_loop3A_307 = arith.constant 1 : i32
    scf.for %parallel_loop3A_976 = %parallel_loop3A_305 to %parallel_loop3A_306 step %parallel_loop3A_307  : i32 {
      %parallel_loop3A_977 = arith.constant 64 : i32
      %parallel_loop3A_978 = arith.divsi %parallel_loop3A_976, %parallel_loop3A_977 : i32
      %parallel_loop3A_979 = arith.constant 0 : i32
      %parallel_loop3A_980 = arith.cmpi sgt, %parallel_loop3A_976, %parallel_loop3A_979 : i32
      %parallel_loop3A_981 = arith.extui %parallel_loop3A_980 : i1 to i32
      %parallel_loop3A_982 = arith.constant 0 : i32
      %parallel_loop3A_983 = arith.cmpi slt, %parallel_loop3A_976, %parallel_loop3A_982 : i32
      %parallel_loop3A_984 = arith.extui %parallel_loop3A_983 : i1 to i32
      %parallel_loop3A_985 = arith.subi %parallel_loop3A_981, %parallel_loop3A_984 : i32
      %parallel_loop3A_986 = arith.constant 0 : i32
      %parallel_loop3A_987 = arith.cmpi sgt, %parallel_loop3A_977, %parallel_loop3A_986 : i32
      %parallel_loop3A_988 = arith.extui %parallel_loop3A_987 : i1 to i32
      %parallel_loop3A_989 = arith.constant 0 : i32
      %parallel_loop3A_990 = arith.cmpi slt, %parallel_loop3A_977, %parallel_loop3A_989 : i32
      %parallel_loop3A_991 = arith.extui %parallel_loop3A_990 : i1 to i32
      %parallel_loop3A_992 = arith.subi %parallel_loop3A_988, %parallel_loop3A_991 : i32
      %parallel_loop3A_993 = arith.cmpi ne, %parallel_loop3A_985, %parallel_loop3A_992 : i32
      %parallel_loop3A_994 = arith.remsi %parallel_loop3A_976, %parallel_loop3A_977 : i32
      %parallel_loop3A_995 = arith.constant 0 : i32
      %parallel_loop3A_996 = arith.cmpi ne, %parallel_loop3A_994, %parallel_loop3A_995 : i32
      %parallel_loop3A_997 = arith.andi %parallel_loop3A_993, %parallel_loop3A_996 : i1
      %parallel_loop3A_998 = arith.constant 1 : i32
      %parallel_loop3A_999 = arith.subi %parallel_loop3A_978, %parallel_loop3A_998 : i32
      %parallel_loop3A_1000 = arith.select %parallel_loop3A_997, %parallel_loop3A_999, %parallel_loop3A_978 : i32
      %parallel_loop3A_1001 = arith.constant 64 : i32
      %parallel_loop3A_1002 = arith.constant 0 : i32
      %parallel_loop3A_1003 = arith.cmpi eq, %parallel_loop3A_1001, %parallel_loop3A_1002 : i32
      %parallel_loop3A_1004 = arith.constant 1 : i32
      %parallel_loop3A_1005 = arith.select %parallel_loop3A_1003, %parallel_loop3A_1004, %parallel_loop3A_1001 : i32
      %parallel_loop3A_1006 = arith.remsi %parallel_loop3A_976, %parallel_loop3A_1005 : i32
      %parallel_loop3A_1007 = arith.constant 0 : i32
      %parallel_loop3A_1008 = arith.cmpi ne, %parallel_loop3A_1006, %parallel_loop3A_1007 : i32
      %parallel_loop3A_1009 = arith.constant 0 : i32
      %parallel_loop3A_1010 = arith.cmpi slt, %parallel_loop3A_1006, %parallel_loop3A_1009 : i32
      %parallel_loop3A_1011 = arith.constant 0 : i32
      %parallel_loop3A_1012 = arith.cmpi slt, %parallel_loop3A_1005, %parallel_loop3A_1011 : i32
      %parallel_loop3A_1013 = arith.xori %parallel_loop3A_1010, %parallel_loop3A_1012 : i1
      %parallel_loop3A_1014 = arith.andi %parallel_loop3A_1013, %parallel_loop3A_1008 : i1
      %parallel_loop3A_1015 = arith.addi %parallel_loop3A_1006, %parallel_loop3A_1005 : i32
      %parallel_loop3A_1016 = arith.select %parallel_loop3A_1014, %parallel_loop3A_1015, %parallel_loop3A_1006 : i32
      %parallel_loop3A_1017 = arith.constant 16 : i32
      %parallel_loop3A_1018 = arith.muli %parallel_loop3A_1016, %parallel_loop3A_1017 : i32
      %parallel_loop3A_1019 = arith.index_cast %parallel_loop3A_1000 : i32 to index
      %parallel_loop3A_1020 = arith.index_cast %parallel_loop3A_1018 : i32 to index
      %parallel_loop3A_1021 = tpu.vector_load %arg8[%parallel_loop3A_1019, %parallel_loop3A_1020] {strides = array<i32>} : memref<16x1024xf32, #tpu.memory_space<vmem>>, vector<1x16xf32>,
      %parallel_loop3A_1022 = vector.shape_cast %parallel_loop3A_1021 : vector<1x16xf32> to vector<16xf32>
      %parallel_loop3A_1023 = arith.index_cast %parallel_loop3A_1000 : i32 to index
      %parallel_loop3A_1024 = arith.index_cast %parallel_loop3A_1018 : i32 to index
      %parallel_loop3A_1025 = tpu.vector_load %arg6[%parallel_loop3A_1023, %parallel_loop3A_1024] {strides = array<i32>} : memref<16x1024xf32, #tpu.memory_space<vmem>>, vector<1x16xf32>,
      %parallel_loop3A_1026 = vector.shape_cast %parallel_loop3A_1025 : vector<1x16xf32> to vector<16xf32>
      %parallel_loop3A_1027 = arith.addf %parallel_loop3A_1022, %parallel_loop3A_1026 : vector<16xf32>
      %parallel_loop3A_1028 = arith.index_cast %parallel_loop3A_1000 : i32 to index
      %parallel_loop3A_1029 = arith.index_cast %parallel_loop3A_1018 : i32 to index
      %parallel_loop3A_1030 = tpu.vector_load %arg10[%parallel_loop3A_1028, %parallel_loop3A_1029] {strides = array<i32>} : memref<16x1024xf32, #tpu.memory_space<vmem>>, vector<1x16xf32>,
      %parallel_loop3A_1031 = vector.shape_cast %parallel_loop3A_1030 : vector<1x16xf32> to vector<16xf32>
      %parallel_loop3A_1032 = vector.shape_cast %parallel_loop3A_1027 : vector<16xf32> to vector<1x16xf32>
      tpu.vector_store %arg10[%parallel_loop3A_1028, %parallel_loop3A_1029], %parallel_loop3A_1032 {strides = array<i32>} : memref<16x1024xf32, #tpu.memory_space<vmem>>, vector<1x16xf32>,
    } {sc.loop_unroll_factor = 8 : i64, sc.parallel_access}
    %add3A_308 = arith.constant 0 : i32
    %add3A_309 = arith.addi %add3A_308, %mul3A_2 : i32
    %add3A_310 = arith.constant 16 : i32
    %add3A_311 = arith.addi %add3A_309, %add3A_310 : i32
    %add3A_312 = arith.constant 8 : i32
    %add3A_313 = arith.addi %add3A_311, %add3A_312 : i32
    %dma_start3A_314 = arith.constant 8 : i32
    %dma_start3A_315 = arith.constant 0 : i32
    %dma_start3A_316 = tpu.memref_slice %arg10[%dma_start3A_314, %dma_start3A_315] : memref<16x1024xf32, #tpu.memory_space<vmem>> -> memref<8x1024xf32, #tpu.memory_space<vmem>>
    %dma_start3A_317 = arith.constant 0 : i32
    %dma_start3A_318 = tpu.memref_slice %arg4[%add3A_313, %dma_start3A_317] : memref<8192x1024xf32, #tpu.memory_space<hbm>> -> memref<8x1024xf32, #tpu.memory_space<hbm>>
    %dma_start3A_319 = arith.constant 0 : i32
    %dma_start3A_320 = tpu.memref_slice %arg4[%add3A_313, %dma_start3A_319] : memref<8192x1024xf32, #tpu.memory_space<hbm>> -> memref<8x1024xf32, #tpu.memory_space<hbm>>
    %dma_start3A_321 = arith.constant 8 : i32
    %dma_start3A_322 = arith.constant 0 : i32
    %dma_start3A_323 = tpu.memref_slice %arg10[%dma_start3A_321, %dma_start3A_322] : memref<16x1024xf32, #tpu.memory_space<vmem>> -> memref<8x1024xf32, #tpu.memory_space<vmem>>
    tpu.enqueue_dma source(%dma_start3A_323 : memref<8x1024xf32, #tpu.memory_space<vmem>>) target(%dma_start3A_320 : memref<8x1024xf32, #tpu.memory_space<hbm>>) target_semaphore(%arg17 : memref<!tpu.dma_semaphore, #tpu.memory_space<semaphore_mem>>)
    %add3A_324 = arith.constant 6144 : i32
    %add3A_325 = arith.addi %add3A_324, %mul3A_2 : i32
    %add3A_326 = arith.constant 16 : i32
    %add3A_327 = arith.addi %add3A_325, %add3A_326 : i32
    %dma_start3A_328 = arith.constant 0 : i32
    %dma_start3A_329 = tpu.memref_slice %arg2[%add3A_327, %dma_start3A_328] : memref<8192x1024xf32, #tpu.memory_space<hbm>> -> memref<16x1024xf32, #tpu.memory_space<hbm>>
    %dma_start3A_330 = arith.constant 0 : i32
    %dma_start3A_331 = tpu.memref_slice %arg2[%add3A_327, %dma_start3A_330] : memref<8192x1024xf32, #tpu.memory_space<hbm>> -> memref<16x1024xf32, #tpu.memory_space<hbm>>
    tpu.enqueue_dma source(%dma_start3A_331 : memref<16x1024xf32, #tpu.memory_space<hbm>>) target(%arg8 : memref<16x1024xf32, #tpu.memory_space<vmem>>) target_semaphore(%arg15 : memref<!tpu.dma_semaphore, #tpu.memory_space<semaphore_mem>>)
    %dma_wait3A_332 = arith.constant 0 : i32
    %dma_wait3A_333 = arith.constant 0 : i32
    %dma_wait3A_334 = tpu.memref_slice %arg2[%dma_wait3A_332, %dma_wait3A_333] : memref<8192x1024xf32, #tpu.memory_space<hbm>> -> memref<16x1024xf32, #tpu.memory_space<hbm>>
    %dma_wait3A_335 = arith.constant 0 : i32
    %dma_wait3A_336 = arith.constant 0 : i32
    %dma_wait3A_337 = tpu.memref_slice %arg2[%dma_wait3A_335, %dma_wait3A_336] : memref<8192x1024xf32, #tpu.memory_space<hbm>> -> memref<16x1024xf32, #tpu.memory_space<hbm>>
    tpu.wait_dma2 semaphore(%arg16 : memref<!tpu.dma_semaphore, #tpu.memory_space<semaphore_mem>>) src(%dma_wait3A_337 : memref<16x1024xf32, #tpu.memory_space<hbm>>) dst(%arg9 : memref<16x1024xf32, #tpu.memory_space<vmem>>)
    %dma_wait3A_338 = arith.constant 0 : i32
    %dma_wait3A_339 = arith.constant 0 : i32
    %dma_wait3A_340 = tpu.memref_slice %arg4[%dma_wait3A_338, %dma_wait3A_339] : memref<8192x1024xf32, #tpu.memory_space<hbm>> -> memref<16x1024xf32, #tpu.memory_space<hbm>>
    %dma_wait3A_341 = arith.constant 0 : i32
    %dma_wait3A_342 = arith.constant 0 : i32
    %dma_wait3A_343 = tpu.memref_slice %arg4[%dma_wait3A_341, %dma_wait3A_342] : memref<8192x1024xf32, #tpu.memory_space<hbm>> -> memref<16x1024xf32, #tpu.memory_space<hbm>>
    tpu.wait_dma2 semaphore(%arg18 : memref<!tpu.dma_semaphore, #tpu.memory_space<semaphore_mem>>) src(%arg11 : memref<16x1024xf32, #tpu.memory_space<vmem>>) dst(%dma_wait3A_343 : memref<16x1024xf32, #tpu.memory_space<hbm>>)
    %parallel_loop3A_344 = arith.constant 0 : i32
    %parallel_loop3A_345 = arith.constant 512 : i32
    %parallel_loop3A_346 = arith.constant 1 : i32
    scf.for %parallel_loop3A_976 = %parallel_loop3A_344 to %parallel_loop3A_345 step %parallel_loop3A_346  : i32 {
      %parallel_loop3A_977 = arith.constant 64 : i32
      %parallel_loop3A_978 = arith.divsi %parallel_loop3A_976, %parallel_loop3A_977 : i32
      %parallel_loop3A_979 = arith.constant 0 : i32
      %parallel_loop3A_980 = arith.cmpi sgt, %parallel_loop3A_976, %parallel_loop3A_979 : i32
      %parallel_loop3A_981 = arith.extui %parallel_loop3A_980 : i1 to i32
      %parallel_loop3A_982 = arith.constant 0 : i32
      %parallel_loop3A_983 = arith.cmpi slt, %parallel_loop3A_976, %parallel_loop3A_982 : i32
      %parallel_loop3A_984 = arith.extui %parallel_loop3A_983 : i1 to i32
      %parallel_loop3A_985 = arith.subi %parallel_loop3A_981, %parallel_loop3A_984 : i32
      %parallel_loop3A_986 = arith.constant 0 : i32
      %parallel_loop3A_987 = arith.cmpi sgt, %parallel_loop3A_977, %parallel_loop3A_986 : i32
      %parallel_loop3A_988 = arith.extui %parallel_loop3A_987 : i1 to i32
      %parallel_loop3A_989 = arith.constant 0 : i32
      %parallel_loop3A_990 = arith.cmpi slt, %parallel_loop3A_977, %parallel_loop3A_989 : i32
      %parallel_loop3A_991 = arith.extui %parallel_loop3A_990 : i1 to i32
      %parallel_loop3A_992 = arith.subi %parallel_loop3A_988, %parallel_loop3A_991 : i32
      %parallel_loop3A_993 = arith.cmpi ne, %parallel_loop3A_985, %parallel_loop3A_992 : i32
      %parallel_loop3A_994 = arith.remsi %parallel_loop3A_976, %parallel_loop3A_977 : i32
      %parallel_loop3A_995 = arith.constant 0 : i32
      %parallel_loop3A_996 = arith.cmpi ne, %parallel_loop3A_994, %parallel_loop3A_995 : i32
      %parallel_loop3A_997 = arith.andi %parallel_loop3A_993, %parallel_loop3A_996 : i1
      %parallel_loop3A_998 = arith.constant 1 : i32
      %parallel_loop3A_999 = arith.subi %parallel_loop3A_978, %parallel_loop3A_998 : i32
      %parallel_loop3A_1000 = arith.select %parallel_loop3A_997, %parallel_loop3A_999, %parallel_loop3A_978 : i32
      %parallel_loop3A_1001 = arith.constant 64 : i32
      %parallel_loop3A_1002 = arith.constant 0 : i32
      %parallel_loop3A_1003 = arith.cmpi eq, %parallel_loop3A_1001, %parallel_loop3A_1002 : i32
      %parallel_loop3A_1004 = arith.constant 1 : i32
      %parallel_loop3A_1005 = arith.select %parallel_loop3A_1003, %parallel_loop3A_1004, %parallel_loop3A_1001 : i32
      %parallel_loop3A_1006 = arith.remsi %parallel_loop3A_976, %parallel_loop3A_1005 : i32
      %parallel_loop3A_1007 = arith.constant 0 : i32
      %parallel_loop3A_1008 = arith.cmpi ne, %parallel_loop3A_1006, %parallel_loop3A_1007 : i32
      %parallel_loop3A_1009 = arith.constant 0 : i32
      %parallel_loop3A_1010 = arith.cmpi slt, %parallel_loop3A_1006, %parallel_loop3A_1009 : i32
      %parallel_loop3A_1011 = arith.constant 0 : i32
      %parallel_loop3A_1012 = arith.cmpi slt, %parallel_loop3A_1005, %parallel_loop3A_1011 : i32
      %parallel_loop3A_1013 = arith.xori %parallel_loop3A_1010, %parallel_loop3A_1012 : i1
      %parallel_loop3A_1014 = arith.andi %parallel_loop3A_1013, %parallel_loop3A_1008 : i1
      %parallel_loop3A_1015 = arith.addi %parallel_loop3A_1006, %parallel_loop3A_1005 : i32
      %parallel_loop3A_1016 = arith.select %parallel_loop3A_1014, %parallel_loop3A_1015, %parallel_loop3A_1006 : i32
      %parallel_loop3A_1017 = arith.constant 16 : i32
      %parallel_loop3A_1018 = arith.muli %parallel_loop3A_1016, %parallel_loop3A_1017 : i32
      %parallel_loop3A_1019 = arith.index_cast %parallel_loop3A_1000 : i32 to index
      %parallel_loop3A_1020 = arith.index_cast %parallel_loop3A_1018 : i32 to index
      %parallel_loop3A_1021 = tpu.vector_load %arg9[%parallel_loop3A_1019, %parallel_loop3A_1020] {strides = array<i32>} : memref<16x1024xf32, #tpu.memory_space<vmem>>, vector<1x16xf32>,
      %parallel_loop3A_1022 = vector.shape_cast %parallel_loop3A_1021 : vector<1x16xf32> to vector<16xf32>
      %parallel_loop3A_1023 = arith.index_cast %parallel_loop3A_1000 : i32 to index
      %parallel_loop3A_1024 = arith.index_cast %parallel_loop3A_1018 : i32 to index
      %parallel_loop3A_1025 = tpu.vector_load %arg6[%parallel_loop3A_1023, %parallel_loop3A_1024] {strides = array<i32>} : memref<16x1024xf32, #tpu.memory_space<vmem>>, vector<1x16xf32>,
      %parallel_loop3A_1026 = vector.shape_cast %parallel_loop3A_1025 : vector<1x16xf32> to vector<16xf32>
      %parallel_loop3A_1027 = arith.addf %parallel_loop3A_1022, %parallel_loop3A_1026 : vector<16xf32>
      %parallel_loop3A_1028 = arith.index_cast %parallel_loop3A_1000 : i32 to index
      %parallel_loop3A_1029 = arith.index_cast %parallel_loop3A_1018 : i32 to index
      %parallel_loop3A_1030 = tpu.vector_load %arg11[%parallel_loop3A_1028, %parallel_loop3A_1029] {strides = array<i32>} : memref<16x1024xf32, #tpu.memory_space<vmem>>, vector<1x16xf32>,
      %parallel_loop3A_1031 = vector.shape_cast %parallel_loop3A_1030 : vector<1x16xf32> to vector<16xf32>
      %parallel_loop3A_1032 = vector.shape_cast %parallel_loop3A_1027 : vector<16xf32> to vector<1x16xf32>
      tpu.vector_store %arg11[%parallel_loop3A_1028, %parallel_loop3A_1029], %parallel_loop3A_1032 {strides = array<i32>} : memref<16x1024xf32, #tpu.memory_space<vmem>>, vector<1x16xf32>,
    } {sc.loop_unroll_factor = 8 : i64, sc.parallel_access}
    %add3A_347 = arith.constant 2048 : i32
    %add3A_348 = arith.addi %add3A_347, %mul3A_2 : i32
    %add3A_349 = arith.constant 16 : i32
    %add3A_350 = arith.addi %add3A_348, %add3A_349 : i32
    %add3A_351 = arith.constant 0 : i32
    %add3A_352 = arith.addi %add3A_350, %add3A_351 : i32
    %dma_start3A_353 = arith.constant 0 : i32
    %dma_start3A_354 = arith.constant 0 : i32
    %dma_start3A_355 = tpu.memref_slice %arg11[%dma_start3A_353, %dma_start3A_354] : memref<16x1024xf32, #tpu.memory_space<vmem>> -> memref<8x1024xf32, #tpu.memory_space<vmem>>
    %dma_start3A_356 = arith.constant 0 : i32
    %dma_start3A_357 = tpu.memref_slice %arg4[%add3A_352, %dma_start3A_356] : memref<8192x1024xf32, #tpu.memory_space<hbm>> -> memref<8x1024xf32, #tpu.memory_space<hbm>>
    %dma_start3A_358 = arith.constant 0 : i32
    %dma_start3A_359 = tpu.memref_slice %arg4[%add3A_352, %dma_start3A_358] : memref<8192x1024xf32, #tpu.memory_space<hbm>> -> memref<8x1024xf32, #tpu.memory_space<hbm>>
    %dma_start3A_360 = arith.constant 0 : i32
    %dma_start3A_361 = arith.constant 0 : i32
    %dma_start3A_362 = tpu.memref_slice %arg11[%dma_start3A_360, %dma_start3A_361] : memref<16x1024xf32, #tpu.memory_space<vmem>> -> memref<8x1024xf32, #tpu.memory_space<vmem>>
    tpu.enqueue_dma source(%dma_start3A_362 : memref<8x1024xf32, #tpu.memory_space<vmem>>) target(%dma_start3A_359 : memref<8x1024xf32, #tpu.memory_space<hbm>>) target_semaphore(%arg18 : memref<!tpu.dma_semaphore, #tpu.memory_space<semaphore_mem>>)
    %parallel_loop3A_363 = arith.constant 512 : i32
    %parallel_loop3A_364 = arith.constant 1024 : i32
    %parallel_loop3A_365 = arith.constant 1 : i32
    scf.for %parallel_loop3A_976 = %parallel_loop3A_363 to %parallel_loop3A_364 step %parallel_loop3A_365  : i32 {
      %parallel_loop3A_977 = arith.constant 64 : i32
      %parallel_loop3A_978 = arith.divsi %parallel_loop3A_976, %parallel_loop3A_977 : i32
      %parallel_loop3A_979 = arith.constant 0 : i32
      %parallel_loop3A_980 = arith.cmpi sgt, %parallel_loop3A_976, %parallel_loop3A_979 : i32
      %parallel_loop3A_981 = arith.extui %parallel_loop3A_980 : i1 to i32
      %parallel_loop3A_982 = arith.constant 0 : i32
      %parallel_loop3A_983 = arith.cmpi slt, %parallel_loop3A_976, %parallel_loop3A_982 : i32
      %parallel_loop3A_984 = arith.extui %parallel_loop3A_983 : i1 to i32
      %parallel_loop3A_985 = arith.subi %parallel_loop3A_981, %parallel_loop3A_984 : i32
      %parallel_loop3A_986 = arith.constant 0 : i32
      %parallel_loop3A_987 = arith.cmpi sgt, %parallel_loop3A_977, %parallel_loop3A_986 : i32
      %parallel_loop3A_988 = arith.extui %parallel_loop3A_987 : i1 to i32
      %parallel_loop3A_989 = arith.constant 0 : i32
      %parallel_loop3A_990 = arith.cmpi slt, %parallel_loop3A_977, %parallel_loop3A_989 : i32
      %parallel_loop3A_991 = arith.extui %parallel_loop3A_990 : i1 to i32
      %parallel_loop3A_992 = arith.subi %parallel_loop3A_988, %parallel_loop3A_991 : i32
      %parallel_loop3A_993 = arith.cmpi ne, %parallel_loop3A_985, %parallel_loop3A_992 : i32
      %parallel_loop3A_994 = arith.remsi %parallel_loop3A_976, %parallel_loop3A_977 : i32
      %parallel_loop3A_995 = arith.constant 0 : i32
      %parallel_loop3A_996 = arith.cmpi ne, %parallel_loop3A_994, %parallel_loop3A_995 : i32
      %parallel_loop3A_997 = arith.andi %parallel_loop3A_993, %parallel_loop3A_996 : i1
      %parallel_loop3A_998 = arith.constant 1 : i32
      %parallel_loop3A_999 = arith.subi %parallel_loop3A_978, %parallel_loop3A_998 : i32
      %parallel_loop3A_1000 = arith.select %parallel_loop3A_997, %parallel_loop3A_999, %parallel_loop3A_978 : i32
      %parallel_loop3A_1001 = arith.constant 64 : i32
      %parallel_loop3A_1002 = arith.constant 0 : i32
      %parallel_loop3A_1003 = arith.cmpi eq, %parallel_loop3A_1001, %parallel_loop3A_1002 : i32
      %parallel_loop3A_1004 = arith.constant 1 : i32
      %parallel_loop3A_1005 = arith.select %parallel_loop3A_1003, %parallel_loop3A_1004, %parallel_loop3A_1001 : i32
      %parallel_loop3A_1006 = arith.remsi %parallel_loop3A_976, %parallel_loop3A_1005 : i32
      %parallel_loop3A_1007 = arith.constant 0 : i32
      %parallel_loop3A_1008 = arith.cmpi ne, %parallel_loop3A_1006, %parallel_loop3A_1007 : i32
      %parallel_loop3A_1009 = arith.constant 0 : i32
      %parallel_loop3A_1010 = arith.cmpi slt, %parallel_loop3A_1006, %parallel_loop3A_1009 : i32
      %parallel_loop3A_1011 = arith.constant 0 : i32
      %parallel_loop3A_1012 = arith.cmpi slt, %parallel_loop3A_1005, %parallel_loop3A_1011 : i32
      %parallel_loop3A_1013 = arith.xori %parallel_loop3A_1010, %parallel_loop3A_1012 : i1
      %parallel_loop3A_1014 = arith.andi %parallel_loop3A_1013, %parallel_loop3A_1008 : i1
      %parallel_loop3A_1015 = arith.addi %parallel_loop3A_1006, %parallel_loop3A_1005 : i32
      %parallel_loop3A_1016 = arith.select %parallel_loop3A_1014, %parallel_loop3A_1015, %parallel_loop3A_1006 : i32
      %parallel_loop3A_1017 = arith.constant 16 : i32
      %parallel_loop3A_1018 = arith.muli %parallel_loop3A_1016, %parallel_loop3A_1017 : i32
      %parallel_loop3A_1019 = arith.index_cast %parallel_loop3A_1000 : i32 to index
      %parallel_loop3A_1020 = arith.index_cast %parallel_loop3A_1018 : i32 to index
      %parallel_loop3A_1021 = tpu.vector_load %arg9[%parallel_loop3A_1019, %parallel_loop3A_1020] {strides = array<i32>} : memref<16x1024xf32, #tpu.memory_space<vmem>>, vector<1x16xf32>,
      %parallel_loop3A_1022 = vector.shape_cast %parallel_loop3A_1021 : vector<1x16xf32> to vector<16xf32>
      %parallel_loop3A_1023 = arith.index_cast %parallel_loop3A_1000 : i32 to index
      %parallel_loop3A_1024 = arith.index_cast %parallel_loop3A_1018 : i32 to index
      %parallel_loop3A_1025 = tpu.vector_load %arg6[%parallel_loop3A_1023, %parallel_loop3A_1024] {strides = array<i32>} : memref<16x1024xf32, #tpu.memory_space<vmem>>, vector<1x16xf32>,
      %parallel_loop3A_1026 = vector.shape_cast %parallel_loop3A_1025 : vector<1x16xf32> to vector<16xf32>
      %parallel_loop3A_1027 = arith.addf %parallel_loop3A_1022, %parallel_loop3A_1026 : vector<16xf32>
      %parallel_loop3A_1028 = arith.index_cast %parallel_loop3A_1000 : i32 to index
      %parallel_loop3A_1029 = arith.index_cast %parallel_loop3A_1018 : i32 to index
      %parallel_loop3A_1030 = tpu.vector_load %arg11[%parallel_loop3A_1028, %parallel_loop3A_1029] {strides = array<i32>} : memref<16x1024xf32, #tpu.memory_space<vmem>>, vector<1x16xf32>,
      %parallel_loop3A_1031 = vector.shape_cast %parallel_loop3A_1030 : vector<1x16xf32> to vector<16xf32>
      %parallel_loop3A_1032 = vector.shape_cast %parallel_loop3A_1027 : vector<16xf32> to vector<1x16xf32>
      tpu.vector_store %arg11[%parallel_loop3A_1028, %parallel_loop3A_1029], %parallel_loop3A_1032 {strides = array<i32>} : memref<16x1024xf32, #tpu.memory_space<vmem>>, vector<1x16xf32>,
    } {sc.loop_unroll_factor = 8 : i64, sc.parallel_access}
    %add3A_366 = arith.constant 2048 : i32
    %add3A_367 = arith.addi %add3A_366, %mul3A_2 : i32
    %add3A_368 = arith.constant 16 : i32
    %add3A_369 = arith.addi %add3A_367, %add3A_368 : i32
    %add3A_370 = arith.constant 8 : i32
    %add3A_371 = arith.addi %add3A_369, %add3A_370 : i32
    %dma_start3A_372 = arith.constant 8 : i32
    %dma_start3A_373 = arith.constant 0 : i32
    %dma_start3A_374 = tpu.memref_slice %arg11[%dma_start3A_372, %dma_start3A_373] : memref<16x1024xf32, #tpu.memory_space<vmem>> -> memref<8x1024xf32, #tpu.memory_space<vmem>>
    %dma_start3A_375 = arith.constant 0 : i32
    %dma_start3A_376 = tpu.memref_slice %arg4[%add3A_371, %dma_start3A_375] : memref<8192x1024xf32, #tpu.memory_space<hbm>> -> memref<8x1024xf32, #tpu.memory_space<hbm>>
    %dma_start3A_377 = arith.constant 0 : i32
    %dma_start3A_378 = tpu.memref_slice %arg4[%add3A_371, %dma_start3A_377] : memref<8192x1024xf32, #tpu.memory_space<hbm>> -> memref<8x1024xf32, #tpu.memory_space<hbm>>
    %dma_start3A_379 = arith.constant 8 : i32
    %dma_start3A_380 = arith.constant 0 : i32
    %dma_start3A_381 = tpu.memref_slice %arg11[%dma_start3A_379, %dma_start3A_380] : memref<16x1024xf32, #tpu.memory_space<vmem>> -> memref<8x1024xf32, #tpu.memory_space<vmem>>
    tpu.enqueue_dma source(%dma_start3A_381 : memref<8x1024xf32, #tpu.memory_space<vmem>>) target(%dma_start3A_378 : memref<8x1024xf32, #tpu.memory_space<hbm>>) target_semaphore(%arg18 : memref<!tpu.dma_semaphore, #tpu.memory_space<semaphore_mem>>)
    %add3A_382 = arith.constant 0 : i32
    %add3A_383 = arith.addi %add3A_382, %mul3A_2 : i32
    %add3A_384 = arith.constant 32 : i32
    %add3A_385 = arith.addi %add3A_383, %add3A_384 : i32
    %dma_start3A_386 = arith.constant 0 : i32
    %dma_start3A_387 = tpu.memref_slice %arg2[%add3A_385, %dma_start3A_386] : memref<8192x1024xf32, #tpu.memory_space<hbm>> -> memref<16x1024xf32, #tpu.memory_space<hbm>>
    %dma_start3A_388 = arith.constant 0 : i32
    %dma_start3A_389 = tpu.memref_slice %arg2[%add3A_385, %dma_start3A_388] : memref<8192x1024xf32, #tpu.memory_space<hbm>> -> memref<16x1024xf32, #tpu.memory_space<hbm>>
    tpu.enqueue_dma source(%dma_start3A_389 : memref<16x1024xf32, #tpu.memory_space<hbm>>) target(%arg9 : memref<16x1024xf32, #tpu.memory_space<vmem>>) target_semaphore(%arg16 : memref<!tpu.dma_semaphore, #tpu.memory_space<semaphore_mem>>)
    %dma_wait3A_390 = arith.constant 0 : i32
    %dma_wait3A_391 = arith.constant 0 : i32
    %dma_wait3A_392 = tpu.memref_slice %arg2[%dma_wait3A_390, %dma_wait3A_391] : memref<8192x1024xf32, #tpu.memory_space<hbm>> -> memref<16x1024xf32, #tpu.memory_space<hbm>>
    %dma_wait3A_393 = arith.constant 0 : i32
    %dma_wait3A_394 = arith.constant 0 : i32
    %dma_wait3A_395 = tpu.memref_slice %arg2[%dma_wait3A_393, %dma_wait3A_394] : memref<8192x1024xf32, #tpu.memory_space<hbm>> -> memref<16x1024xf32, #tpu.memory_space<hbm>>
    tpu.wait_dma2 semaphore(%arg14 : memref<!tpu.dma_semaphore, #tpu.memory_space<semaphore_mem>>) src(%dma_wait3A_395 : memref<16x1024xf32, #tpu.memory_space<hbm>>) dst(%arg7 : memref<16x1024xf32, #tpu.memory_space<vmem>>)
    %dma_wait3A_396 = arith.constant 0 : i32
    %dma_wait3A_397 = arith.constant 0 : i32
    %dma_wait3A_398 = tpu.memref_slice %arg4[%dma_wait3A_396, %dma_wait3A_397] : memref<8192x1024xf32, #tpu.memory_space<hbm>> -> memref<16x1024xf32, #tpu.memory_space<hbm>>
    %dma_wait3A_399 = arith.constant 0 : i32
    %dma_wait3A_400 = arith.constant 0 : i32
    %dma_wait3A_401 = tpu.memref_slice %arg4[%dma_wait3A_399, %dma_wait3A_400] : memref<8192x1024xf32, #tpu.memory_space<hbm>> -> memref<16x1024xf32, #tpu.memory_space<hbm>>
    tpu.wait_dma2 semaphore(%arg17 : memref<!tpu.dma_semaphore, #tpu.memory_space<semaphore_mem>>) src(%arg10 : memref<16x1024xf32, #tpu.memory_space<vmem>>) dst(%dma_wait3A_401 : memref<16x1024xf32, #tpu.memory_space<hbm>>)
    %parallel_loop3A_402 = arith.constant 0 : i32
    %parallel_loop3A_403 = arith.constant 512 : i32
    %parallel_loop3A_404 = arith.constant 1 : i32
    scf.for %parallel_loop3A_976 = %parallel_loop3A_402 to %parallel_loop3A_403 step %parallel_loop3A_404  : i32 {
      %parallel_loop3A_977 = arith.constant 64 : i32
      %parallel_loop3A_978 = arith.divsi %parallel_loop3A_976, %parallel_loop3A_977 : i32
      %parallel_loop3A_979 = arith.constant 0 : i32
      %parallel_loop3A_980 = arith.cmpi sgt, %parallel_loop3A_976, %parallel_loop3A_979 : i32
      %parallel_loop3A_981 = arith.extui %parallel_loop3A_980 : i1 to i32
      %parallel_loop3A_982 = arith.constant 0 : i32
      %parallel_loop3A_983 = arith.cmpi slt, %parallel_loop3A_976, %parallel_loop3A_982 : i32
      %parallel_loop3A_984 = arith.extui %parallel_loop3A_983 : i1 to i32
      %parallel_loop3A_985 = arith.subi %parallel_loop3A_981, %parallel_loop3A_984 : i32
      %parallel_loop3A_986 = arith.constant 0 : i32
      %parallel_loop3A_987 = arith.cmpi sgt, %parallel_loop3A_977, %parallel_loop3A_986 : i32
      %parallel_loop3A_988 = arith.extui %parallel_loop3A_987 : i1 to i32
      %parallel_loop3A_989 = arith.constant 0 : i32
      %parallel_loop3A_990 = arith.cmpi slt, %parallel_loop3A_977, %parallel_loop3A_989 : i32
      %parallel_loop3A_991 = arith.extui %parallel_loop3A_990 : i1 to i32
      %parallel_loop3A_992 = arith.subi %parallel_loop3A_988, %parallel_loop3A_991 : i32
      %parallel_loop3A_993 = arith.cmpi ne, %parallel_loop3A_985, %parallel_loop3A_992 : i32
      %parallel_loop3A_994 = arith.remsi %parallel_loop3A_976, %parallel_loop3A_977 : i32
      %parallel_loop3A_995 = arith.constant 0 : i32
      %parallel_loop3A_996 = arith.cmpi ne, %parallel_loop3A_994, %parallel_loop3A_995 : i32
      %parallel_loop3A_997 = arith.andi %parallel_loop3A_993, %parallel_loop3A_996 : i1
      %parallel_loop3A_998 = arith.constant 1 : i32
      %parallel_loop3A_999 = arith.subi %parallel_loop3A_978, %parallel_loop3A_998 : i32
      %parallel_loop3A_1000 = arith.select %parallel_loop3A_997, %parallel_loop3A_999, %parallel_loop3A_978 : i32
      %parallel_loop3A_1001 = arith.constant 64 : i32
      %parallel_loop3A_1002 = arith.constant 0 : i32
      %parallel_loop3A_1003 = arith.cmpi eq, %parallel_loop3A_1001, %parallel_loop3A_1002 : i32
      %parallel_loop3A_1004 = arith.constant 1 : i32
      %parallel_loop3A_1005 = arith.select %parallel_loop3A_1003, %parallel_loop3A_1004, %parallel_loop3A_1001 : i32
      %parallel_loop3A_1006 = arith.remsi %parallel_loop3A_976, %parallel_loop3A_1005 : i32
      %parallel_loop3A_1007 = arith.constant 0 : i32
      %parallel_loop3A_1008 = arith.cmpi ne, %parallel_loop3A_1006, %parallel_loop3A_1007 : i32
      %parallel_loop3A_1009 = arith.constant 0 : i32
      %parallel_loop3A_1010 = arith.cmpi slt, %parallel_loop3A_1006, %parallel_loop3A_1009 : i32
      %parallel_loop3A_1011 = arith.constant 0 : i32
      %parallel_loop3A_1012 = arith.cmpi slt, %parallel_loop3A_1005, %parallel_loop3A_1011 : i32
      %parallel_loop3A_1013 = arith.xori %parallel_loop3A_1010, %parallel_loop3A_1012 : i1
      %parallel_loop3A_1014 = arith.andi %parallel_loop3A_1013, %parallel_loop3A_1008 : i1
      %parallel_loop3A_1015 = arith.addi %parallel_loop3A_1006, %parallel_loop3A_1005 : i32
      %parallel_loop3A_1016 = arith.select %parallel_loop3A_1014, %parallel_loop3A_1015, %parallel_loop3A_1006 : i32
      %parallel_loop3A_1017 = arith.constant 16 : i32
      %parallel_loop3A_1018 = arith.muli %parallel_loop3A_1016, %parallel_loop3A_1017 : i32
      %parallel_loop3A_1019 = arith.index_cast %parallel_loop3A_1000 : i32 to index
      %parallel_loop3A_1020 = arith.index_cast %parallel_loop3A_1018 : i32 to index
      %parallel_loop3A_1021 = tpu.vector_load %arg7[%parallel_loop3A_1019, %parallel_loop3A_1020] {strides = array<i32>} : memref<16x1024xf32, #tpu.memory_space<vmem>>, vector<1x16xf32>,
      %parallel_loop3A_1022 = vector.shape_cast %parallel_loop3A_1021 : vector<1x16xf32> to vector<16xf32>
      %parallel_loop3A_1023 = arith.index_cast %parallel_loop3A_1000 : i32 to index
      %parallel_loop3A_1024 = arith.index_cast %parallel_loop3A_1018 : i32 to index
      %parallel_loop3A_1025 = tpu.vector_load %arg6[%parallel_loop3A_1023, %parallel_loop3A_1024] {strides = array<i32>} : memref<16x1024xf32, #tpu.memory_space<vmem>>, vector<1x16xf32>,
      %parallel_loop3A_1026 = vector.shape_cast %parallel_loop3A_1025 : vector<1x16xf32> to vector<16xf32>
      %parallel_loop3A_1027 = arith.addf %parallel_loop3A_1022, %parallel_loop3A_1026 : vector<16xf32>
      %parallel_loop3A_1028 = arith.index_cast %parallel_loop3A_1000 : i32 to index
      %parallel_loop3A_1029 = arith.index_cast %parallel_loop3A_1018 : i32 to index
      %parallel_loop3A_1030 = tpu.vector_load %arg10[%parallel_loop3A_1028, %parallel_loop3A_1029] {strides = array<i32>} : memref<16x1024xf32, #tpu.memory_space<vmem>>, vector<1x16xf32>,
      %parallel_loop3A_1031 = vector.shape_cast %parallel_loop3A_1030 : vector<1x16xf32> to vector<16xf32>
      %parallel_loop3A_1032 = vector.shape_cast %parallel_loop3A_1027 : vector<16xf32> to vector<1x16xf32>
      tpu.vector_store %arg10[%parallel_loop3A_1028, %parallel_loop3A_1029], %parallel_loop3A_1032 {strides = array<i32>} : memref<16x1024xf32, #tpu.memory_space<vmem>>, vector<1x16xf32>,
    } {sc.loop_unroll_factor = 8 : i64, sc.parallel_access}
    %add3A_405 = arith.constant 4096 : i32
    %add3A_406 = arith.addi %add3A_405, %mul3A_2 : i32
    %add3A_407 = arith.constant 16 : i32
    %add3A_408 = arith.addi %add3A_406, %add3A_407 : i32
    %add3A_409 = arith.constant 0 : i32
    %add3A_410 = arith.addi %add3A_408, %add3A_409 : i32
    %dma_start3A_411 = arith.constant 0 : i32
    %dma_start3A_412 = arith.constant 0 : i32
    %dma_start3A_413 = tpu.memref_slice %arg10[%dma_start3A_411, %dma_start3A_412] : memref<16x1024xf32, #tpu.memory_space<vmem>> -> memref<8x1024xf32, #tpu.memory_space<vmem>>
    %dma_start3A_414 = arith.constant 0 : i32
    %dma_start3A_415 = tpu.memref_slice %arg4[%add3A_410, %dma_start3A_414] : memref<8192x1024xf32, #tpu.memory_space<hbm>> -> memref<8x1024xf32, #tpu.memory_space<hbm>>
    %dma_start3A_416 = arith.constant 0 : i32
    %dma_start3A_417 = tpu.memref_slice %arg4[%add3A_410, %dma_start3A_416] : memref<8192x1024xf32, #tpu.memory_space<hbm>> -> memref<8x1024xf32, #tpu.memory_space<hbm>>
    %dma_start3A_418 = arith.constant 0 : i32
    %dma_start3A_419 = arith.constant 0 : i32
    %dma_start3A_420 = tpu.memref_slice %arg10[%dma_start3A_418, %dma_start3A_419] : memref<16x1024xf32, #tpu.memory_space<vmem>> -> memref<8x1024xf32, #tpu.memory_space<vmem>>
    tpu.enqueue_dma source(%dma_start3A_420 : memref<8x1024xf32, #tpu.memory_space<vmem>>) target(%dma_start3A_417 : memref<8x1024xf32, #tpu.memory_space<hbm>>) target_semaphore(%arg17 : memref<!tpu.dma_semaphore, #tpu.memory_space<semaphore_mem>>)
    %parallel_loop3A_421 = arith.constant 512 : i32
    %parallel_loop3A_422 = arith.constant 1024 : i32
    %parallel_loop3A_423 = arith.constant 1 : i32
    scf.for %parallel_loop3A_976 = %parallel_loop3A_421 to %parallel_loop3A_422 step %parallel_loop3A_423  : i32 {
      %parallel_loop3A_977 = arith.constant 64 : i32
      %parallel_loop3A_978 = arith.divsi %parallel_loop3A_976, %parallel_loop3A_977 : i32
      %parallel_loop3A_979 = arith.constant 0 : i32
      %parallel_loop3A_980 = arith.cmpi sgt, %parallel_loop3A_976, %parallel_loop3A_979 : i32
      %parallel_loop3A_981 = arith.extui %parallel_loop3A_980 : i1 to i32
      %parallel_loop3A_982 = arith.constant 0 : i32
      %parallel_loop3A_983 = arith.cmpi slt, %parallel_loop3A_976, %parallel_loop3A_982 : i32
      %parallel_loop3A_984 = arith.extui %parallel_loop3A_983 : i1 to i32
      %parallel_loop3A_985 = arith.subi %parallel_loop3A_981, %parallel_loop3A_984 : i32
      %parallel_loop3A_986 = arith.constant 0 : i32
      %parallel_loop3A_987 = arith.cmpi sgt, %parallel_loop3A_977, %parallel_loop3A_986 : i32
      %parallel_loop3A_988 = arith.extui %parallel_loop3A_987 : i1 to i32
      %parallel_loop3A_989 = arith.constant 0 : i32
      %parallel_loop3A_990 = arith.cmpi slt, %parallel_loop3A_977, %parallel_loop3A_989 : i32
      %parallel_loop3A_991 = arith.extui %parallel_loop3A_990 : i1 to i32
      %parallel_loop3A_992 = arith.subi %parallel_loop3A_988, %parallel_loop3A_991 : i32
      %parallel_loop3A_993 = arith.cmpi ne, %parallel_loop3A_985, %parallel_loop3A_992 : i32
      %parallel_loop3A_994 = arith.remsi %parallel_loop3A_976, %parallel_loop3A_977 : i32
      %parallel_loop3A_995 = arith.constant 0 : i32
      %parallel_loop3A_996 = arith.cmpi ne, %parallel_loop3A_994, %parallel_loop3A_995 : i32
      %parallel_loop3A_997 = arith.andi %parallel_loop3A_993, %parallel_loop3A_996 : i1
      %parallel_loop3A_998 = arith.constant 1 : i32
      %parallel_loop3A_999 = arith.subi %parallel_loop3A_978, %parallel_loop3A_998 : i32
      %parallel_loop3A_1000 = arith.select %parallel_loop3A_997, %parallel_loop3A_999, %parallel_loop3A_978 : i32
      %parallel_loop3A_1001 = arith.constant 64 : i32
      %parallel_loop3A_1002 = arith.constant 0 : i32
      %parallel_loop3A_1003 = arith.cmpi eq, %parallel_loop3A_1001, %parallel_loop3A_1002 : i32
      %parallel_loop3A_1004 = arith.constant 1 : i32
      %parallel_loop3A_1005 = arith.select %parallel_loop3A_1003, %parallel_loop3A_1004, %parallel_loop3A_1001 : i32
      %parallel_loop3A_1006 = arith.remsi %parallel_loop3A_976, %parallel_loop3A_1005 : i32
      %parallel_loop3A_1007 = arith.constant 0 : i32
      %parallel_loop3A_1008 = arith.cmpi ne, %parallel_loop3A_1006, %parallel_loop3A_1007 : i32
      %parallel_loop3A_1009 = arith.constant 0 : i32
      %parallel_loop3A_1010 = arith.cmpi slt, %parallel_loop3A_1006, %parallel_loop3A_1009 : i32
      %parallel_loop3A_1011 = arith.constant 0 : i32
      %parallel_loop3A_1012 = arith.cmpi slt, %parallel_loop3A_1005, %parallel_loop3A_1011 : i32
      %parallel_loop3A_1013 = arith.xori %parallel_loop3A_1010, %parallel_loop3A_1012 : i1
      %parallel_loop3A_1014 = arith.andi %parallel_loop3A_1013, %parallel_loop3A_1008 : i1
      %parallel_loop3A_1015 = arith.addi %parallel_loop3A_1006, %parallel_loop3A_1005 : i32
      %parallel_loop3A_1016 = arith.select %parallel_loop3A_1014, %parallel_loop3A_1015, %parallel_loop3A_1006 : i32
      %parallel_loop3A_1017 = arith.constant 16 : i32
      %parallel_loop3A_1018 = arith.muli %parallel_loop3A_1016, %parallel_loop3A_1017 : i32
      %parallel_loop3A_1019 = arith.index_cast %parallel_loop3A_1000 : i32 to index
      %parallel_loop3A_1020 = arith.index_cast %parallel_loop3A_1018 : i32 to index
      %parallel_loop3A_1021 = tpu.vector_load %arg7[%parallel_loop3A_1019, %parallel_loop3A_1020] {strides = array<i32>} : memref<16x1024xf32, #tpu.memory_space<vmem>>, vector<1x16xf32>,
      %parallel_loop3A_1022 = vector.shape_cast %parallel_loop3A_1021 : vector<1x16xf32> to vector<16xf32>
      %parallel_loop3A_1023 = arith.index_cast %parallel_loop3A_1000 : i32 to index
      %parallel_loop3A_1024 = arith.index_cast %parallel_loop3A_1018 : i32 to index
      %parallel_loop3A_1025 = tpu.vector_load %arg6[%parallel_loop3A_1023, %parallel_loop3A_1024] {strides = array<i32>} : memref<16x1024xf32, #tpu.memory_space<vmem>>, vector<1x16xf32>,
      %parallel_loop3A_1026 = vector.shape_cast %parallel_loop3A_1025 : vector<1x16xf32> to vector<16xf32>
      %parallel_loop3A_1027 = arith.addf %parallel_loop3A_1022, %parallel_loop3A_1026 : vector<16xf32>
      %parallel_loop3A_1028 = arith.index_cast %parallel_loop3A_1000 : i32 to index
      %parallel_loop3A_1029 = arith.index_cast %parallel_loop3A_1018 : i32 to index
      %parallel_loop3A_1030 = tpu.vector_load %arg10[%parallel_loop3A_1028, %parallel_loop3A_1029] {strides = array<i32>} : memref<16x1024xf32, #tpu.memory_space<vmem>>, vector<1x16xf32>,
      %parallel_loop3A_1031 = vector.shape_cast %parallel_loop3A_1030 : vector<1x16xf32> to vector<16xf32>
      %parallel_loop3A_1032 = vector.shape_cast %parallel_loop3A_1027 : vector<16xf32> to vector<1x16xf32>
      tpu.vector_store %arg10[%parallel_loop3A_1028, %parallel_loop3A_1029], %parallel_loop3A_1032 {strides = array<i32>} : memref<16x1024xf32, #tpu.memory_space<vmem>>, vector<1x16xf32>,
    } {sc.loop_unroll_factor = 8 : i64, sc.parallel_access}
    %add3A_424 = arith.constant 4096 : i32
    %add3A_425 = arith.addi %add3A_424, %mul3A_2 : i32
    %add3A_426 = arith.constant 16 : i32
    %add3A_427 = arith.addi %add3A_425, %add3A_426 : i32
    %add3A_428 = arith.constant 8 : i32
    %add3A_429 = arith.addi %add3A_427, %add3A_428 : i32
    %dma_start3A_430 = arith.constant 8 : i32
    %dma_start3A_431 = arith.constant 0 : i32
    %dma_start3A_432 = tpu.memref_slice %arg10[%dma_start3A_430, %dma_start3A_431] : memref<16x1024xf32, #tpu.memory_space<vmem>> -> memref<8x1024xf32, #tpu.memory_space<vmem>>
    %dma_start3A_433 = arith.constant 0 : i32
    %dma_start3A_434 = tpu.memref_slice %arg4[%add3A_429, %dma_start3A_433] : memref<8192x1024xf32, #tpu.memory_space<hbm>> -> memref<8x1024xf32, #tpu.memory_space<hbm>>
    %dma_start3A_435 = arith.constant 0 : i32
    %dma_start3A_436 = tpu.memref_slice %arg4[%add3A_429, %dma_start3A_435] : memref<8192x1024xf32, #tpu.memory_space<hbm>> -> memref<8x1024xf32, #tpu.memory_space<hbm>>
    %dma_start3A_437 = arith.constant 8 : i32
    %dma_start3A_438 = arith.constant 0 : i32
    %dma_start3A_439 = tpu.memref_slice %arg10[%dma_start3A_437, %dma_start3A_438] : memref<16x1024xf32, #tpu.memory_space<vmem>> -> memref<8x1024xf32, #tpu.memory_space<vmem>>
    tpu.enqueue_dma source(%dma_start3A_439 : memref<8x1024xf32, #tpu.memory_space<vmem>>) target(%dma_start3A_436 : memref<8x1024xf32, #tpu.memory_space<hbm>>) target_semaphore(%arg17 : memref<!tpu.dma_semaphore, #tpu.memory_space<semaphore_mem>>)
    %add3A_440 = arith.constant 2048 : i32
    %add3A_441 = arith.addi %add3A_440, %mul3A_2 : i32
    %add3A_442 = arith.constant 32 : i32
    %add3A_443 = arith.addi %add3A_441, %add3A_442 : i32
    %dma_start3A_444 = arith.constant 0 : i32
    %dma_start3A_445 = tpu.memref_slice %arg2[%add3A_443, %dma_start3A_444] : memref<8192x1024xf32, #tpu.memory_space<hbm>> -> memref<16x1024xf32, #tpu.memory_space<hbm>>
    %dma_start3A_446 = arith.constant 0 : i32
    %dma_start3A_447 = tpu.memref_slice %arg2[%add3A_443, %dma_start3A_446] : memref<8192x1024xf32, #tpu.memory_space<hbm>> -> memref<16x1024xf32, #tpu.memory_space<hbm>>
    tpu.enqueue_dma source(%dma_start3A_447 : memref<16x1024xf32, #tpu.memory_space<hbm>>) target(%arg7 : memref<16x1024xf32, #tpu.memory_space<vmem>>) target_semaphore(%arg14 : memref<!tpu.dma_semaphore, #tpu.memory_space<semaphore_mem>>)
    %dma_wait3A_448 = arith.constant 0 : i32
    %dma_wait3A_449 = arith.constant 0 : i32
    %dma_wait3A_450 = tpu.memref_slice %arg2[%dma_wait3A_448, %dma_wait3A_449] : memref<8192x1024xf32, #tpu.memory_space<hbm>> -> memref<16x1024xf32, #tpu.memory_space<hbm>>
    %dma_wait3A_451 = arith.constant 0 : i32
    %dma_wait3A_452 = arith.constant 0 : i32
    %dma_wait3A_453 = tpu.memref_slice %arg2[%dma_wait3A_451, %dma_wait3A_452] : memref<8192x1024xf32, #tpu.memory_space<hbm>> -> memref<16x1024xf32, #tpu.memory_space<hbm>>
    tpu.wait_dma2 semaphore(%arg15 : memref<!tpu.dma_semaphore, #tpu.memory_space<semaphore_mem>>) src(%dma_wait3A_453 : memref<16x1024xf32, #tpu.memory_space<hbm>>) dst(%arg8 : memref<16x1024xf32, #tpu.memory_space<vmem>>)
    %dma_wait3A_454 = arith.constant 0 : i32
    %dma_wait3A_455 = arith.constant 0 : i32
    %dma_wait3A_456 = tpu.memref_slice %arg4[%dma_wait3A_454, %dma_wait3A_455] : memref<8192x1024xf32, #tpu.memory_space<hbm>> -> memref<16x1024xf32, #tpu.memory_space<hbm>>
    %dma_wait3A_457 = arith.constant 0 : i32
    %dma_wait3A_458 = arith.constant 0 : i32
    %dma_wait3A_459 = tpu.memref_slice %arg4[%dma_wait3A_457, %dma_wait3A_458] : memref<8192x1024xf32, #tpu.memory_space<hbm>> -> memref<16x1024xf32, #tpu.memory_space<hbm>>
    tpu.wait_dma2 semaphore(%arg18 : memref<!tpu.dma_semaphore, #tpu.memory_space<semaphore_mem>>) src(%arg11 : memref<16x1024xf32, #tpu.memory_space<vmem>>) dst(%dma_wait3A_459 : memref<16x1024xf32, #tpu.memory_space<hbm>>)
    %parallel_loop3A_460 = arith.constant 0 : i32
    %parallel_loop3A_461 = arith.constant 512 : i32
    %parallel_loop3A_462 = arith.constant 1 : i32
    scf.for %parallel_loop3A_976 = %parallel_loop3A_460 to %parallel_loop3A_461 step %parallel_loop3A_462  : i32 {
      %parallel_loop3A_977 = arith.constant 64 : i32
      %parallel_loop3A_978 = arith.divsi %parallel_loop3A_976, %parallel_loop3A_977 : i32
      %parallel_loop3A_979 = arith.constant 0 : i32
      %parallel_loop3A_980 = arith.cmpi sgt, %parallel_loop3A_976, %parallel_loop3A_979 : i32
      %parallel_loop3A_981 = arith.extui %parallel_loop3A_980 : i1 to i32
      %parallel_loop3A_982 = arith.constant 0 : i32
      %parallel_loop3A_983 = arith.cmpi slt, %parallel_loop3A_976, %parallel_loop3A_982 : i32
      %parallel_loop3A_984 = arith.extui %parallel_loop3A_983 : i1 to i32
      %parallel_loop3A_985 = arith.subi %parallel_loop3A_981, %parallel_loop3A_984 : i32
      %parallel_loop3A_986 = arith.constant 0 : i32
      %parallel_loop3A_987 = arith.cmpi sgt, %parallel_loop3A_977, %parallel_loop3A_986 : i32
      %parallel_loop3A_988 = arith.extui %parallel_loop3A_987 : i1 to i32
      %parallel_loop3A_989 = arith.constant 0 : i32
      %parallel_loop3A_990 = arith.cmpi slt, %parallel_loop3A_977, %parallel_loop3A_989 : i32
      %parallel_loop3A_991 = arith.extui %parallel_loop3A_990 : i1 to i32
      %parallel_loop3A_992 = arith.subi %parallel_loop3A_988, %parallel_loop3A_991 : i32
      %parallel_loop3A_993 = arith.cmpi ne, %parallel_loop3A_985, %parallel_loop3A_992 : i32
      %parallel_loop3A_994 = arith.remsi %parallel_loop3A_976, %parallel_loop3A_977 : i32
      %parallel_loop3A_995 = arith.constant 0 : i32
      %parallel_loop3A_996 = arith.cmpi ne, %parallel_loop3A_994, %parallel_loop3A_995 : i32
      %parallel_loop3A_997 = arith.andi %parallel_loop3A_993, %parallel_loop3A_996 : i1
      %parallel_loop3A_998 = arith.constant 1 : i32
      %parallel_loop3A_999 = arith.subi %parallel_loop3A_978, %parallel_loop3A_998 : i32
      %parallel_loop3A_1000 = arith.select %parallel_loop3A_997, %parallel_loop3A_999, %parallel_loop3A_978 : i32
      %parallel_loop3A_1001 = arith.constant 64 : i32
      %parallel_loop3A_1002 = arith.constant 0 : i32
      %parallel_loop3A_1003 = arith.cmpi eq, %parallel_loop3A_1001, %parallel_loop3A_1002 : i32
      %parallel_loop3A_1004 = arith.constant 1 : i32
      %parallel_loop3A_1005 = arith.select %parallel_loop3A_1003, %parallel_loop3A_1004, %parallel_loop3A_1001 : i32
      %parallel_loop3A_1006 = arith.remsi %parallel_loop3A_976, %parallel_loop3A_1005 : i32
      %parallel_loop3A_1007 = arith.constant 0 : i32
      %parallel_loop3A_1008 = arith.cmpi ne, %parallel_loop3A_1006, %parallel_loop3A_1007 : i32
      %parallel_loop3A_1009 = arith.constant 0 : i32
      %parallel_loop3A_1010 = arith.cmpi slt, %parallel_loop3A_1006, %parallel_loop3A_1009 : i32
      %parallel_loop3A_1011 = arith.constant 0 : i32
      %parallel_loop3A_1012 = arith.cmpi slt, %parallel_loop3A_1005, %parallel_loop3A_1011 : i32
      %parallel_loop3A_1013 = arith.xori %parallel_loop3A_1010, %parallel_loop3A_1012 : i1
      %parallel_loop3A_1014 = arith.andi %parallel_loop3A_1013, %parallel_loop3A_1008 : i1
      %parallel_loop3A_1015 = arith.addi %parallel_loop3A_1006, %parallel_loop3A_1005 : i32
      %parallel_loop3A_1016 = arith.select %parallel_loop3A_1014, %parallel_loop3A_1015, %parallel_loop3A_1006 : i32
      %parallel_loop3A_1017 = arith.constant 16 : i32
      %parallel_loop3A_1018 = arith.muli %parallel_loop3A_1016, %parallel_loop3A_1017 : i32
      %parallel_loop3A_1019 = arith.index_cast %parallel_loop3A_1000 : i32 to index
      %parallel_loop3A_1020 = arith.index_cast %parallel_loop3A_1018 : i32 to index
      %parallel_loop3A_1021 = tpu.vector_load %arg8[%parallel_loop3A_1019, %parallel_loop3A_1020] {strides = array<i32>} : memref<16x1024xf32, #tpu.memory_space<vmem>>, vector<1x16xf32>,
      %parallel_loop3A_1022 = vector.shape_cast %parallel_loop3A_1021 : vector<1x16xf32> to vector<16xf32>
      %parallel_loop3A_1023 = arith.index_cast %parallel_loop3A_1000 : i32 to index
      %parallel_loop3A_1024 = arith.index_cast %parallel_loop3A_1018 : i32 to index
      %parallel_loop3A_1025 = tpu.vector_load %arg6[%parallel_loop3A_1023, %parallel_loop3A_1024] {strides = array<i32>} : memref<16x1024xf32, #tpu.memory_space<vmem>>, vector<1x16xf32>,
      %parallel_loop3A_1026 = vector.shape_cast %parallel_loop3A_1025 : vector<1x16xf32> to vector<16xf32>
      %parallel_loop3A_1027 = arith.addf %parallel_loop3A_1022, %parallel_loop3A_1026 : vector<16xf32>
      %parallel_loop3A_1028 = arith.index_cast %parallel_loop3A_1000 : i32 to index
      %parallel_loop3A_1029 = arith.index_cast %parallel_loop3A_1018 : i32 to index
      %parallel_loop3A_1030 = tpu.vector_load %arg11[%parallel_loop3A_1028, %parallel_loop3A_1029] {strides = array<i32>} : memref<16x1024xf32, #tpu.memory_space<vmem>>, vector<1x16xf32>,
      %parallel_loop3A_1031 = vector.shape_cast %parallel_loop3A_1030 : vector<1x16xf32> to vector<16xf32>
      %parallel_loop3A_1032 = vector.shape_cast %parallel_loop3A_1027 : vector<16xf32> to vector<1x16xf32>
      tpu.vector_store %arg11[%parallel_loop3A_1028, %parallel_loop3A_1029], %parallel_loop3A_1032 {strides = array<i32>} : memref<16x1024xf32, #tpu.memory_space<vmem>>, vector<1x16xf32>,
    } {sc.loop_unroll_factor = 8 : i64, sc.parallel_access}
    %add3A_463 = arith.constant 6144 : i32
    %add3A_464 = arith.addi %add3A_463, %mul3A_2 : i32
    %add3A_465 = arith.constant 16 : i32
    %add3A_466 = arith.addi %add3A_464, %add3A_465 : i32
    %add3A_467 = arith.constant 0 : i32
    %add3A_468 = arith.addi %add3A_466, %add3A_467 : i32
    %dma_start3A_469 = arith.constant 0 : i32
    %dma_start3A_470 = arith.constant 0 : i32
    %dma_start3A_471 = tpu.memref_slice %arg11[%dma_start3A_469, %dma_start3A_470] : memref<16x1024xf32, #tpu.memory_space<vmem>> -> memref<8x1024xf32, #tpu.memory_space<vmem>>
    %dma_start3A_472 = arith.constant 0 : i32
    %dma_start3A_473 = tpu.memref_slice %arg4[%add3A_468, %dma_start3A_472] : memref<8192x1024xf32, #tpu.memory_space<hbm>> -> memref<8x1024xf32, #tpu.memory_space<hbm>>
    %dma_start3A_474 = arith.constant 0 : i32
    %dma_start3A_475 = tpu.memref_slice %arg4[%add3A_468, %dma_start3A_474] : memref<8192x1024xf32, #tpu.memory_space<hbm>> -> memref<8x1024xf32, #tpu.memory_space<hbm>>
    %dma_start3A_476 = arith.constant 0 : i32
    %dma_start3A_477 = arith.constant 0 : i32
    %dma_start3A_478 = tpu.memref_slice %arg11[%dma_start3A_476, %dma_start3A_477] : memref<16x1024xf32, #tpu.memory_space<vmem>> -> memref<8x1024xf32, #tpu.memory_space<vmem>>
    tpu.enqueue_dma source(%dma_start3A_478 : memref<8x1024xf32, #tpu.memory_space<vmem>>) target(%dma_start3A_475 : memref<8x1024xf32, #tpu.memory_space<hbm>>) target_semaphore(%arg18 : memref<!tpu.dma_semaphore, #tpu.memory_space<semaphore_mem>>)
    %parallel_loop3A_479 = arith.constant 512 : i32
    %parallel_loop3A_480 = arith.constant 1024 : i32
    %parallel_loop3A_481 = arith.constant 1 : i32
    scf.for %parallel_loop3A_976 = %parallel_loop3A_479 to %parallel_loop3A_480 step %parallel_loop3A_481  : i32 {
      %parallel_loop3A_977 = arith.constant 64 : i32
      %parallel_loop3A_978 = arith.divsi %parallel_loop3A_976, %parallel_loop3A_977 : i32
      %parallel_loop3A_979 = arith.constant 0 : i32
      %parallel_loop3A_980 = arith.cmpi sgt, %parallel_loop3A_976, %parallel_loop3A_979 : i32
      %parallel_loop3A_981 = arith.extui %parallel_loop3A_980 : i1 to i32
      %parallel_loop3A_982 = arith.constant 0 : i32
      %parallel_loop3A_983 = arith.cmpi slt, %parallel_loop3A_976, %parallel_loop3A_982 : i32
      %parallel_loop3A_984 = arith.extui %parallel_loop3A_983 : i1 to i32
      %parallel_loop3A_985 = arith.subi %parallel_loop3A_981, %parallel_loop3A_984 : i32
      %parallel_loop3A_986 = arith.constant 0 : i32
      %parallel_loop3A_987 = arith.cmpi sgt, %parallel_loop3A_977, %parallel_loop3A_986 : i32
      %parallel_loop3A_988 = arith.extui %parallel_loop3A_987 : i1 to i32
      %parallel_loop3A_989 = arith.constant 0 : i32
      %parallel_loop3A_990 = arith.cmpi slt, %parallel_loop3A_977, %parallel_loop3A_989 : i32
      %parallel_loop3A_991 = arith.extui %parallel_loop3A_990 : i1 to i32
      %parallel_loop3A_992 = arith.subi %parallel_loop3A_988, %parallel_loop3A_991 : i32
      %parallel_loop3A_993 = arith.cmpi ne, %parallel_loop3A_985, %parallel_loop3A_992 : i32
      %parallel_loop3A_994 = arith.remsi %parallel_loop3A_976, %parallel_loop3A_977 : i32
      %parallel_loop3A_995 = arith.constant 0 : i32
      %parallel_loop3A_996 = arith.cmpi ne, %parallel_loop3A_994, %parallel_loop3A_995 : i32
      %parallel_loop3A_997 = arith.andi %parallel_loop3A_993, %parallel_loop3A_996 : i1
      %parallel_loop3A_998 = arith.constant 1 : i32
      %parallel_loop3A_999 = arith.subi %parallel_loop3A_978, %parallel_loop3A_998 : i32
      %parallel_loop3A_1000 = arith.select %parallel_loop3A_997, %parallel_loop3A_999, %parallel_loop3A_978 : i32
      %parallel_loop3A_1001 = arith.constant 64 : i32
      %parallel_loop3A_1002 = arith.constant 0 : i32
      %parallel_loop3A_1003 = arith.cmpi eq, %parallel_loop3A_1001, %parallel_loop3A_1002 : i32
      %parallel_loop3A_1004 = arith.constant 1 : i32
      %parallel_loop3A_1005 = arith.select %parallel_loop3A_1003, %parallel_loop3A_1004, %parallel_loop3A_1001 : i32
      %parallel_loop3A_1006 = arith.remsi %parallel_loop3A_976, %parallel_loop3A_1005 : i32
      %parallel_loop3A_1007 = arith.constant 0 : i32
      %parallel_loop3A_1008 = arith.cmpi ne, %parallel_loop3A_1006, %parallel_loop3A_1007 : i32
      %parallel_loop3A_1009 = arith.constant 0 : i32
      %parallel_loop3A_1010 = arith.cmpi slt, %parallel_loop3A_1006, %parallel_loop3A_1009 : i32
      %parallel_loop3A_1011 = arith.constant 0 : i32
      %parallel_loop3A_1012 = arith.cmpi slt, %parallel_loop3A_1005, %parallel_loop3A_1011 : i32
      %parallel_loop3A_1013 = arith.xori %parallel_loop3A_1010, %parallel_loop3A_1012 : i1
      %parallel_loop3A_1014 = arith.andi %parallel_loop3A_1013, %parallel_loop3A_1008 : i1
      %parallel_loop3A_1015 = arith.addi %parallel_loop3A_1006, %parallel_loop3A_1005 : i32
      %parallel_loop3A_1016 = arith.select %parallel_loop3A_1014, %parallel_loop3A_1015, %parallel_loop3A_1006 : i32
      %parallel_loop3A_1017 = arith.constant 16 : i32
      %parallel_loop3A_1018 = arith.muli %parallel_loop3A_1016, %parallel_loop3A_1017 : i32
      %parallel_loop3A_1019 = arith.index_cast %parallel_loop3A_1000 : i32 to index
      %parallel_loop3A_1020 = arith.index_cast %parallel_loop3A_1018 : i32 to index
      %parallel_loop3A_1021 = tpu.vector_load %arg8[%parallel_loop3A_1019, %parallel_loop3A_1020] {strides = array<i32>} : memref<16x1024xf32, #tpu.memory_space<vmem>>, vector<1x16xf32>,
      %parallel_loop3A_1022 = vector.shape_cast %parallel_loop3A_1021 : vector<1x16xf32> to vector<16xf32>
      %parallel_loop3A_1023 = arith.index_cast %parallel_loop3A_1000 : i32 to index
      %parallel_loop3A_1024 = arith.index_cast %parallel_loop3A_1018 : i32 to index
      %parallel_loop3A_1025 = tpu.vector_load %arg6[%parallel_loop3A_1023, %parallel_loop3A_1024] {strides = array<i32>} : memref<16x1024xf32, #tpu.memory_space<vmem>>, vector<1x16xf32>,
      %parallel_loop3A_1026 = vector.shape_cast %parallel_loop3A_1025 : vector<1x16xf32> to vector<16xf32>
      %parallel_loop3A_1027 = arith.addf %parallel_loop3A_1022, %parallel_loop3A_1026 : vector<16xf32>
      %parallel_loop3A_1028 = arith.index_cast %parallel_loop3A_1000 : i32 to index
      %parallel_loop3A_1029 = arith.index_cast %parallel_loop3A_1018 : i32 to index
      %parallel_loop3A_1030 = tpu.vector_load %arg11[%parallel_loop3A_1028, %parallel_loop3A_1029] {strides = array<i32>} : memref<16x1024xf32, #tpu.memory_space<vmem>>, vector<1x16xf32>,
      %parallel_loop3A_1031 = vector.shape_cast %parallel_loop3A_1030 : vector<1x16xf32> to vector<16xf32>
      %parallel_loop3A_1032 = vector.shape_cast %parallel_loop3A_1027 : vector<16xf32> to vector<1x16xf32>
      tpu.vector_store %arg11[%parallel_loop3A_1028, %parallel_loop3A_1029], %parallel_loop3A_1032 {strides = array<i32>} : memref<16x1024xf32, #tpu.memory_space<vmem>>, vector<1x16xf32>,
    } {sc.loop_unroll_factor = 8 : i64, sc.parallel_access}
    %add3A_482 = arith.constant 6144 : i32
    %add3A_483 = arith.addi %add3A_482, %mul3A_2 : i32
    %add3A_484 = arith.constant 16 : i32
    %add3A_485 = arith.addi %add3A_483, %add3A_484 : i32
    %add3A_486 = arith.constant 8 : i32
    %add3A_487 = arith.addi %add3A_485, %add3A_486 : i32
    %dma_start3A_488 = arith.constant 8 : i32
    %dma_start3A_489 = arith.constant 0 : i32
    %dma_start3A_490 = tpu.memref_slice %arg11[%dma_start3A_488, %dma_start3A_489] : memref<16x1024xf32, #tpu.memory_space<vmem>> -> memref<8x1024xf32, #tpu.memory_space<vmem>>
    %dma_start3A_491 = arith.constant 0 : i32
    %dma_start3A_492 = tpu.memref_slice %arg4[%add3A_487, %dma_start3A_491] : memref<8192x1024xf32, #tpu.memory_space<hbm>> -> memref<8x1024xf32, #tpu.memory_space<hbm>>
    %dma_start3A_493 = arith.constant 0 : i32
    %dma_start3A_494 = tpu.memref_slice %arg4[%add3A_487, %dma_start3A_493] : memref<8192x1024xf32, #tpu.memory_space<hbm>> -> memref<8x1024xf32, #tpu.memory_space<hbm>>
    %dma_start3A_495 = arith.constant 8 : i32
    %dma_start3A_496 = arith.constant 0 : i32
    %dma_start3A_497 = tpu.memref_slice %arg11[%dma_start3A_495, %dma_start3A_496] : memref<16x1024xf32, #tpu.memory_space<vmem>> -> memref<8x1024xf32, #tpu.memory_space<vmem>>
    tpu.enqueue_dma source(%dma_start3A_497 : memref<8x1024xf32, #tpu.memory_space<vmem>>) target(%dma_start3A_494 : memref<8x1024xf32, #tpu.memory_space<hbm>>) target_semaphore(%arg18 : memref<!tpu.dma_semaphore, #tpu.memory_space<semaphore_mem>>)
    %add3A_498 = arith.constant 4096 : i32
    %add3A_499 = arith.addi %add3A_498, %mul3A_2 : i32
    %add3A_500 = arith.constant 32 : i32
    %add3A_501 = arith.addi %add3A_499, %add3A_500 : i32
    %dma_start3A_502 = arith.constant 0 : i32
    %dma_start3A_503 = tpu.memref_slice %arg2[%add3A_501, %dma_start3A_502] : memref<8192x1024xf32, #tpu.memory_space<hbm>> -> memref<16x1024xf32, #tpu.memory_space<hbm>>
    %dma_start3A_504 = arith.constant 0 : i32
    %dma_start3A_505 = tpu.memref_slice %arg2[%add3A_501, %dma_start3A_504] : memref<8192x1024xf32, #tpu.memory_space<hbm>> -> memref<16x1024xf32, #tpu.memory_space<hbm>>
    tpu.enqueue_dma source(%dma_start3A_505 : memref<16x1024xf32, #tpu.memory_space<hbm>>) target(%arg8 : memref<16x1024xf32, #tpu.memory_space<vmem>>) target_semaphore(%arg15 : memref<!tpu.dma_semaphore, #tpu.memory_space<semaphore_mem>>)
    %add3A_506 = arith.constant 48 : i32
    %add3A_507 = arith.addi %mul3A_2, %add3A_506 : i32
    %dma_start3A_508 = arith.constant 0 : i32
    %dma_start3A_509 = tpu.memref_slice %arg3[%add3A_507, %dma_start3A_508] : memref<2048x1024xf32, #tpu.memory_space<hbm>> -> memref<16x1024xf32, #tpu.memory_space<hbm>>
    %dma_start3A_510 = arith.constant 0 : i32
    %dma_start3A_511 = tpu.memref_slice %arg3[%add3A_507, %dma_start3A_510] : memref<2048x1024xf32, #tpu.memory_space<hbm>> -> memref<16x1024xf32, #tpu.memory_space<hbm>>
    tpu.enqueue_dma source(%dma_start3A_511 : memref<16x1024xf32, #tpu.memory_space<hbm>>) target(%arg6 : memref<16x1024xf32, #tpu.memory_space<vmem>>) target_semaphore(%arg13 : memref<!tpu.dma_semaphore, #tpu.memory_space<semaphore_mem>>)
    %dma_wait3A_512 = arith.constant 0 : i32
    %dma_wait3A_513 = arith.constant 0 : i32
    %dma_wait3A_514 = tpu.memref_slice %arg3[%dma_wait3A_512, %dma_wait3A_513] : memref<2048x1024xf32, #tpu.memory_space<hbm>> -> memref<16x1024xf32, #tpu.memory_space<hbm>>
    %dma_wait3A_515 = arith.constant 0 : i32
    %dma_wait3A_516 = arith.constant 0 : i32
    %dma_wait3A_517 = tpu.memref_slice %arg3[%dma_wait3A_515, %dma_wait3A_516] : memref<2048x1024xf32, #tpu.memory_space<hbm>> -> memref<16x1024xf32, #tpu.memory_space<hbm>>
    tpu.wait_dma2 semaphore(%arg12 : memref<!tpu.dma_semaphore, #tpu.memory_space<semaphore_mem>>) src(%dma_wait3A_517 : memref<16x1024xf32, #tpu.memory_space<hbm>>) dst(%arg5 : memref<16x1024xf32, #tpu.memory_space<vmem>>)
    %dma_wait3A_518 = arith.constant 0 : i32
    %dma_wait3A_519 = arith.constant 0 : i32
    %dma_wait3A_520 = tpu.memref_slice %arg2[%dma_wait3A_518, %dma_wait3A_519] : memref<8192x1024xf32, #tpu.memory_space<hbm>> -> memref<16x1024xf32, #tpu.memory_space<hbm>>
    %dma_wait3A_521 = arith.constant 0 : i32
    %dma_wait3A_522 = arith.constant 0 : i32
    %dma_wait3A_523 = tpu.memref_slice %arg2[%dma_wait3A_521, %dma_wait3A_522] : memref<8192x1024xf32, #tpu.memory_space<hbm>> -> memref<16x1024xf32, #tpu.memory_space<hbm>>
    tpu.wait_dma2 semaphore(%arg16 : memref<!tpu.dma_semaphore, #tpu.memory_space<semaphore_mem>>) src(%dma_wait3A_523 : memref<16x1024xf32, #tpu.memory_space<hbm>>) dst(%arg9 : memref<16x1024xf32, #tpu.memory_space<vmem>>)
    %dma_wait3A_524 = arith.constant 0 : i32
    %dma_wait3A_525 = arith.constant 0 : i32
    %dma_wait3A_526 = tpu.memref_slice %arg4[%dma_wait3A_524, %dma_wait3A_525] : memref<8192x1024xf32, #tpu.memory_space<hbm>> -> memref<16x1024xf32, #tpu.memory_space<hbm>>
    %dma_wait3A_527 = arith.constant 0 : i32
    %dma_wait3A_528 = arith.constant 0 : i32
    %dma_wait3A_529 = tpu.memref_slice %arg4[%dma_wait3A_527, %dma_wait3A_528] : memref<8192x1024xf32, #tpu.memory_space<hbm>> -> memref<16x1024xf32, #tpu.memory_space<hbm>>
    tpu.wait_dma2 semaphore(%arg17 : memref<!tpu.dma_semaphore, #tpu.memory_space<semaphore_mem>>) src(%arg10 : memref<16x1024xf32, #tpu.memory_space<vmem>>) dst(%dma_wait3A_529 : memref<16x1024xf32, #tpu.memory_space<hbm>>)
    %parallel_loop3A_530 = arith.constant 0 : i32
    %parallel_loop3A_531 = arith.constant 512 : i32
    %parallel_loop3A_532 = arith.constant 1 : i32
    scf.for %parallel_loop3A_976 = %parallel_loop3A_530 to %parallel_loop3A_531 step %parallel_loop3A_532  : i32 {
      %parallel_loop3A_977 = arith.constant 64 : i32
      %parallel_loop3A_978 = arith.divsi %parallel_loop3A_976, %parallel_loop3A_977 : i32
      %parallel_loop3A_979 = arith.constant 0 : i32
      %parallel_loop3A_980 = arith.cmpi sgt, %parallel_loop3A_976, %parallel_loop3A_979 : i32
      %parallel_loop3A_981 = arith.extui %parallel_loop3A_980 : i1 to i32
      %parallel_loop3A_982 = arith.constant 0 : i32
      %parallel_loop3A_983 = arith.cmpi slt, %parallel_loop3A_976, %parallel_loop3A_982 : i32
      %parallel_loop3A_984 = arith.extui %parallel_loop3A_983 : i1 to i32
      %parallel_loop3A_985 = arith.subi %parallel_loop3A_981, %parallel_loop3A_984 : i32
      %parallel_loop3A_986 = arith.constant 0 : i32
      %parallel_loop3A_987 = arith.cmpi sgt, %parallel_loop3A_977, %parallel_loop3A_986 : i32
      %parallel_loop3A_988 = arith.extui %parallel_loop3A_987 : i1 to i32
      %parallel_loop3A_989 = arith.constant 0 : i32
      %parallel_loop3A_990 = arith.cmpi slt, %parallel_loop3A_977, %parallel_loop3A_989 : i32
      %parallel_loop3A_991 = arith.extui %parallel_loop3A_990 : i1 to i32
      %parallel_loop3A_992 = arith.subi %parallel_loop3A_988, %parallel_loop3A_991 : i32
      %parallel_loop3A_993 = arith.cmpi ne, %parallel_loop3A_985, %parallel_loop3A_992 : i32
      %parallel_loop3A_994 = arith.remsi %parallel_loop3A_976, %parallel_loop3A_977 : i32
      %parallel_loop3A_995 = arith.constant 0 : i32
      %parallel_loop3A_996 = arith.cmpi ne, %parallel_loop3A_994, %parallel_loop3A_995 : i32
      %parallel_loop3A_997 = arith.andi %parallel_loop3A_993, %parallel_loop3A_996 : i1
      %parallel_loop3A_998 = arith.constant 1 : i32
      %parallel_loop3A_999 = arith.subi %parallel_loop3A_978, %parallel_loop3A_998 : i32
      %parallel_loop3A_1000 = arith.select %parallel_loop3A_997, %parallel_loop3A_999, %parallel_loop3A_978 : i32
      %parallel_loop3A_1001 = arith.constant 64 : i32
      %parallel_loop3A_1002 = arith.constant 0 : i32
      %parallel_loop3A_1003 = arith.cmpi eq, %parallel_loop3A_1001, %parallel_loop3A_1002 : i32
      %parallel_loop3A_1004 = arith.constant 1 : i32
      %parallel_loop3A_1005 = arith.select %parallel_loop3A_1003, %parallel_loop3A_1004, %parallel_loop3A_1001 : i32
      %parallel_loop3A_1006 = arith.remsi %parallel_loop3A_976, %parallel_loop3A_1005 : i32
      %parallel_loop3A_1007 = arith.constant 0 : i32
      %parallel_loop3A_1008 = arith.cmpi ne, %parallel_loop3A_1006, %parallel_loop3A_1007 : i32
      %parallel_loop3A_1009 = arith.constant 0 : i32
      %parallel_loop3A_1010 = arith.cmpi slt, %parallel_loop3A_1006, %parallel_loop3A_1009 : i32
      %parallel_loop3A_1011 = arith.constant 0 : i32
      %parallel_loop3A_1012 = arith.cmpi slt, %parallel_loop3A_1005, %parallel_loop3A_1011 : i32
      %parallel_loop3A_1013 = arith.xori %parallel_loop3A_1010, %parallel_loop3A_1012 : i1
      %parallel_loop3A_1014 = arith.andi %parallel_loop3A_1013, %parallel_loop3A_1008 : i1
      %parallel_loop3A_1015 = arith.addi %parallel_loop3A_1006, %parallel_loop3A_1005 : i32
      %parallel_loop3A_1016 = arith.select %parallel_loop3A_1014, %parallel_loop3A_1015, %parallel_loop3A_1006 : i32
      %parallel_loop3A_1017 = arith.constant 16 : i32
      %parallel_loop3A_1018 = arith.muli %parallel_loop3A_1016, %parallel_loop3A_1017 : i32
      %parallel_loop3A_1019 = arith.index_cast %parallel_loop3A_1000 : i32 to index
      %parallel_loop3A_1020 = arith.index_cast %parallel_loop3A_1018 : i32 to index
      %parallel_loop3A_1021 = tpu.vector_load %arg9[%parallel_loop3A_1019, %parallel_loop3A_1020] {strides = array<i32>} : memref<16x1024xf32, #tpu.memory_space<vmem>>, vector<1x16xf32>,
      %parallel_loop3A_1022 = vector.shape_cast %parallel_loop3A_1021 : vector<1x16xf32> to vector<16xf32>
      %parallel_loop3A_1023 = arith.index_cast %parallel_loop3A_1000 : i32 to index
      %parallel_loop3A_1024 = arith.index_cast %parallel_loop3A_1018 : i32 to index
      %parallel_loop3A_1025 = tpu.vector_load %arg5[%parallel_loop3A_1023, %parallel_loop3A_1024] {strides = array<i32>} : memref<16x1024xf32, #tpu.memory_space<vmem>>, vector<1x16xf32>,
      %parallel_loop3A_1026 = vector.shape_cast %parallel_loop3A_1025 : vector<1x16xf32> to vector<16xf32>
      %parallel_loop3A_1027 = arith.addf %parallel_loop3A_1022, %parallel_loop3A_1026 : vector<16xf32>
      %parallel_loop3A_1028 = arith.index_cast %parallel_loop3A_1000 : i32 to index
      %parallel_loop3A_1029 = arith.index_cast %parallel_loop3A_1018 : i32 to index
      %parallel_loop3A_1030 = tpu.vector_load %arg10[%parallel_loop3A_1028, %parallel_loop3A_1029] {strides = array<i32>} : memref<16x1024xf32, #tpu.memory_space<vmem>>, vector<1x16xf32>,
      %parallel_loop3A_1031 = vector.shape_cast %parallel_loop3A_1030 : vector<1x16xf32> to vector<16xf32>
      %parallel_loop3A_1032 = vector.shape_cast %parallel_loop3A_1027 : vector<16xf32> to vector<1x16xf32>
      tpu.vector_store %arg10[%parallel_loop3A_1028, %parallel_loop3A_1029], %parallel_loop3A_1032 {strides = array<i32>} : memref<16x1024xf32, #tpu.memory_space<vmem>>, vector<1x16xf32>,
    } {sc.loop_unroll_factor = 8 : i64, sc.parallel_access}
    %add3A_533 = arith.constant 0 : i32
    %add3A_534 = arith.addi %add3A_533, %mul3A_2 : i32
    %add3A_535 = arith.constant 32 : i32
    %add3A_536 = arith.addi %add3A_534, %add3A_535 : i32
    %add3A_537 = arith.constant 0 : i32
    %add3A_538 = arith.addi %add3A_536, %add3A_537 : i32
    %dma_start3A_539 = arith.constant 0 : i32
    %dma_start3A_540 = arith.constant 0 : i32
    %dma_start3A_541 = tpu.memref_slice %arg10[%dma_start3A_539, %dma_start3A_540] : memref<16x1024xf32, #tpu.memory_space<vmem>> -> memref<8x1024xf32, #tpu.memory_space<vmem>>
    %dma_start3A_542 = arith.constant 0 : i32
    %dma_start3A_543 = tpu.memref_slice %arg4[%add3A_538, %dma_start3A_542] : memref<8192x1024xf32, #tpu.memory_space<hbm>> -> memref<8x1024xf32, #tpu.memory_space<hbm>>
    %dma_start3A_544 = arith.constant 0 : i32
    %dma_start3A_545 = tpu.memref_slice %arg4[%add3A_538, %dma_start3A_544] : memref<8192x1024xf32, #tpu.memory_space<hbm>> -> memref<8x1024xf32, #tpu.memory_space<hbm>>
    %dma_start3A_546 = arith.constant 0 : i32
    %dma_start3A_547 = arith.constant 0 : i32
    %dma_start3A_548 = tpu.memref_slice %arg10[%dma_start3A_546, %dma_start3A_547] : memref<16x1024xf32, #tpu.memory_space<vmem>> -> memref<8x1024xf32, #tpu.memory_space<vmem>>
    tpu.enqueue_dma source(%dma_start3A_548 : memref<8x1024xf32, #tpu.memory_space<vmem>>) target(%dma_start3A_545 : memref<8x1024xf32, #tpu.memory_space<hbm>>) target_semaphore(%arg17 : memref<!tpu.dma_semaphore, #tpu.memory_space<semaphore_mem>>)
    %parallel_loop3A_549 = arith.constant 512 : i32
    %parallel_loop3A_550 = arith.constant 1024 : i32
    %parallel_loop3A_551 = arith.constant 1 : i32
    scf.for %parallel_loop3A_976 = %parallel_loop3A_549 to %parallel_loop3A_550 step %parallel_loop3A_551  : i32 {
      %parallel_loop3A_977 = arith.constant 64 : i32
      %parallel_loop3A_978 = arith.divsi %parallel_loop3A_976, %parallel_loop3A_977 : i32
      %parallel_loop3A_979 = arith.constant 0 : i32
      %parallel_loop3A_980 = arith.cmpi sgt, %parallel_loop3A_976, %parallel_loop3A_979 : i32
      %parallel_loop3A_981 = arith.extui %parallel_loop3A_980 : i1 to i32
      %parallel_loop3A_982 = arith.constant 0 : i32
      %parallel_loop3A_983 = arith.cmpi slt, %parallel_loop3A_976, %parallel_loop3A_982 : i32
      %parallel_loop3A_984 = arith.extui %parallel_loop3A_983 : i1 to i32
      %parallel_loop3A_985 = arith.subi %parallel_loop3A_981, %parallel_loop3A_984 : i32
      %parallel_loop3A_986 = arith.constant 0 : i32
      %parallel_loop3A_987 = arith.cmpi sgt, %parallel_loop3A_977, %parallel_loop3A_986 : i32
      %parallel_loop3A_988 = arith.extui %parallel_loop3A_987 : i1 to i32
      %parallel_loop3A_989 = arith.constant 0 : i32
      %parallel_loop3A_990 = arith.cmpi slt, %parallel_loop3A_977, %parallel_loop3A_989 : i32
      %parallel_loop3A_991 = arith.extui %parallel_loop3A_990 : i1 to i32
      %parallel_loop3A_992 = arith.subi %parallel_loop3A_988, %parallel_loop3A_991 : i32
      %parallel_loop3A_993 = arith.cmpi ne, %parallel_loop3A_985, %parallel_loop3A_992 : i32
      %parallel_loop3A_994 = arith.remsi %parallel_loop3A_976, %parallel_loop3A_977 : i32
      %parallel_loop3A_995 = arith.constant 0 : i32
      %parallel_loop3A_996 = arith.cmpi ne, %parallel_loop3A_994, %parallel_loop3A_995 : i32
      %parallel_loop3A_997 = arith.andi %parallel_loop3A_993, %parallel_loop3A_996 : i1
      %parallel_loop3A_998 = arith.constant 1 : i32
      %parallel_loop3A_999 = arith.subi %parallel_loop3A_978, %parallel_loop3A_998 : i32
      %parallel_loop3A_1000 = arith.select %parallel_loop3A_997, %parallel_loop3A_999, %parallel_loop3A_978 : i32
      %parallel_loop3A_1001 = arith.constant 64 : i32
      %parallel_loop3A_1002 = arith.constant 0 : i32
      %parallel_loop3A_1003 = arith.cmpi eq, %parallel_loop3A_1001, %parallel_loop3A_1002 : i32
      %parallel_loop3A_1004 = arith.constant 1 : i32
      %parallel_loop3A_1005 = arith.select %parallel_loop3A_1003, %parallel_loop3A_1004, %parallel_loop3A_1001 : i32
      %parallel_loop3A_1006 = arith.remsi %parallel_loop3A_976, %parallel_loop3A_1005 : i32
      %parallel_loop3A_1007 = arith.constant 0 : i32
      %parallel_loop3A_1008 = arith.cmpi ne, %parallel_loop3A_1006, %parallel_loop3A_1007 : i32
      %parallel_loop3A_1009 = arith.constant 0 : i32
      %parallel_loop3A_1010 = arith.cmpi slt, %parallel_loop3A_1006, %parallel_loop3A_1009 : i32
      %parallel_loop3A_1011 = arith.constant 0 : i32
      %parallel_loop3A_1012 = arith.cmpi slt, %parallel_loop3A_1005, %parallel_loop3A_1011 : i32
      %parallel_loop3A_1013 = arith.xori %parallel_loop3A_1010, %parallel_loop3A_1012 : i1
      %parallel_loop3A_1014 = arith.andi %parallel_loop3A_1013, %parallel_loop3A_1008 : i1
      %parallel_loop3A_1015 = arith.addi %parallel_loop3A_1006, %parallel_loop3A_1005 : i32
      %parallel_loop3A_1016 = arith.select %parallel_loop3A_1014, %parallel_loop3A_1015, %parallel_loop3A_1006 : i32
      %parallel_loop3A_1017 = arith.constant 16 : i32
      %parallel_loop3A_1018 = arith.muli %parallel_loop3A_1016, %parallel_loop3A_1017 : i32
      %parallel_loop3A_1019 = arith.index_cast %parallel_loop3A_1000 : i32 to index
      %parallel_loop3A_1020 = arith.index_cast %parallel_loop3A_1018 : i32 to index
      %parallel_loop3A_1021 = tpu.vector_load %arg9[%parallel_loop3A_1019, %parallel_loop3A_1020] {strides = array<i32>} : memref<16x1024xf32, #tpu.memory_space<vmem>>, vector<1x16xf32>,
      %parallel_loop3A_1022 = vector.shape_cast %parallel_loop3A_1021 : vector<1x16xf32> to vector<16xf32>
      %parallel_loop3A_1023 = arith.index_cast %parallel_loop3A_1000 : i32 to index
      %parallel_loop3A_1024 = arith.index_cast %parallel_loop3A_1018 : i32 to index
      %parallel_loop3A_1025 = tpu.vector_load %arg5[%parallel_loop3A_1023, %parallel_loop3A_1024] {strides = array<i32>} : memref<16x1024xf32, #tpu.memory_space<vmem>>, vector<1x16xf32>,
      %parallel_loop3A_1026 = vector.shape_cast %parallel_loop3A_1025 : vector<1x16xf32> to vector<16xf32>
      %parallel_loop3A_1027 = arith.addf %parallel_loop3A_1022, %parallel_loop3A_1026 : vector<16xf32>
      %parallel_loop3A_1028 = arith.index_cast %parallel_loop3A_1000 : i32 to index
      %parallel_loop3A_1029 = arith.index_cast %parallel_loop3A_1018 : i32 to index
      %parallel_loop3A_1030 = tpu.vector_load %arg10[%parallel_loop3A_1028, %parallel_loop3A_1029] {strides = array<i32>} : memref<16x1024xf32, #tpu.memory_space<vmem>>, vector<1x16xf32>,
      %parallel_loop3A_1031 = vector.shape_cast %parallel_loop3A_1030 : vector<1x16xf32> to vector<16xf32>
      %parallel_loop3A_1032 = vector.shape_cast %parallel_loop3A_1027 : vector<16xf32> to vector<1x16xf32>
      tpu.vector_store %arg10[%parallel_loop3A_1028, %parallel_loop3A_1029], %parallel_loop3A_1032 {strides = array<i32>} : memref<16x1024xf32, #tpu.memory_space<vmem>>, vector<1x16xf32>,
    } {sc.loop_unroll_factor = 8 : i64, sc.parallel_access}
    %add3A_552 = arith.constant 0 : i32
    %add3A_553 = arith.addi %add3A_552, %mul3A_2 : i32
    %add3A_554 = arith.constant 32 : i32
    %add3A_555 = arith.addi %add3A_553, %add3A_554 : i32
    %add3A_556 = arith.constant 8 : i32
    %add3A_557 = arith.addi %add3A_555, %add3A_556 : i32
    %dma_start3A_558 = arith.constant 8 : i32
    %dma_start3A_559 = arith.constant 0 : i32
    %dma_start3A_560 = tpu.memref_slice %arg10[%dma_start3A_558, %dma_start3A_559] : memref<16x1024xf32, #tpu.memory_space<vmem>> -> memref<8x1024xf32, #tpu.memory_space<vmem>>
    %dma_start3A_561 = arith.constant 0 : i32
    %dma_start3A_562 = tpu.memref_slice %arg4[%add3A_557, %dma_start3A_561] : memref<8192x1024xf32, #tpu.memory_space<hbm>> -> memref<8x1024xf32, #tpu.memory_space<hbm>>
    %dma_start3A_563 = arith.constant 0 : i32
    %dma_start3A_564 = tpu.memref_slice %arg4[%add3A_557, %dma_start3A_563] : memref<8192x1024xf32, #tpu.memory_space<hbm>> -> memref<8x1024xf32, #tpu.memory_space<hbm>>
    %dma_start3A_565 = arith.constant 8 : i32
    %dma_start3A_566 = arith.constant 0 : i32
    %dma_start3A_567 = tpu.memref_slice %arg10[%dma_start3A_565, %dma_start3A_566] : memref<16x1024xf32, #tpu.memory_space<vmem>> -> memref<8x1024xf32, #tpu.memory_space<vmem>>
    tpu.enqueue_dma source(%dma_start3A_567 : memref<8x1024xf32, #tpu.memory_space<vmem>>) target(%dma_start3A_564 : memref<8x1024xf32, #tpu.memory_space<hbm>>) target_semaphore(%arg17 : memref<!tpu.dma_semaphore, #tpu.memory_space<semaphore_mem>>)
    %add3A_568 = arith.constant 6144 : i32
    %add3A_569 = arith.addi %add3A_568, %mul3A_2 : i32
    %add3A_570 = arith.constant 32 : i32
    %add3A_571 = arith.addi %add3A_569, %add3A_570 : i32
    %dma_start3A_572 = arith.constant 0 : i32
    %dma_start3A_573 = tpu.memref_slice %arg2[%add3A_571, %dma_start3A_572] : memref<8192x1024xf32, #tpu.memory_space<hbm>> -> memref<16x1024xf32, #tpu.memory_space<hbm>>
    %dma_start3A_574 = arith.constant 0 : i32
    %dma_start3A_575 = tpu.memref_slice %arg2[%add3A_571, %dma_start3A_574] : memref<8192x1024xf32, #tpu.memory_space<hbm>> -> memref<16x1024xf32, #tpu.memory_space<hbm>>
    tpu.enqueue_dma source(%dma_start3A_575 : memref<16x1024xf32, #tpu.memory_space<hbm>>) target(%arg9 : memref<16x1024xf32, #tpu.memory_space<vmem>>) target_semaphore(%arg16 : memref<!tpu.dma_semaphore, #tpu.memory_space<semaphore_mem>>)
    %dma_wait3A_576 = arith.constant 0 : i32
    %dma_wait3A_577 = arith.constant 0 : i32
    %dma_wait3A_578 = tpu.memref_slice %arg2[%dma_wait3A_576, %dma_wait3A_577] : memref<8192x1024xf32, #tpu.memory_space<hbm>> -> memref<16x1024xf32, #tpu.memory_space<hbm>>
    %dma_wait3A_579 = arith.constant 0 : i32
    %dma_wait3A_580 = arith.constant 0 : i32
    %dma_wait3A_581 = tpu.memref_slice %arg2[%dma_wait3A_579, %dma_wait3A_580] : memref<8192x1024xf32, #tpu.memory_space<hbm>> -> memref<16x1024xf32, #tpu.memory_space<hbm>>
    tpu.wait_dma2 semaphore(%arg14 : memref<!tpu.dma_semaphore, #tpu.memory_space<semaphore_mem>>) src(%dma_wait3A_581 : memref<16x1024xf32, #tpu.memory_space<hbm>>) dst(%arg7 : memref<16x1024xf32, #tpu.memory_space<vmem>>)
    %dma_wait3A_582 = arith.constant 0 : i32
    %dma_wait3A_583 = arith.constant 0 : i32
    %dma_wait3A_584 = tpu.memref_slice %arg4[%dma_wait3A_582, %dma_wait3A_583] : memref<8192x1024xf32, #tpu.memory_space<hbm>> -> memref<16x1024xf32, #tpu.memory_space<hbm>>
    %dma_wait3A_585 = arith.constant 0 : i32
    %dma_wait3A_586 = arith.constant 0 : i32
    %dma_wait3A_587 = tpu.memref_slice %arg4[%dma_wait3A_585, %dma_wait3A_586] : memref<8192x1024xf32, #tpu.memory_space<hbm>> -> memref<16x1024xf32, #tpu.memory_space<hbm>>
    tpu.wait_dma2 semaphore(%arg18 : memref<!tpu.dma_semaphore, #tpu.memory_space<semaphore_mem>>) src(%arg11 : memref<16x1024xf32, #tpu.memory_space<vmem>>) dst(%dma_wait3A_587 : memref<16x1024xf32, #tpu.memory_space<hbm>>)
    %parallel_loop3A_588 = arith.constant 0 : i32
    %parallel_loop3A_589 = arith.constant 512 : i32
    %parallel_loop3A_590 = arith.constant 1 : i32
    scf.for %parallel_loop3A_976 = %parallel_loop3A_588 to %parallel_loop3A_589 step %parallel_loop3A_590  : i32 {
      %parallel_loop3A_977 = arith.constant 64 : i32
      %parallel_loop3A_978 = arith.divsi %parallel_loop3A_976, %parallel_loop3A_977 : i32
      %parallel_loop3A_979 = arith.constant 0 : i32
      %parallel_loop3A_980 = arith.cmpi sgt, %parallel_loop3A_976, %parallel_loop3A_979 : i32
      %parallel_loop3A_981 = arith.extui %parallel_loop3A_980 : i1 to i32
      %parallel_loop3A_982 = arith.constant 0 : i32
      %parallel_loop3A_983 = arith.cmpi slt, %parallel_loop3A_976, %parallel_loop3A_982 : i32
      %parallel_loop3A_984 = arith.extui %parallel_loop3A_983 : i1 to i32
      %parallel_loop3A_985 = arith.subi %parallel_loop3A_981, %parallel_loop3A_984 : i32
      %parallel_loop3A_986 = arith.constant 0 : i32
      %parallel_loop3A_987 = arith.cmpi sgt, %parallel_loop3A_977, %parallel_loop3A_986 : i32
      %parallel_loop3A_988 = arith.extui %parallel_loop3A_987 : i1 to i32
      %parallel_loop3A_989 = arith.constant 0 : i32
      %parallel_loop3A_990 = arith.cmpi slt, %parallel_loop3A_977, %parallel_loop3A_989 : i32
      %parallel_loop3A_991 = arith.extui %parallel_loop3A_990 : i1 to i32
      %parallel_loop3A_992 = arith.subi %parallel_loop3A_988, %parallel_loop3A_991 : i32
      %parallel_loop3A_993 = arith.cmpi ne, %parallel_loop3A_985, %parallel_loop3A_992 : i32
      %parallel_loop3A_994 = arith.remsi %parallel_loop3A_976, %parallel_loop3A_977 : i32
      %parallel_loop3A_995 = arith.constant 0 : i32
      %parallel_loop3A_996 = arith.cmpi ne, %parallel_loop3A_994, %parallel_loop3A_995 : i32
      %parallel_loop3A_997 = arith.andi %parallel_loop3A_993, %parallel_loop3A_996 : i1
      %parallel_loop3A_998 = arith.constant 1 : i32
      %parallel_loop3A_999 = arith.subi %parallel_loop3A_978, %parallel_loop3A_998 : i32
      %parallel_loop3A_1000 = arith.select %parallel_loop3A_997, %parallel_loop3A_999, %parallel_loop3A_978 : i32
      %parallel_loop3A_1001 = arith.constant 64 : i32
      %parallel_loop3A_1002 = arith.constant 0 : i32
      %parallel_loop3A_1003 = arith.cmpi eq, %parallel_loop3A_1001, %parallel_loop3A_1002 : i32
      %parallel_loop3A_1004 = arith.constant 1 : i32
      %parallel_loop3A_1005 = arith.select %parallel_loop3A_1003, %parallel_loop3A_1004, %parallel_loop3A_1001 : i32
      %parallel_loop3A_1006 = arith.remsi %parallel_loop3A_976, %parallel_loop3A_1005 : i32
      %parallel_loop3A_1007 = arith.constant 0 : i32
      %parallel_loop3A_1008 = arith.cmpi ne, %parallel_loop3A_1006, %parallel_loop3A_1007 : i32
      %parallel_loop3A_1009 = arith.constant 0 : i32
      %parallel_loop3A_1010 = arith.cmpi slt, %parallel_loop3A_1006, %parallel_loop3A_1009 : i32
      %parallel_loop3A_1011 = arith.constant 0 : i32
      %parallel_loop3A_1012 = arith.cmpi slt, %parallel_loop3A_1005, %parallel_loop3A_1011 : i32
      %parallel_loop3A_1013 = arith.xori %parallel_loop3A_1010, %parallel_loop3A_1012 : i1
      %parallel_loop3A_1014 = arith.andi %parallel_loop3A_1013, %parallel_loop3A_1008 : i1
      %parallel_loop3A_1015 = arith.addi %parallel_loop3A_1006, %parallel_loop3A_1005 : i32
      %parallel_loop3A_1016 = arith.select %parallel_loop3A_1014, %parallel_loop3A_1015, %parallel_loop3A_1006 : i32
      %parallel_loop3A_1017 = arith.constant 16 : i32
      %parallel_loop3A_1018 = arith.muli %parallel_loop3A_1016, %parallel_loop3A_1017 : i32
      %parallel_loop3A_1019 = arith.index_cast %parallel_loop3A_1000 : i32 to index
      %parallel_loop3A_1020 = arith.index_cast %parallel_loop3A_1018 : i32 to index
      %parallel_loop3A_1021 = tpu.vector_load %arg7[%parallel_loop3A_1019, %parallel_loop3A_1020] {strides = array<i32>} : memref<16x1024xf32, #tpu.memory_space<vmem>>, vector<1x16xf32>,
      %parallel_loop3A_1022 = vector.shape_cast %parallel_loop3A_1021 : vector<1x16xf32> to vector<16xf32>
      %parallel_loop3A_1023 = arith.index_cast %parallel_loop3A_1000 : i32 to index
      %parallel_loop3A_1024 = arith.index_cast %parallel_loop3A_1018 : i32 to index
      %parallel_loop3A_1025 = tpu.vector_load %arg5[%parallel_loop3A_1023, %parallel_loop3A_1024] {strides = array<i32>} : memref<16x1024xf32, #tpu.memory_space<vmem>>, vector<1x16xf32>,
      %parallel_loop3A_1026 = vector.shape_cast %parallel_loop3A_1025 : vector<1x16xf32> to vector<16xf32>
      %parallel_loop3A_1027 = arith.addf %parallel_loop3A_1022, %parallel_loop3A_1026 : vector<16xf32>
      %parallel_loop3A_1028 = arith.index_cast %parallel_loop3A_1000 : i32 to index
      %parallel_loop3A_1029 = arith.index_cast %parallel_loop3A_1018 : i32 to index
      %parallel_loop3A_1030 = tpu.vector_load %arg11[%parallel_loop3A_1028, %parallel_loop3A_1029] {strides = array<i32>} : memref<16x1024xf32, #tpu.memory_space<vmem>>, vector<1x16xf32>,
      %parallel_loop3A_1031 = vector.shape_cast %parallel_loop3A_1030 : vector<1x16xf32> to vector<16xf32>
      %parallel_loop3A_1032 = vector.shape_cast %parallel_loop3A_1027 : vector<16xf32> to vector<1x16xf32>
      tpu.vector_store %arg11[%parallel_loop3A_1028, %parallel_loop3A_1029], %parallel_loop3A_1032 {strides = array<i32>} : memref<16x1024xf32, #tpu.memory_space<vmem>>, vector<1x16xf32>,
    } {sc.loop_unroll_factor = 8 : i64, sc.parallel_access}
    %add3A_591 = arith.constant 2048 : i32
    %add3A_592 = arith.addi %add3A_591, %mul3A_2 : i32
    %add3A_593 = arith.constant 32 : i32
    %add3A_594 = arith.addi %add3A_592, %add3A_593 : i32
    %add3A_595 = arith.constant 0 : i32
    %add3A_596 = arith.addi %add3A_594, %add3A_595 : i32
    %dma_start3A_597 = arith.constant 0 : i32
    %dma_start3A_598 = arith.constant 0 : i32
    %dma_start3A_599 = tpu.memref_slice %arg11[%dma_start3A_597, %dma_start3A_598] : memref<16x1024xf32, #tpu.memory_space<vmem>> -> memref<8x1024xf32, #tpu.memory_space<vmem>>
    %dma_start3A_600 = arith.constant 0 : i32
    %dma_start3A_601 = tpu.memref_slice %arg4[%add3A_596, %dma_start3A_600] : memref<8192x1024xf32, #tpu.memory_space<hbm>> -> memref<8x1024xf32, #tpu.memory_space<hbm>>
    %dma_start3A_602 = arith.constant 0 : i32
    %dma_start3A_603 = tpu.memref_slice %arg4[%add3A_596, %dma_start3A_602] : memref<8192x1024xf32, #tpu.memory_space<hbm>> -> memref<8x1024xf32, #tpu.memory_space<hbm>>
    %dma_start3A_604 = arith.constant 0 : i32
    %dma_start3A_605 = arith.constant 0 : i32
    %dma_start3A_606 = tpu.memref_slice %arg11[%dma_start3A_604, %dma_start3A_605] : memref<16x1024xf32, #tpu.memory_space<vmem>> -> memref<8x1024xf32, #tpu.memory_space<vmem>>
    tpu.enqueue_dma source(%dma_start3A_606 : memref<8x1024xf32, #tpu.memory_space<vmem>>) target(%dma_start3A_603 : memref<8x1024xf32, #tpu.memory_space<hbm>>) target_semaphore(%arg18 : memref<!tpu.dma_semaphore, #tpu.memory_space<semaphore_mem>>)
    %parallel_loop3A_607 = arith.constant 512 : i32
    %parallel_loop3A_608 = arith.constant 1024 : i32
    %parallel_loop3A_609 = arith.constant 1 : i32
    scf.for %parallel_loop3A_976 = %parallel_loop3A_607 to %parallel_loop3A_608 step %parallel_loop3A_609  : i32 {
      %parallel_loop3A_977 = arith.constant 64 : i32
      %parallel_loop3A_978 = arith.divsi %parallel_loop3A_976, %parallel_loop3A_977 : i32
      %parallel_loop3A_979 = arith.constant 0 : i32
      %parallel_loop3A_980 = arith.cmpi sgt, %parallel_loop3A_976, %parallel_loop3A_979 : i32
      %parallel_loop3A_981 = arith.extui %parallel_loop3A_980 : i1 to i32
      %parallel_loop3A_982 = arith.constant 0 : i32
      %parallel_loop3A_983 = arith.cmpi slt, %parallel_loop3A_976, %parallel_loop3A_982 : i32
      %parallel_loop3A_984 = arith.extui %parallel_loop3A_983 : i1 to i32
      %parallel_loop3A_985 = arith.subi %parallel_loop3A_981, %parallel_loop3A_984 : i32
      %parallel_loop3A_986 = arith.constant 0 : i32
      %parallel_loop3A_987 = arith.cmpi sgt, %parallel_loop3A_977, %parallel_loop3A_986 : i32
      %parallel_loop3A_988 = arith.extui %parallel_loop3A_987 : i1 to i32
      %parallel_loop3A_989 = arith.constant 0 : i32
      %parallel_loop3A_990 = arith.cmpi slt, %parallel_loop3A_977, %parallel_loop3A_989 : i32
      %parallel_loop3A_991 = arith.extui %parallel_loop3A_990 : i1 to i32
      %parallel_loop3A_992 = arith.subi %parallel_loop3A_988, %parallel_loop3A_991 : i32
      %parallel_loop3A_993 = arith.cmpi ne, %parallel_loop3A_985, %parallel_loop3A_992 : i32
      %parallel_loop3A_994 = arith.remsi %parallel_loop3A_976, %parallel_loop3A_977 : i32
      %parallel_loop3A_995 = arith.constant 0 : i32
      %parallel_loop3A_996 = arith.cmpi ne, %parallel_loop3A_994, %parallel_loop3A_995 : i32
      %parallel_loop3A_997 = arith.andi %parallel_loop3A_993, %parallel_loop3A_996 : i1
      %parallel_loop3A_998 = arith.constant 1 : i32
      %parallel_loop3A_999 = arith.subi %parallel_loop3A_978, %parallel_loop3A_998 : i32
      %parallel_loop3A_1000 = arith.select %parallel_loop3A_997, %parallel_loop3A_999, %parallel_loop3A_978 : i32
      %parallel_loop3A_1001 = arith.constant 64 : i32
      %parallel_loop3A_1002 = arith.constant 0 : i32
      %parallel_loop3A_1003 = arith.cmpi eq, %parallel_loop3A_1001, %parallel_loop3A_1002 : i32
      %parallel_loop3A_1004 = arith.constant 1 : i32
      %parallel_loop3A_1005 = arith.select %parallel_loop3A_1003, %parallel_loop3A_1004, %parallel_loop3A_1001 : i32
      %parallel_loop3A_1006 = arith.remsi %parallel_loop3A_976, %parallel_loop3A_1005 : i32
      %parallel_loop3A_1007 = arith.constant 0 : i32
      %parallel_loop3A_1008 = arith.cmpi ne, %parallel_loop3A_1006, %parallel_loop3A_1007 : i32
      %parallel_loop3A_1009 = arith.constant 0 : i32
      %parallel_loop3A_1010 = arith.cmpi slt, %parallel_loop3A_1006, %parallel_loop3A_1009 : i32
      %parallel_loop3A_1011 = arith.constant 0 : i32
      %parallel_loop3A_1012 = arith.cmpi slt, %parallel_loop3A_1005, %parallel_loop3A_1011 : i32
      %parallel_loop3A_1013 = arith.xori %parallel_loop3A_1010, %parallel_loop3A_1012 : i1
      %parallel_loop3A_1014 = arith.andi %parallel_loop3A_1013, %parallel_loop3A_1008 : i1
      %parallel_loop3A_1015 = arith.addi %parallel_loop3A_1006, %parallel_loop3A_1005 : i32
      %parallel_loop3A_1016 = arith.select %parallel_loop3A_1014, %parallel_loop3A_1015, %parallel_loop3A_1006 : i32
      %parallel_loop3A_1017 = arith.constant 16 : i32
      %parallel_loop3A_1018 = arith.muli %parallel_loop3A_1016, %parallel_loop3A_1017 : i32
      %parallel_loop3A_1019 = arith.index_cast %parallel_loop3A_1000 : i32 to index
      %parallel_loop3A_1020 = arith.index_cast %parallel_loop3A_1018 : i32 to index
      %parallel_loop3A_1021 = tpu.vector_load %arg7[%parallel_loop3A_1019, %parallel_loop3A_1020] {strides = array<i32>} : memref<16x1024xf32, #tpu.memory_space<vmem>>, vector<1x16xf32>,
      %parallel_loop3A_1022 = vector.shape_cast %parallel_loop3A_1021 : vector<1x16xf32> to vector<16xf32>
      %parallel_loop3A_1023 = arith.index_cast %parallel_loop3A_1000 : i32 to index
      %parallel_loop3A_1024 = arith.index_cast %parallel_loop3A_1018 : i32 to index
      %parallel_loop3A_1025 = tpu.vector_load %arg5[%parallel_loop3A_1023, %parallel_loop3A_1024] {strides = array<i32>} : memref<16x1024xf32, #tpu.memory_space<vmem>>, vector<1x16xf32>,
      %parallel_loop3A_1026 = vector.shape_cast %parallel_loop3A_1025 : vector<1x16xf32> to vector<16xf32>
      %parallel_loop3A_1027 = arith.addf %parallel_loop3A_1022, %parallel_loop3A_1026 : vector<16xf32>
      %parallel_loop3A_1028 = arith.index_cast %parallel_loop3A_1000 : i32 to index
      %parallel_loop3A_1029 = arith.index_cast %parallel_loop3A_1018 : i32 to index
      %parallel_loop3A_1030 = tpu.vector_load %arg11[%parallel_loop3A_1028, %parallel_loop3A_1029] {strides = array<i32>} : memref<16x1024xf32, #tpu.memory_space<vmem>>, vector<1x16xf32>,
      %parallel_loop3A_1031 = vector.shape_cast %parallel_loop3A_1030 : vector<1x16xf32> to vector<16xf32>
      %parallel_loop3A_1032 = vector.shape_cast %parallel_loop3A_1027 : vector<16xf32> to vector<1x16xf32>
      tpu.vector_store %arg11[%parallel_loop3A_1028, %parallel_loop3A_1029], %parallel_loop3A_1032 {strides = array<i32>} : memref<16x1024xf32, #tpu.memory_space<vmem>>, vector<1x16xf32>,
    } {sc.loop_unroll_factor = 8 : i64, sc.parallel_access}
    %add3A_610 = arith.constant 2048 : i32
    %add3A_611 = arith.addi %add3A_610, %mul3A_2 : i32
    %add3A_612 = arith.constant 32 : i32
    %add3A_613 = arith.addi %add3A_611, %add3A_612 : i32
    %add3A_614 = arith.constant 8 : i32
    %add3A_615 = arith.addi %add3A_613, %add3A_614 : i32
    %dma_start3A_616 = arith.constant 8 : i32
    %dma_start3A_617 = arith.constant 0 : i32
    %dma_start3A_618 = tpu.memref_slice %arg11[%dma_start3A_616, %dma_start3A_617] : memref<16x1024xf32, #tpu.memory_space<vmem>> -> memref<8x1024xf32, #tpu.memory_space<vmem>>
    %dma_start3A_619 = arith.constant 0 : i32
    %dma_start3A_620 = tpu.memref_slice %arg4[%add3A_615, %dma_start3A_619] : memref<8192x1024xf32, #tpu.memory_space<hbm>> -> memref<8x1024xf32, #tpu.memory_space<hbm>>
    %dma_start3A_621 = arith.constant 0 : i32
    %dma_start3A_622 = tpu.memref_slice %arg4[%add3A_615, %dma_start3A_621] : memref<8192x1024xf32, #tpu.memory_space<hbm>> -> memref<8x1024xf32, #tpu.memory_space<hbm>>
    %dma_start3A_623 = arith.constant 8 : i32
    %dma_start3A_624 = arith.constant 0 : i32
    %dma_start3A_625 = tpu.memref_slice %arg11[%dma_start3A_623, %dma_start3A_624] : memref<16x1024xf32, #tpu.memory_space<vmem>> -> memref<8x1024xf32, #tpu.memory_space<vmem>>
    tpu.enqueue_dma source(%dma_start3A_625 : memref<8x1024xf32, #tpu.memory_space<vmem>>) target(%dma_start3A_622 : memref<8x1024xf32, #tpu.memory_space<hbm>>) target_semaphore(%arg18 : memref<!tpu.dma_semaphore, #tpu.memory_space<semaphore_mem>>)
    %add3A_626 = arith.constant 0 : i32
    %add3A_627 = arith.addi %add3A_626, %mul3A_2 : i32
    %add3A_628 = arith.constant 48 : i32
    %add3A_629 = arith.addi %add3A_627, %add3A_628 : i32
    %dma_start3A_630 = arith.constant 0 : i32
    %dma_start3A_631 = tpu.memref_slice %arg2[%add3A_629, %dma_start3A_630] : memref<8192x1024xf32, #tpu.memory_space<hbm>> -> memref<16x1024xf32, #tpu.memory_space<hbm>>
    %dma_start3A_632 = arith.constant 0 : i32
    %dma_start3A_633 = tpu.memref_slice %arg2[%add3A_629, %dma_start3A_632] : memref<8192x1024xf32, #tpu.memory_space<hbm>> -> memref<16x1024xf32, #tpu.memory_space<hbm>>
    tpu.enqueue_dma source(%dma_start3A_633 : memref<16x1024xf32, #tpu.memory_space<hbm>>) target(%arg7 : memref<16x1024xf32, #tpu.memory_space<vmem>>) target_semaphore(%arg14 : memref<!tpu.dma_semaphore, #tpu.memory_space<semaphore_mem>>)
    %dma_wait3A_634 = arith.constant 0 : i32
    %dma_wait3A_635 = arith.constant 0 : i32
    %dma_wait3A_636 = tpu.memref_slice %arg2[%dma_wait3A_634, %dma_wait3A_635] : memref<8192x1024xf32, #tpu.memory_space<hbm>> -> memref<16x1024xf32, #tpu.memory_space<hbm>>
    %dma_wait3A_637 = arith.constant 0 : i32
    %dma_wait3A_638 = arith.constant 0 : i32
    %dma_wait3A_639 = tpu.memref_slice %arg2[%dma_wait3A_637, %dma_wait3A_638] : memref<8192x1024xf32, #tpu.memory_space<hbm>> -> memref<16x1024xf32, #tpu.memory_space<hbm>>
    tpu.wait_dma2 semaphore(%arg15 : memref<!tpu.dma_semaphore, #tpu.memory_space<semaphore_mem>>) src(%dma_wait3A_639 : memref<16x1024xf32, #tpu.memory_space<hbm>>) dst(%arg8 : memref<16x1024xf32, #tpu.memory_space<vmem>>)
    %dma_wait3A_640 = arith.constant 0 : i32
    %dma_wait3A_641 = arith.constant 0 : i32
    %dma_wait3A_642 = tpu.memref_slice %arg4[%dma_wait3A_640, %dma_wait3A_641] : memref<8192x1024xf32, #tpu.memory_space<hbm>> -> memref<16x1024xf32, #tpu.memory_space<hbm>>
    %dma_wait3A_643 = arith.constant 0 : i32
    %dma_wait3A_644 = arith.constant 0 : i32
    %dma_wait3A_645 = tpu.memref_slice %arg4[%dma_wait3A_643, %dma_wait3A_644] : memref<8192x1024xf32, #tpu.memory_space<hbm>> -> memref<16x1024xf32, #tpu.memory_space<hbm>>
    tpu.wait_dma2 semaphore(%arg17 : memref<!tpu.dma_semaphore, #tpu.memory_space<semaphore_mem>>) src(%arg10 : memref<16x1024xf32, #tpu.memory_space<vmem>>) dst(%dma_wait3A_645 : memref<16x1024xf32, #tpu.memory_space<hbm>>)
    %parallel_loop3A_646 = arith.constant 0 : i32
    %parallel_loop3A_647 = arith.constant 512 : i32
    %parallel_loop3A_648 = arith.constant 1 : i32
    scf.for %parallel_loop3A_976 = %parallel_loop3A_646 to %parallel_loop3A_647 step %parallel_loop3A_648  : i32 {
      %parallel_loop3A_977 = arith.constant 64 : i32
      %parallel_loop3A_978 = arith.divsi %parallel_loop3A_976, %parallel_loop3A_977 : i32
      %parallel_loop3A_979 = arith.constant 0 : i32
      %parallel_loop3A_980 = arith.cmpi sgt, %parallel_loop3A_976, %parallel_loop3A_979 : i32
      %parallel_loop3A_981 = arith.extui %parallel_loop3A_980 : i1 to i32
      %parallel_loop3A_982 = arith.constant 0 : i32
      %parallel_loop3A_983 = arith.cmpi slt, %parallel_loop3A_976, %parallel_loop3A_982 : i32
      %parallel_loop3A_984 = arith.extui %parallel_loop3A_983 : i1 to i32
      %parallel_loop3A_985 = arith.subi %parallel_loop3A_981, %parallel_loop3A_984 : i32
      %parallel_loop3A_986 = arith.constant 0 : i32
      %parallel_loop3A_987 = arith.cmpi sgt, %parallel_loop3A_977, %parallel_loop3A_986 : i32
      %parallel_loop3A_988 = arith.extui %parallel_loop3A_987 : i1 to i32
      %parallel_loop3A_989 = arith.constant 0 : i32
      %parallel_loop3A_990 = arith.cmpi slt, %parallel_loop3A_977, %parallel_loop3A_989 : i32
      %parallel_loop3A_991 = arith.extui %parallel_loop3A_990 : i1 to i32
      %parallel_loop3A_992 = arith.subi %parallel_loop3A_988, %parallel_loop3A_991 : i32
      %parallel_loop3A_993 = arith.cmpi ne, %parallel_loop3A_985, %parallel_loop3A_992 : i32
      %parallel_loop3A_994 = arith.remsi %parallel_loop3A_976, %parallel_loop3A_977 : i32
      %parallel_loop3A_995 = arith.constant 0 : i32
      %parallel_loop3A_996 = arith.cmpi ne, %parallel_loop3A_994, %parallel_loop3A_995 : i32
      %parallel_loop3A_997 = arith.andi %parallel_loop3A_993, %parallel_loop3A_996 : i1
      %parallel_loop3A_998 = arith.constant 1 : i32
      %parallel_loop3A_999 = arith.subi %parallel_loop3A_978, %parallel_loop3A_998 : i32
      %parallel_loop3A_1000 = arith.select %parallel_loop3A_997, %parallel_loop3A_999, %parallel_loop3A_978 : i32
      %parallel_loop3A_1001 = arith.constant 64 : i32
      %parallel_loop3A_1002 = arith.constant 0 : i32
      %parallel_loop3A_1003 = arith.cmpi eq, %parallel_loop3A_1001, %parallel_loop3A_1002 : i32
      %parallel_loop3A_1004 = arith.constant 1 : i32
      %parallel_loop3A_1005 = arith.select %parallel_loop3A_1003, %parallel_loop3A_1004, %parallel_loop3A_1001 : i32
      %parallel_loop3A_1006 = arith.remsi %parallel_loop3A_976, %parallel_loop3A_1005 : i32
      %parallel_loop3A_1007 = arith.constant 0 : i32
      %parallel_loop3A_1008 = arith.cmpi ne, %parallel_loop3A_1006, %parallel_loop3A_1007 : i32
      %parallel_loop3A_1009 = arith.constant 0 : i32
      %parallel_loop3A_1010 = arith.cmpi slt, %parallel_loop3A_1006, %parallel_loop3A_1009 : i32
      %parallel_loop3A_1011 = arith.constant 0 : i32
      %parallel_loop3A_1012 = arith.cmpi slt, %parallel_loop3A_1005, %parallel_loop3A_1011 : i32
      %parallel_loop3A_1013 = arith.xori %parallel_loop3A_1010, %parallel_loop3A_1012 : i1
      %parallel_loop3A_1014 = arith.andi %parallel_loop3A_1013, %parallel_loop3A_1008 : i1
      %parallel_loop3A_1015 = arith.addi %parallel_loop3A_1006, %parallel_loop3A_1005 : i32
      %parallel_loop3A_1016 = arith.select %parallel_loop3A_1014, %parallel_loop3A_1015, %parallel_loop3A_1006 : i32
      %parallel_loop3A_1017 = arith.constant 16 : i32
      %parallel_loop3A_1018 = arith.muli %parallel_loop3A_1016, %parallel_loop3A_1017 : i32
      %parallel_loop3A_1019 = arith.index_cast %parallel_loop3A_1000 : i32 to index
      %parallel_loop3A_1020 = arith.index_cast %parallel_loop3A_1018 : i32 to index
      %parallel_loop3A_1021 = tpu.vector_load %arg8[%parallel_loop3A_1019, %parallel_loop3A_1020] {strides = array<i32>} : memref<16x1024xf32, #tpu.memory_space<vmem>>, vector<1x16xf32>,
      %parallel_loop3A_1022 = vector.shape_cast %parallel_loop3A_1021 : vector<1x16xf32> to vector<16xf32>
      %parallel_loop3A_1023 = arith.index_cast %parallel_loop3A_1000 : i32 to index
      %parallel_loop3A_1024 = arith.index_cast %parallel_loop3A_1018 : i32 to index
      %parallel_loop3A_1025 = tpu.vector_load %arg5[%parallel_loop3A_1023, %parallel_loop3A_1024] {strides = array<i32>} : memref<16x1024xf32, #tpu.memory_space<vmem>>, vector<1x16xf32>,
      %parallel_loop3A_1026 = vector.shape_cast %parallel_loop3A_1025 : vector<1x16xf32> to vector<16xf32>
      %parallel_loop3A_1027 = arith.addf %parallel_loop3A_1022, %parallel_loop3A_1026 : vector<16xf32>
      %parallel_loop3A_1028 = arith.index_cast %parallel_loop3A_1000 : i32 to index
      %parallel_loop3A_1029 = arith.index_cast %parallel_loop3A_1018 : i32 to index
      %parallel_loop3A_1030 = tpu.vector_load %arg10[%parallel_loop3A_1028, %parallel_loop3A_1029] {strides = array<i32>} : memref<16x1024xf32, #tpu.memory_space<vmem>>, vector<1x16xf32>,
      %parallel_loop3A_1031 = vector.shape_cast %parallel_loop3A_1030 : vector<1x16xf32> to vector<16xf32>
      %parallel_loop3A_1032 = vector.shape_cast %parallel_loop3A_1027 : vector<16xf32> to vector<1x16xf32>
      tpu.vector_store %arg10[%parallel_loop3A_1028, %parallel_loop3A_1029], %parallel_loop3A_1032 {strides = array<i32>} : memref<16x1024xf32, #tpu.memory_space<vmem>>, vector<1x16xf32>,
    } {sc.loop_unroll_factor = 8 : i64, sc.parallel_access}
    %add3A_649 = arith.constant 4096 : i32
    %add3A_650 = arith.addi %add3A_649, %mul3A_2 : i32
    %add3A_651 = arith.constant 32 : i32
    %add3A_652 = arith.addi %add3A_650, %add3A_651 : i32
    %add3A_653 = arith.constant 0 : i32
    %add3A_654 = arith.addi %add3A_652, %add3A_653 : i32
    %dma_start3A_655 = arith.constant 0 : i32
    %dma_start3A_656 = arith.constant 0 : i32
    %dma_start3A_657 = tpu.memref_slice %arg10[%dma_start3A_655, %dma_start3A_656] : memref<16x1024xf32, #tpu.memory_space<vmem>> -> memref<8x1024xf32, #tpu.memory_space<vmem>>
    %dma_start3A_658 = arith.constant 0 : i32
    %dma_start3A_659 = tpu.memref_slice %arg4[%add3A_654, %dma_start3A_658] : memref<8192x1024xf32, #tpu.memory_space<hbm>> -> memref<8x1024xf32, #tpu.memory_space<hbm>>
    %dma_start3A_660 = arith.constant 0 : i32
    %dma_start3A_661 = tpu.memref_slice %arg4[%add3A_654, %dma_start3A_660] : memref<8192x1024xf32, #tpu.memory_space<hbm>> -> memref<8x1024xf32, #tpu.memory_space<hbm>>
    %dma_start3A_662 = arith.constant 0 : i32
    %dma_start3A_663 = arith.constant 0 : i32
    %dma_start3A_664 = tpu.memref_slice %arg10[%dma_start3A_662, %dma_start3A_663] : memref<16x1024xf32, #tpu.memory_space<vmem>> -> memref<8x1024xf32, #tpu.memory_space<vmem>>
    tpu.enqueue_dma source(%dma_start3A_664 : memref<8x1024xf32, #tpu.memory_space<vmem>>) target(%dma_start3A_661 : memref<8x1024xf32, #tpu.memory_space<hbm>>) target_semaphore(%arg17 : memref<!tpu.dma_semaphore, #tpu.memory_space<semaphore_mem>>)
    %parallel_loop3A_665 = arith.constant 512 : i32
    %parallel_loop3A_666 = arith.constant 1024 : i32
    %parallel_loop3A_667 = arith.constant 1 : i32
    scf.for %parallel_loop3A_976 = %parallel_loop3A_665 to %parallel_loop3A_666 step %parallel_loop3A_667  : i32 {
      %parallel_loop3A_977 = arith.constant 64 : i32
      %parallel_loop3A_978 = arith.divsi %parallel_loop3A_976, %parallel_loop3A_977 : i32
      %parallel_loop3A_979 = arith.constant 0 : i32
      %parallel_loop3A_980 = arith.cmpi sgt, %parallel_loop3A_976, %parallel_loop3A_979 : i32
      %parallel_loop3A_981 = arith.extui %parallel_loop3A_980 : i1 to i32
      %parallel_loop3A_982 = arith.constant 0 : i32
      %parallel_loop3A_983 = arith.cmpi slt, %parallel_loop3A_976, %parallel_loop3A_982 : i32
      %parallel_loop3A_984 = arith.extui %parallel_loop3A_983 : i1 to i32
      %parallel_loop3A_985 = arith.subi %parallel_loop3A_981, %parallel_loop3A_984 : i32
      %parallel_loop3A_986 = arith.constant 0 : i32
      %parallel_loop3A_987 = arith.cmpi sgt, %parallel_loop3A_977, %parallel_loop3A_986 : i32
      %parallel_loop3A_988 = arith.extui %parallel_loop3A_987 : i1 to i32
      %parallel_loop3A_989 = arith.constant 0 : i32
      %parallel_loop3A_990 = arith.cmpi slt, %parallel_loop3A_977, %parallel_loop3A_989 : i32
      %parallel_loop3A_991 = arith.extui %parallel_loop3A_990 : i1 to i32
      %parallel_loop3A_992 = arith.subi %parallel_loop3A_988, %parallel_loop3A_991 : i32
      %parallel_loop3A_993 = arith.cmpi ne, %parallel_loop3A_985, %parallel_loop3A_992 : i32
      %parallel_loop3A_994 = arith.remsi %parallel_loop3A_976, %parallel_loop3A_977 : i32
      %parallel_loop3A_995 = arith.constant 0 : i32
      %parallel_loop3A_996 = arith.cmpi ne, %parallel_loop3A_994, %parallel_loop3A_995 : i32
      %parallel_loop3A_997 = arith.andi %parallel_loop3A_993, %parallel_loop3A_996 : i1
      %parallel_loop3A_998 = arith.constant 1 : i32
      %parallel_loop3A_999 = arith.subi %parallel_loop3A_978, %parallel_loop3A_998 : i32
      %parallel_loop3A_1000 = arith.select %parallel_loop3A_997, %parallel_loop3A_999, %parallel_loop3A_978 : i32
      %parallel_loop3A_1001 = arith.constant 64 : i32
      %parallel_loop3A_1002 = arith.constant 0 : i32
      %parallel_loop3A_1003 = arith.cmpi eq, %parallel_loop3A_1001, %parallel_loop3A_1002 : i32
      %parallel_loop3A_1004 = arith.constant 1 : i32
      %parallel_loop3A_1005 = arith.select %parallel_loop3A_1003, %parallel_loop3A_1004, %parallel_loop3A_1001 : i32
      %parallel_loop3A_1006 = arith.remsi %parallel_loop3A_976, %parallel_loop3A_1005 : i32
      %parallel_loop3A_1007 = arith.constant 0 : i32
      %parallel_loop3A_1008 = arith.cmpi ne, %parallel_loop3A_1006, %parallel_loop3A_1007 : i32
      %parallel_loop3A_1009 = arith.constant 0 : i32
      %parallel_loop3A_1010 = arith.cmpi slt, %parallel_loop3A_1006, %parallel_loop3A_1009 : i32
      %parallel_loop3A_1011 = arith.constant 0 : i32
      %parallel_loop3A_1012 = arith.cmpi slt, %parallel_loop3A_1005, %parallel_loop3A_1011 : i32
      %parallel_loop3A_1013 = arith.xori %parallel_loop3A_1010, %parallel_loop3A_1012 : i1
      %parallel_loop3A_1014 = arith.andi %parallel_loop3A_1013, %parallel_loop3A_1008 : i1
      %parallel_loop3A_1015 = arith.addi %parallel_loop3A_1006, %parallel_loop3A_1005 : i32
      %parallel_loop3A_1016 = arith.select %parallel_loop3A_1014, %parallel_loop3A_1015, %parallel_loop3A_1006 : i32
      %parallel_loop3A_1017 = arith.constant 16 : i32
      %parallel_loop3A_1018 = arith.muli %parallel_loop3A_1016, %parallel_loop3A_1017 : i32
      %parallel_loop3A_1019 = arith.index_cast %parallel_loop3A_1000 : i32 to index
      %parallel_loop3A_1020 = arith.index_cast %parallel_loop3A_1018 : i32 to index
      %parallel_loop3A_1021 = tpu.vector_load %arg8[%parallel_loop3A_1019, %parallel_loop3A_1020] {strides = array<i32>} : memref<16x1024xf32, #tpu.memory_space<vmem>>, vector<1x16xf32>,
      %parallel_loop3A_1022 = vector.shape_cast %parallel_loop3A_1021 : vector<1x16xf32> to vector<16xf32>
      %parallel_loop3A_1023 = arith.index_cast %parallel_loop3A_1000 : i32 to index
      %parallel_loop3A_1024 = arith.index_cast %parallel_loop3A_1018 : i32 to index
      %parallel_loop3A_1025 = tpu.vector_load %arg5[%parallel_loop3A_1023, %parallel_loop3A_1024] {strides = array<i32>} : memref<16x1024xf32, #tpu.memory_space<vmem>>, vector<1x16xf32>,
      %parallel_loop3A_1026 = vector.shape_cast %parallel_loop3A_1025 : vector<1x16xf32> to vector<16xf32>
      %parallel_loop3A_1027 = arith.addf %parallel_loop3A_1022, %parallel_loop3A_1026 : vector<16xf32>
      %parallel_loop3A_1028 = arith.index_cast %parallel_loop3A_1000 : i32 to index
      %parallel_loop3A_1029 = arith.index_cast %parallel_loop3A_1018 : i32 to index
      %parallel_loop3A_1030 = tpu.vector_load %arg10[%parallel_loop3A_1028, %parallel_loop3A_1029] {strides = array<i32>} : memref<16x1024xf32, #tpu.memory_space<vmem>>, vector<1x16xf32>,
      %parallel_loop3A_1031 = vector.shape_cast %parallel_loop3A_1030 : vector<1x16xf32> to vector<16xf32>
      %parallel_loop3A_1032 = vector.shape_cast %parallel_loop3A_1027 : vector<16xf32> to vector<1x16xf32>
      tpu.vector_store %arg10[%parallel_loop3A_1028, %parallel_loop3A_1029], %parallel_loop3A_1032 {strides = array<i32>} : memref<16x1024xf32, #tpu.memory_space<vmem>>, vector<1x16xf32>,
    } {sc.loop_unroll_factor = 8 : i64, sc.parallel_access}
    %add3A_668 = arith.constant 4096 : i32
    %add3A_669 = arith.addi %add3A_668, %mul3A_2 : i32
    %add3A_670 = arith.constant 32 : i32
    %add3A_671 = arith.addi %add3A_669, %add3A_670 : i32
    %add3A_672 = arith.constant 8 : i32
    %add3A_673 = arith.addi %add3A_671, %add3A_672 : i32
    %dma_start3A_674 = arith.constant 8 : i32
    %dma_start3A_675 = arith.constant 0 : i32
    %dma_start3A_676 = tpu.memref_slice %arg10[%dma_start3A_674, %dma_start3A_675] : memref<16x1024xf32, #tpu.memory_space<vmem>> -> memref<8x1024xf32, #tpu.memory_space<vmem>>
    %dma_start3A_677 = arith.constant 0 : i32
    %dma_start3A_678 = tpu.memref_slice %arg4[%add3A_673, %dma_start3A_677] : memref<8192x1024xf32, #tpu.memory_space<hbm>> -> memref<8x1024xf32, #tpu.memory_space<hbm>>
    %dma_start3A_679 = arith.constant 0 : i32
    %dma_start3A_680 = tpu.memref_slice %arg4[%add3A_673, %dma_start3A_679] : memref<8192x1024xf32, #tpu.memory_space<hbm>> -> memref<8x1024xf32, #tpu.memory_space<hbm>>
    %dma_start3A_681 = arith.constant 8 : i32
    %dma_start3A_682 = arith.constant 0 : i32
    %dma_start3A_683 = tpu.memref_slice %arg10[%dma_start3A_681, %dma_start3A_682] : memref<16x1024xf32, #tpu.memory_space<vmem>> -> memref<8x1024xf32, #tpu.memory_space<vmem>>
    tpu.enqueue_dma source(%dma_start3A_683 : memref<8x1024xf32, #tpu.memory_space<vmem>>) target(%dma_start3A_680 : memref<8x1024xf32, #tpu.memory_space<hbm>>) target_semaphore(%arg17 : memref<!tpu.dma_semaphore, #tpu.memory_space<semaphore_mem>>)
    %add3A_684 = arith.constant 2048 : i32
    %add3A_685 = arith.addi %add3A_684, %mul3A_2 : i32
    %add3A_686 = arith.constant 48 : i32
    %add3A_687 = arith.addi %add3A_685, %add3A_686 : i32
    %dma_start3A_688 = arith.constant 0 : i32
    %dma_start3A_689 = tpu.memref_slice %arg2[%add3A_687, %dma_start3A_688] : memref<8192x1024xf32, #tpu.memory_space<hbm>> -> memref<16x1024xf32, #tpu.memory_space<hbm>>
    %dma_start3A_690 = arith.constant 0 : i32
    %dma_start3A_691 = tpu.memref_slice %arg2[%add3A_687, %dma_start3A_690] : memref<8192x1024xf32, #tpu.memory_space<hbm>> -> memref<16x1024xf32, #tpu.memory_space<hbm>>
    tpu.enqueue_dma source(%dma_start3A_691 : memref<16x1024xf32, #tpu.memory_space<hbm>>) target(%arg8 : memref<16x1024xf32, #tpu.memory_space<vmem>>) target_semaphore(%arg15 : memref<!tpu.dma_semaphore, #tpu.memory_space<semaphore_mem>>)
    %dma_wait3A_692 = arith.constant 0 : i32
    %dma_wait3A_693 = arith.constant 0 : i32
    %dma_wait3A_694 = tpu.memref_slice %arg2[%dma_wait3A_692, %dma_wait3A_693] : memref<8192x1024xf32, #tpu.memory_space<hbm>> -> memref<16x1024xf32, #tpu.memory_space<hbm>>
    %dma_wait3A_695 = arith.constant 0 : i32
    %dma_wait3A_696 = arith.constant 0 : i32
    %dma_wait3A_697 = tpu.memref_slice %arg2[%dma_wait3A_695, %dma_wait3A_696] : memref<8192x1024xf32, #tpu.memory_space<hbm>> -> memref<16x1024xf32, #tpu.memory_space<hbm>>
    tpu.wait_dma2 semaphore(%arg16 : memref<!tpu.dma_semaphore, #tpu.memory_space<semaphore_mem>>) src(%dma_wait3A_697 : memref<16x1024xf32, #tpu.memory_space<hbm>>) dst(%arg9 : memref<16x1024xf32, #tpu.memory_space<vmem>>)
    %dma_wait3A_698 = arith.constant 0 : i32
    %dma_wait3A_699 = arith.constant 0 : i32
    %dma_wait3A_700 = tpu.memref_slice %arg4[%dma_wait3A_698, %dma_wait3A_699] : memref<8192x1024xf32, #tpu.memory_space<hbm>> -> memref<16x1024xf32, #tpu.memory_space<hbm>>
    %dma_wait3A_701 = arith.constant 0 : i32
    %dma_wait3A_702 = arith.constant 0 : i32
    %dma_wait3A_703 = tpu.memref_slice %arg4[%dma_wait3A_701, %dma_wait3A_702] : memref<8192x1024xf32, #tpu.memory_space<hbm>> -> memref<16x1024xf32, #tpu.memory_space<hbm>>
    tpu.wait_dma2 semaphore(%arg18 : memref<!tpu.dma_semaphore, #tpu.memory_space<semaphore_mem>>) src(%arg11 : memref<16x1024xf32, #tpu.memory_space<vmem>>) dst(%dma_wait3A_703 : memref<16x1024xf32, #tpu.memory_space<hbm>>)
    %parallel_loop3A_704 = arith.constant 0 : i32
    %parallel_loop3A_705 = arith.constant 512 : i32
    %parallel_loop3A_706 = arith.constant 1 : i32
    scf.for %parallel_loop3A_976 = %parallel_loop3A_704 to %parallel_loop3A_705 step %parallel_loop3A_706  : i32 {
      %parallel_loop3A_977 = arith.constant 64 : i32
      %parallel_loop3A_978 = arith.divsi %parallel_loop3A_976, %parallel_loop3A_977 : i32
      %parallel_loop3A_979 = arith.constant 0 : i32
      %parallel_loop3A_980 = arith.cmpi sgt, %parallel_loop3A_976, %parallel_loop3A_979 : i32
      %parallel_loop3A_981 = arith.extui %parallel_loop3A_980 : i1 to i32
      %parallel_loop3A_982 = arith.constant 0 : i32
      %parallel_loop3A_983 = arith.cmpi slt, %parallel_loop3A_976, %parallel_loop3A_982 : i32
      %parallel_loop3A_984 = arith.extui %parallel_loop3A_983 : i1 to i32
      %parallel_loop3A_985 = arith.subi %parallel_loop3A_981, %parallel_loop3A_984 : i32
      %parallel_loop3A_986 = arith.constant 0 : i32
      %parallel_loop3A_987 = arith.cmpi sgt, %parallel_loop3A_977, %parallel_loop3A_986 : i32
      %parallel_loop3A_988 = arith.extui %parallel_loop3A_987 : i1 to i32
      %parallel_loop3A_989 = arith.constant 0 : i32
      %parallel_loop3A_990 = arith.cmpi slt, %parallel_loop3A_977, %parallel_loop3A_989 : i32
      %parallel_loop3A_991 = arith.extui %parallel_loop3A_990 : i1 to i32
      %parallel_loop3A_992 = arith.subi %parallel_loop3A_988, %parallel_loop3A_991 : i32
      %parallel_loop3A_993 = arith.cmpi ne, %parallel_loop3A_985, %parallel_loop3A_992 : i32
      %parallel_loop3A_994 = arith.remsi %parallel_loop3A_976, %parallel_loop3A_977 : i32
      %parallel_loop3A_995 = arith.constant 0 : i32
      %parallel_loop3A_996 = arith.cmpi ne, %parallel_loop3A_994, %parallel_loop3A_995 : i32
      %parallel_loop3A_997 = arith.andi %parallel_loop3A_993, %parallel_loop3A_996 : i1
      %parallel_loop3A_998 = arith.constant 1 : i32
      %parallel_loop3A_999 = arith.subi %parallel_loop3A_978, %parallel_loop3A_998 : i32
      %parallel_loop3A_1000 = arith.select %parallel_loop3A_997, %parallel_loop3A_999, %parallel_loop3A_978 : i32
      %parallel_loop3A_1001 = arith.constant 64 : i32
      %parallel_loop3A_1002 = arith.constant 0 : i32
      %parallel_loop3A_1003 = arith.cmpi eq, %parallel_loop3A_1001, %parallel_loop3A_1002 : i32
      %parallel_loop3A_1004 = arith.constant 1 : i32
      %parallel_loop3A_1005 = arith.select %parallel_loop3A_1003, %parallel_loop3A_1004, %parallel_loop3A_1001 : i32
      %parallel_loop3A_1006 = arith.remsi %parallel_loop3A_976, %parallel_loop3A_1005 : i32
      %parallel_loop3A_1007 = arith.constant 0 : i32
      %parallel_loop3A_1008 = arith.cmpi ne, %parallel_loop3A_1006, %parallel_loop3A_1007 : i32
      %parallel_loop3A_1009 = arith.constant 0 : i32
      %parallel_loop3A_1010 = arith.cmpi slt, %parallel_loop3A_1006, %parallel_loop3A_1009 : i32
      %parallel_loop3A_1011 = arith.constant 0 : i32
      %parallel_loop3A_1012 = arith.cmpi slt, %parallel_loop3A_1005, %parallel_loop3A_1011 : i32
      %parallel_loop3A_1013 = arith.xori %parallel_loop3A_1010, %parallel_loop3A_1012 : i1
      %parallel_loop3A_1014 = arith.andi %parallel_loop3A_1013, %parallel_loop3A_1008 : i1
      %parallel_loop3A_1015 = arith.addi %parallel_loop3A_1006, %parallel_loop3A_1005 : i32
      %parallel_loop3A_1016 = arith.select %parallel_loop3A_1014, %parallel_loop3A_1015, %parallel_loop3A_1006 : i32
      %parallel_loop3A_1017 = arith.constant 16 : i32
      %parallel_loop3A_1018 = arith.muli %parallel_loop3A_1016, %parallel_loop3A_1017 : i32
      %parallel_loop3A_1019 = arith.index_cast %parallel_loop3A_1000 : i32 to index
      %parallel_loop3A_1020 = arith.index_cast %parallel_loop3A_1018 : i32 to index
      %parallel_loop3A_1021 = tpu.vector_load %arg9[%parallel_loop3A_1019, %parallel_loop3A_1020] {strides = array<i32>} : memref<16x1024xf32, #tpu.memory_space<vmem>>, vector<1x16xf32>,
      %parallel_loop3A_1022 = vector.shape_cast %parallel_loop3A_1021 : vector<1x16xf32> to vector<16xf32>
      %parallel_loop3A_1023 = arith.index_cast %parallel_loop3A_1000 : i32 to index
      %parallel_loop3A_1024 = arith.index_cast %parallel_loop3A_1018 : i32 to index
      %parallel_loop3A_1025 = tpu.vector_load %arg5[%parallel_loop3A_1023, %parallel_loop3A_1024] {strides = array<i32>} : memref<16x1024xf32, #tpu.memory_space<vmem>>, vector<1x16xf32>,
      %parallel_loop3A_1026 = vector.shape_cast %parallel_loop3A_1025 : vector<1x16xf32> to vector<16xf32>
      %parallel_loop3A_1027 = arith.addf %parallel_loop3A_1022, %parallel_loop3A_1026 : vector<16xf32>
      %parallel_loop3A_1028 = arith.index_cast %parallel_loop3A_1000 : i32 to index
      %parallel_loop3A_1029 = arith.index_cast %parallel_loop3A_1018 : i32 to index
      %parallel_loop3A_1030 = tpu.vector_load %arg11[%parallel_loop3A_1028, %parallel_loop3A_1029] {strides = array<i32>} : memref<16x1024xf32, #tpu.memory_space<vmem>>, vector<1x16xf32>,
      %parallel_loop3A_1031 = vector.shape_cast %parallel_loop3A_1030 : vector<1x16xf32> to vector<16xf32>
      %parallel_loop3A_1032 = vector.shape_cast %parallel_loop3A_1027 : vector<16xf32> to vector<1x16xf32>
      tpu.vector_store %arg11[%parallel_loop3A_1028, %parallel_loop3A_1029], %parallel_loop3A_1032 {strides = array<i32>} : memref<16x1024xf32, #tpu.memory_space<vmem>>, vector<1x16xf32>,
    } {sc.loop_unroll_factor = 8 : i64, sc.parallel_access}
    %add3A_707 = arith.constant 6144 : i32
    %add3A_708 = arith.addi %add3A_707, %mul3A_2 : i32
    %add3A_709 = arith.constant 32 : i32
    %add3A_710 = arith.addi %add3A_708, %add3A_709 : i32
    %add3A_711 = arith.constant 0 : i32
    %add3A_712 = arith.addi %add3A_710, %add3A_711 : i32
    %dma_start3A_713 = arith.constant 0 : i32
    %dma_start3A_714 = arith.constant 0 : i32
    %dma_start3A_715 = tpu.memref_slice %arg11[%dma_start3A_713, %dma_start3A_714] : memref<16x1024xf32, #tpu.memory_space<vmem>> -> memref<8x1024xf32, #tpu.memory_space<vmem>>
    %dma_start3A_716 = arith.constant 0 : i32
    %dma_start3A_717 = tpu.memref_slice %arg4[%add3A_712, %dma_start3A_716] : memref<8192x1024xf32, #tpu.memory_space<hbm>> -> memref<8x1024xf32, #tpu.memory_space<hbm>>
    %dma_start3A_718 = arith.constant 0 : i32
    %dma_start3A_719 = tpu.memref_slice %arg4[%add3A_712, %dma_start3A_718] : memref<8192x1024xf32, #tpu.memory_space<hbm>> -> memref<8x1024xf32, #tpu.memory_space<hbm>>
    %dma_start3A_720 = arith.constant 0 : i32
    %dma_start3A_721 = arith.constant 0 : i32
    %dma_start3A_722 = tpu.memref_slice %arg11[%dma_start3A_720, %dma_start3A_721] : memref<16x1024xf32, #tpu.memory_space<vmem>> -> memref<8x1024xf32, #tpu.memory_space<vmem>>
    tpu.enqueue_dma source(%dma_start3A_722 : memref<8x1024xf32, #tpu.memory_space<vmem>>) target(%dma_start3A_719 : memref<8x1024xf32, #tpu.memory_space<hbm>>) target_semaphore(%arg18 : memref<!tpu.dma_semaphore, #tpu.memory_space<semaphore_mem>>)
    %parallel_loop3A_723 = arith.constant 512 : i32
    %parallel_loop3A_724 = arith.constant 1024 : i32
    %parallel_loop3A_725 = arith.constant 1 : i32
    scf.for %parallel_loop3A_976 = %parallel_loop3A_723 to %parallel_loop3A_724 step %parallel_loop3A_725  : i32 {
      %parallel_loop3A_977 = arith.constant 64 : i32
      %parallel_loop3A_978 = arith.divsi %parallel_loop3A_976, %parallel_loop3A_977 : i32
      %parallel_loop3A_979 = arith.constant 0 : i32
      %parallel_loop3A_980 = arith.cmpi sgt, %parallel_loop3A_976, %parallel_loop3A_979 : i32
      %parallel_loop3A_981 = arith.extui %parallel_loop3A_980 : i1 to i32
      %parallel_loop3A_982 = arith.constant 0 : i32
      %parallel_loop3A_983 = arith.cmpi slt, %parallel_loop3A_976, %parallel_loop3A_982 : i32
      %parallel_loop3A_984 = arith.extui %parallel_loop3A_983 : i1 to i32
      %parallel_loop3A_985 = arith.subi %parallel_loop3A_981, %parallel_loop3A_984 : i32
      %parallel_loop3A_986 = arith.constant 0 : i32
      %parallel_loop3A_987 = arith.cmpi sgt, %parallel_loop3A_977, %parallel_loop3A_986 : i32
      %parallel_loop3A_988 = arith.extui %parallel_loop3A_987 : i1 to i32
      %parallel_loop3A_989 = arith.constant 0 : i32
      %parallel_loop3A_990 = arith.cmpi slt, %parallel_loop3A_977, %parallel_loop3A_989 : i32
      %parallel_loop3A_991 = arith.extui %parallel_loop3A_990 : i1 to i32
      %parallel_loop3A_992 = arith.subi %parallel_loop3A_988, %parallel_loop3A_991 : i32
      %parallel_loop3A_993 = arith.cmpi ne, %parallel_loop3A_985, %parallel_loop3A_992 : i32
      %parallel_loop3A_994 = arith.remsi %parallel_loop3A_976, %parallel_loop3A_977 : i32
      %parallel_loop3A_995 = arith.constant 0 : i32
      %parallel_loop3A_996 = arith.cmpi ne, %parallel_loop3A_994, %parallel_loop3A_995 : i32
      %parallel_loop3A_997 = arith.andi %parallel_loop3A_993, %parallel_loop3A_996 : i1
      %parallel_loop3A_998 = arith.constant 1 : i32
      %parallel_loop3A_999 = arith.subi %parallel_loop3A_978, %parallel_loop3A_998 : i32
      %parallel_loop3A_1000 = arith.select %parallel_loop3A_997, %parallel_loop3A_999, %parallel_loop3A_978 : i32
      %parallel_loop3A_1001 = arith.constant 64 : i32
      %parallel_loop3A_1002 = arith.constant 0 : i32
      %parallel_loop3A_1003 = arith.cmpi eq, %parallel_loop3A_1001, %parallel_loop3A_1002 : i32
      %parallel_loop3A_1004 = arith.constant 1 : i32
      %parallel_loop3A_1005 = arith.select %parallel_loop3A_1003, %parallel_loop3A_1004, %parallel_loop3A_1001 : i32
      %parallel_loop3A_1006 = arith.remsi %parallel_loop3A_976, %parallel_loop3A_1005 : i32
      %parallel_loop3A_1007 = arith.constant 0 : i32
      %parallel_loop3A_1008 = arith.cmpi ne, %parallel_loop3A_1006, %parallel_loop3A_1007 : i32
      %parallel_loop3A_1009 = arith.constant 0 : i32
      %parallel_loop3A_1010 = arith.cmpi slt, %parallel_loop3A_1006, %parallel_loop3A_1009 : i32
      %parallel_loop3A_1011 = arith.constant 0 : i32
      %parallel_loop3A_1012 = arith.cmpi slt, %parallel_loop3A_1005, %parallel_loop3A_1011 : i32
      %parallel_loop3A_1013 = arith.xori %parallel_loop3A_1010, %parallel_loop3A_1012 : i1
      %parallel_loop3A_1014 = arith.andi %parallel_loop3A_1013, %parallel_loop3A_1008 : i1
      %parallel_loop3A_1015 = arith.addi %parallel_loop3A_1006, %parallel_loop3A_1005 : i32
      %parallel_loop3A_1016 = arith.select %parallel_loop3A_1014, %parallel_loop3A_1015, %parallel_loop3A_1006 : i32
      %parallel_loop3A_1017 = arith.constant 16 : i32
      %parallel_loop3A_1018 = arith.muli %parallel_loop3A_1016, %parallel_loop3A_1017 : i32
      %parallel_loop3A_1019 = arith.index_cast %parallel_loop3A_1000 : i32 to index
      %parallel_loop3A_1020 = arith.index_cast %parallel_loop3A_1018 : i32 to index
      %parallel_loop3A_1021 = tpu.vector_load %arg9[%parallel_loop3A_1019, %parallel_loop3A_1020] {strides = array<i32>} : memref<16x1024xf32, #tpu.memory_space<vmem>>, vector<1x16xf32>,
      %parallel_loop3A_1022 = vector.shape_cast %parallel_loop3A_1021 : vector<1x16xf32> to vector<16xf32>
      %parallel_loop3A_1023 = arith.index_cast %parallel_loop3A_1000 : i32 to index
      %parallel_loop3A_1024 = arith.index_cast %parallel_loop3A_1018 : i32 to index
      %parallel_loop3A_1025 = tpu.vector_load %arg5[%parallel_loop3A_1023, %parallel_loop3A_1024] {strides = array<i32>} : memref<16x1024xf32, #tpu.memory_space<vmem>>, vector<1x16xf32>,
      %parallel_loop3A_1026 = vector.shape_cast %parallel_loop3A_1025 : vector<1x16xf32> to vector<16xf32>
      %parallel_loop3A_1027 = arith.addf %parallel_loop3A_1022, %parallel_loop3A_1026 : vector<16xf32>
      %parallel_loop3A_1028 = arith.index_cast %parallel_loop3A_1000 : i32 to index
      %parallel_loop3A_1029 = arith.index_cast %parallel_loop3A_1018 : i32 to index
      %parallel_loop3A_1030 = tpu.vector_load %arg11[%parallel_loop3A_1028, %parallel_loop3A_1029] {strides = array<i32>} : memref<16x1024xf32, #tpu.memory_space<vmem>>, vector<1x16xf32>,
      %parallel_loop3A_1031 = vector.shape_cast %parallel_loop3A_1030 : vector<1x16xf32> to vector<16xf32>
      %parallel_loop3A_1032 = vector.shape_cast %parallel_loop3A_1027 : vector<16xf32> to vector<1x16xf32>
      tpu.vector_store %arg11[%parallel_loop3A_1028, %parallel_loop3A_1029], %parallel_loop3A_1032 {strides = array<i32>} : memref<16x1024xf32, #tpu.memory_space<vmem>>, vector<1x16xf32>,
    } {sc.loop_unroll_factor = 8 : i64, sc.parallel_access}
    %add3A_726 = arith.constant 6144 : i32
    %add3A_727 = arith.addi %add3A_726, %mul3A_2 : i32
    %add3A_728 = arith.constant 32 : i32
    %add3A_729 = arith.addi %add3A_727, %add3A_728 : i32
    %add3A_730 = arith.constant 8 : i32
    %add3A_731 = arith.addi %add3A_729, %add3A_730 : i32
    %dma_start3A_732 = arith.constant 8 : i32
    %dma_start3A_733 = arith.constant 0 : i32
    %dma_start3A_734 = tpu.memref_slice %arg11[%dma_start3A_732, %dma_start3A_733] : memref<16x1024xf32, #tpu.memory_space<vmem>> -> memref<8x1024xf32, #tpu.memory_space<vmem>>
    %dma_start3A_735 = arith.constant 0 : i32
    %dma_start3A_736 = tpu.memref_slice %arg4[%add3A_731, %dma_start3A_735] : memref<8192x1024xf32, #tpu.memory_space<hbm>> -> memref<8x1024xf32, #tpu.memory_space<hbm>>
    %dma_start3A_737 = arith.constant 0 : i32
    %dma_start3A_738 = tpu.memref_slice %arg4[%add3A_731, %dma_start3A_737] : memref<8192x1024xf32, #tpu.memory_space<hbm>> -> memref<8x1024xf32, #tpu.memory_space<hbm>>
    %dma_start3A_739 = arith.constant 8 : i32
    %dma_start3A_740 = arith.constant 0 : i32
    %dma_start3A_741 = tpu.memref_slice %arg11[%dma_start3A_739, %dma_start3A_740] : memref<16x1024xf32, #tpu.memory_space<vmem>> -> memref<8x1024xf32, #tpu.memory_space<vmem>>
    tpu.enqueue_dma source(%dma_start3A_741 : memref<8x1024xf32, #tpu.memory_space<vmem>>) target(%dma_start3A_738 : memref<8x1024xf32, #tpu.memory_space<hbm>>) target_semaphore(%arg18 : memref<!tpu.dma_semaphore, #tpu.memory_space<semaphore_mem>>)
    %add3A_742 = arith.constant 4096 : i32
    %add3A_743 = arith.addi %add3A_742, %mul3A_2 : i32
    %add3A_744 = arith.constant 48 : i32
    %add3A_745 = arith.addi %add3A_743, %add3A_744 : i32
    %dma_start3A_746 = arith.constant 0 : i32
    %dma_start3A_747 = tpu.memref_slice %arg2[%add3A_745, %dma_start3A_746] : memref<8192x1024xf32, #tpu.memory_space<hbm>> -> memref<16x1024xf32, #tpu.memory_space<hbm>>
    %dma_start3A_748 = arith.constant 0 : i32
    %dma_start3A_749 = tpu.memref_slice %arg2[%add3A_745, %dma_start3A_748] : memref<8192x1024xf32, #tpu.memory_space<hbm>> -> memref<16x1024xf32, #tpu.memory_space<hbm>>
    tpu.enqueue_dma source(%dma_start3A_749 : memref<16x1024xf32, #tpu.memory_space<hbm>>) target(%arg9 : memref<16x1024xf32, #tpu.memory_space<vmem>>) target_semaphore(%arg16 : memref<!tpu.dma_semaphore, #tpu.memory_space<semaphore_mem>>)
    %dma_wait3A_750 = arith.constant 0 : i32
    %dma_wait3A_751 = arith.constant 0 : i32
    %dma_wait3A_752 = tpu.memref_slice %arg3[%dma_wait3A_750, %dma_wait3A_751] : memref<2048x1024xf32, #tpu.memory_space<hbm>> -> memref<16x1024xf32, #tpu.memory_space<hbm>>
    %dma_wait3A_753 = arith.constant 0 : i32
    %dma_wait3A_754 = arith.constant 0 : i32
    %dma_wait3A_755 = tpu.memref_slice %arg3[%dma_wait3A_753, %dma_wait3A_754] : memref<2048x1024xf32, #tpu.memory_space<hbm>> -> memref<16x1024xf32, #tpu.memory_space<hbm>>
    tpu.wait_dma2 semaphore(%arg13 : memref<!tpu.dma_semaphore, #tpu.memory_space<semaphore_mem>>) src(%dma_wait3A_755 : memref<16x1024xf32, #tpu.memory_space<hbm>>) dst(%arg6 : memref<16x1024xf32, #tpu.memory_space<vmem>>)
    %dma_wait3A_756 = arith.constant 0 : i32
    %dma_wait3A_757 = arith.constant 0 : i32
    %dma_wait3A_758 = tpu.memref_slice %arg2[%dma_wait3A_756, %dma_wait3A_757] : memref<8192x1024xf32, #tpu.memory_space<hbm>> -> memref<16x1024xf32, #tpu.memory_space<hbm>>
    %dma_wait3A_759 = arith.constant 0 : i32
    %dma_wait3A_760 = arith.constant 0 : i32
    %dma_wait3A_761 = tpu.memref_slice %arg2[%dma_wait3A_759, %dma_wait3A_760] : memref<8192x1024xf32, #tpu.memory_space<hbm>> -> memref<16x1024xf32, #tpu.memory_space<hbm>>
    tpu.wait_dma2 semaphore(%arg14 : memref<!tpu.dma_semaphore, #tpu.memory_space<semaphore_mem>>) src(%dma_wait3A_761 : memref<16x1024xf32, #tpu.memory_space<hbm>>) dst(%arg7 : memref<16x1024xf32, #tpu.memory_space<vmem>>)
    %dma_wait3A_762 = arith.constant 0 : i32
    %dma_wait3A_763 = arith.constant 0 : i32
    %dma_wait3A_764 = tpu.memref_slice %arg4[%dma_wait3A_762, %dma_wait3A_763] : memref<8192x1024xf32, #tpu.memory_space<hbm>> -> memref<16x1024xf32, #tpu.memory_space<hbm>>
    %dma_wait3A_765 = arith.constant 0 : i32
    %dma_wait3A_766 = arith.constant 0 : i32
    %dma_wait3A_767 = tpu.memref_slice %arg4[%dma_wait3A_765, %dma_wait3A_766] : memref<8192x1024xf32, #tpu.memory_space<hbm>> -> memref<16x1024xf32, #tpu.memory_space<hbm>>
    tpu.wait_dma2 semaphore(%arg17 : memref<!tpu.dma_semaphore, #tpu.memory_space<semaphore_mem>>) src(%arg10 : memref<16x1024xf32, #tpu.memory_space<vmem>>) dst(%dma_wait3A_767 : memref<16x1024xf32, #tpu.memory_space<hbm>>)
    %parallel_loop3A_768 = arith.constant 0 : i32
    %parallel_loop3A_769 = arith.constant 512 : i32
    %parallel_loop3A_770 = arith.constant 1 : i32
    scf.for %parallel_loop3A_976 = %parallel_loop3A_768 to %parallel_loop3A_769 step %parallel_loop3A_770  : i32 {
      %parallel_loop3A_977 = arith.constant 64 : i32
      %parallel_loop3A_978 = arith.divsi %parallel_loop3A_976, %parallel_loop3A_977 : i32
      %parallel_loop3A_979 = arith.constant 0 : i32
      %parallel_loop3A_980 = arith.cmpi sgt, %parallel_loop3A_976, %parallel_loop3A_979 : i32
      %parallel_loop3A_981 = arith.extui %parallel_loop3A_980 : i1 to i32
      %parallel_loop3A_982 = arith.constant 0 : i32
      %parallel_loop3A_983 = arith.cmpi slt, %parallel_loop3A_976, %parallel_loop3A_982 : i32
      %parallel_loop3A_984 = arith.extui %parallel_loop3A_983 : i1 to i32
      %parallel_loop3A_985 = arith.subi %parallel_loop3A_981, %parallel_loop3A_984 : i32
      %parallel_loop3A_986 = arith.constant 0 : i32
      %parallel_loop3A_987 = arith.cmpi sgt, %parallel_loop3A_977, %parallel_loop3A_986 : i32
      %parallel_loop3A_988 = arith.extui %parallel_loop3A_987 : i1 to i32
      %parallel_loop3A_989 = arith.constant 0 : i32
      %parallel_loop3A_990 = arith.cmpi slt, %parallel_loop3A_977, %parallel_loop3A_989 : i32
      %parallel_loop3A_991 = arith.extui %parallel_loop3A_990 : i1 to i32
      %parallel_loop3A_992 = arith.subi %parallel_loop3A_988, %parallel_loop3A_991 : i32
      %parallel_loop3A_993 = arith.cmpi ne, %parallel_loop3A_985, %parallel_loop3A_992 : i32
      %parallel_loop3A_994 = arith.remsi %parallel_loop3A_976, %parallel_loop3A_977 : i32
      %parallel_loop3A_995 = arith.constant 0 : i32
      %parallel_loop3A_996 = arith.cmpi ne, %parallel_loop3A_994, %parallel_loop3A_995 : i32
      %parallel_loop3A_997 = arith.andi %parallel_loop3A_993, %parallel_loop3A_996 : i1
      %parallel_loop3A_998 = arith.constant 1 : i32
      %parallel_loop3A_999 = arith.subi %parallel_loop3A_978, %parallel_loop3A_998 : i32
      %parallel_loop3A_1000 = arith.select %parallel_loop3A_997, %parallel_loop3A_999, %parallel_loop3A_978 : i32
      %parallel_loop3A_1001 = arith.constant 64 : i32
      %parallel_loop3A_1002 = arith.constant 0 : i32
      %parallel_loop3A_1003 = arith.cmpi eq, %parallel_loop3A_1001, %parallel_loop3A_1002 : i32
      %parallel_loop3A_1004 = arith.constant 1 : i32
      %parallel_loop3A_1005 = arith.select %parallel_loop3A_1003, %parallel_loop3A_1004, %parallel_loop3A_1001 : i32
      %parallel_loop3A_1006 = arith.remsi %parallel_loop3A_976, %parallel_loop3A_1005 : i32
      %parallel_loop3A_1007 = arith.constant 0 : i32
      %parallel_loop3A_1008 = arith.cmpi ne, %parallel_loop3A_1006, %parallel_loop3A_1007 : i32
      %parallel_loop3A_1009 = arith.constant 0 : i32
      %parallel_loop3A_1010 = arith.cmpi slt, %parallel_loop3A_1006, %parallel_loop3A_1009 : i32
      %parallel_loop3A_1011 = arith.constant 0 : i32
      %parallel_loop3A_1012 = arith.cmpi slt, %parallel_loop3A_1005, %parallel_loop3A_1011 : i32
      %parallel_loop3A_1013 = arith.xori %parallel_loop3A_1010, %parallel_loop3A_1012 : i1
      %parallel_loop3A_1014 = arith.andi %parallel_loop3A_1013, %parallel_loop3A_1008 : i1
      %parallel_loop3A_1015 = arith.addi %parallel_loop3A_1006, %parallel_loop3A_1005 : i32
      %parallel_loop3A_1016 = arith.select %parallel_loop3A_1014, %parallel_loop3A_1015, %parallel_loop3A_1006 : i32
      %parallel_loop3A_1017 = arith.constant 16 : i32
      %parallel_loop3A_1018 = arith.muli %parallel_loop3A_1016, %parallel_loop3A_1017 : i32
      %parallel_loop3A_1019 = arith.index_cast %parallel_loop3A_1000 : i32 to index
      %parallel_loop3A_1020 = arith.index_cast %parallel_loop3A_1018 : i32 to index
      %parallel_loop3A_1021 = tpu.vector_load %arg7[%parallel_loop3A_1019, %parallel_loop3A_1020] {strides = array<i32>} : memref<16x1024xf32, #tpu.memory_space<vmem>>, vector<1x16xf32>,
      %parallel_loop3A_1022 = vector.shape_cast %parallel_loop3A_1021 : vector<1x16xf32> to vector<16xf32>
      %parallel_loop3A_1023 = arith.index_cast %parallel_loop3A_1000 : i32 to index
      %parallel_loop3A_1024 = arith.index_cast %parallel_loop3A_1018 : i32 to index
      %parallel_loop3A_1025 = tpu.vector_load %arg6[%parallel_loop3A_1023, %parallel_loop3A_1024] {strides = array<i32>} : memref<16x1024xf32, #tpu.memory_space<vmem>>, vector<1x16xf32>,
      %parallel_loop3A_1026 = vector.shape_cast %parallel_loop3A_1025 : vector<1x16xf32> to vector<16xf32>
      %parallel_loop3A_1027 = arith.addf %parallel_loop3A_1022, %parallel_loop3A_1026 : vector<16xf32>
      %parallel_loop3A_1028 = arith.index_cast %parallel_loop3A_1000 : i32 to index
      %parallel_loop3A_1029 = arith.index_cast %parallel_loop3A_1018 : i32 to index
      %parallel_loop3A_1030 = tpu.vector_load %arg10[%parallel_loop3A_1028, %parallel_loop3A_1029] {strides = array<i32>} : memref<16x1024xf32, #tpu.memory_space<vmem>>, vector<1x16xf32>,
      %parallel_loop3A_1031 = vector.shape_cast %parallel_loop3A_1030 : vector<1x16xf32> to vector<16xf32>
      %parallel_loop3A_1032 = vector.shape_cast %parallel_loop3A_1027 : vector<16xf32> to vector<1x16xf32>
      tpu.vector_store %arg10[%parallel_loop3A_1028, %parallel_loop3A_1029], %parallel_loop3A_1032 {strides = array<i32>} : memref<16x1024xf32, #tpu.memory_space<vmem>>, vector<1x16xf32>,
    } {sc.loop_unroll_factor = 8 : i64, sc.parallel_access}
    %add3A_771 = arith.constant 0 : i32
    %add3A_772 = arith.addi %add3A_771, %mul3A_2 : i32
    %add3A_773 = arith.constant 48 : i32
    %add3A_774 = arith.addi %add3A_772, %add3A_773 : i32
    %add3A_775 = arith.constant 0 : i32
    %add3A_776 = arith.addi %add3A_774, %add3A_775 : i32
    %dma_start3A_777 = arith.constant 0 : i32
    %dma_start3A_778 = arith.constant 0 : i32
    %dma_start3A_779 = tpu.memref_slice %arg10[%dma_start3A_777, %dma_start3A_778] : memref<16x1024xf32, #tpu.memory_space<vmem>> -> memref<8x1024xf32, #tpu.memory_space<vmem>>
    %dma_start3A_780 = arith.constant 0 : i32
    %dma_start3A_781 = tpu.memref_slice %arg4[%add3A_776, %dma_start3A_780] : memref<8192x1024xf32, #tpu.memory_space<hbm>> -> memref<8x1024xf32, #tpu.memory_space<hbm>>
    %dma_start3A_782 = arith.constant 0 : i32
    %dma_start3A_783 = tpu.memref_slice %arg4[%add3A_776, %dma_start3A_782] : memref<8192x1024xf32, #tpu.memory_space<hbm>> -> memref<8x1024xf32, #tpu.memory_space<hbm>>
    %dma_start3A_784 = arith.constant 0 : i32
    %dma_start3A_785 = arith.constant 0 : i32
    %dma_start3A_786 = tpu.memref_slice %arg10[%dma_start3A_784, %dma_start3A_785] : memref<16x1024xf32, #tpu.memory_space<vmem>> -> memref<8x1024xf32, #tpu.memory_space<vmem>>
    tpu.enqueue_dma source(%dma_start3A_786 : memref<8x1024xf32, #tpu.memory_space<vmem>>) target(%dma_start3A_783 : memref<8x1024xf32, #tpu.memory_space<hbm>>) target_semaphore(%arg17 : memref<!tpu.dma_semaphore, #tpu.memory_space<semaphore_mem>>)
    %parallel_loop3A_787 = arith.constant 512 : i32
    %parallel_loop3A_788 = arith.constant 1024 : i32
    %parallel_loop3A_789 = arith.constant 1 : i32
    scf.for %parallel_loop3A_976 = %parallel_loop3A_787 to %parallel_loop3A_788 step %parallel_loop3A_789  : i32 {
      %parallel_loop3A_977 = arith.constant 64 : i32
      %parallel_loop3A_978 = arith.divsi %parallel_loop3A_976, %parallel_loop3A_977 : i32
      %parallel_loop3A_979 = arith.constant 0 : i32
      %parallel_loop3A_980 = arith.cmpi sgt, %parallel_loop3A_976, %parallel_loop3A_979 : i32
      %parallel_loop3A_981 = arith.extui %parallel_loop3A_980 : i1 to i32
      %parallel_loop3A_982 = arith.constant 0 : i32
      %parallel_loop3A_983 = arith.cmpi slt, %parallel_loop3A_976, %parallel_loop3A_982 : i32
      %parallel_loop3A_984 = arith.extui %parallel_loop3A_983 : i1 to i32
      %parallel_loop3A_985 = arith.subi %parallel_loop3A_981, %parallel_loop3A_984 : i32
      %parallel_loop3A_986 = arith.constant 0 : i32
      %parallel_loop3A_987 = arith.cmpi sgt, %parallel_loop3A_977, %parallel_loop3A_986 : i32
      %parallel_loop3A_988 = arith.extui %parallel_loop3A_987 : i1 to i32
      %parallel_loop3A_989 = arith.constant 0 : i32
      %parallel_loop3A_990 = arith.cmpi slt, %parallel_loop3A_977, %parallel_loop3A_989 : i32
      %parallel_loop3A_991 = arith.extui %parallel_loop3A_990 : i1 to i32
      %parallel_loop3A_992 = arith.subi %parallel_loop3A_988, %parallel_loop3A_991 : i32
      %parallel_loop3A_993 = arith.cmpi ne, %parallel_loop3A_985, %parallel_loop3A_992 : i32
      %parallel_loop3A_994 = arith.remsi %parallel_loop3A_976, %parallel_loop3A_977 : i32
      %parallel_loop3A_995 = arith.constant 0 : i32
      %parallel_loop3A_996 = arith.cmpi ne, %parallel_loop3A_994, %parallel_loop3A_995 : i32
      %parallel_loop3A_997 = arith.andi %parallel_loop3A_993, %parallel_loop3A_996 : i1
      %parallel_loop3A_998 = arith.constant 1 : i32
      %parallel_loop3A_999 = arith.subi %parallel_loop3A_978, %parallel_loop3A_998 : i32
      %parallel_loop3A_1000 = arith.select %parallel_loop3A_997, %parallel_loop3A_999, %parallel_loop3A_978 : i32
      %parallel_loop3A_1001 = arith.constant 64 : i32
      %parallel_loop3A_1002 = arith.constant 0 : i32
      %parallel_loop3A_1003 = arith.cmpi eq, %parallel_loop3A_1001, %parallel_loop3A_1002 : i32
      %parallel_loop3A_1004 = arith.constant 1 : i32
      %parallel_loop3A_1005 = arith.select %parallel_loop3A_1003, %parallel_loop3A_1004, %parallel_loop3A_1001 : i32
      %parallel_loop3A_1006 = arith.remsi %parallel_loop3A_976, %parallel_loop3A_1005 : i32
      %parallel_loop3A_1007 = arith.constant 0 : i32
      %parallel_loop3A_1008 = arith.cmpi ne, %parallel_loop3A_1006, %parallel_loop3A_1007 : i32
      %parallel_loop3A_1009 = arith.constant 0 : i32
      %parallel_loop3A_1010 = arith.cmpi slt, %parallel_loop3A_1006, %parallel_loop3A_1009 : i32
      %parallel_loop3A_1011 = arith.constant 0 : i32
      %parallel_loop3A_1012 = arith.cmpi slt, %parallel_loop3A_1005, %parallel_loop3A_1011 : i32
      %parallel_loop3A_1013 = arith.xori %parallel_loop3A_1010, %parallel_loop3A_1012 : i1
      %parallel_loop3A_1014 = arith.andi %parallel_loop3A_1013, %parallel_loop3A_1008 : i1
      %parallel_loop3A_1015 = arith.addi %parallel_loop3A_1006, %parallel_loop3A_1005 : i32
      %parallel_loop3A_1016 = arith.select %parallel_loop3A_1014, %parallel_loop3A_1015, %parallel_loop3A_1006 : i32
      %parallel_loop3A_1017 = arith.constant 16 : i32
      %parallel_loop3A_1018 = arith.muli %parallel_loop3A_1016, %parallel_loop3A_1017 : i32
      %parallel_loop3A_1019 = arith.index_cast %parallel_loop3A_1000 : i32 to index
      %parallel_loop3A_1020 = arith.index_cast %parallel_loop3A_1018 : i32 to index
      %parallel_loop3A_1021 = tpu.vector_load %arg7[%parallel_loop3A_1019, %parallel_loop3A_1020] {strides = array<i32>} : memref<16x1024xf32, #tpu.memory_space<vmem>>, vector<1x16xf32>,
      %parallel_loop3A_1022 = vector.shape_cast %parallel_loop3A_1021 : vector<1x16xf32> to vector<16xf32>
      %parallel_loop3A_1023 = arith.index_cast %parallel_loop3A_1000 : i32 to index
      %parallel_loop3A_1024 = arith.index_cast %parallel_loop3A_1018 : i32 to index
      %parallel_loop3A_1025 = tpu.vector_load %arg6[%parallel_loop3A_1023, %parallel_loop3A_1024] {strides = array<i32>} : memref<16x1024xf32, #tpu.memory_space<vmem>>, vector<1x16xf32>,
      %parallel_loop3A_1026 = vector.shape_cast %parallel_loop3A_1025 : vector<1x16xf32> to vector<16xf32>
      %parallel_loop3A_1027 = arith.addf %parallel_loop3A_1022, %parallel_loop3A_1026 : vector<16xf32>
      %parallel_loop3A_1028 = arith.index_cast %parallel_loop3A_1000 : i32 to index
      %parallel_loop3A_1029 = arith.index_cast %parallel_loop3A_1018 : i32 to index
      %parallel_loop3A_1030 = tpu.vector_load %arg10[%parallel_loop3A_1028, %parallel_loop3A_1029] {strides = array<i32>} : memref<16x1024xf32, #tpu.memory_space<vmem>>, vector<1x16xf32>,
      %parallel_loop3A_1031 = vector.shape_cast %parallel_loop3A_1030 : vector<1x16xf32> to vector<16xf32>
      %parallel_loop3A_1032 = vector.shape_cast %parallel_loop3A_1027 : vector<16xf32> to vector<1x16xf32>
      tpu.vector_store %arg10[%parallel_loop3A_1028, %parallel_loop3A_1029], %parallel_loop3A_1032 {strides = array<i32>} : memref<16x1024xf32, #tpu.memory_space<vmem>>, vector<1x16xf32>,
    } {sc.loop_unroll_factor = 8 : i64, sc.parallel_access}
    %add3A_790 = arith.constant 0 : i32
    %add3A_791 = arith.addi %add3A_790, %mul3A_2 : i32
    %add3A_792 = arith.constant 48 : i32
    %add3A_793 = arith.addi %add3A_791, %add3A_792 : i32
    %add3A_794 = arith.constant 8 : i32
    %add3A_795 = arith.addi %add3A_793, %add3A_794 : i32
    %dma_start3A_796 = arith.constant 8 : i32
    %dma_start3A_797 = arith.constant 0 : i32
    %dma_start3A_798 = tpu.memref_slice %arg10[%dma_start3A_796, %dma_start3A_797] : memref<16x1024xf32, #tpu.memory_space<vmem>> -> memref<8x1024xf32, #tpu.memory_space<vmem>>
    %dma_start3A_799 = arith.constant 0 : i32
    %dma_start3A_800 = tpu.memref_slice %arg4[%add3A_795, %dma_start3A_799] : memref<8192x1024xf32, #tpu.memory_space<hbm>> -> memref<8x1024xf32, #tpu.memory_space<hbm>>
    %dma_start3A_801 = arith.constant 0 : i32
    %dma_start3A_802 = tpu.memref_slice %arg4[%add3A_795, %dma_start3A_801] : memref<8192x1024xf32, #tpu.memory_space<hbm>> -> memref<8x1024xf32, #tpu.memory_space<hbm>>
    %dma_start3A_803 = arith.constant 8 : i32
    %dma_start3A_804 = arith.constant 0 : i32
    %dma_start3A_805 = tpu.memref_slice %arg10[%dma_start3A_803, %dma_start3A_804] : memref<16x1024xf32, #tpu.memory_space<vmem>> -> memref<8x1024xf32, #tpu.memory_space<vmem>>
    tpu.enqueue_dma source(%dma_start3A_805 : memref<8x1024xf32, #tpu.memory_space<vmem>>) target(%dma_start3A_802 : memref<8x1024xf32, #tpu.memory_space<hbm>>) target_semaphore(%arg17 : memref<!tpu.dma_semaphore, #tpu.memory_space<semaphore_mem>>)
    %add3A_806 = arith.constant 6144 : i32
    %add3A_807 = arith.addi %add3A_806, %mul3A_2 : i32
    %add3A_808 = arith.constant 48 : i32
    %add3A_809 = arith.addi %add3A_807, %add3A_808 : i32
    %dma_start3A_810 = arith.constant 0 : i32
    %dma_start3A_811 = tpu.memref_slice %arg2[%add3A_809, %dma_start3A_810] : memref<8192x1024xf32, #tpu.memory_space<hbm>> -> memref<16x1024xf32, #tpu.memory_space<hbm>>
    %dma_start3A_812 = arith.constant 0 : i32
    %dma_start3A_813 = tpu.memref_slice %arg2[%add3A_809, %dma_start3A_812] : memref<8192x1024xf32, #tpu.memory_space<hbm>> -> memref<16x1024xf32, #tpu.memory_space<hbm>>
    tpu.enqueue_dma source(%dma_start3A_813 : memref<16x1024xf32, #tpu.memory_space<hbm>>) target(%arg7 : memref<16x1024xf32, #tpu.memory_space<vmem>>) target_semaphore(%arg14 : memref<!tpu.dma_semaphore, #tpu.memory_space<semaphore_mem>>)
    %dma_wait3A_814 = arith.constant 0 : i32
    %dma_wait3A_815 = arith.constant 0 : i32
    %dma_wait3A_816 = tpu.memref_slice %arg2[%dma_wait3A_814, %dma_wait3A_815] : memref<8192x1024xf32, #tpu.memory_space<hbm>> -> memref<16x1024xf32, #tpu.memory_space<hbm>>
    %dma_wait3A_817 = arith.constant 0 : i32
    %dma_wait3A_818 = arith.constant 0 : i32
    %dma_wait3A_819 = tpu.memref_slice %arg2[%dma_wait3A_817, %dma_wait3A_818] : memref<8192x1024xf32, #tpu.memory_space<hbm>> -> memref<16x1024xf32, #tpu.memory_space<hbm>>
    tpu.wait_dma2 semaphore(%arg15 : memref<!tpu.dma_semaphore, #tpu.memory_space<semaphore_mem>>) src(%dma_wait3A_819 : memref<16x1024xf32, #tpu.memory_space<hbm>>) dst(%arg8 : memref<16x1024xf32, #tpu.memory_space<vmem>>)
    %dma_wait3A_820 = arith.constant 0 : i32
    %dma_wait3A_821 = arith.constant 0 : i32
    %dma_wait3A_822 = tpu.memref_slice %arg4[%dma_wait3A_820, %dma_wait3A_821] : memref<8192x1024xf32, #tpu.memory_space<hbm>> -> memref<16x1024xf32, #tpu.memory_space<hbm>>
    %dma_wait3A_823 = arith.constant 0 : i32
    %dma_wait3A_824 = arith.constant 0 : i32
    %dma_wait3A_825 = tpu.memref_slice %arg4[%dma_wait3A_823, %dma_wait3A_824] : memref<8192x1024xf32, #tpu.memory_space<hbm>> -> memref<16x1024xf32, #tpu.memory_space<hbm>>
    tpu.wait_dma2 semaphore(%arg18 : memref<!tpu.dma_semaphore, #tpu.memory_space<semaphore_mem>>) src(%arg11 : memref<16x1024xf32, #tpu.memory_space<vmem>>) dst(%dma_wait3A_825 : memref<16x1024xf32, #tpu.memory_space<hbm>>)
    %parallel_loop3A_826 = arith.constant 0 : i32
    %parallel_loop3A_827 = arith.constant 512 : i32
    %parallel_loop3A_828 = arith.constant 1 : i32
    scf.for %parallel_loop3A_976 = %parallel_loop3A_826 to %parallel_loop3A_827 step %parallel_loop3A_828  : i32 {
      %parallel_loop3A_977 = arith.constant 64 : i32
      %parallel_loop3A_978 = arith.divsi %parallel_loop3A_976, %parallel_loop3A_977 : i32
      %parallel_loop3A_979 = arith.constant 0 : i32
      %parallel_loop3A_980 = arith.cmpi sgt, %parallel_loop3A_976, %parallel_loop3A_979 : i32
      %parallel_loop3A_981 = arith.extui %parallel_loop3A_980 : i1 to i32
      %parallel_loop3A_982 = arith.constant 0 : i32
      %parallel_loop3A_983 = arith.cmpi slt, %parallel_loop3A_976, %parallel_loop3A_982 : i32
      %parallel_loop3A_984 = arith.extui %parallel_loop3A_983 : i1 to i32
      %parallel_loop3A_985 = arith.subi %parallel_loop3A_981, %parallel_loop3A_984 : i32
      %parallel_loop3A_986 = arith.constant 0 : i32
      %parallel_loop3A_987 = arith.cmpi sgt, %parallel_loop3A_977, %parallel_loop3A_986 : i32
      %parallel_loop3A_988 = arith.extui %parallel_loop3A_987 : i1 to i32
      %parallel_loop3A_989 = arith.constant 0 : i32
      %parallel_loop3A_990 = arith.cmpi slt, %parallel_loop3A_977, %parallel_loop3A_989 : i32
      %parallel_loop3A_991 = arith.extui %parallel_loop3A_990 : i1 to i32
      %parallel_loop3A_992 = arith.subi %parallel_loop3A_988, %parallel_loop3A_991 : i32
      %parallel_loop3A_993 = arith.cmpi ne, %parallel_loop3A_985, %parallel_loop3A_992 : i32
      %parallel_loop3A_994 = arith.remsi %parallel_loop3A_976, %parallel_loop3A_977 : i32
      %parallel_loop3A_995 = arith.constant 0 : i32
      %parallel_loop3A_996 = arith.cmpi ne, %parallel_loop3A_994, %parallel_loop3A_995 : i32
      %parallel_loop3A_997 = arith.andi %parallel_loop3A_993, %parallel_loop3A_996 : i1
      %parallel_loop3A_998 = arith.constant 1 : i32
      %parallel_loop3A_999 = arith.subi %parallel_loop3A_978, %parallel_loop3A_998 : i32
      %parallel_loop3A_1000 = arith.select %parallel_loop3A_997, %parallel_loop3A_999, %parallel_loop3A_978 : i32
      %parallel_loop3A_1001 = arith.constant 64 : i32
      %parallel_loop3A_1002 = arith.constant 0 : i32
      %parallel_loop3A_1003 = arith.cmpi eq, %parallel_loop3A_1001, %parallel_loop3A_1002 : i32
      %parallel_loop3A_1004 = arith.constant 1 : i32
      %parallel_loop3A_1005 = arith.select %parallel_loop3A_1003, %parallel_loop3A_1004, %parallel_loop3A_1001 : i32
      %parallel_loop3A_1006 = arith.remsi %parallel_loop3A_976, %parallel_loop3A_1005 : i32
      %parallel_loop3A_1007 = arith.constant 0 : i32
      %parallel_loop3A_1008 = arith.cmpi ne, %parallel_loop3A_1006, %parallel_loop3A_1007 : i32
      %parallel_loop3A_1009 = arith.constant 0 : i32
      %parallel_loop3A_1010 = arith.cmpi slt, %parallel_loop3A_1006, %parallel_loop3A_1009 : i32
      %parallel_loop3A_1011 = arith.constant 0 : i32
      %parallel_loop3A_1012 = arith.cmpi slt, %parallel_loop3A_1005, %parallel_loop3A_1011 : i32
      %parallel_loop3A_1013 = arith.xori %parallel_loop3A_1010, %parallel_loop3A_1012 : i1
      %parallel_loop3A_1014 = arith.andi %parallel_loop3A_1013, %parallel_loop3A_1008 : i1
      %parallel_loop3A_1015 = arith.addi %parallel_loop3A_1006, %parallel_loop3A_1005 : i32
      %parallel_loop3A_1016 = arith.select %parallel_loop3A_1014, %parallel_loop3A_1015, %parallel_loop3A_1006 : i32
      %parallel_loop3A_1017 = arith.constant 16 : i32
      %parallel_loop3A_1018 = arith.muli %parallel_loop3A_1016, %parallel_loop3A_1017 : i32
      %parallel_loop3A_1019 = arith.index_cast %parallel_loop3A_1000 : i32 to index
      %parallel_loop3A_1020 = arith.index_cast %parallel_loop3A_1018 : i32 to index
      %parallel_loop3A_1021 = tpu.vector_load %arg8[%parallel_loop3A_1019, %parallel_loop3A_1020] {strides = array<i32>} : memref<16x1024xf32, #tpu.memory_space<vmem>>, vector<1x16xf32>,
      %parallel_loop3A_1022 = vector.shape_cast %parallel_loop3A_1021 : vector<1x16xf32> to vector<16xf32>
      %parallel_loop3A_1023 = arith.index_cast %parallel_loop3A_1000 : i32 to index
      %parallel_loop3A_1024 = arith.index_cast %parallel_loop3A_1018 : i32 to index
      %parallel_loop3A_1025 = tpu.vector_load %arg6[%parallel_loop3A_1023, %parallel_loop3A_1024] {strides = array<i32>} : memref<16x1024xf32, #tpu.memory_space<vmem>>, vector<1x16xf32>,
      %parallel_loop3A_1026 = vector.shape_cast %parallel_loop3A_1025 : vector<1x16xf32> to vector<16xf32>
      %parallel_loop3A_1027 = arith.addf %parallel_loop3A_1022, %parallel_loop3A_1026 : vector<16xf32>
      %parallel_loop3A_1028 = arith.index_cast %parallel_loop3A_1000 : i32 to index
      %parallel_loop3A_1029 = arith.index_cast %parallel_loop3A_1018 : i32 to index
      %parallel_loop3A_1030 = tpu.vector_load %arg11[%parallel_loop3A_1028, %parallel_loop3A_1029] {strides = array<i32>} : memref<16x1024xf32, #tpu.memory_space<vmem>>, vector<1x16xf32>,
      %parallel_loop3A_1031 = vector.shape_cast %parallel_loop3A_1030 : vector<1x16xf32> to vector<16xf32>
      %parallel_loop3A_1032 = vector.shape_cast %parallel_loop3A_1027 : vector<16xf32> to vector<1x16xf32>
      tpu.vector_store %arg11[%parallel_loop3A_1028, %parallel_loop3A_1029], %parallel_loop3A_1032 {strides = array<i32>} : memref<16x1024xf32, #tpu.memory_space<vmem>>, vector<1x16xf32>,
    } {sc.loop_unroll_factor = 8 : i64, sc.parallel_access}
    %add3A_829 = arith.constant 2048 : i32
    %add3A_830 = arith.addi %add3A_829, %mul3A_2 : i32
    %add3A_831 = arith.constant 48 : i32
    %add3A_832 = arith.addi %add3A_830, %add3A_831 : i32
    %add3A_833 = arith.constant 0 : i32
    %add3A_834 = arith.addi %add3A_832, %add3A_833 : i32
    %dma_start3A_835 = arith.constant 0 : i32
    %dma_start3A_836 = arith.constant 0 : i32
    %dma_start3A_837 = tpu.memref_slice %arg11[%dma_start3A_835, %dma_start3A_836] : memref<16x1024xf32, #tpu.memory_space<vmem>> -> memref<8x1024xf32, #tpu.memory_space<vmem>>
    %dma_start3A_838 = arith.constant 0 : i32
    %dma_start3A_839 = tpu.memref_slice %arg4[%add3A_834, %dma_start3A_838] : memref<8192x1024xf32, #tpu.memory_space<hbm>> -> memref<8x1024xf32, #tpu.memory_space<hbm>>
    %dma_start3A_840 = arith.constant 0 : i32
    %dma_start3A_841 = tpu.memref_slice %arg4[%add3A_834, %dma_start3A_840] : memref<8192x1024xf32, #tpu.memory_space<hbm>> -> memref<8x1024xf32, #tpu.memory_space<hbm>>
    %dma_start3A_842 = arith.constant 0 : i32
    %dma_start3A_843 = arith.constant 0 : i32
    %dma_start3A_844 = tpu.memref_slice %arg11[%dma_start3A_842, %dma_start3A_843] : memref<16x1024xf32, #tpu.memory_space<vmem>> -> memref<8x1024xf32, #tpu.memory_space<vmem>>
    tpu.enqueue_dma source(%dma_start3A_844 : memref<8x1024xf32, #tpu.memory_space<vmem>>) target(%dma_start3A_841 : memref<8x1024xf32, #tpu.memory_space<hbm>>) target_semaphore(%arg18 : memref<!tpu.dma_semaphore, #tpu.memory_space<semaphore_mem>>)
    %parallel_loop3A_845 = arith.constant 512 : i32
    %parallel_loop3A_846 = arith.constant 1024 : i32
    %parallel_loop3A_847 = arith.constant 1 : i32
    scf.for %parallel_loop3A_976 = %parallel_loop3A_845 to %parallel_loop3A_846 step %parallel_loop3A_847  : i32 {
      %parallel_loop3A_977 = arith.constant 64 : i32
      %parallel_loop3A_978 = arith.divsi %parallel_loop3A_976, %parallel_loop3A_977 : i32
      %parallel_loop3A_979 = arith.constant 0 : i32
      %parallel_loop3A_980 = arith.cmpi sgt, %parallel_loop3A_976, %parallel_loop3A_979 : i32
      %parallel_loop3A_981 = arith.extui %parallel_loop3A_980 : i1 to i32
      %parallel_loop3A_982 = arith.constant 0 : i32
      %parallel_loop3A_983 = arith.cmpi slt, %parallel_loop3A_976, %parallel_loop3A_982 : i32
      %parallel_loop3A_984 = arith.extui %parallel_loop3A_983 : i1 to i32
      %parallel_loop3A_985 = arith.subi %parallel_loop3A_981, %parallel_loop3A_984 : i32
      %parallel_loop3A_986 = arith.constant 0 : i32
      %parallel_loop3A_987 = arith.cmpi sgt, %parallel_loop3A_977, %parallel_loop3A_986 : i32
      %parallel_loop3A_988 = arith.extui %parallel_loop3A_987 : i1 to i32
      %parallel_loop3A_989 = arith.constant 0 : i32
      %parallel_loop3A_990 = arith.cmpi slt, %parallel_loop3A_977, %parallel_loop3A_989 : i32
      %parallel_loop3A_991 = arith.extui %parallel_loop3A_990 : i1 to i32
      %parallel_loop3A_992 = arith.subi %parallel_loop3A_988, %parallel_loop3A_991 : i32
      %parallel_loop3A_993 = arith.cmpi ne, %parallel_loop3A_985, %parallel_loop3A_992 : i32
      %parallel_loop3A_994 = arith.remsi %parallel_loop3A_976, %parallel_loop3A_977 : i32
      %parallel_loop3A_995 = arith.constant 0 : i32
      %parallel_loop3A_996 = arith.cmpi ne, %parallel_loop3A_994, %parallel_loop3A_995 : i32
      %parallel_loop3A_997 = arith.andi %parallel_loop3A_993, %parallel_loop3A_996 : i1
      %parallel_loop3A_998 = arith.constant 1 : i32
      %parallel_loop3A_999 = arith.subi %parallel_loop3A_978, %parallel_loop3A_998 : i32
      %parallel_loop3A_1000 = arith.select %parallel_loop3A_997, %parallel_loop3A_999, %parallel_loop3A_978 : i32
      %parallel_loop3A_1001 = arith.constant 64 : i32
      %parallel_loop3A_1002 = arith.constant 0 : i32
      %parallel_loop3A_1003 = arith.cmpi eq, %parallel_loop3A_1001, %parallel_loop3A_1002 : i32
      %parallel_loop3A_1004 = arith.constant 1 : i32
      %parallel_loop3A_1005 = arith.select %parallel_loop3A_1003, %parallel_loop3A_1004, %parallel_loop3A_1001 : i32
      %parallel_loop3A_1006 = arith.remsi %parallel_loop3A_976, %parallel_loop3A_1005 : i32
      %parallel_loop3A_1007 = arith.constant 0 : i32
      %parallel_loop3A_1008 = arith.cmpi ne, %parallel_loop3A_1006, %parallel_loop3A_1007 : i32
      %parallel_loop3A_1009 = arith.constant 0 : i32
      %parallel_loop3A_1010 = arith.cmpi slt, %parallel_loop3A_1006, %parallel_loop3A_1009 : i32
      %parallel_loop3A_1011 = arith.constant 0 : i32
      %parallel_loop3A_1012 = arith.cmpi slt, %parallel_loop3A_1005, %parallel_loop3A_1011 : i32
      %parallel_loop3A_1013 = arith.xori %parallel_loop3A_1010, %parallel_loop3A_1012 : i1
      %parallel_loop3A_1014 = arith.andi %parallel_loop3A_1013, %parallel_loop3A_1008 : i1
      %parallel_loop3A_1015 = arith.addi %parallel_loop3A_1006, %parallel_loop3A_1005 : i32
      %parallel_loop3A_1016 = arith.select %parallel_loop3A_1014, %parallel_loop3A_1015, %parallel_loop3A_1006 : i32
      %parallel_loop3A_1017 = arith.constant 16 : i32
      %parallel_loop3A_1018 = arith.muli %parallel_loop3A_1016, %parallel_loop3A_1017 : i32
      %parallel_loop3A_1019 = arith.index_cast %parallel_loop3A_1000 : i32 to index
      %parallel_loop3A_1020 = arith.index_cast %parallel_loop3A_1018 : i32 to index
      %parallel_loop3A_1021 = tpu.vector_load %arg8[%parallel_loop3A_1019, %parallel_loop3A_1020] {strides = array<i32>} : memref<16x1024xf32, #tpu.memory_space<vmem>>, vector<1x16xf32>,
      %parallel_loop3A_1022 = vector.shape_cast %parallel_loop3A_1021 : vector<1x16xf32> to vector<16xf32>
      %parallel_loop3A_1023 = arith.index_cast %parallel_loop3A_1000 : i32 to index
      %parallel_loop3A_1024 = arith.index_cast %parallel_loop3A_1018 : i32 to index
      %parallel_loop3A_1025 = tpu.vector_load %arg6[%parallel_loop3A_1023, %parallel_loop3A_1024] {strides = array<i32>} : memref<16x1024xf32, #tpu.memory_space<vmem>>, vector<1x16xf32>,
      %parallel_loop3A_1026 = vector.shape_cast %parallel_loop3A_1025 : vector<1x16xf32> to vector<16xf32>
      %parallel_loop3A_1027 = arith.addf %parallel_loop3A_1022, %parallel_loop3A_1026 : vector<16xf32>
      %parallel_loop3A_1028 = arith.index_cast %parallel_loop3A_1000 : i32 to index
      %parallel_loop3A_1029 = arith.index_cast %parallel_loop3A_1018 : i32 to index
      %parallel_loop3A_1030 = tpu.vector_load %arg11[%parallel_loop3A_1028, %parallel_loop3A_1029] {strides = array<i32>} : memref<16x1024xf32, #tpu.memory_space<vmem>>, vector<1x16xf32>,
      %parallel_loop3A_1031 = vector.shape_cast %parallel_loop3A_1030 : vector<1x16xf32> to vector<16xf32>
      %parallel_loop3A_1032 = vector.shape_cast %parallel_loop3A_1027 : vector<16xf32> to vector<1x16xf32>
      tpu.vector_store %arg11[%parallel_loop3A_1028, %parallel_loop3A_1029], %parallel_loop3A_1032 {strides = array<i32>} : memref<16x1024xf32, #tpu.memory_space<vmem>>, vector<1x16xf32>,
    } {sc.loop_unroll_factor = 8 : i64, sc.parallel_access}
    %add3A_848 = arith.constant 2048 : i32
    %add3A_849 = arith.addi %add3A_848, %mul3A_2 : i32
    %add3A_850 = arith.constant 48 : i32
    %add3A_851 = arith.addi %add3A_849, %add3A_850 : i32
    %add3A_852 = arith.constant 8 : i32
    %add3A_853 = arith.addi %add3A_851, %add3A_852 : i32
    %dma_start3A_854 = arith.constant 8 : i32
    %dma_start3A_855 = arith.constant 0 : i32
    %dma_start3A_856 = tpu.memref_slice %arg11[%dma_start3A_854, %dma_start3A_855] : memref<16x1024xf32, #tpu.memory_space<vmem>> -> memref<8x1024xf32, #tpu.memory_space<vmem>>
    %dma_start3A_857 = arith.constant 0 : i32
    %dma_start3A_858 = tpu.memref_slice %arg4[%add3A_853, %dma_start3A_857] : memref<8192x1024xf32, #tpu.memory_space<hbm>> -> memref<8x1024xf32, #tpu.memory_space<hbm>>
    %dma_start3A_859 = arith.constant 0 : i32
    %dma_start3A_860 = tpu.memref_slice %arg4[%add3A_853, %dma_start3A_859] : memref<8192x1024xf32, #tpu.memory_space<hbm>> -> memref<8x1024xf32, #tpu.memory_space<hbm>>
    %dma_start3A_861 = arith.constant 8 : i32
    %dma_start3A_862 = arith.constant 0 : i32
    %dma_start3A_863 = tpu.memref_slice %arg11[%dma_start3A_861, %dma_start3A_862] : memref<16x1024xf32, #tpu.memory_space<vmem>> -> memref<8x1024xf32, #tpu.memory_space<vmem>>
    tpu.enqueue_dma source(%dma_start3A_863 : memref<8x1024xf32, #tpu.memory_space<vmem>>) target(%dma_start3A_860 : memref<8x1024xf32, #tpu.memory_space<hbm>>) target_semaphore(%arg18 : memref<!tpu.dma_semaphore, #tpu.memory_space<semaphore_mem>>)
    %dma_wait3A_864 = arith.constant 0 : i32
    %dma_wait3A_865 = arith.constant 0 : i32
    %dma_wait3A_866 = tpu.memref_slice %arg2[%dma_wait3A_864, %dma_wait3A_865] : memref<8192x1024xf32, #tpu.memory_space<hbm>> -> memref<16x1024xf32, #tpu.memory_space<hbm>>
    %dma_wait3A_867 = arith.constant 0 : i32
    %dma_wait3A_868 = arith.constant 0 : i32
    %dma_wait3A_869 = tpu.memref_slice %arg2[%dma_wait3A_867, %dma_wait3A_868] : memref<8192x1024xf32, #tpu.memory_space<hbm>> -> memref<16x1024xf32, #tpu.memory_space<hbm>>
    tpu.wait_dma2 semaphore(%arg16 : memref<!tpu.dma_semaphore, #tpu.memory_space<semaphore_mem>>) src(%dma_wait3A_869 : memref<16x1024xf32, #tpu.memory_space<hbm>>) dst(%arg9 : memref<16x1024xf32, #tpu.memory_space<vmem>>)
    %dma_wait3A_870 = arith.constant 0 : i32
    %dma_wait3A_871 = arith.constant 0 : i32
    %dma_wait3A_872 = tpu.memref_slice %arg4[%dma_wait3A_870, %dma_wait3A_871] : memref<8192x1024xf32, #tpu.memory_space<hbm>> -> memref<16x1024xf32, #tpu.memory_space<hbm>>
    %dma_wait3A_873 = arith.constant 0 : i32
    %dma_wait3A_874 = arith.constant 0 : i32
    %dma_wait3A_875 = tpu.memref_slice %arg4[%dma_wait3A_873, %dma_wait3A_874] : memref<8192x1024xf32, #tpu.memory_space<hbm>> -> memref<16x1024xf32, #tpu.memory_space<hbm>>
    tpu.wait_dma2 semaphore(%arg17 : memref<!tpu.dma_semaphore, #tpu.memory_space<semaphore_mem>>) src(%arg10 : memref<16x1024xf32, #tpu.memory_space<vmem>>) dst(%dma_wait3A_875 : memref<16x1024xf32, #tpu.memory_space<hbm>>)
    %parallel_loop3A_876 = arith.constant 0 : i32
    %parallel_loop3A_877 = arith.constant 512 : i32
    %parallel_loop3A_878 = arith.constant 1 : i32
    scf.for %parallel_loop3A_976 = %parallel_loop3A_876 to %parallel_loop3A_877 step %parallel_loop3A_878  : i32 {
      %parallel_loop3A_977 = arith.constant 64 : i32
      %parallel_loop3A_978 = arith.divsi %parallel_loop3A_976, %parallel_loop3A_977 : i32
      %parallel_loop3A_979 = arith.constant 0 : i32
      %parallel_loop3A_980 = arith.cmpi sgt, %parallel_loop3A_976, %parallel_loop3A_979 : i32
      %parallel_loop3A_981 = arith.extui %parallel_loop3A_980 : i1 to i32
      %parallel_loop3A_982 = arith.constant 0 : i32
      %parallel_loop3A_983 = arith.cmpi slt, %parallel_loop3A_976, %parallel_loop3A_982 : i32
      %parallel_loop3A_984 = arith.extui %parallel_loop3A_983 : i1 to i32
      %parallel_loop3A_985 = arith.subi %parallel_loop3A_981, %parallel_loop3A_984 : i32
      %parallel_loop3A_986 = arith.constant 0 : i32
      %parallel_loop3A_987 = arith.cmpi sgt, %parallel_loop3A_977, %parallel_loop3A_986 : i32
      %parallel_loop3A_988 = arith.extui %parallel_loop3A_987 : i1 to i32
      %parallel_loop3A_989 = arith.constant 0 : i32
      %parallel_loop3A_990 = arith.cmpi slt, %parallel_loop3A_977, %parallel_loop3A_989 : i32
      %parallel_loop3A_991 = arith.extui %parallel_loop3A_990 : i1 to i32
      %parallel_loop3A_992 = arith.subi %parallel_loop3A_988, %parallel_loop3A_991 : i32
      %parallel_loop3A_993 = arith.cmpi ne, %parallel_loop3A_985, %parallel_loop3A_992 : i32
      %parallel_loop3A_994 = arith.remsi %parallel_loop3A_976, %parallel_loop3A_977 : i32
      %parallel_loop3A_995 = arith.constant 0 : i32
      %parallel_loop3A_996 = arith.cmpi ne, %parallel_loop3A_994, %parallel_loop3A_995 : i32
      %parallel_loop3A_997 = arith.andi %parallel_loop3A_993, %parallel_loop3A_996 : i1
      %parallel_loop3A_998 = arith.constant 1 : i32
      %parallel_loop3A_999 = arith.subi %parallel_loop3A_978, %parallel_loop3A_998 : i32
      %parallel_loop3A_1000 = arith.select %parallel_loop3A_997, %parallel_loop3A_999, %parallel_loop3A_978 : i32
      %parallel_loop3A_1001 = arith.constant 64 : i32
      %parallel_loop3A_1002 = arith.constant 0 : i32
      %parallel_loop3A_1003 = arith.cmpi eq, %parallel_loop3A_1001, %parallel_loop3A_1002 : i32
      %parallel_loop3A_1004 = arith.constant 1 : i32
      %parallel_loop3A_1005 = arith.select %parallel_loop3A_1003, %parallel_loop3A_1004, %parallel_loop3A_1001 : i32
      %parallel_loop3A_1006 = arith.remsi %parallel_loop3A_976, %parallel_loop3A_1005 : i32
      %parallel_loop3A_1007 = arith.constant 0 : i32
      %parallel_loop3A_1008 = arith.cmpi ne, %parallel_loop3A_1006, %parallel_loop3A_1007 : i32
      %parallel_loop3A_1009 = arith.constant 0 : i32
      %parallel_loop3A_1010 = arith.cmpi slt, %parallel_loop3A_1006, %parallel_loop3A_1009 : i32
      %parallel_loop3A_1011 = arith.constant 0 : i32
      %parallel_loop3A_1012 = arith.cmpi slt, %parallel_loop3A_1005, %parallel_loop3A_1011 : i32
      %parallel_loop3A_1013 = arith.xori %parallel_loop3A_1010, %parallel_loop3A_1012 : i1
      %parallel_loop3A_1014 = arith.andi %parallel_loop3A_1013, %parallel_loop3A_1008 : i1
      %parallel_loop3A_1015 = arith.addi %parallel_loop3A_1006, %parallel_loop3A_1005 : i32
      %parallel_loop3A_1016 = arith.select %parallel_loop3A_1014, %parallel_loop3A_1015, %parallel_loop3A_1006 : i32
      %parallel_loop3A_1017 = arith.constant 16 : i32
      %parallel_loop3A_1018 = arith.muli %parallel_loop3A_1016, %parallel_loop3A_1017 : i32
      %parallel_loop3A_1019 = arith.index_cast %parallel_loop3A_1000 : i32 to index
      %parallel_loop3A_1020 = arith.index_cast %parallel_loop3A_1018 : i32 to index
      %parallel_loop3A_1021 = tpu.vector_load %arg9[%parallel_loop3A_1019, %parallel_loop3A_1020] {strides = array<i32>} : memref<16x1024xf32, #tpu.memory_space<vmem>>, vector<1x16xf32>,
      %parallel_loop3A_1022 = vector.shape_cast %parallel_loop3A_1021 : vector<1x16xf32> to vector<16xf32>
      %parallel_loop3A_1023 = arith.index_cast %parallel_loop3A_1000 : i32 to index
      %parallel_loop3A_1024 = arith.index_cast %parallel_loop3A_1018 : i32 to index
      %parallel_loop3A_1025 = tpu.vector_load %arg6[%parallel_loop3A_1023, %parallel_loop3A_1024] {strides = array<i32>} : memref<16x1024xf32, #tpu.memory_space<vmem>>, vector<1x16xf32>,
      %parallel_loop3A_1026 = vector.shape_cast %parallel_loop3A_1025 : vector<1x16xf32> to vector<16xf32>
      %parallel_loop3A_1027 = arith.addf %parallel_loop3A_1022, %parallel_loop3A_1026 : vector<16xf32>
      %parallel_loop3A_1028 = arith.index_cast %parallel_loop3A_1000 : i32 to index
      %parallel_loop3A_1029 = arith.index_cast %parallel_loop3A_1018 : i32 to index
      %parallel_loop3A_1030 = tpu.vector_load %arg10[%parallel_loop3A_1028, %parallel_loop3A_1029] {strides = array<i32>} : memref<16x1024xf32, #tpu.memory_space<vmem>>, vector<1x16xf32>,
      %parallel_loop3A_1031 = vector.shape_cast %parallel_loop3A_1030 : vector<1x16xf32> to vector<16xf32>
      %parallel_loop3A_1032 = vector.shape_cast %parallel_loop3A_1027 : vector<16xf32> to vector<1x16xf32>
      tpu.vector_store %arg10[%parallel_loop3A_1028, %parallel_loop3A_1029], %parallel_loop3A_1032 {strides = array<i32>} : memref<16x1024xf32, #tpu.memory_space<vmem>>, vector<1x16xf32>,
    } {sc.loop_unroll_factor = 8 : i64, sc.parallel_access}
    %add3A_879 = arith.constant 4096 : i32
    %add3A_880 = arith.addi %add3A_879, %mul3A_2 : i32
    %add3A_881 = arith.constant 48 : i32
    %add3A_882 = arith.addi %add3A_880, %add3A_881 : i32
    %add3A_883 = arith.constant 0 : i32
    %add3A_884 = arith.addi %add3A_882, %add3A_883 : i32
    %dma_start3A_885 = arith.constant 0 : i32
    %dma_start3A_886 = arith.constant 0 : i32
    %dma_start3A_887 = tpu.memref_slice %arg10[%dma_start3A_885, %dma_start3A_886] : memref<16x1024xf32, #tpu.memory_space<vmem>> -> memref<8x1024xf32, #tpu.memory_space<vmem>>
    %dma_start3A_888 = arith.constant 0 : i32
    %dma_start3A_889 = tpu.memref_slice %arg4[%add3A_884, %dma_start3A_888] : memref<8192x1024xf32, #tpu.memory_space<hbm>> -> memref<8x1024xf32, #tpu.memory_space<hbm>>
    %dma_start3A_890 = arith.constant 0 : i32
    %dma_start3A_891 = tpu.memref_slice %arg4[%add3A_884, %dma_start3A_890] : memref<8192x1024xf32, #tpu.memory_space<hbm>> -> memref<8x1024xf32, #tpu.memory_space<hbm>>
    %dma_start3A_892 = arith.constant 0 : i32
    %dma_start3A_893 = arith.constant 0 : i32
    %dma_start3A_894 = tpu.memref_slice %arg10[%dma_start3A_892, %dma_start3A_893] : memref<16x1024xf32, #tpu.memory_space<vmem>> -> memref<8x1024xf32, #tpu.memory_space<vmem>>
    tpu.enqueue_dma source(%dma_start3A_894 : memref<8x1024xf32, #tpu.memory_space<vmem>>) target(%dma_start3A_891 : memref<8x1024xf32, #tpu.memory_space<hbm>>) target_semaphore(%arg17 : memref<!tpu.dma_semaphore, #tpu.memory_space<semaphore_mem>>)
    %parallel_loop3A_895 = arith.constant 512 : i32
    %parallel_loop3A_896 = arith.constant 1024 : i32
    %parallel_loop3A_897 = arith.constant 1 : i32
    scf.for %parallel_loop3A_976 = %parallel_loop3A_895 to %parallel_loop3A_896 step %parallel_loop3A_897  : i32 {
      %parallel_loop3A_977 = arith.constant 64 : i32
      %parallel_loop3A_978 = arith.divsi %parallel_loop3A_976, %parallel_loop3A_977 : i32
      %parallel_loop3A_979 = arith.constant 0 : i32
      %parallel_loop3A_980 = arith.cmpi sgt, %parallel_loop3A_976, %parallel_loop3A_979 : i32
      %parallel_loop3A_981 = arith.extui %parallel_loop3A_980 : i1 to i32
      %parallel_loop3A_982 = arith.constant 0 : i32
      %parallel_loop3A_983 = arith.cmpi slt, %parallel_loop3A_976, %parallel_loop3A_982 : i32
      %parallel_loop3A_984 = arith.extui %parallel_loop3A_983 : i1 to i32
      %parallel_loop3A_985 = arith.subi %parallel_loop3A_981, %parallel_loop3A_984 : i32
      %parallel_loop3A_986 = arith.constant 0 : i32
      %parallel_loop3A_987 = arith.cmpi sgt, %parallel_loop3A_977, %parallel_loop3A_986 : i32
      %parallel_loop3A_988 = arith.extui %parallel_loop3A_987 : i1 to i32
      %parallel_loop3A_989 = arith.constant 0 : i32
      %parallel_loop3A_990 = arith.cmpi slt, %parallel_loop3A_977, %parallel_loop3A_989 : i32
      %parallel_loop3A_991 = arith.extui %parallel_loop3A_990 : i1 to i32
      %parallel_loop3A_992 = arith.subi %parallel_loop3A_988, %parallel_loop3A_991 : i32
      %parallel_loop3A_993 = arith.cmpi ne, %parallel_loop3A_985, %parallel_loop3A_992 : i32
      %parallel_loop3A_994 = arith.remsi %parallel_loop3A_976, %parallel_loop3A_977 : i32
      %parallel_loop3A_995 = arith.constant 0 : i32
      %parallel_loop3A_996 = arith.cmpi ne, %parallel_loop3A_994, %parallel_loop3A_995 : i32
      %parallel_loop3A_997 = arith.andi %parallel_loop3A_993, %parallel_loop3A_996 : i1
      %parallel_loop3A_998 = arith.constant 1 : i32
      %parallel_loop3A_999 = arith.subi %parallel_loop3A_978, %parallel_loop3A_998 : i32
      %parallel_loop3A_1000 = arith.select %parallel_loop3A_997, %parallel_loop3A_999, %parallel_loop3A_978 : i32
      %parallel_loop3A_1001 = arith.constant 64 : i32
      %parallel_loop3A_1002 = arith.constant 0 : i32
      %parallel_loop3A_1003 = arith.cmpi eq, %parallel_loop3A_1001, %parallel_loop3A_1002 : i32
      %parallel_loop3A_1004 = arith.constant 1 : i32
      %parallel_loop3A_1005 = arith.select %parallel_loop3A_1003, %parallel_loop3A_1004, %parallel_loop3A_1001 : i32
      %parallel_loop3A_1006 = arith.remsi %parallel_loop3A_976, %parallel_loop3A_1005 : i32
      %parallel_loop3A_1007 = arith.constant 0 : i32
      %parallel_loop3A_1008 = arith.cmpi ne, %parallel_loop3A_1006, %parallel_loop3A_1007 : i32
      %parallel_loop3A_1009 = arith.constant 0 : i32
      %parallel_loop3A_1010 = arith.cmpi slt, %parallel_loop3A_1006, %parallel_loop3A_1009 : i32
      %parallel_loop3A_1011 = arith.constant 0 : i32
      %parallel_loop3A_1012 = arith.cmpi slt, %parallel_loop3A_1005, %parallel_loop3A_1011 : i32
      %parallel_loop3A_1013 = arith.xori %parallel_loop3A_1010, %parallel_loop3A_1012 : i1
      %parallel_loop3A_1014 = arith.andi %parallel_loop3A_1013, %parallel_loop3A_1008 : i1
      %parallel_loop3A_1015 = arith.addi %parallel_loop3A_1006, %parallel_loop3A_1005 : i32
      %parallel_loop3A_1016 = arith.select %parallel_loop3A_1014, %parallel_loop3A_1015, %parallel_loop3A_1006 : i32
      %parallel_loop3A_1017 = arith.constant 16 : i32
      %parallel_loop3A_1018 = arith.muli %parallel_loop3A_1016, %parallel_loop3A_1017 : i32
      %parallel_loop3A_1019 = arith.index_cast %parallel_loop3A_1000 : i32 to index
      %parallel_loop3A_1020 = arith.index_cast %parallel_loop3A_1018 : i32 to index
      %parallel_loop3A_1021 = tpu.vector_load %arg9[%parallel_loop3A_1019, %parallel_loop3A_1020] {strides = array<i32>} : memref<16x1024xf32, #tpu.memory_space<vmem>>, vector<1x16xf32>,
      %parallel_loop3A_1022 = vector.shape_cast %parallel_loop3A_1021 : vector<1x16xf32> to vector<16xf32>
      %parallel_loop3A_1023 = arith.index_cast %parallel_loop3A_1000 : i32 to index
      %parallel_loop3A_1024 = arith.index_cast %parallel_loop3A_1018 : i32 to index
      %parallel_loop3A_1025 = tpu.vector_load %arg6[%parallel_loop3A_1023, %parallel_loop3A_1024] {strides = array<i32>} : memref<16x1024xf32, #tpu.memory_space<vmem>>, vector<1x16xf32>,
      %parallel_loop3A_1026 = vector.shape_cast %parallel_loop3A_1025 : vector<1x16xf32> to vector<16xf32>
      %parallel_loop3A_1027 = arith.addf %parallel_loop3A_1022, %parallel_loop3A_1026 : vector<16xf32>
      %parallel_loop3A_1028 = arith.index_cast %parallel_loop3A_1000 : i32 to index
      %parallel_loop3A_1029 = arith.index_cast %parallel_loop3A_1018 : i32 to index
      %parallel_loop3A_1030 = tpu.vector_load %arg10[%parallel_loop3A_1028, %parallel_loop3A_1029] {strides = array<i32>} : memref<16x1024xf32, #tpu.memory_space<vmem>>, vector<1x16xf32>,
      %parallel_loop3A_1031 = vector.shape_cast %parallel_loop3A_1030 : vector<1x16xf32> to vector<16xf32>
      %parallel_loop3A_1032 = vector.shape_cast %parallel_loop3A_1027 : vector<16xf32> to vector<1x16xf32>
      tpu.vector_store %arg10[%parallel_loop3A_1028, %parallel_loop3A_1029], %parallel_loop3A_1032 {strides = array<i32>} : memref<16x1024xf32, #tpu.memory_space<vmem>>, vector<1x16xf32>,
    } {sc.loop_unroll_factor = 8 : i64, sc.parallel_access}
    %add3A_898 = arith.constant 4096 : i32
    %add3A_899 = arith.addi %add3A_898, %mul3A_2 : i32
    %add3A_900 = arith.constant 48 : i32
    %add3A_901 = arith.addi %add3A_899, %add3A_900 : i32
    %add3A_902 = arith.constant 8 : i32
    %add3A_903 = arith.addi %add3A_901, %add3A_902 : i32
    %dma_start3A_904 = arith.constant 8 : i32
    %dma_start3A_905 = arith.constant 0 : i32
    %dma_start3A_906 = tpu.memref_slice %arg10[%dma_start3A_904, %dma_start3A_905] : memref<16x1024xf32, #tpu.memory_space<vmem>> -> memref<8x1024xf32, #tpu.memory_space<vmem>>
    %dma_start3A_907 = arith.constant 0 : i32
    %dma_start3A_908 = tpu.memref_slice %arg4[%add3A_903, %dma_start3A_907] : memref<8192x1024xf32, #tpu.memory_space<hbm>> -> memref<8x1024xf32, #tpu.memory_space<hbm>>
    %dma_start3A_909 = arith.constant 0 : i32
    %dma_start3A_910 = tpu.memref_slice %arg4[%add3A_903, %dma_start3A_909] : memref<8192x1024xf32, #tpu.memory_space<hbm>> -> memref<8x1024xf32, #tpu.memory_space<hbm>>
    %dma_start3A_911 = arith.constant 8 : i32
    %dma_start3A_912 = arith.constant 0 : i32
    %dma_start3A_913 = tpu.memref_slice %arg10[%dma_start3A_911, %dma_start3A_912] : memref<16x1024xf32, #tpu.memory_space<vmem>> -> memref<8x1024xf32, #tpu.memory_space<vmem>>
    tpu.enqueue_dma source(%dma_start3A_913 : memref<8x1024xf32, #tpu.memory_space<vmem>>) target(%dma_start3A_910 : memref<8x1024xf32, #tpu.memory_space<hbm>>) target_semaphore(%arg17 : memref<!tpu.dma_semaphore, #tpu.memory_space<semaphore_mem>>)
    %dma_wait3A_914 = arith.constant 0 : i32
    %dma_wait3A_915 = arith.constant 0 : i32
    %dma_wait3A_916 = tpu.memref_slice %arg2[%dma_wait3A_914, %dma_wait3A_915] : memref<8192x1024xf32, #tpu.memory_space<hbm>> -> memref<16x1024xf32, #tpu.memory_space<hbm>>
    %dma_wait3A_917 = arith.constant 0 : i32
    %dma_wait3A_918 = arith.constant 0 : i32
    %dma_wait3A_919 = tpu.memref_slice %arg2[%dma_wait3A_917, %dma_wait3A_918] : memref<8192x1024xf32, #tpu.memory_space<hbm>> -> memref<16x1024xf32, #tpu.memory_space<hbm>>
    tpu.wait_dma2 semaphore(%arg14 : memref<!tpu.dma_semaphore, #tpu.memory_space<semaphore_mem>>) src(%dma_wait3A_919 : memref<16x1024xf32, #tpu.memory_space<hbm>>) dst(%arg7 : memref<16x1024xf32, #tpu.memory_space<vmem>>)
    %dma_wait3A_920 = arith.constant 0 : i32
    %dma_wait3A_921 = arith.constant 0 : i32
    %dma_wait3A_922 = tpu.memref_slice %arg4[%dma_wait3A_920, %dma_wait3A_921] : memref<8192x1024xf32, #tpu.memory_space<hbm>> -> memref<16x1024xf32, #tpu.memory_space<hbm>>
    %dma_wait3A_923 = arith.constant 0 : i32
    %dma_wait3A_924 = arith.constant 0 : i32
    %dma_wait3A_925 = tpu.memref_slice %arg4[%dma_wait3A_923, %dma_wait3A_924] : memref<8192x1024xf32, #tpu.memory_space<hbm>> -> memref<16x1024xf32, #tpu.memory_space<hbm>>
    tpu.wait_dma2 semaphore(%arg18 : memref<!tpu.dma_semaphore, #tpu.memory_space<semaphore_mem>>) src(%arg11 : memref<16x1024xf32, #tpu.memory_space<vmem>>) dst(%dma_wait3A_925 : memref<16x1024xf32, #tpu.memory_space<hbm>>)
    %parallel_loop3A_926 = arith.constant 0 : i32
    %parallel_loop3A_927 = arith.constant 512 : i32
    %parallel_loop3A_928 = arith.constant 1 : i32
    scf.for %parallel_loop3A_976 = %parallel_loop3A_926 to %parallel_loop3A_927 step %parallel_loop3A_928  : i32 {
      %parallel_loop3A_977 = arith.constant 64 : i32
      %parallel_loop3A_978 = arith.divsi %parallel_loop3A_976, %parallel_loop3A_977 : i32
      %parallel_loop3A_979 = arith.constant 0 : i32
      %parallel_loop3A_980 = arith.cmpi sgt, %parallel_loop3A_976, %parallel_loop3A_979 : i32
      %parallel_loop3A_981 = arith.extui %parallel_loop3A_980 : i1 to i32
      %parallel_loop3A_982 = arith.constant 0 : i32
      %parallel_loop3A_983 = arith.cmpi slt, %parallel_loop3A_976, %parallel_loop3A_982 : i32
      %parallel_loop3A_984 = arith.extui %parallel_loop3A_983 : i1 to i32
      %parallel_loop3A_985 = arith.subi %parallel_loop3A_981, %parallel_loop3A_984 : i32
      %parallel_loop3A_986 = arith.constant 0 : i32
      %parallel_loop3A_987 = arith.cmpi sgt, %parallel_loop3A_977, %parallel_loop3A_986 : i32
      %parallel_loop3A_988 = arith.extui %parallel_loop3A_987 : i1 to i32
      %parallel_loop3A_989 = arith.constant 0 : i32
      %parallel_loop3A_990 = arith.cmpi slt, %parallel_loop3A_977, %parallel_loop3A_989 : i32
      %parallel_loop3A_991 = arith.extui %parallel_loop3A_990 : i1 to i32
      %parallel_loop3A_992 = arith.subi %parallel_loop3A_988, %parallel_loop3A_991 : i32
      %parallel_loop3A_993 = arith.cmpi ne, %parallel_loop3A_985, %parallel_loop3A_992 : i32
      %parallel_loop3A_994 = arith.remsi %parallel_loop3A_976, %parallel_loop3A_977 : i32
      %parallel_loop3A_995 = arith.constant 0 : i32
      %parallel_loop3A_996 = arith.cmpi ne, %parallel_loop3A_994, %parallel_loop3A_995 : i32
      %parallel_loop3A_997 = arith.andi %parallel_loop3A_993, %parallel_loop3A_996 : i1
      %parallel_loop3A_998 = arith.constant 1 : i32
      %parallel_loop3A_999 = arith.subi %parallel_loop3A_978, %parallel_loop3A_998 : i32
      %parallel_loop3A_1000 = arith.select %parallel_loop3A_997, %parallel_loop3A_999, %parallel_loop3A_978 : i32
      %parallel_loop3A_1001 = arith.constant 64 : i32
      %parallel_loop3A_1002 = arith.constant 0 : i32
      %parallel_loop3A_1003 = arith.cmpi eq, %parallel_loop3A_1001, %parallel_loop3A_1002 : i32
      %parallel_loop3A_1004 = arith.constant 1 : i32
      %parallel_loop3A_1005 = arith.select %parallel_loop3A_1003, %parallel_loop3A_1004, %parallel_loop3A_1001 : i32
      %parallel_loop3A_1006 = arith.remsi %parallel_loop3A_976, %parallel_loop3A_1005 : i32
      %parallel_loop3A_1007 = arith.constant 0 : i32
      %parallel_loop3A_1008 = arith.cmpi ne, %parallel_loop3A_1006, %parallel_loop3A_1007 : i32
      %parallel_loop3A_1009 = arith.constant 0 : i32
      %parallel_loop3A_1010 = arith.cmpi slt, %parallel_loop3A_1006, %parallel_loop3A_1009 : i32
      %parallel_loop3A_1011 = arith.constant 0 : i32
      %parallel_loop3A_1012 = arith.cmpi slt, %parallel_loop3A_1005, %parallel_loop3A_1011 : i32
      %parallel_loop3A_1013 = arith.xori %parallel_loop3A_1010, %parallel_loop3A_1012 : i1
      %parallel_loop3A_1014 = arith.andi %parallel_loop3A_1013, %parallel_loop3A_1008 : i1
      %parallel_loop3A_1015 = arith.addi %parallel_loop3A_1006, %parallel_loop3A_1005 : i32
      %parallel_loop3A_1016 = arith.select %parallel_loop3A_1014, %parallel_loop3A_1015, %parallel_loop3A_1006 : i32
      %parallel_loop3A_1017 = arith.constant 16 : i32
      %parallel_loop3A_1018 = arith.muli %parallel_loop3A_1016, %parallel_loop3A_1017 : i32
      %parallel_loop3A_1019 = arith.index_cast %parallel_loop3A_1000 : i32 to index
      %parallel_loop3A_1020 = arith.index_cast %parallel_loop3A_1018 : i32 to index
      %parallel_loop3A_1021 = tpu.vector_load %arg7[%parallel_loop3A_1019, %parallel_loop3A_1020] {strides = array<i32>} : memref<16x1024xf32, #tpu.memory_space<vmem>>, vector<1x16xf32>,
      %parallel_loop3A_1022 = vector.shape_cast %parallel_loop3A_1021 : vector<1x16xf32> to vector<16xf32>
      %parallel_loop3A_1023 = arith.index_cast %parallel_loop3A_1000 : i32 to index
      %parallel_loop3A_1024 = arith.index_cast %parallel_loop3A_1018 : i32 to index
      %parallel_loop3A_1025 = tpu.vector_load %arg6[%parallel_loop3A_1023, %parallel_loop3A_1024] {strides = array<i32>} : memref<16x1024xf32, #tpu.memory_space<vmem>>, vector<1x16xf32>,
      %parallel_loop3A_1026 = vector.shape_cast %parallel_loop3A_1025 : vector<1x16xf32> to vector<16xf32>
      %parallel_loop3A_1027 = arith.addf %parallel_loop3A_1022, %parallel_loop3A_1026 : vector<16xf32>
      %parallel_loop3A_1028 = arith.index_cast %parallel_loop3A_1000 : i32 to index
      %parallel_loop3A_1029 = arith.index_cast %parallel_loop3A_1018 : i32 to index
      %parallel_loop3A_1030 = tpu.vector_load %arg11[%parallel_loop3A_1028, %parallel_loop3A_1029] {strides = array<i32>} : memref<16x1024xf32, #tpu.memory_space<vmem>>, vector<1x16xf32>,
      %parallel_loop3A_1031 = vector.shape_cast %parallel_loop3A_1030 : vector<1x16xf32> to vector<16xf32>
      %parallel_loop3A_1032 = vector.shape_cast %parallel_loop3A_1027 : vector<16xf32> to vector<1x16xf32>
      tpu.vector_store %arg11[%parallel_loop3A_1028, %parallel_loop3A_1029], %parallel_loop3A_1032 {strides = array<i32>} : memref<16x1024xf32, #tpu.memory_space<vmem>>, vector<1x16xf32>,
    } {sc.loop_unroll_factor = 8 : i64, sc.parallel_access}
    %add3A_929 = arith.constant 6144 : i32
    %add3A_930 = arith.addi %add3A_929, %mul3A_2 : i32
    %add3A_931 = arith.constant 48 : i32
    %add3A_932 = arith.addi %add3A_930, %add3A_931 : i32
    %add3A_933 = arith.constant 0 : i32
    %add3A_934 = arith.addi %add3A_932, %add3A_933 : i32
    %dma_start3A_935 = arith.constant 0 : i32
    %dma_start3A_936 = arith.constant 0 : i32
    %dma_start3A_937 = tpu.memref_slice %arg11[%dma_start3A_935, %dma_start3A_936] : memref<16x1024xf32, #tpu.memory_space<vmem>> -> memref<8x1024xf32, #tpu.memory_space<vmem>>
    %dma_start3A_938 = arith.constant 0 : i32
    %dma_start3A_939 = tpu.memref_slice %arg4[%add3A_934, %dma_start3A_938] : memref<8192x1024xf32, #tpu.memory_space<hbm>> -> memref<8x1024xf32, #tpu.memory_space<hbm>>
    %dma_start3A_940 = arith.constant 0 : i32
    %dma_start3A_941 = tpu.memref_slice %arg4[%add3A_934, %dma_start3A_940] : memref<8192x1024xf32, #tpu.memory_space<hbm>> -> memref<8x1024xf32, #tpu.memory_space<hbm>>
    %dma_start3A_942 = arith.constant 0 : i32
    %dma_start3A_943 = arith.constant 0 : i32
    %dma_start3A_944 = tpu.memref_slice %arg11[%dma_start3A_942, %dma_start3A_943] : memref<16x1024xf32, #tpu.memory_space<vmem>> -> memref<8x1024xf32, #tpu.memory_space<vmem>>
    tpu.enqueue_dma source(%dma_start3A_944 : memref<8x1024xf32, #tpu.memory_space<vmem>>) target(%dma_start3A_941 : memref<8x1024xf32, #tpu.memory_space<hbm>>) target_semaphore(%arg18 : memref<!tpu.dma_semaphore, #tpu.memory_space<semaphore_mem>>)
    %parallel_loop3A_945 = arith.constant 512 : i32
    %parallel_loop3A_946 = arith.constant 1024 : i32
    %parallel_loop3A_947 = arith.constant 1 : i32
    scf.for %parallel_loop3A_976 = %parallel_loop3A_945 to %parallel_loop3A_946 step %parallel_loop3A_947  : i32 {
      %parallel_loop3A_977 = arith.constant 64 : i32
      %parallel_loop3A_978 = arith.divsi %parallel_loop3A_976, %parallel_loop3A_977 : i32
      %parallel_loop3A_979 = arith.constant 0 : i32
      %parallel_loop3A_980 = arith.cmpi sgt, %parallel_loop3A_976, %parallel_loop3A_979 : i32
      %parallel_loop3A_981 = arith.extui %parallel_loop3A_980 : i1 to i32
      %parallel_loop3A_982 = arith.constant 0 : i32
      %parallel_loop3A_983 = arith.cmpi slt, %parallel_loop3A_976, %parallel_loop3A_982 : i32
      %parallel_loop3A_984 = arith.extui %parallel_loop3A_983 : i1 to i32
      %parallel_loop3A_985 = arith.subi %parallel_loop3A_981, %parallel_loop3A_984 : i32
      %parallel_loop3A_986 = arith.constant 0 : i32
      %parallel_loop3A_987 = arith.cmpi sgt, %parallel_loop3A_977, %parallel_loop3A_986 : i32
      %parallel_loop3A_988 = arith.extui %parallel_loop3A_987 : i1 to i32
      %parallel_loop3A_989 = arith.constant 0 : i32
      %parallel_loop3A_990 = arith.cmpi slt, %parallel_loop3A_977, %parallel_loop3A_989 : i32
      %parallel_loop3A_991 = arith.extui %parallel_loop3A_990 : i1 to i32
      %parallel_loop3A_992 = arith.subi %parallel_loop3A_988, %parallel_loop3A_991 : i32
      %parallel_loop3A_993 = arith.cmpi ne, %parallel_loop3A_985, %parallel_loop3A_992 : i32
      %parallel_loop3A_994 = arith.remsi %parallel_loop3A_976, %parallel_loop3A_977 : i32
      %parallel_loop3A_995 = arith.constant 0 : i32
      %parallel_loop3A_996 = arith.cmpi ne, %parallel_loop3A_994, %parallel_loop3A_995 : i32
      %parallel_loop3A_997 = arith.andi %parallel_loop3A_993, %parallel_loop3A_996 : i1
      %parallel_loop3A_998 = arith.constant 1 : i32
      %parallel_loop3A_999 = arith.subi %parallel_loop3A_978, %parallel_loop3A_998 : i32
      %parallel_loop3A_1000 = arith.select %parallel_loop3A_997, %parallel_loop3A_999, %parallel_loop3A_978 : i32
      %parallel_loop3A_1001 = arith.constant 64 : i32
      %parallel_loop3A_1002 = arith.constant 0 : i32
      %parallel_loop3A_1003 = arith.cmpi eq, %parallel_loop3A_1001, %parallel_loop3A_1002 : i32
      %parallel_loop3A_1004 = arith.constant 1 : i32
      %parallel_loop3A_1005 = arith.select %parallel_loop3A_1003, %parallel_loop3A_1004, %parallel_loop3A_1001 : i32
      %parallel_loop3A_1006 = arith.remsi %parallel_loop3A_976, %parallel_loop3A_1005 : i32
      %parallel_loop3A_1007 = arith.constant 0 : i32
      %parallel_loop3A_1008 = arith.cmpi ne, %parallel_loop3A_1006, %parallel_loop3A_1007 : i32
      %parallel_loop3A_1009 = arith.constant 0 : i32
      %parallel_loop3A_1010 = arith.cmpi slt, %parallel_loop3A_1006, %parallel_loop3A_1009 : i32
      %parallel_loop3A_1011 = arith.constant 0 : i32
      %parallel_loop3A_1012 = arith.cmpi slt, %parallel_loop3A_1005, %parallel_loop3A_1011 : i32
      %parallel_loop3A_1013 = arith.xori %parallel_loop3A_1010, %parallel_loop3A_1012 : i1
      %parallel_loop3A_1014 = arith.andi %parallel_loop3A_1013, %parallel_loop3A_1008 : i1
      %parallel_loop3A_1015 = arith.addi %parallel_loop3A_1006, %parallel_loop3A_1005 : i32
      %parallel_loop3A_1016 = arith.select %parallel_loop3A_1014, %parallel_loop3A_1015, %parallel_loop3A_1006 : i32
      %parallel_loop3A_1017 = arith.constant 16 : i32
      %parallel_loop3A_1018 = arith.muli %parallel_loop3A_1016, %parallel_loop3A_1017 : i32
      %parallel_loop3A_1019 = arith.index_cast %parallel_loop3A_1000 : i32 to index
      %parallel_loop3A_1020 = arith.index_cast %parallel_loop3A_1018 : i32 to index
      %parallel_loop3A_1021 = tpu.vector_load %arg7[%parallel_loop3A_1019, %parallel_loop3A_1020] {strides = array<i32>} : memref<16x1024xf32, #tpu.memory_space<vmem>>, vector<1x16xf32>,
      %parallel_loop3A_1022 = vector.shape_cast %parallel_loop3A_1021 : vector<1x16xf32> to vector<16xf32>
      %parallel_loop3A_1023 = arith.index_cast %parallel_loop3A_1000 : i32 to index
      %parallel_loop3A_1024 = arith.index_cast %parallel_loop3A_1018 : i32 to index
      %parallel_loop3A_1025 = tpu.vector_load %arg6[%parallel_loop3A_1023, %parallel_loop3A_1024] {strides = array<i32>} : memref<16x1024xf32, #tpu.memory_space<vmem>>, vector<1x16xf32>,
      %parallel_loop3A_1026 = vector.shape_cast %parallel_loop3A_1025 : vector<1x16xf32> to vector<16xf32>
      %parallel_loop3A_1027 = arith.addf %parallel_loop3A_1022, %parallel_loop3A_1026 : vector<16xf32>
      %parallel_loop3A_1028 = arith.index_cast %parallel_loop3A_1000 : i32 to index
      %parallel_loop3A_1029 = arith.index_cast %parallel_loop3A_1018 : i32 to index
      %parallel_loop3A_1030 = tpu.vector_load %arg11[%parallel_loop3A_1028, %parallel_loop3A_1029] {strides = array<i32>} : memref<16x1024xf32, #tpu.memory_space<vmem>>, vector<1x16xf32>,
      %parallel_loop3A_1031 = vector.shape_cast %parallel_loop3A_1030 : vector<1x16xf32> to vector<16xf32>
      %parallel_loop3A_1032 = vector.shape_cast %parallel_loop3A_1027 : vector<16xf32> to vector<1x16xf32>
      tpu.vector_store %arg11[%parallel_loop3A_1028, %parallel_loop3A_1029], %parallel_loop3A_1032 {strides = array<i32>} : memref<16x1024xf32, #tpu.memory_space<vmem>>, vector<1x16xf32>,
    } {sc.loop_unroll_factor = 8 : i64, sc.parallel_access}
    %add3A_948 = arith.constant 6144 : i32
    %add3A_949 = arith.addi %add3A_948, %mul3A_2 : i32
    %add3A_950 = arith.constant 48 : i32
    %add3A_951 = arith.addi %add3A_949, %add3A_950 : i32
    %add3A_952 = arith.constant 8 : i32
    %add3A_953 = arith.addi %add3A_951, %add3A_952 : i32
    %dma_start3A_954 = arith.constant 8 : i32
    %dma_start3A_955 = arith.constant 0 : i32
    %dma_start3A_956 = tpu.memref_slice %arg11[%dma_start3A_954, %dma_start3A_955] : memref<16x1024xf32, #tpu.memory_space<vmem>> -> memref<8x1024xf32, #tpu.memory_space<vmem>>
    %dma_start3A_957 = arith.constant 0 : i32
    %dma_start3A_958 = tpu.memref_slice %arg4[%add3A_953, %dma_start3A_957] : memref<8192x1024xf32, #tpu.memory_space<hbm>> -> memref<8x1024xf32, #tpu.memory_space<hbm>>
    %dma_start3A_959 = arith.constant 0 : i32
    %dma_start3A_960 = tpu.memref_slice %arg4[%add3A_953, %dma_start3A_959] : memref<8192x1024xf32, #tpu.memory_space<hbm>> -> memref<8x1024xf32, #tpu.memory_space<hbm>>
    %dma_start3A_961 = arith.constant 8 : i32
    %dma_start3A_962 = arith.constant 0 : i32
    %dma_start3A_963 = tpu.memref_slice %arg11[%dma_start3A_961, %dma_start3A_962] : memref<16x1024xf32, #tpu.memory_space<vmem>> -> memref<8x1024xf32, #tpu.memory_space<vmem>>
    tpu.enqueue_dma source(%dma_start3A_963 : memref<8x1024xf32, #tpu.memory_space<vmem>>) target(%dma_start3A_960 : memref<8x1024xf32, #tpu.memory_space<hbm>>) target_semaphore(%arg18 : memref<!tpu.dma_semaphore, #tpu.memory_space<semaphore_mem>>)
    %dma_wait3A_964 = arith.constant 0 : i32
    %dma_wait3A_965 = arith.constant 0 : i32
    %dma_wait3A_966 = tpu.memref_slice %arg4[%dma_wait3A_964, %dma_wait3A_965] : memref<8192x1024xf32, #tpu.memory_space<hbm>> -> memref<16x1024xf32, #tpu.memory_space<hbm>>
    %dma_wait3A_967 = arith.constant 0 : i32
    %dma_wait3A_968 = arith.constant 0 : i32
    %dma_wait3A_969 = tpu.memref_slice %arg4[%dma_wait3A_967, %dma_wait3A_968] : memref<8192x1024xf32, #tpu.memory_space<hbm>> -> memref<16x1024xf32, #tpu.memory_space<hbm>>
    tpu.wait_dma2 semaphore(%arg17 : memref<!tpu.dma_semaphore, #tpu.memory_space<semaphore_mem>>) src(%arg10 : memref<16x1024xf32, #tpu.memory_space<vmem>>) dst(%dma_wait3A_969 : memref<16x1024xf32, #tpu.memory_space<hbm>>)
    %dma_wait3A_970 = arith.constant 0 : i32
    %dma_wait3A_971 = arith.constant 0 : i32
    %dma_wait3A_972 = tpu.memref_slice %arg4[%dma_wait3A_970, %dma_wait3A_971] : memref<8192x1024xf32, #tpu.memory_space<hbm>> -> memref<16x1024xf32, #tpu.memory_space<hbm>>
    %dma_wait3A_973 = arith.constant 0 : i32
    %dma_wait3A_974 = arith.constant 0 : i32
    %dma_wait3A_975 = tpu.memref_slice %arg4[%dma_wait3A_973, %dma_wait3A_974] : memref<8192x1024xf32, #tpu.memory_space<hbm>> -> memref<16x1024xf32, #tpu.memory_space<hbm>>
    tpu.wait_dma2 semaphore(%arg18 : memref<!tpu.dma_semaphore, #tpu.memory_space<semaphore_mem>>) src(%arg11 : memref<16x1024xf32, #tpu.memory_space<vmem>>) dst(%dma_wait3A_975 : memref<16x1024xf32, #tpu.memory_space<hbm>>)
    return
  }
}

</mosaic_0001>

<sc_bundles>
// kernel: _sc_pos_add.3.cloned.1.call-start
scs
__scs_entry_jumppad:
0x0: {  	(pc) =	sbr.rel $0x88, $3  }
0x1: {  	(tag) =	ssettag $0x0;
	lr =	simm.s32 $0x1  }
0x2: {  	[smem:$0x3F9F] =	sst lr;
	_ =	strace $0xD0000000  }
0x3: {  	_ = 	snop  }
0x4: {  	_ = 	snop  }
0x5: {  	_ = 	snop  }
0x6: {  	_ = 	snop  }
0x7: {  	_ = 	snop  }
__scs_overlays_trampoline_lowered:
0x8: {  	[smem:$0x3FAE] =	sst s0  }
0x9: {  	[smem:$0x3FAF] =	sst s1  }
0xa: {  	[smem:$0x3FB0] =	sst s2  }
0xb: {  	[smem:$0x3FB1] =	sst s3  }
0xc: {  	[smem:$0x3FB2] =	sst s4  }
0xd: {  	[smem:$0x3FB3] =	sst s5  }
0xe: {  	[smem:$0x3FB4] =	sst s6  }
0xf: {  	[smem:$0x3FB5] =	sst s7  }
0x10: {  	[smem:$0x3FB6] =	sst s8  }
0x11: {  	[smem:$0x3FB7] =	sst s9;
	s0 =	simm.s32 @!p0 $0x0  }
0x12: {  	s1 =	sld [smem:$0x3F9D];
	s0 =	simm.s32 @p0 $0x1  }
0x13: {  	[smem:$0x3FB8] =	sst s0;
	s0 =	simm.s32 @!p1 $0x0  }
0x14: {  	s2 =	sld [smem:$0x3F9C];
	s0 =	simm.s32 @p1 $0x1  }
0x15: {  	[smem:$0x3FB9] =	sst s0;
	s0 =	simm.s32 @!p2 $0x0  }
0x16: {  	s3 =	sld [smem:$0x3FDB];
	s0 =	simm.s32 @p2 $0x1  }
0x17: {  	s4 =	simm.s32 $0x1BF5;
	[smem:$0x3FBB] =	sst s0  }
0x18: {  	s0 =	sld [smem:$0x3F9E];
	_ =	swait.ge [sflag:s4], $0x0  }
0x19: {  	s7 =	sld [smem:$0x3F9F]  }
0x1a: {  	s8 =	sadd.s32 $0xFFFFE003, lr  }
0x1b: {  	s9 =	sadd.s32 $0xFFFFFEF7, lr;
	s5 =	simm.s32 $0xFFFFFFFF;
	p2 =	slt.u32 s8, $0xFFFFF086  }
0x1c: {  	p1 =	slt.u32 s9, $0xF7A;
	s5 =	simm.s32 @!p2 $0x0  }
0x1d: {  	s5 =	simm.s32 @p1 $0x1;
	p0 =	seq.s32 s7, s2  }
0x1e: {  	s7 =	smul.u32 @!p0 $0xF7A, s2;
	p2 =	seq.s32 @!p0 s5, $0x0  }
0x1f: {  	s9 =	smul.u32 $0xF7A, s1;
	s8 =	simm.s32 @!p0 $0x1BF5;
	p2 =	por !p2, p0  }
0x20: {  	[sflag:s8] =	ssyncset.s32 @!p0 $0xFFFFF086;
	s6 =	sadd.s32 @!p0 s3, s7;
	s7 =	simm.s32 @!p0 $0x108  }
0x21: {  	s3 =	sadd.s32 s3, s9;
	s6 =	sadd.s32 @!p0 $0x88, s6;
	s7 =	simm.s32 @p2 $0x1082  }
0x22: {  	[simem:s7], [sflag:s8] =	dma.local @!p0 [hbm:s6], $0xF7A  }
0x23: {  	s9 =	sor.u32 $0xD0000000, s2;
	s6 =	simm.s32 $0x108;
	_ =	swait.ge @!p0 [sflag:s8], $0x0  }
0x24: {  	s3 =	sadd.s32 $0x88, s3;
	s6 =	simm.s32 @!p1 $0x1082;
	[sflag:s4] =	ssyncset.s32 $0xFFFFF086  }
0x25: {  	[simem:s6], [sflag:s4] =	dma.local [hbm:s3], $0xF7A  }
0x26: {  	[smem:$0x3F9F] =	sst s1;
	(tag) =	ssettag s2;
	_ =	strace s9  }
0x27: {  	s1 =	sld [smem:$0x3FAF]  }
0x28: {  	s2 =	sld [smem:$0x3FB0]  }
0x29: {  	s4 =	sld [smem:$0x3FB2]  }
0x2a: {  	p0 =	seq.s32 s5, $0x0;
	s5 =	sld [smem:$0x3FB3]  }
0x2b: {  	s6 =	sld [smem:$0x3FB4]  }
0x2c: {  	s7 =	sld [smem:$0x3FB5]  }
0x2d: {  	s3 =	simm.s32 $0x108;
	s8 =	sld [smem:$0x3FB6]  }
0x2e: {  	s3 =	simm.s32 @!p0 $0x1082;
	s9 =	sld [smem:$0x3FB7]  }
0x2f: {  	lr =	sadd.s32 s0, s3;
	s0 =	sld [smem:$0x3FAE]  }
0x30: {  	s3 =	sld [smem:$0x3FB1]  }
0x31: {  	[smem:$0x3FBA] =	sst s10  }
0x32: {  	s10 =	sld [smem:$0x3FB8];
	_ =	sdelay $0x3  }
0x33: {  	p0 =	seq.s32 s10, $0x1;
	s10 =	sld [smem:$0x3FBA];
	_ =	sdelay $0x3  }
0x34: {  	[smem:$0x3FBA] =	sst s10  }
0x35: {  	s10 =	sld [smem:$0x3FB9];
	_ =	sdelay $0x3  }
0x36: {  	p1 =	seq.s32 s10, $0x1;
	s10 =	sld [smem:$0x3FBA];
	_ =	sdelay $0x3  }
0x37: {  	[smem:$0x3FBA] =	sst s10  }
0x38: {  	s10 =	sld [smem:$0x3FBB]  }
0x39: {  	_ = 	snop;
	(pc) =	sbr.ind lr, $3  }
0x3a: {  	_ = 	snop  }
0x3b: {  	_ = 	snop  }
0x3c: {  	p2 =	seq.s32 s10, $0x1;
	s10 =	sld [smem:$0x3FBA]  }
0x3d: {  	_ =	shalt  }
0x3e: {  	_ =	shalt  }
0x3f: {  	_ =	shalt  }
0x40: {  	_ =	shalt  }
0x41: {  	_ =	shalt  }
0x42: {  	_ =	shalt  }
0x43: {  	_ =	shalt  }
0x44: {  	_ =	shalt  }
0x45: {  	_ =	shalt  }
0x46: {  	_ =	shalt  }
0x47: {  	_ =	shalt  }
0x48: {  	_ =	shalt  }
0x49: {  	_ =	shalt  }
0x4a: {  	_ =	shalt  }
0x4b: {  	_ =	shalt  }
0x4c: {  	_ =	shalt  }
0x4d: {  	_ =	shalt  }
0x4e: {  	_ =	shalt  }
0x4f: {  	_ =	shalt  }
0x50: {  	_ =	shalt  }
0x51: {  	_ =	shalt  }
0x52: {  	_ =	shalt  }
0x53: {  	_ =	shalt  }
0x54: {  	_ =	shalt  }
0x55: {  	_ =	shalt  }
0x56: {  	_ =	shalt  }
0x57: {  	_ =	shalt  }
0x58: {  	_ =	shalt  }
0x59: {  	_ =	shalt  }
0x5a: {  	_ =	shalt  }
0x5b: {  	_ =	shalt  }
0x5c: {  	_ =	shalt  }
0x5d: {  	_ =	shalt  }
0x5e: {  	_ =	shalt  }
0x5f: {  	_ =	shalt  }
0x60: {  	_ =	shalt  }
0x61: {  	_ =	shalt  }
0x62: {  	_ =	shalt  }
0x63: {  	_ =	shalt  }
0x64: {  	_ =	shalt  }
0x65: {  	_ =	shalt  }
0x66: {  	_ =	shalt  }
0x67: {  	_ =	shalt  }
0x68: {  	_ =	shalt  }
0x69: {  	_ =	shalt  }
0x6a: {  	_ =	shalt  }
0x6b: {  	_ =	shalt  }
0x6c: {  	_ =	shalt  }
0x6d: {  	_ =	shalt  }
0x6e: {  	_ =	shalt  }
0x6f: {  	_ =	shalt  }
0x70: {  	_ =	shalt  }
0x71: {  	_ =	shalt  }
0x72: {  	_ =	shalt  }
0x73: {  	_ =	shalt  }
0x74: {  	_ =	shalt  }
0x75: {  	_ =	shalt  }
0x76: {  	_ =	shalt  }
0x77: {  	_ =	shalt  }
0x78: {  	_ =	shalt  }
0x79: {  	_ =	shalt  }
0x7a: {  	_ =	shalt  }
0x7b: {  	_ =	shalt  }
0x7c: {  	_ =	shalt  }
0x7d: {  	_ =	shalt  }
0x7e: {  	_ =	shalt  }
0x7f: {  	_ =	shalt  }
0x80: {  	_ =	shalt  }
0x81: {  	_ =	shalt  }
0x82: {  	_ =	shalt  }
0x83: {  	_ =	shalt  }
0x84: {  	_ =	shalt  }
0x85: {  	_ =	shalt  }
0x86: {  	_ =	shalt  }
0x87: {  	_ =	shalt  }
.Lfunc_end0:
.L_simem_size_0:
called_computation_lowered:
.L_overlay_start_0:
0x88: {  	s2 =	sld [smem:$0x3FD9]  }
0x89: {  	s3 =	sld [smem:$0x3FFE];
	_ =	sdelay $0x1  }
0x8a: {  	s1 =	srdreg.scid  }
0x8b: {  	s0 =	sand.u32 $0x1, s1  }
0x8c: {  	s18 =	sshll.u32 s0, $0xA;
	s2 =	sadd.s32 s3, s2  }
0x8d: {  	s2 =	sadd.s32 s2, s18  }
0x8e: {  	[smem:$0x3FC6] =	sst s2  }
0x8f: {  	_ = 	snop  }
0x90: {  	s2 =	sld [smem:$0x3FC9]  }
0x91: {  	s19 =	sld [smem:$0x3FC8]  }
0x92: {  	s4 =	sld [smem:$0x3FD0];
	(tm) =	ssettm $0x1  }
0x93: {  	s5 =	sld [smem:$0x3FFB];
	_ =	sdelay $0x3  }
0x94: {  	_ =	strace s5  }
0x95: {  	s5 =	sld [smem:$0x3FFC];
	_ =	sdelay $0x3  }
0x96: {  	_ =	strace s5  }
0x97: {  	s5 =	sld [smem:$0x3FFD];
	_ =	sdelay $0x3  }
0x98: {  	_ =	strace s5  }
0x99: {  	_ =	strace $0x8FFFFFFF  }
0x9a: {  	s20 =	sld [smem:$0x3FDB];
	_ =	sdelay $0x1  }
0x9b: {  	s6 =	simm.s32 $_scs_section_size  }
0x9c: {  	s7 =	simm.s32 $_size__tile_overlayer_lowered;
	s8 =	simm.s32 $_tile_overlayer_lowered  }
0x9d: {  	s23 =	simm.s32 $0x1BFF;
	s22 =	sshll.u32 s8, $0x1;
	s5 =	sadd.s32 s6, s20  }
0x9e: {  	s9 =	simm.s32 $0x0;
	s21 =	sshll.u32 s7, $0x1;
	s7 =	sadd.s32 s22, s5  }
0x9f: {  	[timem:s9], [sflag:s23] =	dma.local [hbm:s7], s21  }
0xa0: {  	_ =	swait.ge [sflag:s23], s21  }
0xa1: {  	s6 =	ssub.s32 $0x0, s21;
	[sflag:s23] =	ssyncset.done $0x0  }
0xa2: {  	[sflag:s23] =	ssyncadd.s32 s6;
	_ =	sdelay $0x1  }
0xa3: {  	s24 =	simm.s32 $0x1B8B  }
0xa4: {  	_ =	swait.ge [sflag:s24], $0x1  }
0xa5: {  	[sflag:s24] =	ssyncset.done $0x0  }
0xa6: {  	s25 =	simm.s32 $0x1B8E;
	[sflag:s24] =	ssyncadd.s32 $0xFFFFFFFF  }
0xa7: {  	s26 =	simm.s32 $execute0_lowered;
	[smem:$0x3FD2] =	sst s25  }
0xa8: {  	s6 =	sshll.u32 s26, $0x1;
	_ =	strace $0x80000046;
	[dreg:$0x1] =	wrdreg $0xFFFFFFFF  }
0xa9: {  	s28 =	simm.s32 $_size_execute0_lowered;
	s5 =	sadd.s32 s5, s6;
	[dreg:$0x0] =	wrdreg $0x0  }
0xaa: {  	s6 =	sshll.u32 s28, $0x1;
	[dreg:$0x2] =	wrdreg s5  }
0xab: {  	[dreg:$0x3] =	wrdreg s6  }
0xac: {  	[dreg:$0x4] =	wrdreg $0xC0  }
0xad: {  	_ =	task [dreg:s9], $0x5FFFF  }
0xae: {  	[dreg:$0x1] =	wrdreg $0xFFFFFFFF  }
0xaf: {  	[dreg:$0x0] =	wrdreg $0x60  }
0xb0: {  	[dreg:$0x2] =	wrdreg s2  }
0xb1: {  	[dreg:$0x3] =	wrdreg s19  }
0xb2: {  	[dreg:$0x4] =	wrdreg s4  }
0xb3: {  	[dreg:$0x5] =	wrdreg $0x9  }
0xb4: {  	_ =	task.clear_ibuf [dreg:s9], $0x6FFFF;
	_ =	strace $0x90000046  }
0xb5: {  	s29 =	simm.s32 $0x9;
	_ =	strace $0x80000048  }
0xb6: {  	_ =	swait.ge [sflag:s29], $0x1  }
0xb7: {  	[sflag:s29] =	ssyncadd.s32 $0xFFFFFFFF  }
0xb8: {  	_ =	strace $0x90000048  }
0xb9: {  	_ =	sfence  }
0xba: {  	s30 =	sld [smem:$0x0];
	_ =	sdelay $0x2  }
0xbb: {  	s31 =	sshll.u32 s1, $0xD;
	s1 =	sshrl.u32 s1, $0x2  }
0xbc: {  	s3 =	sand.u32 $0x4000, s31;
	s1 =	sadd.s32 s1, s30  }
0xbd: {  	s0 =	sor.u32 s3, s0;
	s1 =	sshll.u32 s1, $0x11  }
0xbe: {  	s0 =	sor.u32 s1, s0  }
0xbf: {  	s0 =	sadd.s32 $0x8F2B, s0  }
0xc0: {  	[sflag:s0] =	ssyncadd.remote.s32 $0x1  }
0xc1: {  	_ =	sfence.sel $0xFFFF  }
0xc2: {  	[dreg:$0x0] =	wrdreg $0xFFFFFFFF;
	(pc) =	sbr.abs _section_cstart, $3  }
0xc3: {  	[dreg:$0x1] =	wrdreg $0xFFFFFFFF  }
0xc4: {  	_ =	task.clear_ibuf [dreg:s9], $0x2FFFF;
	_ =	strace $0x9FFFFFFF  }
0xc5: {  	(tm) =	ssettm $0x7FFFFFFF  }
tec
execute0_lowered:
.L_overlay_start_1:
0x0: {  	(tag) =	ssettag $0x1  }
0x1: {  	s3 =	rddreg [dreg:$0x0];
	s4 =	srdreg.scid  }
0x2: {  	s0 =	rddreg [dreg:$0x1];
	s6 =	stileid.u32;
	s4 =	sand.u32 $0x1, s4  }
0x3: {  	s6 =	sshll.u32 s6, $0xE;
	s5 =	ssub.s32 $0x2, s4;
	s4 =	sshll.u32 s4, $0xD  }
0x4: {  	s2 =	rddreg [dreg:$0x2];
	s1 =	simm.s32 $0x0;
	s4 =	sor.u32 s4, s6  }
0x5: {  	[smem:$0x7FF] =	sst s1;
	s6 =	sadd.s32 s0, s4;
	s16 =	sor.u32 $0x800, s4  }
0x6: {  	s18 =	sor.u32 $0x40000, s4;
	[dreg:$0x4] =	wrdreg s6;
	s17 =	sadd.s32 s0, s16  }
0x7: {  	s8 =	sor.u32 $0x80000, s4;
	s9 =	sadd.s32 s3, s18;
	[dreg:$0x5] =	wrdreg s17  }
0x8: {  	s20 =	sor.u32 $0xC0000, s4;
	s19 =	sadd.s32 s3, s8;
	[dreg:$0x6] =	wrdreg s9  }
0x9: {  	s7 =	sshrl.u32 s5, $0x1;
	s10 =	sadd.s32 s3, s20;
	[dreg:$0x7] =	wrdreg s19  }
0xa: {  	s5 =	ssub.s32 s5, s7;
	s7 =	sadd.s32 s2, s18;
	[dreg:$0x8] =	wrdreg s10  }
0xb: {  	s22 =	sadd.s32 s3, s16;
	[dreg:$0x9] =	wrdreg s7  }
0xc: {  	s21 =	sor.u32 $0x40800, s4;
	s8 =	sadd.s32 s2, s8;
	[dreg:$0xa] =	wrdreg s22  }
0xd: {  	s23 =	sadd.s32 s3, s21;
	[dreg:$0xb] =	wrdreg s8  }
0xe: {  	s25 =	sor.u32 $0x80800, s4;
	s24 =	sadd.s32 s2, s20;
	[dreg:$0xc] =	wrdreg s23  }
0xf: {  	s26 =	sor.u32 $0x1000, s4;
	s11 =	sadd.s32 s3, s25;
	[dreg:$0xd] =	wrdreg s24  }
0x10: {  	s12 =	sadd.s32 s0, s26;
	[dreg:$0xe] =	wrdreg s11  }
0x11: {  	s13 =	sor.u32 $0xC0800, s4;
	s6 =	sadd.s32 s2, s16;
	[dreg:$0xf] =	wrdreg s12  }
0x12: {  	s14 =	sadd.s32 s3, s13;
	[dreg:$0x10] =	wrdreg s6  }
0x13: {  	s15 =	sadd.s32 s2, s21;
	[dreg:$0x11] =	wrdreg s14  }
0x14: {  	s16 =	sadd.s32 s2, s25;
	[dreg:$0x12] =	wrdreg s15  }
0x15: {  	s21 =	sadd.s32 s2, s26;
	[dreg:$0x13] =	wrdreg s16  }
0x16: {  	s18 =	sor.u32 $0x1800, s4;
	s17 =	sadd.s32 s2, s13;
	[dreg:$0x17] =	wrdreg s21  }
0x17: {  	s0 =	sadd.s32 s0, s18;
	[dreg:$0x14] =	wrdreg s17  }
0x18: {  	s20 =	sor.u32 $0x41000, s4;
	s19 =	sadd.s32 s3, s26;
	[dreg:$0x15] =	wrdreg s0  }
0x19: {  	s25 =	sor.u32 $0xC1000, s4;
	s22 =	sadd.s32 s3, s20;
	[dreg:$0x16] =	wrdreg s19  }
0x1a: {  	s26 =	sadd.s32 s3, s25;
	[dreg:$0x18] =	wrdreg s22  }
0x1b: {  	s8 =	sadd.s32 s3, s18;
	[dreg:$0x1c] =	wrdreg s26  }
0x1c: {  	s9 =	sadd.s32 s2, s18;
	[dreg:$0x1e] =	wrdreg s8  }
0x1d: {  	s10 =	sadd.s32 s3, s4;
	[dreg:$0x1f] =	wrdreg s9  }
0x1e: {  	s23 =	sor.u32 $0x81000, s4;
	s0 =	sadd.s32 s2, s20;
	[smem:$0x7ED] =	sst s10  }
0x1f: {  	s24 =	sadd.s32 s3, s23;
	[dreg:$0x19] =	wrdreg s0  }
0x20: {  	s11 =	sor.u32 $0x41800, s4;
	s7 =	sadd.s32 s2, s23;
	[dreg:$0x1a] =	wrdreg s24  }
0x21: {  	s12 =	sor.u32 $0x81800, s4;
	s13 =	sadd.s32 s3, s11;
	[dreg:$0x1b] =	wrdreg s7  }
0x22: {  	s14 =	sadd.s32 s3, s12;
	[smem:$0x7EE] =	sst s13  }
0x23: {  	s15 =	sadd.s32 s2, s11;
	[smem:$0x7EF] =	sst s14  }
0x24: {  	s16 =	sadd.s32 s2, s12;
	s0 =	sadd.s32 s2, s25;
	[smem:$0x7F1] =	sst s15  }
0x25: {  	[dreg:$0x1d] =	wrdreg s0;
	s0 =	sadd.s32 s2, s4;
	s4 =	sor.u32 $0xC1800, s4  }
0x26: {  	s28 =	simm.s32 $0x10000;
	[smem:$0x7F2] =	sst s16;
	s3 =	sadd.s32 s3, s4  }
0x27: {  	s29 =	simm.s32 $0x1;
	s2 =	sadd.s32 s2, s4;
	[smem:$0x7F0] =	sst s3  }
0x28: {  	s30 =	simm.s32 $0x3;
	s17 =	smax.u32 s5, $0x1;
	[smem:$0x7F3] =	sst s2  }
0x29: {  	s18 =	sadd.s32 $0x400, s0;
	_ =	strace $0x80000047;
	[smem:$0x7F4] =	sst s17  }
0x2a: {  	s31 =	simm.s32 $0x14000;
	s19 =	sadd.s32 $0x40400, s0;
	[smem:$0x7F5] =	sst s18  }
0x2b: {  	s6 =	simm.s32 $0x5;
	s20 =	sadd.s32 $0x80400, s0;
	[smem:$0x7F6] =	sst s19  }
0x2c: {  	s5 =	simm.s32 $0x1A000;
	s21 =	sadd.s32 $0xC0400, s0;
	[smem:$0x7F7] =	sst s20  }
0x2d: {  	s8 =	simm.s32 $0x7;
	s22 =	sadd.s32 $0xC00, s0;
	[smem:$0x7F8] =	sst s21  }
0x2e: {  	s9 =	simm.s32 $0x2;
	s23 =	sadd.s32 $0x40C00, s0;
	[smem:$0x7F9] =	sst s22  }
0x2f: {  	s10 =	simm.s32 $0x0;
	s24 =	sadd.s32 $0x80C00, s0;
	[smem:$0x7FA] =	sst s23  }
0x30: {  	s7 =	simm.s32 $0x6;
	s25 =	sadd.s32 $0xC0C00, s0;
	[smem:$0x7FB] =	sst s24  }
0x31: {  	s26 =	sadd.s32 $0x1400, s0;
	s4 =	simm.s32 $0x18000;
	[smem:$0x7FC] =	sst s25  }
0x32: {  	s2 =	simm.s32 $0x16000;
	s3 =	simm.s32 $0x4;
	[smem:$0x7FD] =	sst s26  }
0x33: {  	s18 =	sadd.s32 $0x41400, s0;
	s19 =	sadd.s32 $0x81400, s0;
	s20 =	sadd.s32 $0xC1400, s0  }
0x34: {  	s21 =	sadd.s32 $0x1C00, s0;
	s22 =	sadd.s32 $0x41C00, s0;
	s23 =	sadd.s32 $0x81C00, s0  }
0x35: {  	s24 =	sadd.s32 $0xC1C00, s0;
	s25 =	simm.s32 $0x8000;
	s26 =	simm.s32 $0xC000  }
.LBB2_1:
0x36: {  	s11 =	rddreg [dreg:$0x4]  }
0x37: {  	s17 =	rddreg [dreg:$0x5]  }
0x38: {  	[tilespmem:s1], [sflag:$0x1] =	stream.linear.gather [hbm4b:s11+s1], $0x4000, $0x38;
	[tilespmem:$0x1C000] =	vst v63  }
0x39: {  	s12 =	simm.s32 $0x4000;
	s13 =	sld [smem:$0x7ED]  }
0x3a: {  	[tilespmem:s12], [sflag:$0x2] =	stream.linear.gather [hbm4b:s17+s1], $0x4000, $0x38;
	[tilespmem:$0x1C000] =	vst v63  }
0x3b: {  	_ = 	snop  }
0x3c: {  	[tilespmem:s25], [sflag:$0x3] =	stream.linear.gather [hbm4b:s13+s1], $0x4000, $0x38;
	[tilespmem:$0x1C000] =	vst v63  }
0x3d: {  	s14 =	rddreg [dreg:$0x6]  }
0x3e: {  	[tilespmem:s26], [sflag:$0x4] =	stream.linear.gather [hbm4b:s14+s1], $0x4000, $0x38;
	[tilespmem:$0x1C000] =	vst v63  }
0x3f: {  	s15 =	rddreg [dreg:$0x7]  }
0x40: {  	[tilespmem:s28], [sflag:$0x5] =	stream.linear.gather [hbm4b:s15+s1], $0x4000, $0x38;
	[tilespmem:$0x1C000] =	vst v63  }
0x41: {  	_ =	swait.ge [sflag:s29], $0x4000  }
0x42: {  	[sflag:s29] =	ssyncset.done $0x0  }
0x43: {  	[sflag:s29] =	ssyncadd.s32 $0xFFFFC000  }
0x44: {  	s16 =	sand.u32 $0x1C00, s1;
	_ =	swait.ge [sflag:s30], $0x4000  }
0x45: {  	s17 =	sor.u32 s16, s1;
	[sflag:s30] =	ssyncset.done $0x0  }
0x46: {  	s12 =	sor.u32 $0x70, s17;
	[sflag:s30] =	ssyncadd.s32 $0xFFFFC000  }
0x47: {  	s13 =	sand.u32 $0x380, s1;
	v0 =	vld [tilespmem:s12+$0x8000]  }
0x48: {  	s11 =	sor.u32 s13, s16;
	v1 =	vld [tilespmem:s12+$0x0]  }
0x49: {  	v2 =	vld [tilespmem:s11+$0x8000]  }
0x4a: {  	v3 =	vld [tilespmem:s11+$0x0]  }
0x4b: {  	v5 =	vld [tilespmem:s11+$0x8010]  }
0x4c: {  	v6 =	vld [tilespmem:s11+$0x10]  }
0x4d: {  	v7 =	vld [tilespmem:s11+$0x8020]  }
0x4e: {  	v8 =	vld [tilespmem:s11+$0x20]  }
0x4f: {  	v4 =	vld [tilespmem:s11+$0x30];
	v1 =	vadd.f32 v1, v0  }
0x50: {  	v0 =	vld [tilespmem:s11+$0x8030];
	v2 =	vadd.f32 v3, v2  }
0x51: {  	v3 =	vadd.f32 v6, v5;
	[tilespmem:s12+$0x14000] =	vst v1;
	v1 =	vld [tilespmem:s11+$0x8040]  }
0x52: {  	[tilespmem:s11+$0x14000] =	vst v2;
	v2 =	vld [tilespmem:s11+$0x40]  }
0x53: {  	s13 =	simm.s32 $0x400;
	s14 =	simm.s32 $0x0;
	v5 =	vadd.f32 v8, v7;
	s12 =	simm.s32 $0x0;
	[tilespmem:s11+$0x14010] =	vst v3;
	v3 =	vld [tilespmem:s11+$0x8050]  }
.LBB2_2:
0x54: {  	s15 =	sand.u32 $0x1C00, s13;
	v6 =	vld [tilespmem:s11+$0x50];
	s14 =	sadd.s32 $0x10, s14  }
0x55: {  	s12 =	sadd.s32 $0x8, s12;
	s16 =	sand.u32 $0x380, s14;
	s17 =	sor.u32 s15, s14;
	[tilespmem:s11+$0x14020] =	vst v5;
	v0 =	vadd.f32 v4, v0;
	v4 =	vld [tilespmem:s11+$0x8060]  }
0x56: {  	p0 =	slt.u32 s12, $0x1F8;
	s15 =	sor.u32 s16, s15;
	s16 =	sor.u32 $0x70, s17;
	v5 =	vld [tilespmem:s11+$0x60]  }
0x57: {  	v7 =	vld [tilespmem:s16+$0x8000];
	[tilespmem:s11+$0x14030] =	vst v0;
	v0 =	vadd.f32 v2, v1  }
0x58: {  	v1 =	vld [tilespmem:s16+$0x0]  }
0x59: {  	v2 =	vld [tilespmem:s15+$0x8000];
	[tilespmem:s11+$0x14040] =	vst v0;
	v0 =	vadd.f32 v6, v3  }
0x5a: {  	v3 =	vld [tilespmem:s15+$0x0]  }
0x5b: {  	v6 =	vld [tilespmem:s15+$0x8010];
	[tilespmem:s11+$0x14050] =	vst v0;
	v0 =	vadd.f32 v5, v4  }
0x5c: {  	v5 =	vld [tilespmem:s15+$0x10]  }
0x5d: {  	v8 =	vld [tilespmem:s15+$0x8020];
	v1 =	vadd.f32 v1, v7;
	[tilespmem:s11+$0x14060] =	vst v0;
	s11 =	smov.u32 s15  }
0x5e: {  	v7 =	vld [tilespmem:s11+$0x20]  }
.Ltmp0:
0x5f: {  	v2 =	vadd.f32 v3, v2;
	v0 =	vld [tilespmem:s11+$0x8030];
	[tilespmem:s16+$0x14000] =	vst v1;
	(pc) =	sbr.rel @p0 .LBB2_2-.Ltmp0, $4  }
0x60: {  	v4 =	vld [tilespmem:s11+$0x30]  }
0x61: {  	[tilespmem:s11+$0x14000] =	vst v2;
	v3 =	vadd.f32 v5, v6;
	v1 =	vld [tilespmem:s11+$0x8040]  }
0x62: {  	v2 =	vld [tilespmem:s11+$0x40]  }
0x63: {  	s13 =	sadd.s32 $0x400, s13;
	[tilespmem:s11+$0x14010] =	vst v3;
	v5 =	vadd.f32 v7, v8;
	v3 =	vld [tilespmem:s11+$0x8050]  }
0x64: {  	v6 =	vld [tilespmem:s11+$0x50]  }
0x65: {  	v7 =	vld [tilespmem:s11+$0x8060]  }
0x66: {  	v8 =	vld [tilespmem:s11+$0x60];
	_ =	sdelay $0x1  }
0x67: {  	v0 =	vadd.f32 v4, v0  }
0x68: {  	[tilespmem:s11+$0x14020] =	vst v5;
	v1 =	vadd.f32 v2, v1  }
0x69: {  	[tilespmem:s11+$0x14030] =	vst v0;
	v0 =	vadd.f32 v6, v3  }
0x6a: {  	[tilespmem:s11+$0x14040] =	vst v1;
	v1 =	vadd.f32 v8, v7  }
0x6b: {  	s12 =	simm.s32 $0x10000;
	s16 =	simm.s32 $0x2000;
	[tilespmem:s11+$0x14050] =	vst v0  }
0x6c: {  	s14 =	simm.s32 $0x400;
	s13 =	sand.u32 $0x1C00, s12;
	[tilespmem:s11+$0x14060] =	vst v1;
	s11 =	sand.u32 $0x2000, s16  }
0x6d: {  	[hbm4b:s0+s1] =	stream.linear.scatter [tilespmem:s31], [sflag:$0x6], $0x2000, $0x38;
	[tilespmem:$0x1C000] =	vst v63  }
0x6e: {  	s17 =	sand.u32 $0x380, s14;
	s11 =	sor.u32 s13, s11  }
0x6f: {  	s11 =	sor.u32 s17, s11  }
0x70: {  	v0 =	vld [tilespmem:s11+$0x8070]  }
0x71: {  	v2 =	vld [tilespmem:s11+$0x70]  }
0x72: {  	v3 =	vld [tilespmem:s11+$0x8000]  }
0x73: {  	v5 =	vld [tilespmem:s11+$0x0]  }
0x74: {  	v6 =	vld [tilespmem:s11+$0x8010]  }
0x75: {  	v7 =	vld [tilespmem:s11+$0x10]  }
0x76: {  	v1 =	vld [tilespmem:s11+$0x8020]  }
0x77: {  	v4 =	vld [tilespmem:s11+$0x20];
	v2 =	vadd.f32 v2, v0  }
0x78: {  	v5 =	vadd.f32 v5, v3;
	v0 =	vld [tilespmem:s11+$0x8030]  }
0x79: {  	v3 =	vld [tilespmem:s11+$0x30];
	[tilespmem:s11+$0x14070] =	vst v2  }
0x7a: {  	s13 =	simm.s32 $0x200;
	[tilespmem:s11+$0x14000] =	vst v5;
	v5 =	vadd.f32 v7, v6;
	v2 =	vld [tilespmem:s11+$0x8040]  }
.LBB2_4:
0x7b: {  	s13 =	sadd.s32 $0x8, s13;
	v6 =	vld [tilespmem:s11+$0x40]  }
0x7c: {  	s12 =	sadd.s32 $0x400, s12;
	s14 =	sshll.u32 s13, $0x4;
	p0 =	slt.u32 s13, $0x3F8;
	[tilespmem:s11+$0x14010] =	vst v5;
	v1 =	vadd.f32 v4, v1;
	v4 =	vld [tilespmem:s11+$0x8050]  }
0x7d: {  	s15 =	sand.u32 $0x1C00, s12;
	s16 =	sshll.u32 s13, $0x1;
	s14 =	sand.u32 $0x2000, s14;
	v5 =	vld [tilespmem:s11+$0x50]  }
0x7e: {  	s14 =	sor.u32 s15, s14;
	s15 =	sand.u32 $0x380, s16;
	[tilespmem:s11+$0x14020] =	vst v1;
	v0 =	vadd.f32 v3, v0;
	v1 =	vld [tilespmem:s11+$0x8060]  }
0x7f: {  	s14 =	sor.u32 s15, s14;
	v3 =	vld [tilespmem:s11+$0x60]  }
0x80: {  	v7 =	vld [tilespmem:s14+$0x8070];
	[tilespmem:s11+$0x14030] =	vst v0;
	v0 =	vadd.f32 v6, v2  }
0x81: {  	v2 =	vld [tilespmem:s14+$0x70]  }
0x82: {  	v6 =	vld [tilespmem:s14+$0x8000];
	[tilespmem:s11+$0x14040] =	vst v0;
	v0 =	vadd.f32 v5, v4  }
0x83: {  	v5 =	vld [tilespmem:s14+$0x0]  }
0x84: {  	v8 =	vld [tilespmem:s14+$0x8010];
	[tilespmem:s11+$0x14050] =	vst v0;
	v0 =	vadd.f32 v3, v1  }
0x85: {  	v9 =	vld [tilespmem:s14+$0x10]  }
.Ltmp1:
0x86: {  	v1 =	vld [tilespmem:s14+$0x8020];
	v2 =	vadd.f32 v2, v7;
	[tilespmem:s11+$0x14060] =	vst v0;
	s11 =	smov.u32 s14;
	(pc) =	sbr.rel @p0 .LBB2_4-.Ltmp1, $4  }
0x87: {  	v4 =	vld [tilespmem:s11+$0x20]  }
0x88: {  	v5 =	vadd.f32 v5, v6;
	v0 =	vld [tilespmem:s11+$0x8030];
	[tilespmem:s11+$0x14070] =	vst v2  }
0x89: {  	v3 =	vld [tilespmem:s11+$0x30]  }
0x8a: {  	[tilespmem:s11+$0x14000] =	vst v5;
	v5 =	vadd.f32 v9, v8;
	v2 =	vld [tilespmem:s11+$0x8040]  }
0x8b: {  	v6 =	vld [tilespmem:s11+$0x40]  }
0x8c: {  	v7 =	vld [tilespmem:s11+$0x8050]  }
0x8d: {  	v8 =	vld [tilespmem:s11+$0x50]  }
0x8e: {  	v9 =	vld [tilespmem:s11+$0x8060]  }
0x8f: {  	v10 =	vld [tilespmem:s11+$0x60]  }
0x90: {  	v1 =	vadd.f32 v4, v1  }
0x91: {  	[tilespmem:s11+$0x14010] =	vst v5;
	v0 =	vadd.f32 v3, v0  }
0x92: {  	[tilespmem:s11+$0x14020] =	vst v1;
	v1 =	vadd.f32 v6, v2  }
0x93: {  	[tilespmem:s11+$0x14030] =	vst v0;
	v0 =	vadd.f32 v8, v7  }
0x94: {  	[tilespmem:s11+$0x14040] =	vst v1;
	v1 =	vadd.f32 v10, v9  }
0x95: {  	[tilespmem:s11+$0x14050] =	vst v0  }
0x96: {  	[tilespmem:s11+$0x14060] =	vst v1  }
0x97: {  	s11 =	sld [smem:$0x7F5];
	_ =	sdelay $0x1  }
0x98: {  	s12 =	simm.s32 $0x0  }
0x99: {  	[hbm4b:s11+s12] =	stream.linear.scatter [tilespmem:s2], [sflag:$0x6], $0x2000, $0x38;
	[tilespmem:$0x1C000] =	vst v63  }
0x9a: {  	s16 =	rddreg [dreg:$0x8]  }
0x9b: {  	[tilespmem:s25], [sflag:$0x3] =	stream.linear.gather [hbm4b:s16+s12], $0x4000, $0x38;
	[tilespmem:$0x1C000] =	vst v63  }
0x9c: {  	s17 =	sand.u32 $0x1C00, s12;
	_ =	swait.ge [sflag:s3], $0x4000  }
0x9d: {  	s13 =	sor.u32 s17, s12;
	[sflag:s3] =	ssyncset.done $0x0  }
0x9e: {  	s13 =	sor.u32 $0x70, s13;
	[sflag:s3] =	ssyncadd.s32 $0xFFFFC000  }
0x9f: {  	s14 =	sand.u32 $0x380, s12;
	v0 =	vld [tilespmem:s13+$0xC000]  }
0xa0: {  	s11 =	sor.u32 s14, s17;
	v1 =	vld [tilespmem:s13+$0x0]  }
0xa1: {  	v2 =	vld [tilespmem:s11+$0xC000]  }
0xa2: {  	v3 =	vld [tilespmem:s11+$0x0]  }
0xa3: {  	v5 =	vld [tilespmem:s11+$0xC010]  }
0xa4: {  	v6 =	vld [tilespmem:s11+$0x10]  }
0xa5: {  	v7 =	vld [tilespmem:s11+$0xC020]  }
0xa6: {  	v63 =	vld [tilespmem:s11+$0x20]  }
0xa7: {  	v4 =	vld [tilespmem:s11+$0x30];
	v1 =	vadd.f32 v1, v0  }
0xa8: {  	v0 =	vld [tilespmem:s11+$0xC030];
	v2 =	vadd.f32 v3, v2  }
0xa9: {  	v3 =	vadd.f32 v6, v5;
	[tilespmem:s13+$0x18000] =	vst v1;
	v1 =	vld [tilespmem:s11+$0xC040]  }
0xaa: {  	[tilespmem:s11+$0x18000] =	vst v2;
	v2 =	vld [tilespmem:s11+$0x40]  }
0xab: {  	s14 =	simm.s32 $0x400;
	v5 =	vadd.f32 v63, v7;
	s13 =	simm.s32 $0x0;
	[tilespmem:s11+$0x18010] =	vst v3;
	v3 =	vld [tilespmem:s11+$0xC050]  }
.LBB2_6:
0xac: {  	s15 =	sand.u32 $0x1C00, s14;
	v6 =	vld [tilespmem:s11+$0x50];
	s12 =	sadd.s32 $0x10, s12  }
0xad: {  	s13 =	sadd.s32 $0x8, s13;
	s16 =	sand.u32 $0x380, s12;
	s17 =	sor.u32 s15, s12;
	[tilespmem:s11+$0x18020] =	vst v5;
	v0 =	vadd.f32 v4, v0;
	v4 =	vld [tilespmem:s11+$0xC060]  }
0xae: {  	p0 =	slt.u32 s13, $0x1F8;
	s15 =	sor.u32 s16, s15;
	s16 =	sor.u32 $0x70, s17;
	v5 =	vld [tilespmem:s11+$0x60]  }
0xaf: {  	v7 =	vld [tilespmem:s16+$0xC000];
	[tilespmem:s11+$0x18030] =	vst v0;
	v0 =	vadd.f32 v2, v1  }
0xb0: {  	v1 =	vld [tilespmem:s16+$0x0]  }
0xb1: {  	v2 =	vld [tilespmem:s15+$0xC000];
	[tilespmem:s11+$0x18040] =	vst v0;
	v0 =	vadd.f32 v6, v3  }
0xb2: {  	v3 =	vld [tilespmem:s15+$0x0]  }
0xb3: {  	v6 =	vld [tilespmem:s15+$0xC010];
	[tilespmem:s11+$0x18050] =	vst v0;
	v0 =	vadd.f32 v5, v4  }
0xb4: {  	v5 =	vld [tilespmem:s15+$0x10]  }
0xb5: {  	v8 =	vld [tilespmem:s15+$0xC020];
	v1 =	vadd.f32 v1, v7;
	[tilespmem:s11+$0x18060] =	vst v0;
	s11 =	smov.u32 s15  }
0xb6: {  	v7 =	vld [tilespmem:s11+$0x20]  }
.Ltmp2:
0xb7: {  	v2 =	vadd.f32 v3, v2;
	v0 =	vld [tilespmem:s11+$0xC030];
	[tilespmem:s16+$0x18000] =	vst v1;
	(pc) =	sbr.rel @p0 .LBB2_6-.Ltmp2, $4  }
0xb8: {  	v4 =	vld [tilespmem:s11+$0x30]  }
0xb9: {  	[tilespmem:s11+$0x18000] =	vst v2;
	v3 =	vadd.f32 v5, v6;
	v1 =	vld [tilespmem:s11+$0xC040]  }
0xba: {  	v2 =	vld [tilespmem:s11+$0x40]  }
0xbb: {  	s14 =	sadd.s32 $0x400, s14;
	[tilespmem:s11+$0x18010] =	vst v3;
	v5 =	vadd.f32 v7, v8;
	v3 =	vld [tilespmem:s11+$0xC050]  }
0xbc: {  	v6 =	vld [tilespmem:s11+$0x50]  }
0xbd: {  	v7 =	vld [tilespmem:s11+$0xC060]  }
0xbe: {  	v8 =	vld [tilespmem:s11+$0x60];
	_ =	sdelay $0x1  }
0xbf: {  	v0 =	vadd.f32 v4, v0  }
0xc0: {  	[tilespmem:s11+$0x18020] =	vst v5;
	v1 =	vadd.f32 v2, v1  }
0xc1: {  	[tilespmem:s11+$0x18030] =	vst v0;
	v0 =	vadd.f32 v6, v3  }
0xc2: {  	[tilespmem:s11+$0x18040] =	vst v1;
	v1 =	vadd.f32 v8, v7  }
0xc3: {  	[tilespmem:s11+$0x18050] =	vst v0  }
0xc4: {  	[tilespmem:s11+$0x18060] =	vst v1  }
0xc5: {  	s12 =	simm.s32 $0x10000;
	s16 =	simm.s32 $0x2000;
	s11 =	rddreg [dreg:$0x9]  }
0xc6: {  	[hbm4b:s11+s1] =	stream.linear.scatter [tilespmem:s4], [sflag:$0x7], $0x2000, $0x38;
	[tilespmem:$0x1C000] =	vst v63  }
0xc7: {  	s14 =	simm.s32 $0x400;
	s13 =	sand.u32 $0x1C00, s12;
	s11 =	sand.u32 $0x2000, s16  }
0xc8: {  	s17 =	sand.u32 $0x380, s14;
	s11 =	sor.u32 s13, s11  }
0xc9: {  	s11 =	sor.u32 s17, s11  }
0xca: {  	v0 =	vld [tilespmem:s11+$0xC070]  }
0xcb: {  	v2 =	vld [tilespmem:s11+$0x70]  }
0xcc: {  	v3 =	vld [tilespmem:s11+$0xC000]  }
0xcd: {  	v5 =	vld [tilespmem:s11+$0x0]  }
0xce: {  	v6 =	vld [tilespmem:s11+$0xC010]  }
0xcf: {  	v7 =	vld [tilespmem:s11+$0x10]  }
0xd0: {  	v1 =	vld [tilespmem:s11+$0xC020]  }
0xd1: {  	v4 =	vld [tilespmem:s11+$0x20];
	v2 =	vadd.f32 v2, v0  }
0xd2: {  	v5 =	vadd.f32 v5, v3;
	v0 =	vld [tilespmem:s11+$0xC030]  }
0xd3: {  	v3 =	vld [tilespmem:s11+$0x30];
	[tilespmem:s11+$0x18070] =	vst v2  }
0xd4: {  	s13 =	simm.s32 $0x200;
	[tilespmem:s11+$0x18000] =	vst v5;
	v5 =	vadd.f32 v7, v6;
	v2 =	vld [tilespmem:s11+$0xC040]  }
.LBB2_8:
0xd5: {  	s13 =	sadd.s32 $0x8, s13;
	v6 =	vld [tilespmem:s11+$0x40]  }
0xd6: {  	s12 =	sadd.s32 $0x400, s12;
	s14 =	sshll.u32 s13, $0x4;
	p0 =	slt.u32 s13, $0x3F8;
	[tilespmem:s11+$0x18010] =	vst v5;
	v1 =	vadd.f32 v4, v1;
	v4 =	vld [tilespmem:s11+$0xC050]  }
0xd7: {  	s15 =	sand.u32 $0x1C00, s12;
	s16 =	sshll.u32 s13, $0x1;
	s14 =	sand.u32 $0x2000, s14;
	v5 =	vld [tilespmem:s11+$0x50]  }
0xd8: {  	s14 =	sor.u32 s15, s14;
	s15 =	sand.u32 $0x380, s16;
	[tilespmem:s11+$0x18020] =	vst v1;
	v0 =	vadd.f32 v3, v0;
	v1 =	vld [tilespmem:s11+$0xC060]  }
0xd9: {  	s14 =	sor.u32 s15, s14;
	v3 =	vld [tilespmem:s11+$0x60]  }
0xda: {  	v7 =	vld [tilespmem:s14+$0xC070];
	[tilespmem:s11+$0x18030] =	vst v0;
	v0 =	vadd.f32 v6, v2  }
0xdb: {  	v2 =	vld [tilespmem:s14+$0x70]  }
0xdc: {  	v6 =	vld [tilespmem:s14+$0xC000];
	[tilespmem:s11+$0x18040] =	vst v0;
	v0 =	vadd.f32 v5, v4  }
0xdd: {  	v5 =	vld [tilespmem:s14+$0x0]  }
0xde: {  	v8 =	vld [tilespmem:s14+$0xC010];
	[tilespmem:s11+$0x18050] =	vst v0;
	v0 =	vadd.f32 v3, v1  }
0xdf: {  	v9 =	vld [tilespmem:s14+$0x10]  }
.Ltmp3:
0xe0: {  	v1 =	vld [tilespmem:s14+$0xC020];
	v2 =	vadd.f32 v2, v7;
	[tilespmem:s11+$0x18060] =	vst v0;
	s11 =	smov.u32 s14;
	(pc) =	sbr.rel @p0 .LBB2_8-.Ltmp3, $4  }
0xe1: {  	v4 =	vld [tilespmem:s11+$0x20]  }
0xe2: {  	v5 =	vadd.f32 v5, v6;
	v0 =	vld [tilespmem:s11+$0xC030];
	[tilespmem:s11+$0x18070] =	vst v2  }
0xe3: {  	v3 =	vld [tilespmem:s11+$0x30]  }
0xe4: {  	[tilespmem:s11+$0x18000] =	vst v5;
	v5 =	vadd.f32 v9, v8;
	v2 =	vld [tilespmem:s11+$0xC040]  }
0xe5: {  	v6 =	vld [tilespmem:s11+$0x40]  }
0xe6: {  	v7 =	vld [tilespmem:s11+$0xC050]  }
0xe7: {  	v8 =	vld [tilespmem:s11+$0x50]  }
0xe8: {  	v9 =	vld [tilespmem:s11+$0xC060]  }
0xe9: {  	v10 =	vld [tilespmem:s11+$0x60]  }
0xea: {  	v1 =	vadd.f32 v4, v1  }
0xeb: {  	[tilespmem:s11+$0x18010] =	vst v5;
	v0 =	vadd.f32 v3, v0  }
0xec: {  	[tilespmem:s11+$0x18020] =	vst v1;
	v1 =	vadd.f32 v6, v2  }
0xed: {  	[tilespmem:s11+$0x18030] =	vst v0;
	v0 =	vadd.f32 v8, v7  }
0xee: {  	[tilespmem:s11+$0x18040] =	vst v1;
	v1 =	vadd.f32 v10, v9  }
0xef: {  	[tilespmem:s11+$0x18050] =	vst v0  }
0xf0: {  	[tilespmem:s11+$0x18060] =	vst v1  }
0xf1: {  	s12 =	sld [smem:$0x7F6];
	_ =	sdelay $0x1  }
0xf2: {  	s11 =	simm.s32 $0x0  }
0xf3: {  	[hbm4b:s12+s11] =	stream.linear.scatter [tilespmem:s5], [sflag:$0x7], $0x2000, $0x38;
	[tilespmem:$0x1C000] =	vst v63  }
0xf4: {  	s16 =	rddreg [dreg:$0xa]  }
0xf5: {  	[tilespmem:s26], [sflag:$0x4] =	stream.linear.gather [hbm4b:s16+s11], $0x4000, $0x38;
	[tilespmem:$0x1C000] =	vst v63  }
0xf6: {  	_ =	swait.ge [sflag:s6], $0x4000  }
0xf7: {  	[sflag:s6] =	ssyncset.done $0x0  }
0xf8: {  	[sflag:s6] =	ssyncadd.s32 $0xFFFFC000  }
0xf9: {  	s17 =	sand.u32 $0x1C00, s11;
	_ =	swait.ge [sflag:s7], $0x4000  }
0xfa: {  	s13 =	sor.u32 s17, s11;
	[sflag:s7] =	ssyncset.done $0x0  }
0xfb: {  	s13 =	sor.u32 $0x70, s13;
	[sflag:s7] =	ssyncadd.s32 $0xFFFFC000  }
0xfc: {  	s14 =	sand.u32 $0x380, s11;
	v0 =	vld [tilespmem:s13+$0x10000]  }
0xfd: {  	s12 =	sor.u32 s14, s17;
	v1 =	vld [tilespmem:s13+$0x0]  }
0xfe: {  	v2 =	vld [tilespmem:s12+$0x10000]  }
0xff: {  	v3 =	vld [tilespmem:s12+$0x0]  }
0x100: {  	v5 =	vld [tilespmem:s12+$0x10010]  }
0x101: {  	v6 =	vld [tilespmem:s12+$0x10]  }
0x102: {  	v7 =	vld [tilespmem:s12+$0x10020]  }
0x103: {  	v63 =	vld [tilespmem:s12+$0x20]  }
0x104: {  	v4 =	vld [tilespmem:s12+$0x30];
	v1 =	vadd.f32 v1, v0  }
0x105: {  	v0 =	vld [tilespmem:s12+$0x10030];
	v2 =	vadd.f32 v3, v2  }
0x106: {  	v3 =	vadd.f32 v6, v5;
	[tilespmem:s13+$0x14000] =	vst v1;
	v1 =	vld [tilespmem:s12+$0x10040]  }
0x107: {  	[tilespmem:s12+$0x14000] =	vst v2;
	v2 =	vld [tilespmem:s12+$0x40]  }
0x108: {  	s14 =	simm.s32 $0x400;
	v5 =	vadd.f32 v63, v7;
	s13 =	simm.s32 $0x0;
	[tilespmem:s12+$0x14010] =	vst v3;
	v3 =	vld [tilespmem:s12+$0x10050]  }
.LBB2_10:
0x109: {  	s15 =	sand.u32 $0x1C00, s14;
	v6 =	vld [tilespmem:s12+$0x50];
	s11 =	sadd.s32 $0x10, s11  }
0x10a: {  	s13 =	sadd.s32 $0x8, s13;
	s16 =	sand.u32 $0x380, s11;
	s17 =	sor.u32 s15, s11;
	[tilespmem:s12+$0x14020] =	vst v5;
	v0 =	vadd.f32 v4, v0;
	v4 =	vld [tilespmem:s12+$0x10060]  }
0x10b: {  	p0 =	slt.u32 s13, $0x1F8;
	s15 =	sor.u32 s16, s15;
	s16 =	sor.u32 $0x70, s17;
	v5 =	vld [tilespmem:s12+$0x60]  }
0x10c: {  	v7 =	vld [tilespmem:s16+$0x10000];
	[tilespmem:s12+$0x14030] =	vst v0;
	v0 =	vadd.f32 v2, v1  }
0x10d: {  	v1 =	vld [tilespmem:s16+$0x0]  }
0x10e: {  	v2 =	vld [tilespmem:s15+$0x10000];
	[tilespmem:s12+$0x14040] =	vst v0;
	v0 =	vadd.f32 v6, v3  }
0x10f: {  	v3 =	vld [tilespmem:s15+$0x0]  }
0x110: {  	v6 =	vld [tilespmem:s15+$0x10010];
	[tilespmem:s12+$0x14050] =	vst v0;
	v0 =	vadd.f32 v5, v4  }
0x111: {  	v5 =	vld [tilespmem:s15+$0x10]  }
0x112: {  	v8 =	vld [tilespmem:s15+$0x10020];
	v1 =	vadd.f32 v1, v7;
	[tilespmem:s12+$0x14060] =	vst v0;
	s12 =	smov.u32 s15  }
0x113: {  	v7 =	vld [tilespmem:s12+$0x20]  }
.Ltmp4:
0x114: {  	v2 =	vadd.f32 v3, v2;
	v0 =	vld [tilespmem:s12+$0x10030];
	[tilespmem:s16+$0x14000] =	vst v1;
	(pc) =	sbr.rel @p0 .LBB2_10-.Ltmp4, $4  }
0x115: {  	v4 =	vld [tilespmem:s12+$0x30]  }
0x116: {  	[tilespmem:s12+$0x14000] =	vst v2;
	v3 =	vadd.f32 v5, v6;
	v1 =	vld [tilespmem:s12+$0x10040]  }
0x117: {  	v2 =	vld [tilespmem:s12+$0x40]  }
0x118: {  	s14 =	sadd.s32 $0x400, s14;
	[tilespmem:s12+$0x14010] =	vst v3;
	v5 =	vadd.f32 v7, v8;
	v3 =	vld [tilespmem:s12+$0x10050]  }
0x119: {  	v6 =	vld [tilespmem:s12+$0x50]  }
0x11a: {  	v7 =	vld [tilespmem:s12+$0x10060]  }
0x11b: {  	v8 =	vld [tilespmem:s12+$0x60];
	_ =	sdelay $0x1  }
0x11c: {  	v0 =	vadd.f32 v4, v0  }
0x11d: {  	[tilespmem:s12+$0x14020] =	vst v5;
	v1 =	vadd.f32 v2, v1  }
0x11e: {  	[tilespmem:s12+$0x14030] =	vst v0;
	v0 =	vadd.f32 v6, v3  }
0x11f: {  	[tilespmem:s12+$0x14040] =	vst v1;
	v1 =	vadd.f32 v8, v7  }
0x120: {  	[tilespmem:s12+$0x14050] =	vst v0  }
0x121: {  	[tilespmem:s12+$0x14060] =	vst v1  }
0x122: {  	s16 =	simm.s32 $0x2000;
	s12 =	simm.s32 $0x10000;
	s11 =	rddreg [dreg:$0xb]  }
0x123: {  	[hbm4b:s11+s1] =	stream.linear.scatter [tilespmem:s31], [sflag:$0x6], $0x2000, $0x38;
	[tilespmem:$0x1C000] =	vst v63  }
0x124: {  	s14 =	simm.s32 $0x400;
	s13 =	sand.u32 $0x1C00, s12;
	s11 =	sand.u32 $0x2000, s16  }
0x125: {  	s17 =	sand.u32 $0x380, s14;
	s11 =	sor.u32 s13, s11  }
0x126: {  	s11 =	sor.u32 s17, s11  }
0x127: {  	v0 =	vld [tilespmem:s11+$0x10070]  }
0x128: {  	v2 =	vld [tilespmem:s11+$0x70]  }
0x129: {  	v3 =	vld [tilespmem:s11+$0x10000]  }
0x12a: {  	v5 =	vld [tilespmem:s11+$0x0]  }
0x12b: {  	v6 =	vld [tilespmem:s11+$0x10010]  }
0x12c: {  	v7 =	vld [tilespmem:s11+$0x10]  }
0x12d: {  	v1 =	vld [tilespmem:s11+$0x10020]  }
0x12e: {  	v4 =	vld [tilespmem:s11+$0x20];
	v2 =	vadd.f32 v2, v0  }
0x12f: {  	v5 =	vadd.f32 v5, v3;
	v0 =	vld [tilespmem:s11+$0x10030]  }
0x130: {  	v3 =	vld [tilespmem:s11+$0x30];
	[tilespmem:s11+$0x14070] =	vst v2  }
0x131: {  	s13 =	simm.s32 $0x200;
	[tilespmem:s11+$0x14000] =	vst v5;
	v5 =	vadd.f32 v7, v6;
	v2 =	vld [tilespmem:s11+$0x10040]  }
.LBB2_12:
0x132: {  	s13 =	sadd.s32 $0x8, s13;
	v6 =	vld [tilespmem:s11+$0x40]  }
0x133: {  	s12 =	sadd.s32 $0x400, s12;
	s14 =	sshll.u32 s13, $0x4;
	p0 =	slt.u32 s13, $0x3F8;
	[tilespmem:s11+$0x14010] =	vst v5;
	v1 =	vadd.f32 v4, v1;
	v4 =	vld [tilespmem:s11+$0x10050]  }
0x134: {  	s15 =	sand.u32 $0x1C00, s12;
	s16 =	sshll.u32 s13, $0x1;
	s14 =	sand.u32 $0x2000, s14;
	v5 =	vld [tilespmem:s11+$0x50]  }
0x135: {  	s14 =	sor.u32 s15, s14;
	s15 =	sand.u32 $0x380, s16;
	[tilespmem:s11+$0x14020] =	vst v1;
	v0 =	vadd.f32 v3, v0;
	v1 =	vld [tilespmem:s11+$0x10060]  }
0x136: {  	s14 =	sor.u32 s15, s14;
	v3 =	vld [tilespmem:s11+$0x60]  }
0x137: {  	v7 =	vld [tilespmem:s14+$0x10070];
	[tilespmem:s11+$0x14030] =	vst v0;
	v0 =	vadd.f32 v6, v2  }
0x138: {  	v2 =	vld [tilespmem:s14+$0x70]  }
0x139: {  	v6 =	vld [tilespmem:s14+$0x10000];
	[tilespmem:s11+$0x14040] =	vst v0;
	v0 =	vadd.f32 v5, v4  }
0x13a: {  	v5 =	vld [tilespmem:s14+$0x0]  }
0x13b: {  	v8 =	vld [tilespmem:s14+$0x10010];
	[tilespmem:s11+$0x14050] =	vst v0;
	v0 =	vadd.f32 v3, v1  }
0x13c: {  	v9 =	vld [tilespmem:s14+$0x10]  }
.Ltmp5:
0x13d: {  	v1 =	vld [tilespmem:s14+$0x10020];
	v2 =	vadd.f32 v2, v7;
	[tilespmem:s11+$0x14060] =	vst v0;
	s11 =	smov.u32 s14;
	(pc) =	sbr.rel @p0 .LBB2_12-.Ltmp5, $4  }
0x13e: {  	v4 =	vld [tilespmem:s11+$0x20]  }
0x13f: {  	v5 =	vadd.f32 v5, v6;
	v0 =	vld [tilespmem:s11+$0x10030];
	[tilespmem:s11+$0x14070] =	vst v2  }
0x140: {  	v3 =	vld [tilespmem:s11+$0x30]  }
0x141: {  	[tilespmem:s11+$0x14000] =	vst v5;
	v5 =	vadd.f32 v9, v8;
	v2 =	vld [tilespmem:s11+$0x10040]  }
0x142: {  	v6 =	vld [tilespmem:s11+$0x40]  }
0x143: {  	v7 =	vld [tilespmem:s11+$0x10050]  }
0x144: {  	v8 =	vld [tilespmem:s11+$0x50]  }
0x145: {  	v9 =	vld [tilespmem:s11+$0x10060]  }
0x146: {  	v10 =	vld [tilespmem:s11+$0x60]  }
0x147: {  	v1 =	vadd.f32 v4, v1  }
0x148: {  	[tilespmem:s11+$0x14010] =	vst v5;
	v0 =	vadd.f32 v3, v0  }
0x149: {  	[tilespmem:s11+$0x14020] =	vst v1;
	v1 =	vadd.f32 v6, v2  }
0x14a: {  	[tilespmem:s11+$0x14030] =	vst v0;
	v0 =	vadd.f32 v8, v7  }
0x14b: {  	[tilespmem:s11+$0x14040] =	vst v1;
	v1 =	vadd.f32 v10, v9  }
0x14c: {  	[tilespmem:s11+$0x14050] =	vst v0  }
0x14d: {  	[tilespmem:s11+$0x14060] =	vst v1  }
0x14e: {  	s12 =	sld [smem:$0x7F7];
	_ =	sdelay $0x1  }
0x14f: {  	s11 =	simm.s32 $0x0  }
0x150: {  	[hbm4b:s12+s11] =	stream.linear.scatter [tilespmem:s2], [sflag:$0x6], $0x2000, $0x38;
	[tilespmem:$0x1C000] =	vst v63  }
0x151: {  	s16 =	rddreg [dreg:$0xc]  }
0x152: {  	[tilespmem:s28], [sflag:$0x5] =	stream.linear.gather [hbm4b:s16+s11], $0x4000, $0x38;
	[tilespmem:$0x1C000] =	vst v63  }
0x153: {  	_ =	swait.ge [sflag:s30], $0x4000  }
0x154: {  	[sflag:s30] =	ssyncset.done $0x0  }
0x155: {  	[sflag:s30] =	ssyncadd.s32 $0xFFFFC000  }
0x156: {  	s17 =	sand.u32 $0x1C00, s11;
	_ =	swait.ge [sflag:s8], $0x4000  }
0x157: {  	s13 =	sor.u32 s17, s11;
	[sflag:s8] =	ssyncset.done $0x0  }
0x158: {  	s13 =	sor.u32 $0x70, s13;
	[sflag:s8] =	ssyncadd.s32 $0xFFFFC000  }
0x159: {  	s14 =	sand.u32 $0x380, s11;
	v0 =	vld [tilespmem:s13+$0x8000]  }
0x15a: {  	s12 =	sor.u32 s14, s17;
	v1 =	vld [tilespmem:s13+$0x0]  }
0x15b: {  	v2 =	vld [tilespmem:s12+$0x8000]  }
0x15c: {  	v3 =	vld [tilespmem:s12+$0x0]  }
0x15d: {  	v5 =	vld [tilespmem:s12+$0x8010]  }
0x15e: {  	v6 =	vld [tilespmem:s12+$0x10]  }
0x15f: {  	v7 =	vld [tilespmem:s12+$0x8020]  }
0x160: {  	v63 =	vld [tilespmem:s12+$0x20]  }
0x161: {  	v4 =	vld [tilespmem:s12+$0x30];
	v1 =	vadd.f32 v1, v0  }
0x162: {  	v0 =	vld [tilespmem:s12+$0x8030];
	v2 =	vadd.f32 v3, v2  }
0x163: {  	v3 =	vadd.f32 v6, v5;
	[tilespmem:s13+$0x18000] =	vst v1;
	v1 =	vld [tilespmem:s12+$0x8040]  }
0x164: {  	[tilespmem:s12+$0x18000] =	vst v2;
	v2 =	vld [tilespmem:s12+$0x40]  }
0x165: {  	s14 =	simm.s32 $0x400;
	v5 =	vadd.f32 v63, v7;
	s13 =	simm.s32 $0x0;
	[tilespmem:s12+$0x18010] =	vst v3;
	v3 =	vld [tilespmem:s12+$0x8050]  }
.LBB2_14:
0x166: {  	s15 =	sand.u32 $0x1C00, s14;
	v6 =	vld [tilespmem:s12+$0x50];
	s11 =	sadd.s32 $0x10, s11  }
0x167: {  	s13 =	sadd.s32 $0x8, s13;
	s16 =	sand.u32 $0x380, s11;
	s17 =	sor.u32 s15, s11;
	[tilespmem:s12+$0x18020] =	vst v5;
	v0 =	vadd.f32 v4, v0;
	v4 =	vld [tilespmem:s12+$0x8060]  }
0x168: {  	p0 =	slt.u32 s13, $0x1F8;
	s15 =	sor.u32 s16, s15;
	s16 =	sor.u32 $0x70, s17;
	v5 =	vld [tilespmem:s12+$0x60]  }
0x169: {  	v7 =	vld [tilespmem:s16+$0x8000];
	[tilespmem:s12+$0x18030] =	vst v0;
	v0 =	vadd.f32 v2, v1  }
0x16a: {  	v1 =	vld [tilespmem:s16+$0x0]  }
0x16b: {  	v2 =	vld [tilespmem:s15+$0x8000];
	[tilespmem:s12+$0x18040] =	vst v0;
	v0 =	vadd.f32 v6, v3  }
0x16c: {  	v3 =	vld [tilespmem:s15+$0x0]  }
0x16d: {  	v6 =	vld [tilespmem:s15+$0x8010];
	[tilespmem:s12+$0x18050] =	vst v0;
	v0 =	vadd.f32 v5, v4  }
0x16e: {  	v5 =	vld [tilespmem:s15+$0x10]  }
0x16f: {  	v8 =	vld [tilespmem:s15+$0x8020];
	v1 =	vadd.f32 v1, v7;
	[tilespmem:s12+$0x18060] =	vst v0;
	s12 =	smov.u32 s15  }
0x170: {  	v7 =	vld [tilespmem:s12+$0x20]  }
.Ltmp6:
0x171: {  	v2 =	vadd.f32 v3, v2;
	v0 =	vld [tilespmem:s12+$0x8030];
	[tilespmem:s16+$0x18000] =	vst v1;
	(pc) =	sbr.rel @p0 .LBB2_14-.Ltmp6, $4  }
0x172: {  	v4 =	vld [tilespmem:s12+$0x30]  }
0x173: {  	[tilespmem:s12+$0x18000] =	vst v2;
	v3 =	vadd.f32 v5, v6;
	v1 =	vld [tilespmem:s12+$0x8040]  }
0x174: {  	v2 =	vld [tilespmem:s12+$0x40]  }
0x175: {  	s14 =	sadd.s32 $0x400, s14;
	[tilespmem:s12+$0x18010] =	vst v3;
	v5 =	vadd.f32 v7, v8;
	v3 =	vld [tilespmem:s12+$0x8050]  }
0x176: {  	v6 =	vld [tilespmem:s12+$0x50]  }
0x177: {  	v7 =	vld [tilespmem:s12+$0x8060]  }
0x178: {  	v8 =	vld [tilespmem:s12+$0x60];
	_ =	sdelay $0x1  }
0x179: {  	v0 =	vadd.f32 v4, v0  }
0x17a: {  	[tilespmem:s12+$0x18020] =	vst v5;
	v1 =	vadd.f32 v2, v1  }
0x17b: {  	[tilespmem:s12+$0x18030] =	vst v0;
	v0 =	vadd.f32 v6, v3  }
0x17c: {  	[tilespmem:s12+$0x18040] =	vst v1;
	v1 =	vadd.f32 v8, v7  }
0x17d: {  	[tilespmem:s12+$0x18050] =	vst v0  }
0x17e: {  	[tilespmem:s12+$0x18060] =	vst v1  }
0x17f: {  	s16 =	simm.s32 $0x2000;
	s12 =	simm.s32 $0x10000;
	s11 =	rddreg [dreg:$0xd]  }
0x180: {  	[hbm4b:s11+s1] =	stream.linear.scatter [tilespmem:s4], [sflag:$0x7], $0x2000, $0x38;
	[tilespmem:$0x1C000] =	vst v63  }
0x181: {  	s14 =	simm.s32 $0x400;
	s13 =	sand.u32 $0x1C00, s12;
	s11 =	sand.u32 $0x2000, s16  }
0x182: {  	s17 =	sand.u32 $0x380, s14;
	s11 =	sor.u32 s13, s11  }
0x183: {  	s11 =	sor.u32 s17, s11  }
0x184: {  	v0 =	vld [tilespmem:s11+$0x8070]  }
0x185: {  	v2 =	vld [tilespmem:s11+$0x70]  }
0x186: {  	v3 =	vld [tilespmem:s11+$0x8000]  }
0x187: {  	v5 =	vld [tilespmem:s11+$0x0]  }
0x188: {  	v6 =	vld [tilespmem:s11+$0x8010]  }
0x189: {  	v7 =	vld [tilespmem:s11+$0x10]  }
0x18a: {  	v1 =	vld [tilespmem:s11+$0x8020]  }
0x18b: {  	v4 =	vld [tilespmem:s11+$0x20];
	v2 =	vadd.f32 v2, v0  }
0x18c: {  	v5 =	vadd.f32 v5, v3;
	v0 =	vld [tilespmem:s11+$0x8030]  }
0x18d: {  	v3 =	vld [tilespmem:s11+$0x30];
	[tilespmem:s11+$0x18070] =	vst v2  }
0x18e: {  	s13 =	simm.s32 $0x200;
	[tilespmem:s11+$0x18000] =	vst v5;
	v5 =	vadd.f32 v7, v6;
	v2 =	vld [tilespmem:s11+$0x8040]  }
.LBB2_16:
0x18f: {  	s13 =	sadd.s32 $0x8, s13;
	v6 =	vld [tilespmem:s11+$0x40]  }
0x190: {  	s12 =	sadd.s32 $0x400, s12;
	s14 =	sshll.u32 s13, $0x4;
	p0 =	slt.u32 s13, $0x3F8;
	[tilespmem:s11+$0x18010] =	vst v5;
	v1 =	vadd.f32 v4, v1;
	v4 =	vld [tilespmem:s11+$0x8050]  }
0x191: {  	s15 =	sand.u32 $0x1C00, s12;
	s16 =	sshll.u32 s13, $0x1;
	s14 =	sand.u32 $0x2000, s14;
	v5 =	vld [tilespmem:s11+$0x50]  }
0x192: {  	s14 =	sor.u32 s15, s14;
	s15 =	sand.u32 $0x380, s16;
	[tilespmem:s11+$0x18020] =	vst v1;
	v0 =	vadd.f32 v3, v0;
	v1 =	vld [tilespmem:s11+$0x8060]  }
0x193: {  	s14 =	sor.u32 s15, s14;
	v3 =	vld [tilespmem:s11+$0x60]  }
0x194: {  	v7 =	vld [tilespmem:s14+$0x8070];
	[tilespmem:s11+$0x18030] =	vst v0;
	v0 =	vadd.f32 v6, v2  }
0x195: {  	v2 =	vld [tilespmem:s14+$0x70]  }
0x196: {  	v6 =	vld [tilespmem:s14+$0x8000];
	[tilespmem:s11+$0x18040] =	vst v0;
	v0 =	vadd.f32 v5, v4  }
0x197: {  	v5 =	vld [tilespmem:s14+$0x0]  }
0x198: {  	v8 =	vld [tilespmem:s14+$0x8010];
	[tilespmem:s11+$0x18050] =	vst v0;
	v0 =	vadd.f32 v3, v1  }
0x199: {  	v9 =	vld [tilespmem:s14+$0x10]  }
.Ltmp7:
0x19a: {  	v1 =	vld [tilespmem:s14+$0x8020];
	v2 =	vadd.f32 v2, v7;
	[tilespmem:s11+$0x18060] =	vst v0;
	s11 =	smov.u32 s14;
	(pc) =	sbr.rel @p0 .LBB2_16-.Ltmp7, $4  }
0x19b: {  	v4 =	vld [tilespmem:s11+$0x20]  }
0x19c: {  	v5 =	vadd.f32 v5, v6;
	v0 =	vld [tilespmem:s11+$0x8030];
	[tilespmem:s11+$0x18070] =	vst v2  }
0x19d: {  	v3 =	vld [tilespmem:s11+$0x30]  }
0x19e: {  	[tilespmem:s11+$0x18000] =	vst v5;
	v5 =	vadd.f32 v9, v8;
	v2 =	vld [tilespmem:s11+$0x8040]  }
0x19f: {  	v6 =	vld [tilespmem:s11+$0x40]  }
0x1a0: {  	v7 =	vld [tilespmem:s11+$0x8050]  }
0x1a1: {  	v8 =	vld [tilespmem:s11+$0x50]  }
0x1a2: {  	v9 =	vld [tilespmem:s11+$0x8060]  }
0x1a3: {  	v10 =	vld [tilespmem:s11+$0x60]  }
0x1a4: {  	v1 =	vadd.f32 v4, v1  }
0x1a5: {  	[tilespmem:s11+$0x18010] =	vst v5;
	v0 =	vadd.f32 v3, v0  }
0x1a6: {  	[tilespmem:s11+$0x18020] =	vst v1;
	v1 =	vadd.f32 v6, v2  }
0x1a7: {  	[tilespmem:s11+$0x18030] =	vst v0;
	v0 =	vadd.f32 v8, v7  }
0x1a8: {  	[tilespmem:s11+$0x18040] =	vst v1;
	v1 =	vadd.f32 v10, v9  }
0x1a9: {  	[tilespmem:s11+$0x18050] =	vst v0  }
0x1aa: {  	[tilespmem:s11+$0x18060] =	vst v1  }
0x1ab: {  	s12 =	sld [smem:$0x7F8];
	_ =	sdelay $0x1  }
0x1ac: {  	s11 =	simm.s32 $0x0  }
0x1ad: {  	[hbm4b:s12+s11] =	stream.linear.scatter [tilespmem:s5], [sflag:$0x7], $0x2000, $0x38;
	[tilespmem:$0x1C000] =	vst v63  }
0x1ae: {  	s15 =	rddreg [dreg:$0xe]  }
0x1af: {  	[tilespmem:s25], [sflag:$0x3] =	stream.linear.gather [hbm4b:s15+s11], $0x4000, $0x38;
	[tilespmem:$0x1C000] =	vst v63  }
0x1b0: {  	s16 =	rddreg [dreg:$0xf]  }
0x1b1: {  	[tilespmem:s11], [sflag:$0x1] =	stream.linear.gather [hbm4b:s16+s11], $0x4000, $0x38;
	[tilespmem:$0x1C000] =	vst v63  }
0x1b2: {  	_ =	swait.ge [sflag:s9], $0x4000  }
0x1b3: {  	[sflag:s9] =	ssyncset.done $0x0  }
0x1b4: {  	[sflag:s9] =	ssyncadd.s32 $0xFFFFC000  }
0x1b5: {  	_ =	swait.ge [sflag:s3], $0x4000  }
0x1b6: {  	[sflag:s3] =	ssyncset.done $0x0  }
0x1b7: {  	[sflag:s3] =	ssyncadd.s32 $0xFFFFC000  }
0x1b8: {  	s17 =	sand.u32 $0x1C00, s11;
	_ =	swait.ge [sflag:s7], $0x4000  }
0x1b9: {  	s13 =	sor.u32 s17, s11;
	[sflag:s7] =	ssyncset.done $0x0  }
0x1ba: {  	s13 =	sor.u32 $0x70, s13;
	[sflag:s7] =	ssyncadd.s32 $0xFFFFC000  }
0x1bb: {  	s14 =	sand.u32 $0x380, s11;
	v0 =	vld [tilespmem:s13+$0xC000]  }
0x1bc: {  	s12 =	sor.u32 s14, s17;
	v1 =	vld [tilespmem:s13+$0x4000]  }
0x1bd: {  	v2 =	vld [tilespmem:s12+$0xC000]  }
0x1be: {  	v3 =	vld [tilespmem:s12+$0x4000]  }
0x1bf: {  	v5 =	vld [tilespmem:s12+$0xC010]  }
0x1c0: {  	v6 =	vld [tilespmem:s12+$0x4010]  }
0x1c1: {  	v7 =	vld [tilespmem:s12+$0xC020]  }
0x1c2: {  	v63 =	vld [tilespmem:s12+$0x4020]  }
0x1c3: {  	v4 =	vld [tilespmem:s12+$0x4030];
	v1 =	vadd.f32 v1, v0  }
0x1c4: {  	v0 =	vld [tilespmem:s12+$0xC030];
	v2 =	vadd.f32 v3, v2  }
0x1c5: {  	v3 =	vadd.f32 v6, v5;
	[tilespmem:s13+$0x14000] =	vst v1;
	v1 =	vld [tilespmem:s12+$0xC040]  }
0x1c6: {  	[tilespmem:s12+$0x14000] =	vst v2;
	v2 =	vld [tilespmem:s12+$0x4040]  }
0x1c7: {  	s14 =	simm.s32 $0x400;
	v5 =	vadd.f32 v63, v7;
	s13 =	simm.s32 $0x0;
	[tilespmem:s12+$0x14010] =	vst v3;
	v3 =	vld [tilespmem:s12+$0xC050]  }
.LBB2_18:
0x1c8: {  	s15 =	sand.u32 $0x1C00, s14;
	v6 =	vld [tilespmem:s12+$0x4050];
	s11 =	sadd.s32 $0x10, s11  }
0x1c9: {  	s13 =	sadd.s32 $0x8, s13;
	s16 =	sand.u32 $0x380, s11;
	s17 =	sor.u32 s15, s11;
	[tilespmem:s12+$0x14020] =	vst v5;
	v0 =	vadd.f32 v4, v0;
	v4 =	vld [tilespmem:s12+$0xC060]  }
0x1ca: {  	p0 =	slt.u32 s13, $0x1F8;
	s15 =	sor.u32 s16, s15;
	s16 =	sor.u32 $0x70, s17;
	v5 =	vld [tilespmem:s12+$0x4060]  }
0x1cb: {  	v7 =	vld [tilespmem:s16+$0xC000];
	[tilespmem:s12+$0x14030] =	vst v0;
	v0 =	vadd.f32 v2, v1  }
0x1cc: {  	v1 =	vld [tilespmem:s16+$0x4000]  }
0x1cd: {  	v2 =	vld [tilespmem:s15+$0xC000];
	[tilespmem:s12+$0x14040] =	vst v0;
	v0 =	vadd.f32 v6, v3  }
0x1ce: {  	v3 =	vld [tilespmem:s15+$0x4000]  }
0x1cf: {  	v6 =	vld [tilespmem:s15+$0xC010];
	[tilespmem:s12+$0x14050] =	vst v0;
	v0 =	vadd.f32 v5, v4  }
0x1d0: {  	v5 =	vld [tilespmem:s15+$0x4010]  }
0x1d1: {  	v8 =	vld [tilespmem:s15+$0xC020];
	v1 =	vadd.f32 v1, v7;
	[tilespmem:s12+$0x14060] =	vst v0;
	s12 =	smov.u32 s15  }
0x1d2: {  	v7 =	vld [tilespmem:s12+$0x4020]  }
.Ltmp8:
0x1d3: {  	v2 =	vadd.f32 v3, v2;
	v0 =	vld [tilespmem:s12+$0xC030];
	[tilespmem:s16+$0x14000] =	vst v1;
	(pc) =	sbr.rel @p0 .LBB2_18-.Ltmp8, $4  }
0x1d4: {  	v4 =	vld [tilespmem:s12+$0x4030]  }
0x1d5: {  	[tilespmem:s12+$0x14000] =	vst v2;
	v3 =	vadd.f32 v5, v6;
	v1 =	vld [tilespmem:s12+$0xC040]  }
0x1d6: {  	v2 =	vld [tilespmem:s12+$0x4040]  }
0x1d7: {  	s14 =	sadd.s32 $0x400, s14;
	[tilespmem:s12+$0x14010] =	vst v3;
	v5 =	vadd.f32 v7, v8;
	v3 =	vld [tilespmem:s12+$0xC050]  }
0x1d8: {  	v6 =	vld [tilespmem:s12+$0x4050]  }
0x1d9: {  	v7 =	vld [tilespmem:s12+$0xC060]  }
0x1da: {  	v8 =	vld [tilespmem:s12+$0x4060];
	_ =	sdelay $0x1  }
0x1db: {  	v0 =	vadd.f32 v4, v0  }
0x1dc: {  	[tilespmem:s12+$0x14020] =	vst v5;
	v1 =	vadd.f32 v2, v1  }
0x1dd: {  	[tilespmem:s12+$0x14030] =	vst v0;
	v0 =	vadd.f32 v6, v3  }
0x1de: {  	[tilespmem:s12+$0x14040] =	vst v1;
	v1 =	vadd.f32 v8, v7  }
0x1df: {  	[tilespmem:s12+$0x14050] =	vst v0  }
0x1e0: {  	[tilespmem:s12+$0x14060] =	vst v1  }
0x1e1: {  	s16 =	simm.s32 $0x2000;
	s12 =	simm.s32 $0x10000;
	s11 =	rddreg [dreg:$0x10]  }
0x1e2: {  	[hbm4b:s11+s1] =	stream.linear.scatter [tilespmem:s31], [sflag:$0x6], $0x2000, $0x38;
	[tilespmem:$0x1C000] =	vst v63  }
0x1e3: {  	s14 =	simm.s32 $0x400;
	s13 =	sand.u32 $0x1C00, s12;
	s11 =	sand.u32 $0x2000, s16  }
0x1e4: {  	s17 =	sand.u32 $0x380, s14;
	s11 =	sor.u32 s13, s11  }
0x1e5: {  	s11 =	sor.u32 s17, s11  }
0x1e6: {  	v0 =	vld [tilespmem:s11+$0xC070]  }
0x1e7: {  	v2 =	vld [tilespmem:s11+$0x4070]  }
0x1e8: {  	v3 =	vld [tilespmem:s11+$0xC000]  }
0x1e9: {  	v5 =	vld [tilespmem:s11+$0x4000]  }
0x1ea: {  	v6 =	vld [tilespmem:s11+$0xC010]  }
0x1eb: {  	v7 =	vld [tilespmem:s11+$0x4010]  }
0x1ec: {  	v1 =	vld [tilespmem:s11+$0xC020]  }
0x1ed: {  	v4 =	vld [tilespmem:s11+$0x4020];
	v2 =	vadd.f32 v2, v0  }
0x1ee: {  	v5 =	vadd.f32 v5, v3;
	v0 =	vld [tilespmem:s11+$0xC030]  }
0x1ef: {  	v3 =	vld [tilespmem:s11+$0x4030];
	[tilespmem:s11+$0x14070] =	vst v2  }
0x1f0: {  	s13 =	simm.s32 $0x200;
	[tilespmem:s11+$0x14000] =	vst v5;
	v5 =	vadd.f32 v7, v6;
	v2 =	vld [tilespmem:s11+$0xC040]  }
.LBB2_20:
0x1f1: {  	s13 =	sadd.s32 $0x8, s13;
	v6 =	vld [tilespmem:s11+$0x4040]  }
0x1f2: {  	s12 =	sadd.s32 $0x400, s12;
	s14 =	sshll.u32 s13, $0x4;
	p0 =	slt.u32 s13, $0x3F8;
	[tilespmem:s11+$0x14010] =	vst v5;
	v1 =	vadd.f32 v4, v1;
	v4 =	vld [tilespmem:s11+$0xC050]  }
0x1f3: {  	s15 =	sand.u32 $0x1C00, s12;
	s16 =	sshll.u32 s13, $0x1;
	s14 =	sand.u32 $0x2000, s14;
	v5 =	vld [tilespmem:s11+$0x4050]  }
0x1f4: {  	s14 =	sor.u32 s15, s14;
	s15 =	sand.u32 $0x380, s16;
	[tilespmem:s11+$0x14020] =	vst v1;
	v0 =	vadd.f32 v3, v0;
	v1 =	vld [tilespmem:s11+$0xC060]  }
0x1f5: {  	s14 =	sor.u32 s15, s14;
	v3 =	vld [tilespmem:s11+$0x4060]  }
0x1f6: {  	v7 =	vld [tilespmem:s14+$0xC070];
	[tilespmem:s11+$0x14030] =	vst v0;
	v0 =	vadd.f32 v6, v2  }
0x1f7: {  	v2 =	vld [tilespmem:s14+$0x4070]  }
0x1f8: {  	v6 =	vld [tilespmem:s14+$0xC000];
	[tilespmem:s11+$0x14040] =	vst v0;
	v0 =	vadd.f32 v5, v4  }
0x1f9: {  	v5 =	vld [tilespmem:s14+$0x4000]  }
0x1fa: {  	v8 =	vld [tilespmem:s14+$0xC010];
	[tilespmem:s11+$0x14050] =	vst v0;
	v0 =	vadd.f32 v3, v1  }
0x1fb: {  	v9 =	vld [tilespmem:s14+$0x4010]  }
.Ltmp9:
0x1fc: {  	v1 =	vld [tilespmem:s14+$0xC020];
	v2 =	vadd.f32 v2, v7;
	[tilespmem:s11+$0x14060] =	vst v0;
	s11 =	smov.u32 s14;
	(pc) =	sbr.rel @p0 .LBB2_20-.Ltmp9, $4  }
0x1fd: {  	v4 =	vld [tilespmem:s11+$0x4020]  }
0x1fe: {  	v5 =	vadd.f32 v5, v6;
	v0 =	vld [tilespmem:s11+$0xC030];
	[tilespmem:s11+$0x14070] =	vst v2  }
0x1ff: {  	v3 =	vld [tilespmem:s11+$0x4030]  }
0x200: {  	[tilespmem:s11+$0x14000] =	vst v5;
	v5 =	vadd.f32 v9, v8;
	v2 =	vld [tilespmem:s11+$0xC040]  }
0x201: {  	v6 =	vld [tilespmem:s11+$0x4040]  }
0x202: {  	v7 =	vld [tilespmem:s11+$0xC050]  }
0x203: {  	v8 =	vld [tilespmem:s11+$0x4050]  }
0x204: {  	v9 =	vld [tilespmem:s11+$0xC060]  }
0x205: {  	v10 =	vld [tilespmem:s11+$0x4060]  }
0x206: {  	v1 =	vadd.f32 v4, v1  }
0x207: {  	[tilespmem:s11+$0x14010] =	vst v5;
	v0 =	vadd.f32 v3, v0  }
0x208: {  	[tilespmem:s11+$0x14020] =	vst v1;
	v1 =	vadd.f32 v6, v2  }
0x209: {  	[tilespmem:s11+$0x14030] =	vst v0;
	v0 =	vadd.f32 v8, v7  }
0x20a: {  	[tilespmem:s11+$0x14040] =	vst v1;
	v1 =	vadd.f32 v10, v9  }
0x20b: {  	[tilespmem:s11+$0x14050] =	vst v0  }
0x20c: {  	[tilespmem:s11+$0x14060] =	vst v1  }
0x20d: {  	s12 =	sld [smem:$0x7F9];
	_ =	sdelay $0x1  }
0x20e: {  	s11 =	simm.s32 $0x0  }
0x20f: {  	[hbm4b:s12+s11] =	stream.linear.scatter [tilespmem:s2], [sflag:$0x6], $0x2000, $0x38;
	[tilespmem:$0x1C000] =	vst v63  }
0x210: {  	s16 =	rddreg [dreg:$0x11]  }
0x211: {  	[tilespmem:s26], [sflag:$0x4] =	stream.linear.gather [hbm4b:s16+s11], $0x4000, $0x38;
	[tilespmem:$0x1C000] =	vst v63  }
0x212: {  	_ =	swait.ge [sflag:s6], $0x4000  }
0x213: {  	[sflag:s6] =	ssyncset.done $0x0  }
0x214: {  	[sflag:s6] =	ssyncadd.s32 $0xFFFFC000  }
0x215: {  	s17 =	sand.u32 $0x1C00, s11;
	_ =	swait.ge [sflag:s8], $0x4000  }
0x216: {  	s13 =	sor.u32 s17, s11;
	[sflag:s8] =	ssyncset.done $0x0  }
0x217: {  	s13 =	sor.u32 $0x70, s13;
	[sflag:s8] =	ssyncadd.s32 $0xFFFFC000  }
0x218: {  	s14 =	sand.u32 $0x380, s11;
	v0 =	vld [tilespmem:s13+$0x10000]  }
0x219: {  	s12 =	sor.u32 s14, s17;
	v1 =	vld [tilespmem:s13+$0x4000]  }
0x21a: {  	v2 =	vld [tilespmem:s12+$0x10000]  }
0x21b: {  	v3 =	vld [tilespmem:s12+$0x4000]  }
0x21c: {  	v5 =	vld [tilespmem:s12+$0x10010]  }
0x21d: {  	v6 =	vld [tilespmem:s12+$0x4010]  }
0x21e: {  	v7 =	vld [tilespmem:s12+$0x10020]  }
0x21f: {  	v63 =	vld [tilespmem:s12+$0x4020]  }
0x220: {  	v4 =	vld [tilespmem:s12+$0x4030];
	v1 =	vadd.f32 v1, v0  }
0x221: {  	v0 =	vld [tilespmem:s12+$0x10030];
	v2 =	vadd.f32 v3, v2  }
0x222: {  	v3 =	vadd.f32 v6, v5;
	[tilespmem:s13+$0x18000] =	vst v1;
	v1 =	vld [tilespmem:s12+$0x10040]  }
0x223: {  	[tilespmem:s12+$0x18000] =	vst v2;
	v2 =	vld [tilespmem:s12+$0x4040]  }
0x224: {  	s14 =	simm.s32 $0x400;
	v5 =	vadd.f32 v63, v7;
	s13 =	simm.s32 $0x0;
	[tilespmem:s12+$0x18010] =	vst v3;
	v3 =	vld [tilespmem:s12+$0x10050]  }
.LBB2_22:
0x225: {  	s15 =	sand.u32 $0x1C00, s14;
	v6 =	vld [tilespmem:s12+$0x4050];
	s11 =	sadd.s32 $0x10, s11  }
0x226: {  	s13 =	sadd.s32 $0x8, s13;
	s16 =	sand.u32 $0x380, s11;
	s17 =	sor.u32 s15, s11;
	[tilespmem:s12+$0x18020] =	vst v5;
	v0 =	vadd.f32 v4, v0;
	v4 =	vld [tilespmem:s12+$0x10060]  }
0x227: {  	p0 =	slt.u32 s13, $0x1F8;
	s15 =	sor.u32 s16, s15;
	s16 =	sor.u32 $0x70, s17;
	v5 =	vld [tilespmem:s12+$0x4060]  }
0x228: {  	v7 =	vld [tilespmem:s16+$0x10000];
	[tilespmem:s12+$0x18030] =	vst v0;
	v0 =	vadd.f32 v2, v1  }
0x229: {  	v1 =	vld [tilespmem:s16+$0x4000]  }
0x22a: {  	v2 =	vld [tilespmem:s15+$0x10000];
	[tilespmem:s12+$0x18040] =	vst v0;
	v0 =	vadd.f32 v6, v3  }
0x22b: {  	v3 =	vld [tilespmem:s15+$0x4000]  }
0x22c: {  	v6 =	vld [tilespmem:s15+$0x10010];
	[tilespmem:s12+$0x18050] =	vst v0;
	v0 =	vadd.f32 v5, v4  }
0x22d: {  	v5 =	vld [tilespmem:s15+$0x4010]  }
0x22e: {  	v8 =	vld [tilespmem:s15+$0x10020];
	v1 =	vadd.f32 v1, v7;
	[tilespmem:s12+$0x18060] =	vst v0;
	s12 =	smov.u32 s15  }
0x22f: {  	v7 =	vld [tilespmem:s12+$0x4020]  }
.Ltmp10:
0x230: {  	v2 =	vadd.f32 v3, v2;
	v0 =	vld [tilespmem:s12+$0x10030];
	[tilespmem:s16+$0x18000] =	vst v1;
	(pc) =	sbr.rel @p0 .LBB2_22-.Ltmp10, $4  }
0x231: {  	v4 =	vld [tilespmem:s12+$0x4030]  }
0x232: {  	[tilespmem:s12+$0x18000] =	vst v2;
	v3 =	vadd.f32 v5, v6;
	v1 =	vld [tilespmem:s12+$0x10040]  }
0x233: {  	v2 =	vld [tilespmem:s12+$0x4040]  }
0x234: {  	s14 =	sadd.s32 $0x400, s14;
	[tilespmem:s12+$0x18010] =	vst v3;
	v5 =	vadd.f32 v7, v8;
	v3 =	vld [tilespmem:s12+$0x10050]  }
0x235: {  	v6 =	vld [tilespmem:s12+$0x4050]  }
0x236: {  	v7 =	vld [tilespmem:s12+$0x10060]  }
0x237: {  	v8 =	vld [tilespmem:s12+$0x4060];
	_ =	sdelay $0x1  }
0x238: {  	v0 =	vadd.f32 v4, v0  }
0x239: {  	[tilespmem:s12+$0x18020] =	vst v5;
	v1 =	vadd.f32 v2, v1  }
0x23a: {  	[tilespmem:s12+$0x18030] =	vst v0;
	v0 =	vadd.f32 v6, v3  }
0x23b: {  	[tilespmem:s12+$0x18040] =	vst v1;
	v1 =	vadd.f32 v8, v7  }
0x23c: {  	[tilespmem:s12+$0x18050] =	vst v0  }
0x23d: {  	[tilespmem:s12+$0x18060] =	vst v1  }
0x23e: {  	s16 =	simm.s32 $0x2000;
	s12 =	simm.s32 $0x10000;
	s11 =	rddreg [dreg:$0x12]  }
0x23f: {  	[hbm4b:s11+s1] =	stream.linear.scatter [tilespmem:s4], [sflag:$0x7], $0x2000, $0x38;
	[tilespmem:$0x1C000] =	vst v63  }
0x240: {  	s14 =	simm.s32 $0x400;
	s13 =	sand.u32 $0x1C00, s12;
	s11 =	sand.u32 $0x2000, s16  }
0x241: {  	s17 =	sand.u32 $0x380, s14;
	s11 =	sor.u32 s13, s11  }
0x242: {  	s11 =	sor.u32 s17, s11  }
0x243: {  	v0 =	vld [tilespmem:s11+$0x10070]  }
0x244: {  	v2 =	vld [tilespmem:s11+$0x4070]  }
0x245: {  	v3 =	vld [tilespmem:s11+$0x10000]  }
0x246: {  	v5 =	vld [tilespmem:s11+$0x4000]  }
0x247: {  	v6 =	vld [tilespmem:s11+$0x10010]  }
0x248: {  	v7 =	vld [tilespmem:s11+$0x4010]  }
0x249: {  	v1 =	vld [tilespmem:s11+$0x10020]  }
0x24a: {  	v4 =	vld [tilespmem:s11+$0x4020];
	v2 =	vadd.f32 v2, v0  }
0x24b: {  	v5 =	vadd.f32 v5, v3;
	v0 =	vld [tilespmem:s11+$0x10030]  }
0x24c: {  	v3 =	vld [tilespmem:s11+$0x4030];
	[tilespmem:s11+$0x18070] =	vst v2  }
0x24d: {  	s13 =	simm.s32 $0x200;
	[tilespmem:s11+$0x18000] =	vst v5;
	v5 =	vadd.f32 v7, v6;
	v2 =	vld [tilespmem:s11+$0x10040]  }
.LBB2_24:
0x24e: {  	s13 =	sadd.s32 $0x8, s13;
	v6 =	vld [tilespmem:s11+$0x4040]  }
0x24f: {  	s12 =	sadd.s32 $0x400, s12;
	s14 =	sshll.u32 s13, $0x4;
	p0 =	slt.u32 s13, $0x3F8;
	[tilespmem:s11+$0x18010] =	vst v5;
	v1 =	vadd.f32 v4, v1;
	v4 =	vld [tilespmem:s11+$0x10050]  }
0x250: {  	s15 =	sand.u32 $0x1C00, s12;
	s16 =	sshll.u32 s13, $0x1;
	s14 =	sand.u32 $0x2000, s14;
	v5 =	vld [tilespmem:s11+$0x4050]  }
0x251: {  	s14 =	sor.u32 s15, s14;
	s15 =	sand.u32 $0x380, s16;
	[tilespmem:s11+$0x18020] =	vst v1;
	v0 =	vadd.f32 v3, v0;
	v1 =	vld [tilespmem:s11+$0x10060]  }
0x252: {  	s14 =	sor.u32 s15, s14;
	v3 =	vld [tilespmem:s11+$0x4060]  }
0x253: {  	v7 =	vld [tilespmem:s14+$0x10070];
	[tilespmem:s11+$0x18030] =	vst v0;
	v0 =	vadd.f32 v6, v2  }
0x254: {  	v2 =	vld [tilespmem:s14+$0x4070]  }
0x255: {  	v6 =	vld [tilespmem:s14+$0x10000];
	[tilespmem:s11+$0x18040] =	vst v0;
	v0 =	vadd.f32 v5, v4  }
0x256: {  	v5 =	vld [tilespmem:s14+$0x4000]  }
0x257: {  	v8 =	vld [tilespmem:s14+$0x10010];
	[tilespmem:s11+$0x18050] =	vst v0;
	v0 =	vadd.f32 v3, v1  }
0x258: {  	v9 =	vld [tilespmem:s14+$0x4010]  }
.Ltmp11:
0x259: {  	v1 =	vld [tilespmem:s14+$0x10020];
	v2 =	vadd.f32 v2, v7;
	[tilespmem:s11+$0x18060] =	vst v0;
	s11 =	smov.u32 s14;
	(pc) =	sbr.rel @p0 .LBB2_24-.Ltmp11, $4  }
0x25a: {  	v4 =	vld [tilespmem:s11+$0x4020]  }
0x25b: {  	v5 =	vadd.f32 v5, v6;
	v0 =	vld [tilespmem:s11+$0x10030];
	[tilespmem:s11+$0x18070] =	vst v2  }
0x25c: {  	v3 =	vld [tilespmem:s11+$0x4030]  }
0x25d: {  	[tilespmem:s11+$0x18000] =	vst v5;
	v5 =	vadd.f32 v9, v8;
	v2 =	vld [tilespmem:s11+$0x10040]  }
0x25e: {  	v6 =	vld [tilespmem:s11+$0x4040]  }
0x25f: {  	v7 =	vld [tilespmem:s11+$0x10050]  }
0x260: {  	v8 =	vld [tilespmem:s11+$0x4050]  }
0x261: {  	v9 =	vld [tilespmem:s11+$0x10060]  }
0x262: {  	v10 =	vld [tilespmem:s11+$0x4060]  }
0x263: {  	v1 =	vadd.f32 v4, v1  }
0x264: {  	[tilespmem:s11+$0x18010] =	vst v5;
	v0 =	vadd.f32 v3, v0  }
0x265: {  	[tilespmem:s11+$0x18020] =	vst v1;
	v1 =	vadd.f32 v6, v2  }
0x266: {  	[tilespmem:s11+$0x18030] =	vst v0;
	v0 =	vadd.f32 v8, v7  }
0x267: {  	[tilespmem:s11+$0x18040] =	vst v1;
	v1 =	vadd.f32 v10, v9  }
0x268: {  	[tilespmem:s11+$0x18050] =	vst v0  }
0x269: {  	[tilespmem:s11+$0x18060] =	vst v1  }
0x26a: {  	s12 =	sld [smem:$0x7FA];
	_ =	sdelay $0x1  }
0x26b: {  	s11 =	simm.s32 $0x0  }
0x26c: {  	[hbm4b:s12+s11] =	stream.linear.scatter [tilespmem:s5], [sflag:$0x7], $0x2000, $0x38;
	[tilespmem:$0x1C000] =	vst v63  }
0x26d: {  	s16 =	rddreg [dreg:$0x16]  }
0x26e: {  	[tilespmem:s28], [sflag:$0x5] =	stream.linear.gather [hbm4b:s16+s11], $0x4000, $0x38;
	[tilespmem:$0x1C000] =	vst v63  }
0x26f: {  	_ =	swait.ge [sflag:s30], $0x4000  }
0x270: {  	[sflag:s30] =	ssyncset.done $0x0  }
0x271: {  	[sflag:s30] =	ssyncadd.s32 $0xFFFFC000  }
0x272: {  	s17 =	sand.u32 $0x1C00, s11;
	_ =	swait.ge [sflag:s7], $0x4000  }
0x273: {  	s13 =	sor.u32 s17, s11;
	[sflag:s7] =	ssyncset.done $0x0  }
0x274: {  	s13 =	sor.u32 $0x70, s13;
	[sflag:s7] =	ssyncadd.s32 $0xFFFFC000  }
0x275: {  	s14 =	sand.u32 $0x380, s11;
	v0 =	vld [tilespmem:s13+$0x8000]  }
0x276: {  	s12 =	sor.u32 s14, s17;
	v1 =	vld [tilespmem:s13+$0x4000]  }
0x277: {  	v2 =	vld [tilespmem:s12+$0x8000]  }
0x278: {  	v3 =	vld [tilespmem:s12+$0x4000]  }
0x279: {  	v5 =	vld [tilespmem:s12+$0x8010]  }
0x27a: {  	v6 =	vld [tilespmem:s12+$0x4010]  }
0x27b: {  	v7 =	vld [tilespmem:s12+$0x8020]  }
0x27c: {  	v63 =	vld [tilespmem:s12+$0x4020]  }
0x27d: {  	v4 =	vld [tilespmem:s12+$0x4030];
	v1 =	vadd.f32 v1, v0  }
0x27e: {  	v0 =	vld [tilespmem:s12+$0x8030];
	v2 =	vadd.f32 v3, v2  }
0x27f: {  	v3 =	vadd.f32 v6, v5;
	[tilespmem:s13+$0x14000] =	vst v1;
	v1 =	vld [tilespmem:s12+$0x8040]  }
0x280: {  	[tilespmem:s12+$0x14000] =	vst v2;
	v2 =	vld [tilespmem:s12+$0x4040]  }
0x281: {  	s14 =	simm.s32 $0x400;
	v5 =	vadd.f32 v63, v7;
	s13 =	simm.s32 $0x0;
	[tilespmem:s12+$0x14010] =	vst v3;
	v3 =	vld [tilespmem:s12+$0x8050]  }
.LBB2_26:
0x282: {  	s15 =	sand.u32 $0x1C00, s14;
	v6 =	vld [tilespmem:s12+$0x4050];
	s11 =	sadd.s32 $0x10, s11  }
0x283: {  	s13 =	sadd.s32 $0x8, s13;
	s16 =	sand.u32 $0x380, s11;
	s17 =	sor.u32 s15, s11;
	[tilespmem:s12+$0x14020] =	vst v5;
	v0 =	vadd.f32 v4, v0;
	v4 =	vld [tilespmem:s12+$0x8060]  }
0x284: {  	p0 =	slt.u32 s13, $0x1F8;
	s15 =	sor.u32 s16, s15;
	s16 =	sor.u32 $0x70, s17;
	v5 =	vld [tilespmem:s12+$0x4060]  }
0x285: {  	v7 =	vld [tilespmem:s16+$0x8000];
	[tilespmem:s12+$0x14030] =	vst v0;
	v0 =	vadd.f32 v2, v1  }
0x286: {  	v1 =	vld [tilespmem:s16+$0x4000]  }
0x287: {  	v2 =	vld [tilespmem:s15+$0x8000];
	[tilespmem:s12+$0x14040] =	vst v0;
	v0 =	vadd.f32 v6, v3  }
0x288: {  	v3 =	vld [tilespmem:s15+$0x4000]  }
0x289: {  	v6 =	vld [tilespmem:s15+$0x8010];
	[tilespmem:s12+$0x14050] =	vst v0;
	v0 =	vadd.f32 v5, v4  }
0x28a: {  	v5 =	vld [tilespmem:s15+$0x4010]  }
0x28b: {  	v8 =	vld [tilespmem:s15+$0x8020];
	v1 =	vadd.f32 v1, v7;
	[tilespmem:s12+$0x14060] =	vst v0;
	s12 =	smov.u32 s15  }
0x28c: {  	v7 =	vld [tilespmem:s12+$0x4020]  }
.Ltmp12:
0x28d: {  	v2 =	vadd.f32 v3, v2;
	v0 =	vld [tilespmem:s12+$0x8030];
	[tilespmem:s16+$0x14000] =	vst v1;
	(pc) =	sbr.rel @p0 .LBB2_26-.Ltmp12, $4  }
0x28e: {  	v4 =	vld [tilespmem:s12+$0x4030]  }
0x28f: {  	[tilespmem:s12+$0x14000] =	vst v2;
	v3 =	vadd.f32 v5, v6;
	v1 =	vld [tilespmem:s12+$0x8040]  }
0x290: {  	v2 =	vld [tilespmem:s12+$0x4040]  }
0x291: {  	s14 =	sadd.s32 $0x400, s14;
	[tilespmem:s12+$0x14010] =	vst v3;
	v5 =	vadd.f32 v7, v8;
	v3 =	vld [tilespmem:s12+$0x8050]  }
0x292: {  	v6 =	vld [tilespmem:s12+$0x4050]  }
0x293: {  	v7 =	vld [tilespmem:s12+$0x8060]  }
0x294: {  	v8 =	vld [tilespmem:s12+$0x4060];
	_ =	sdelay $0x1  }
0x295: {  	v0 =	vadd.f32 v4, v0  }
0x296: {  	[tilespmem:s12+$0x14020] =	vst v5;
	v1 =	vadd.f32 v2, v1  }
0x297: {  	[tilespmem:s12+$0x14030] =	vst v0;
	v0 =	vadd.f32 v6, v3  }
0x298: {  	[tilespmem:s12+$0x14040] =	vst v1;
	v1 =	vadd.f32 v8, v7  }
0x299: {  	[tilespmem:s12+$0x14050] =	vst v0  }
0x29a: {  	[tilespmem:s12+$0x14060] =	vst v1  }
0x29b: {  	s16 =	simm.s32 $0x2000;
	s12 =	simm.s32 $0x10000;
	s11 =	rddreg [dreg:$0x13]  }
0x29c: {  	[hbm4b:s11+s1] =	stream.linear.scatter [tilespmem:s31], [sflag:$0x6], $0x2000, $0x38;
	[tilespmem:$0x1C000] =	vst v63  }
0x29d: {  	s14 =	simm.s32 $0x400;
	s13 =	sand.u32 $0x1C00, s12;
	s11 =	sand.u32 $0x2000, s16  }
0x29e: {  	s17 =	sand.u32 $0x380, s14;
	s11 =	sor.u32 s13, s11  }
0x29f: {  	s11 =	sor.u32 s17, s11  }
0x2a0: {  	v0 =	vld [tilespmem:s11+$0x8070]  }
0x2a1: {  	v2 =	vld [tilespmem:s11+$0x4070]  }
0x2a2: {  	v3 =	vld [tilespmem:s11+$0x8000]  }
0x2a3: {  	v5 =	vld [tilespmem:s11+$0x4000]  }
0x2a4: {  	v6 =	vld [tilespmem:s11+$0x8010]  }
0x2a5: {  	v7 =	vld [tilespmem:s11+$0x4010]  }
0x2a6: {  	v1 =	vld [tilespmem:s11+$0x8020]  }
0x2a7: {  	v4 =	vld [tilespmem:s11+$0x4020];
	v2 =	vadd.f32 v2, v0  }
0x2a8: {  	v5 =	vadd.f32 v5, v3;
	v0 =	vld [tilespmem:s11+$0x8030]  }
0x2a9: {  	v3 =	vld [tilespmem:s11+$0x4030];
	[tilespmem:s11+$0x14070] =	vst v2  }
0x2aa: {  	s13 =	simm.s32 $0x200;
	[tilespmem:s11+$0x14000] =	vst v5;
	v5 =	vadd.f32 v7, v6;
	v2 =	vld [tilespmem:s11+$0x8040]  }
.LBB2_28:
0x2ab: {  	s13 =	sadd.s32 $0x8, s13;
	v6 =	vld [tilespmem:s11+$0x4040]  }
0x2ac: {  	s12 =	sadd.s32 $0x400, s12;
	s14 =	sshll.u32 s13, $0x4;
	p0 =	slt.u32 s13, $0x3F8;
	[tilespmem:s11+$0x14010] =	vst v5;
	v1 =	vadd.f32 v4, v1;
	v4 =	vld [tilespmem:s11+$0x8050]  }
0x2ad: {  	s15 =	sand.u32 $0x1C00, s12;
	s16 =	sshll.u32 s13, $0x1;
	s14 =	sand.u32 $0x2000, s14;
	v5 =	vld [tilespmem:s11+$0x4050]  }
0x2ae: {  	s14 =	sor.u32 s15, s14;
	s15 =	sand.u32 $0x380, s16;
	[tilespmem:s11+$0x14020] =	vst v1;
	v0 =	vadd.f32 v3, v0;
	v1 =	vld [tilespmem:s11+$0x8060]  }
0x2af: {  	s14 =	sor.u32 s15, s14;
	v3 =	vld [tilespmem:s11+$0x4060]  }
0x2b0: {  	v7 =	vld [tilespmem:s14+$0x8070];
	[tilespmem:s11+$0x14030] =	vst v0;
	v0 =	vadd.f32 v6, v2  }
0x2b1: {  	v2 =	vld [tilespmem:s14+$0x4070]  }
0x2b2: {  	v6 =	vld [tilespmem:s14+$0x8000];
	[tilespmem:s11+$0x14040] =	vst v0;
	v0 =	vadd.f32 v5, v4  }
0x2b3: {  	v5 =	vld [tilespmem:s14+$0x4000]  }
0x2b4: {  	v8 =	vld [tilespmem:s14+$0x8010];
	[tilespmem:s11+$0x14050] =	vst v0;
	v0 =	vadd.f32 v3, v1  }
0x2b5: {  	v9 =	vld [tilespmem:s14+$0x4010]  }
.Ltmp13:
0x2b6: {  	v1 =	vld [tilespmem:s14+$0x8020];
	v2 =	vadd.f32 v2, v7;
	[tilespmem:s11+$0x14060] =	vst v0;
	s11 =	smov.u32 s14;
	(pc) =	sbr.rel @p0 .LBB2_28-.Ltmp13, $4  }
0x2b7: {  	v4 =	vld [tilespmem:s11+$0x4020]  }
0x2b8: {  	v5 =	vadd.f32 v5, v6;
	v0 =	vld [tilespmem:s11+$0x8030];
	[tilespmem:s11+$0x14070] =	vst v2  }
0x2b9: {  	v3 =	vld [tilespmem:s11+$0x4030]  }
0x2ba: {  	[tilespmem:s11+$0x14000] =	vst v5;
	v5 =	vadd.f32 v9, v8;
	v2 =	vld [tilespmem:s11+$0x8040]  }
0x2bb: {  	v6 =	vld [tilespmem:s11+$0x4040]  }
0x2bc: {  	v7 =	vld [tilespmem:s11+$0x8050]  }
0x2bd: {  	v8 =	vld [tilespmem:s11+$0x4050]  }
0x2be: {  	v9 =	vld [tilespmem:s11+$0x8060]  }
0x2bf: {  	v10 =	vld [tilespmem:s11+$0x4060]  }
0x2c0: {  	v1 =	vadd.f32 v4, v1  }
0x2c1: {  	[tilespmem:s11+$0x14010] =	vst v5;
	v0 =	vadd.f32 v3, v0  }
0x2c2: {  	[tilespmem:s11+$0x14020] =	vst v1;
	v1 =	vadd.f32 v6, v2  }
0x2c3: {  	[tilespmem:s11+$0x14030] =	vst v0;
	v0 =	vadd.f32 v8, v7  }
0x2c4: {  	[tilespmem:s11+$0x14040] =	vst v1;
	v1 =	vadd.f32 v10, v9  }
0x2c5: {  	[tilespmem:s11+$0x14050] =	vst v0  }
0x2c6: {  	[tilespmem:s11+$0x14060] =	vst v1  }
0x2c7: {  	s12 =	sld [smem:$0x7FB];
	_ =	sdelay $0x1  }
0x2c8: {  	s11 =	simm.s32 $0x0  }
0x2c9: {  	[hbm4b:s12+s11] =	stream.linear.scatter [tilespmem:s2], [sflag:$0x6], $0x2000, $0x38;
	[tilespmem:$0x1C000] =	vst v63  }
0x2ca: {  	s16 =	rddreg [dreg:$0x18]  }
0x2cb: {  	[tilespmem:s25], [sflag:$0x3] =	stream.linear.gather [hbm4b:s16+s11], $0x4000, $0x38;
	[tilespmem:$0x1C000] =	vst v63  }
0x2cc: {  	_ =	swait.ge [sflag:s3], $0x4000  }
0x2cd: {  	[sflag:s3] =	ssyncset.done $0x0  }
0x2ce: {  	[sflag:s3] =	ssyncadd.s32 $0xFFFFC000  }
0x2cf: {  	s17 =	sand.u32 $0x1C00, s11;
	_ =	swait.ge [sflag:s8], $0x4000  }
0x2d0: {  	s13 =	sor.u32 s17, s11;
	[sflag:s8] =	ssyncset.done $0x0  }
0x2d1: {  	s13 =	sor.u32 $0x70, s13;
	[sflag:s8] =	ssyncadd.s32 $0xFFFFC000  }
0x2d2: {  	s14 =	sand.u32 $0x380, s11;
	v0 =	vld [tilespmem:s13+$0xC000]  }
0x2d3: {  	s12 =	sor.u32 s14, s17;
	v1 =	vld [tilespmem:s13+$0x4000]  }
0x2d4: {  	v2 =	vld [tilespmem:s12+$0xC000]  }
0x2d5: {  	v3 =	vld [tilespmem:s12+$0x4000]  }
0x2d6: {  	v5 =	vld [tilespmem:s12+$0xC010]  }
0x2d7: {  	v6 =	vld [tilespmem:s12+$0x4010]  }
0x2d8: {  	v7 =	vld [tilespmem:s12+$0xC020]  }
0x2d9: {  	v63 =	vld [tilespmem:s12+$0x4020]  }
0x2da: {  	v4 =	vld [tilespmem:s12+$0x4030];
	v1 =	vadd.f32 v1, v0  }
0x2db: {  	v0 =	vld [tilespmem:s12+$0xC030];
	v2 =	vadd.f32 v3, v2  }
0x2dc: {  	v3 =	vadd.f32 v6, v5;
	[tilespmem:s13+$0x18000] =	vst v1;
	v1 =	vld [tilespmem:s12+$0xC040]  }
0x2dd: {  	[tilespmem:s12+$0x18000] =	vst v2;
	v2 =	vld [tilespmem:s12+$0x4040]  }
0x2de: {  	s14 =	simm.s32 $0x400;
	v5 =	vadd.f32 v63, v7;
	s13 =	simm.s32 $0x0;
	[tilespmem:s12+$0x18010] =	vst v3;
	v3 =	vld [tilespmem:s12+$0xC050]  }
.LBB2_30:
0x2df: {  	s15 =	sand.u32 $0x1C00, s14;
	v6 =	vld [tilespmem:s12+$0x4050];
	s11 =	sadd.s32 $0x10, s11  }
0x2e0: {  	s13 =	sadd.s32 $0x8, s13;
	s16 =	sand.u32 $0x380, s11;
	s17 =	sor.u32 s15, s11;
	[tilespmem:s12+$0x18020] =	vst v5;
	v0 =	vadd.f32 v4, v0;
	v4 =	vld [tilespmem:s12+$0xC060]  }
0x2e1: {  	p0 =	slt.u32 s13, $0x1F8;
	s15 =	sor.u32 s16, s15;
	s16 =	sor.u32 $0x70, s17;
	v5 =	vld [tilespmem:s12+$0x4060]  }
0x2e2: {  	v7 =	vld [tilespmem:s16+$0xC000];
	[tilespmem:s12+$0x18030] =	vst v0;
	v0 =	vadd.f32 v2, v1  }
0x2e3: {  	v1 =	vld [tilespmem:s16+$0x4000]  }
0x2e4: {  	v2 =	vld [tilespmem:s15+$0xC000];
	[tilespmem:s12+$0x18040] =	vst v0;
	v0 =	vadd.f32 v6, v3  }
0x2e5: {  	v3 =	vld [tilespmem:s15+$0x4000]  }
0x2e6: {  	v6 =	vld [tilespmem:s15+$0xC010];
	[tilespmem:s12+$0x18050] =	vst v0;
	v0 =	vadd.f32 v5, v4  }
0x2e7: {  	v5 =	vld [tilespmem:s15+$0x4010]  }
0x2e8: {  	v8 =	vld [tilespmem:s15+$0xC020];
	v1 =	vadd.f32 v1, v7;
	[tilespmem:s12+$0x18060] =	vst v0;
	s12 =	smov.u32 s15  }
0x2e9: {  	v7 =	vld [tilespmem:s12+$0x4020]  }
.Ltmp14:
0x2ea: {  	v2 =	vadd.f32 v3, v2;
	v0 =	vld [tilespmem:s12+$0xC030];
	[tilespmem:s16+$0x18000] =	vst v1;
	(pc) =	sbr.rel @p0 .LBB2_30-.Ltmp14, $4  }
0x2eb: {  	v4 =	vld [tilespmem:s12+$0x4030]  }
0x2ec: {  	[tilespmem:s12+$0x18000] =	vst v2;
	v3 =	vadd.f32 v5, v6;
	v1 =	vld [tilespmem:s12+$0xC040]  }
0x2ed: {  	v2 =	vld [tilespmem:s12+$0x4040]  }
0x2ee: {  	s14 =	sadd.s32 $0x400, s14;
	[tilespmem:s12+$0x18010] =	vst v3;
	v5 =	vadd.f32 v7, v8;
	v3 =	vld [tilespmem:s12+$0xC050]  }
0x2ef: {  	v6 =	vld [tilespmem:s12+$0x4050]  }
0x2f0: {  	v7 =	vld [tilespmem:s12+$0xC060]  }
0x2f1: {  	v8 =	vld [tilespmem:s12+$0x4060];
	_ =	sdelay $0x1  }
0x2f2: {  	v0 =	vadd.f32 v4, v0  }
0x2f3: {  	[tilespmem:s12+$0x18020] =	vst v5;
	v1 =	vadd.f32 v2, v1  }
0x2f4: {  	[tilespmem:s12+$0x18030] =	vst v0;
	v0 =	vadd.f32 v6, v3  }
0x2f5: {  	[tilespmem:s12+$0x18040] =	vst v1;
	v1 =	vadd.f32 v8, v7  }
0x2f6: {  	[tilespmem:s12+$0x18050] =	vst v0  }
0x2f7: {  	[tilespmem:s12+$0x18060] =	vst v1  }
0x2f8: {  	s16 =	simm.s32 $0x2000;
	s12 =	simm.s32 $0x10000;
	s11 =	rddreg [dreg:$0x14]  }
0x2f9: {  	[hbm4b:s11+s1] =	stream.linear.scatter [tilespmem:s4], [sflag:$0x7], $0x2000, $0x38;
	[tilespmem:$0x1C000] =	vst v63  }
0x2fa: {  	s14 =	simm.s32 $0x400;
	s13 =	sand.u32 $0x1C00, s12;
	s11 =	sand.u32 $0x2000, s16  }
0x2fb: {  	s17 =	sand.u32 $0x380, s14;
	s11 =	sor.u32 s13, s11  }
0x2fc: {  	s11 =	sor.u32 s17, s11  }
0x2fd: {  	v0 =	vld [tilespmem:s11+$0xC070]  }
0x2fe: {  	v2 =	vld [tilespmem:s11+$0x4070]  }
0x2ff: {  	v3 =	vld [tilespmem:s11+$0xC000]  }
0x300: {  	v5 =	vld [tilespmem:s11+$0x4000]  }
0x301: {  	v6 =	vld [tilespmem:s11+$0xC010]  }
0x302: {  	v7 =	vld [tilespmem:s11+$0x4010]  }
0x303: {  	v1 =	vld [tilespmem:s11+$0xC020]  }
0x304: {  	v4 =	vld [tilespmem:s11+$0x4020];
	v2 =	vadd.f32 v2, v0  }
0x305: {  	v5 =	vadd.f32 v5, v3;
	v0 =	vld [tilespmem:s11+$0xC030]  }
0x306: {  	v3 =	vld [tilespmem:s11+$0x4030];
	[tilespmem:s11+$0x18070] =	vst v2  }
0x307: {  	s13 =	simm.s32 $0x200;
	[tilespmem:s11+$0x18000] =	vst v5;
	v5 =	vadd.f32 v7, v6;
	v2 =	vld [tilespmem:s11+$0xC040]  }
.LBB2_32:
0x308: {  	s13 =	sadd.s32 $0x8, s13;
	v6 =	vld [tilespmem:s11+$0x4040]  }
0x309: {  	s12 =	sadd.s32 $0x400, s12;
	s14 =	sshll.u32 s13, $0x4;
	p0 =	slt.u32 s13, $0x3F8;
	[tilespmem:s11+$0x18010] =	vst v5;
	v1 =	vadd.f32 v4, v1;
	v4 =	vld [tilespmem:s11+$0xC050]  }
0x30a: {  	s15 =	sand.u32 $0x1C00, s12;
	s16 =	sshll.u32 s13, $0x1;
	s14 =	sand.u32 $0x2000, s14;
	v5 =	vld [tilespmem:s11+$0x4050]  }
0x30b: {  	s14 =	sor.u32 s15, s14;
	s15 =	sand.u32 $0x380, s16;
	[tilespmem:s11+$0x18020] =	vst v1;
	v0 =	vadd.f32 v3, v0;
	v1 =	vld [tilespmem:s11+$0xC060]  }
0x30c: {  	s14 =	sor.u32 s15, s14;
	v3 =	vld [tilespmem:s11+$0x4060]  }
0x30d: {  	v7 =	vld [tilespmem:s14+$0xC070];
	[tilespmem:s11+$0x18030] =	vst v0;
	v0 =	vadd.f32 v6, v2  }
0x30e: {  	v2 =	vld [tilespmem:s14+$0x4070]  }
0x30f: {  	v6 =	vld [tilespmem:s14+$0xC000];
	[tilespmem:s11+$0x18040] =	vst v0;
	v0 =	vadd.f32 v5, v4  }
0x310: {  	v5 =	vld [tilespmem:s14+$0x4000]  }
0x311: {  	v8 =	vld [tilespmem:s14+$0xC010];
	[tilespmem:s11+$0x18050] =	vst v0;
	v0 =	vadd.f32 v3, v1  }
0x312: {  	v9 =	vld [tilespmem:s14+$0x4010]  }
.Ltmp15:
0x313: {  	v1 =	vld [tilespmem:s14+$0xC020];
	v2 =	vadd.f32 v2, v7;
	[tilespmem:s11+$0x18060] =	vst v0;
	s11 =	smov.u32 s14;
	(pc) =	sbr.rel @p0 .LBB2_32-.Ltmp15, $4  }
0x314: {  	v4 =	vld [tilespmem:s11+$0x4020]  }
0x315: {  	v5 =	vadd.f32 v5, v6;
	v0 =	vld [tilespmem:s11+$0xC030];
	[tilespmem:s11+$0x18070] =	vst v2  }
0x316: {  	v3 =	vld [tilespmem:s11+$0x4030]  }
0x317: {  	[tilespmem:s11+$0x18000] =	vst v5;
	v5 =	vadd.f32 v9, v8;
	v2 =	vld [tilespmem:s11+$0xC040]  }
0x318: {  	v6 =	vld [tilespmem:s11+$0x4040]  }
0x319: {  	v7 =	vld [tilespmem:s11+$0xC050]  }
0x31a: {  	v8 =	vld [tilespmem:s11+$0x4050]  }
0x31b: {  	v9 =	vld [tilespmem:s11+$0xC060]  }
0x31c: {  	v10 =	vld [tilespmem:s11+$0x4060]  }
0x31d: {  	v1 =	vadd.f32 v4, v1  }
0x31e: {  	[tilespmem:s11+$0x18010] =	vst v5;
	v0 =	vadd.f32 v3, v0  }
0x31f: {  	[tilespmem:s11+$0x18020] =	vst v1;
	v1 =	vadd.f32 v6, v2  }
0x320: {  	[tilespmem:s11+$0x18030] =	vst v0;
	v0 =	vadd.f32 v8, v7  }
0x321: {  	[tilespmem:s11+$0x18040] =	vst v1;
	v1 =	vadd.f32 v10, v9  }
0x322: {  	[tilespmem:s11+$0x18050] =	vst v0  }
0x323: {  	[tilespmem:s11+$0x18060] =	vst v1  }
0x324: {  	s12 =	sld [smem:$0x7FC];
	_ =	sdelay $0x1  }
0x325: {  	s11 =	simm.s32 $0x0  }
0x326: {  	[hbm4b:s12+s11] =	stream.linear.scatter [tilespmem:s5], [sflag:$0x7], $0x2000, $0x38;
	[tilespmem:$0x1C000] =	vst v63  }
0x327: {  	s14 =	rddreg [dreg:$0x1a]  }
0x328: {  	[tilespmem:s26], [sflag:$0x4] =	stream.linear.gather [hbm4b:s14+s11], $0x4000, $0x38;
	[tilespmem:$0x1C000] =	vst v63  }
0x329: {  	s13 =	simm.s32 $0x4000;
	s15 =	rddreg [dreg:$0x15]  }
0x32a: {  	[tilespmem:s13], [sflag:$0x2] =	stream.linear.gather [hbm4b:s15+s11], $0x4000, $0x38;
	[tilespmem:$0x1C000] =	vst v63  }
0x32b: {  	_ =	swait.ge [sflag:s29], $0x4000  }
0x32c: {  	[sflag:s29] =	ssyncset.done $0x0  }
0x32d: {  	[sflag:s29] =	ssyncadd.s32 $0xFFFFC000  }
0x32e: {  	_ =	swait.ge [sflag:s6], $0x4000  }
0x32f: {  	[sflag:s6] =	ssyncset.done $0x0  }
0x330: {  	[sflag:s6] =	ssyncadd.s32 $0xFFFFC000  }
0x331: {  	s16 =	sand.u32 $0x1C00, s11;
	_ =	swait.ge [sflag:s7], $0x4000  }
0x332: {  	s17 =	sor.u32 s16, s11;
	[sflag:s7] =	ssyncset.done $0x0  }
0x333: {  	s13 =	sor.u32 $0x70, s17;
	[sflag:s7] =	ssyncadd.s32 $0xFFFFC000  }
0x334: {  	s14 =	sand.u32 $0x380, s11;
	v0 =	vld [tilespmem:s13+$0x10000]  }
0x335: {  	s12 =	sor.u32 s14, s16;
	v1 =	vld [tilespmem:s13+$0x0]  }
0x336: {  	v2 =	vld [tilespmem:s12+$0x10000]  }
0x337: {  	v3 =	vld [tilespmem:s12+$0x0]  }
0x338: {  	v5 =	vld [tilespmem:s12+$0x10010]  }
0x339: {  	v6 =	vld [tilespmem:s12+$0x10]  }
0x33a: {  	v7 =	vld [tilespmem:s12+$0x10020]  }
0x33b: {  	v63 =	vld [tilespmem:s12+$0x20]  }
0x33c: {  	v4 =	vld [tilespmem:s12+$0x30];
	v1 =	vadd.f32 v1, v0  }
0x33d: {  	v0 =	vld [tilespmem:s12+$0x10030];
	v2 =	vadd.f32 v3, v2  }
0x33e: {  	v3 =	vadd.f32 v6, v5;
	[tilespmem:s13+$0x14000] =	vst v1;
	v1 =	vld [tilespmem:s12+$0x10040]  }
0x33f: {  	[tilespmem:s12+$0x14000] =	vst v2;
	v2 =	vld [tilespmem:s12+$0x40]  }
0x340: {  	s14 =	simm.s32 $0x400;
	v5 =	vadd.f32 v63, v7;
	s13 =	simm.s32 $0x0;
	[tilespmem:s12+$0x14010] =	vst v3;
	v3 =	vld [tilespmem:s12+$0x10050]  }
.LBB2_34:
0x341: {  	s15 =	sand.u32 $0x1C00, s14;
	v6 =	vld [tilespmem:s12+$0x50];
	s11 =	sadd.s32 $0x10, s11  }
0x342: {  	s13 =	sadd.s32 $0x8, s13;
	s16 =	sand.u32 $0x380, s11;
	s17 =	sor.u32 s15, s11;
	[tilespmem:s12+$0x14020] =	vst v5;
	v0 =	vadd.f32 v4, v0;
	v4 =	vld [tilespmem:s12+$0x10060]  }
0x343: {  	p0 =	slt.u32 s13, $0x1F8;
	s15 =	sor.u32 s16, s15;
	s16 =	sor.u32 $0x70, s17;
	v5 =	vld [tilespmem:s12+$0x60]  }
0x344: {  	v7 =	vld [tilespmem:s16+$0x10000];
	[tilespmem:s12+$0x14030] =	vst v0;
	v0 =	vadd.f32 v2, v1  }
0x345: {  	v1 =	vld [tilespmem:s16+$0x0]  }
0x346: {  	v2 =	vld [tilespmem:s15+$0x10000];
	[tilespmem:s12+$0x14040] =	vst v0;
	v0 =	vadd.f32 v6, v3  }
0x347: {  	v3 =	vld [tilespmem:s15+$0x0]  }
0x348: {  	v6 =	vld [tilespmem:s15+$0x10010];
	[tilespmem:s12+$0x14050] =	vst v0;
	v0 =	vadd.f32 v5, v4  }
0x349: {  	v5 =	vld [tilespmem:s15+$0x10]  }
0x34a: {  	v8 =	vld [tilespmem:s15+$0x10020];
	v1 =	vadd.f32 v1, v7;
	[tilespmem:s12+$0x14060] =	vst v0;
	s12 =	smov.u32 s15  }
0x34b: {  	v7 =	vld [tilespmem:s12+$0x20]  }
.Ltmp16:
0x34c: {  	v2 =	vadd.f32 v3, v2;
	v0 =	vld [tilespmem:s12+$0x10030];
	[tilespmem:s16+$0x14000] =	vst v1;
	(pc) =	sbr.rel @p0 .LBB2_34-.Ltmp16, $4  }
0x34d: {  	v4 =	vld [tilespmem:s12+$0x30]  }
0x34e: {  	[tilespmem:s12+$0x14000] =	vst v2;
	v3 =	vadd.f32 v5, v6;
	v1 =	vld [tilespmem:s12+$0x10040]  }
0x34f: {  	v2 =	vld [tilespmem:s12+$0x40]  }
0x350: {  	s14 =	sadd.s32 $0x400, s14;
	[tilespmem:s12+$0x14010] =	vst v3;
	v5 =	vadd.f32 v7, v8;
	v3 =	vld [tilespmem:s12+$0x10050]  }
0x351: {  	v6 =	vld [tilespmem:s12+$0x50]  }
0x352: {  	v7 =	vld [tilespmem:s12+$0x10060]  }
0x353: {  	v8 =	vld [tilespmem:s12+$0x60];
	_ =	sdelay $0x1  }
0x354: {  	v0 =	vadd.f32 v4, v0  }
0x355: {  	[tilespmem:s12+$0x14020] =	vst v5;
	v1 =	vadd.f32 v2, v1  }
0x356: {  	[tilespmem:s12+$0x14030] =	vst v0;
	v0 =	vadd.f32 v6, v3  }
0x357: {  	[tilespmem:s12+$0x14040] =	vst v1;
	v1 =	vadd.f32 v8, v7  }
0x358: {  	[tilespmem:s12+$0x14050] =	vst v0  }
0x359: {  	[tilespmem:s12+$0x14060] =	vst v1  }
0x35a: {  	s16 =	simm.s32 $0x2000;
	s12 =	simm.s32 $0x10000;
	s11 =	rddreg [dreg:$0x17]  }
0x35b: {  	[hbm4b:s11+s1] =	stream.linear.scatter [tilespmem:s31], [sflag:$0x6], $0x2000, $0x38;
	[tilespmem:$0x1C000] =	vst v63  }
0x35c: {  	s14 =	simm.s32 $0x400;
	s13 =	sand.u32 $0x1C00, s12;
	s11 =	sand.u32 $0x2000, s16  }
0x35d: {  	s17 =	sand.u32 $0x380, s14;
	s11 =	sor.u32 s13, s11  }
0x35e: {  	s11 =	sor.u32 s17, s11  }
0x35f: {  	v0 =	vld [tilespmem:s11+$0x10070]  }
0x360: {  	v2 =	vld [tilespmem:s11+$0x70]  }
0x361: {  	v3 =	vld [tilespmem:s11+$0x10000]  }
0x362: {  	v5 =	vld [tilespmem:s11+$0x0]  }
0x363: {  	v6 =	vld [tilespmem:s11+$0x10010]  }
0x364: {  	v7 =	vld [tilespmem:s11+$0x10]  }
0x365: {  	v1 =	vld [tilespmem:s11+$0x10020]  }
0x366: {  	v4 =	vld [tilespmem:s11+$0x20];
	v2 =	vadd.f32 v2, v0  }
0x367: {  	v5 =	vadd.f32 v5, v3;
	v0 =	vld [tilespmem:s11+$0x10030]  }
0x368: {  	v3 =	vld [tilespmem:s11+$0x30];
	[tilespmem:s11+$0x14070] =	vst v2  }
0x369: {  	s13 =	simm.s32 $0x200;
	[tilespmem:s11+$0x14000] =	vst v5;
	v5 =	vadd.f32 v7, v6;
	v2 =	vld [tilespmem:s11+$0x10040]  }
.LBB2_36:
0x36a: {  	s13 =	sadd.s32 $0x8, s13;
	v6 =	vld [tilespmem:s11+$0x40]  }
0x36b: {  	s12 =	sadd.s32 $0x400, s12;
	s14 =	sshll.u32 s13, $0x4;
	p0 =	slt.u32 s13, $0x3F8;
	[tilespmem:s11+$0x14010] =	vst v5;
	v1 =	vadd.f32 v4, v1;
	v4 =	vld [tilespmem:s11+$0x10050]  }
0x36c: {  	s15 =	sand.u32 $0x1C00, s12;
	s16 =	sshll.u32 s13, $0x1;
	s14 =	sand.u32 $0x2000, s14;
	v5 =	vld [tilespmem:s11+$0x50]  }
0x36d: {  	s14 =	sor.u32 s15, s14;
	s15 =	sand.u32 $0x380, s16;
	[tilespmem:s11+$0x14020] =	vst v1;
	v0 =	vadd.f32 v3, v0;
	v1 =	vld [tilespmem:s11+$0x10060]  }
0x36e: {  	s14 =	sor.u32 s15, s14;
	v3 =	vld [tilespmem:s11+$0x60]  }
0x36f: {  	v7 =	vld [tilespmem:s14+$0x10070];
	[tilespmem:s11+$0x14030] =	vst v0;
	v0 =	vadd.f32 v6, v2  }
0x370: {  	v2 =	vld [tilespmem:s14+$0x70]  }
0x371: {  	v6 =	vld [tilespmem:s14+$0x10000];
	[tilespmem:s11+$0x14040] =	vst v0;
	v0 =	vadd.f32 v5, v4  }
0x372: {  	v5 =	vld [tilespmem:s14+$0x0]  }
0x373: {  	v8 =	vld [tilespmem:s14+$0x10010];
	[tilespmem:s11+$0x14050] =	vst v0;
	v0 =	vadd.f32 v3, v1  }
0x374: {  	v9 =	vld [tilespmem:s14+$0x10]  }
.Ltmp17:
0x375: {  	v1 =	vld [tilespmem:s14+$0x10020];
	v2 =	vadd.f32 v2, v7;
	[tilespmem:s11+$0x14060] =	vst v0;
	s11 =	smov.u32 s14;
	(pc) =	sbr.rel @p0 .LBB2_36-.Ltmp17, $4  }
0x376: {  	v4 =	vld [tilespmem:s11+$0x20]  }
0x377: {  	v5 =	vadd.f32 v5, v6;
	v0 =	vld [tilespmem:s11+$0x10030];
	[tilespmem:s11+$0x14070] =	vst v2  }
0x378: {  	v3 =	vld [tilespmem:s11+$0x30]  }
0x379: {  	[tilespmem:s11+$0x14000] =	vst v5;
	v5 =	vadd.f32 v9, v8;
	v2 =	vld [tilespmem:s11+$0x10040]  }
0x37a: {  	v6 =	vld [tilespmem:s11+$0x40]  }
0x37b: {  	v7 =	vld [tilespmem:s11+$0x10050]  }
0x37c: {  	v8 =	vld [tilespmem:s11+$0x50]  }
0x37d: {  	v9 =	vld [tilespmem:s11+$0x10060]  }
0x37e: {  	v10 =	vld [tilespmem:s11+$0x60]  }
0x37f: {  	v1 =	vadd.f32 v4, v1  }
0x380: {  	[tilespmem:s11+$0x14010] =	vst v5;
	v0 =	vadd.f32 v3, v0  }
0x381: {  	[tilespmem:s11+$0x14020] =	vst v1;
	v1 =	vadd.f32 v6, v2  }
0x382: {  	[tilespmem:s11+$0x14030] =	vst v0;
	v0 =	vadd.f32 v8, v7  }
0x383: {  	[tilespmem:s11+$0x14040] =	vst v1;
	v1 =	vadd.f32 v10, v9  }
0x384: {  	[tilespmem:s11+$0x14050] =	vst v0  }
0x385: {  	[tilespmem:s11+$0x14060] =	vst v1  }
0x386: {  	s12 =	sld [smem:$0x7FD];
	_ =	sdelay $0x1  }
0x387: {  	s11 =	simm.s32 $0x0  }
0x388: {  	[hbm4b:s12+s11] =	stream.linear.scatter [tilespmem:s2], [sflag:$0x6], $0x2000, $0x38;
	[tilespmem:$0x1C000] =	vst v63  }
0x389: {  	s16 =	rddreg [dreg:$0x1c]  }
0x38a: {  	[tilespmem:s28], [sflag:$0x5] =	stream.linear.gather [hbm4b:s16+s11], $0x4000, $0x38;
	[tilespmem:$0x1C000] =	vst v63  }
0x38b: {  	_ =	swait.ge [sflag:s30], $0x4000  }
0x38c: {  	[sflag:s30] =	ssyncset.done $0x0  }
0x38d: {  	[sflag:s30] =	ssyncadd.s32 $0xFFFFC000  }
0x38e: {  	s17 =	sand.u32 $0x1C00, s11;
	_ =	swait.ge [sflag:s8], $0x4000  }
0x38f: {  	s13 =	sor.u32 s17, s11;
	[sflag:s8] =	ssyncset.done $0x0  }
0x390: {  	s13 =	sor.u32 $0x70, s13;
	[sflag:s8] =	ssyncadd.s32 $0xFFFFC000  }
0x391: {  	s14 =	sand.u32 $0x380, s11;
	v0 =	vld [tilespmem:s13+$0x8000]  }
0x392: {  	s12 =	sor.u32 s14, s17;
	v1 =	vld [tilespmem:s13+$0x0]  }
0x393: {  	v2 =	vld [tilespmem:s12+$0x8000]  }
0x394: {  	v3 =	vld [tilespmem:s12+$0x0]  }
0x395: {  	v5 =	vld [tilespmem:s12+$0x8010]  }
0x396: {  	v6 =	vld [tilespmem:s12+$0x10]  }
0x397: {  	v7 =	vld [tilespmem:s12+$0x8020]  }
0x398: {  	v63 =	vld [tilespmem:s12+$0x20]  }
0x399: {  	v4 =	vld [tilespmem:s12+$0x30];
	v1 =	vadd.f32 v1, v0  }
0x39a: {  	v0 =	vld [tilespmem:s12+$0x8030];
	v2 =	vadd.f32 v3, v2  }
0x39b: {  	v3 =	vadd.f32 v6, v5;
	[tilespmem:s13+$0x18000] =	vst v1;
	v1 =	vld [tilespmem:s12+$0x8040]  }
0x39c: {  	[tilespmem:s12+$0x18000] =	vst v2;
	v2 =	vld [tilespmem:s12+$0x40]  }
0x39d: {  	s14 =	simm.s32 $0x400;
	v5 =	vadd.f32 v63, v7;
	s13 =	simm.s32 $0x0;
	[tilespmem:s12+$0x18010] =	vst v3;
	v3 =	vld [tilespmem:s12+$0x8050]  }
.LBB2_38:
0x39e: {  	s15 =	sand.u32 $0x1C00, s14;
	v6 =	vld [tilespmem:s12+$0x50];
	s11 =	sadd.s32 $0x10, s11  }
0x39f: {  	s13 =	sadd.s32 $0x8, s13;
	s16 =	sand.u32 $0x380, s11;
	s17 =	sor.u32 s15, s11;
	[tilespmem:s12+$0x18020] =	vst v5;
	v0 =	vadd.f32 v4, v0;
	v4 =	vld [tilespmem:s12+$0x8060]  }
0x3a0: {  	p0 =	slt.u32 s13, $0x1F8;
	s15 =	sor.u32 s16, s15;
	s16 =	sor.u32 $0x70, s17;
	v5 =	vld [tilespmem:s12+$0x60]  }
0x3a1: {  	v7 =	vld [tilespmem:s16+$0x8000];
	[tilespmem:s12+$0x18030] =	vst v0;
	v0 =	vadd.f32 v2, v1  }
0x3a2: {  	v1 =	vld [tilespmem:s16+$0x0]  }
0x3a3: {  	v2 =	vld [tilespmem:s15+$0x8000];
	[tilespmem:s12+$0x18040] =	vst v0;
	v0 =	vadd.f32 v6, v3  }
0x3a4: {  	v3 =	vld [tilespmem:s15+$0x0]  }
0x3a5: {  	v6 =	vld [tilespmem:s15+$0x8010];
	[tilespmem:s12+$0x18050] =	vst v0;
	v0 =	vadd.f32 v5, v4  }
0x3a6: {  	v5 =	vld [tilespmem:s15+$0x10]  }
0x3a7: {  	v8 =	vld [tilespmem:s15+$0x8020];
	v1 =	vadd.f32 v1, v7;
	[tilespmem:s12+$0x18060] =	vst v0;
	s12 =	smov.u32 s15  }
0x3a8: {  	v7 =	vld [tilespmem:s12+$0x20]  }
.Ltmp18:
0x3a9: {  	v2 =	vadd.f32 v3, v2;
	v0 =	vld [tilespmem:s12+$0x8030];
	[tilespmem:s16+$0x18000] =	vst v1;
	(pc) =	sbr.rel @p0 .LBB2_38-.Ltmp18, $4  }
0x3aa: {  	v4 =	vld [tilespmem:s12+$0x30]  }
0x3ab: {  	[tilespmem:s12+$0x18000] =	vst v2;
	v3 =	vadd.f32 v5, v6;
	v1 =	vld [tilespmem:s12+$0x8040]  }
0x3ac: {  	v2 =	vld [tilespmem:s12+$0x40]  }
0x3ad: {  	s14 =	sadd.s32 $0x400, s14;
	[tilespmem:s12+$0x18010] =	vst v3;
	v5 =	vadd.f32 v7, v8;
	v3 =	vld [tilespmem:s12+$0x8050]  }
0x3ae: {  	v6 =	vld [tilespmem:s12+$0x50]  }
0x3af: {  	v7 =	vld [tilespmem:s12+$0x8060]  }
0x3b0: {  	v8 =	vld [tilespmem:s12+$0x60];
	_ =	sdelay $0x1  }
0x3b1: {  	v0 =	vadd.f32 v4, v0  }
0x3b2: {  	[tilespmem:s12+$0x18020] =	vst v5;
	v1 =	vadd.f32 v2, v1  }
0x3b3: {  	[tilespmem:s12+$0x18030] =	vst v0;
	v0 =	vadd.f32 v6, v3  }
0x3b4: {  	[tilespmem:s12+$0x18040] =	vst v1;
	v1 =	vadd.f32 v8, v7  }
0x3b5: {  	[tilespmem:s12+$0x18050] =	vst v0  }
0x3b6: {  	[tilespmem:s12+$0x18060] =	vst v1  }
0x3b7: {  	s16 =	simm.s32 $0x2000;
	s12 =	simm.s32 $0x10000;
	s11 =	rddreg [dreg:$0x19]  }
0x3b8: {  	[hbm4b:s11+s1] =	stream.linear.scatter [tilespmem:s4], [sflag:$0x7], $0x2000, $0x38;
	[tilespmem:$0x1C000] =	vst v63  }
0x3b9: {  	s14 =	simm.s32 $0x400;
	s13 =	sand.u32 $0x1C00, s12;
	s11 =	sand.u32 $0x2000, s16  }
0x3ba: {  	s17 =	sand.u32 $0x380, s14;
	s11 =	sor.u32 s13, s11  }
0x3bb: {  	s11 =	sor.u32 s17, s11  }
0x3bc: {  	v0 =	vld [tilespmem:s11+$0x8070]  }
0x3bd: {  	v2 =	vld [tilespmem:s11+$0x70]  }
0x3be: {  	v3 =	vld [tilespmem:s11+$0x8000]  }
0x3bf: {  	v5 =	vld [tilespmem:s11+$0x0]  }
0x3c0: {  	v6 =	vld [tilespmem:s11+$0x8010]  }
0x3c1: {  	v7 =	vld [tilespmem:s11+$0x10]  }
0x3c2: {  	v1 =	vld [tilespmem:s11+$0x8020]  }
0x3c3: {  	v4 =	vld [tilespmem:s11+$0x20];
	v2 =	vadd.f32 v2, v0  }
0x3c4: {  	v5 =	vadd.f32 v5, v3;
	v0 =	vld [tilespmem:s11+$0x8030]  }
0x3c5: {  	v3 =	vld [tilespmem:s11+$0x30];
	[tilespmem:s11+$0x18070] =	vst v2  }
0x3c6: {  	s13 =	simm.s32 $0x200;
	[tilespmem:s11+$0x18000] =	vst v5;
	v5 =	vadd.f32 v7, v6;
	v2 =	vld [tilespmem:s11+$0x8040]  }
.LBB2_40:
0x3c7: {  	s13 =	sadd.s32 $0x8, s13;
	v6 =	vld [tilespmem:s11+$0x40]  }
0x3c8: {  	s12 =	sadd.s32 $0x400, s12;
	s14 =	sshll.u32 s13, $0x4;
	p0 =	slt.u32 s13, $0x3F8;
	[tilespmem:s11+$0x18010] =	vst v5;
	v1 =	vadd.f32 v4, v1;
	v4 =	vld [tilespmem:s11+$0x8050]  }
0x3c9: {  	s15 =	sand.u32 $0x1C00, s12;
	s16 =	sshll.u32 s13, $0x1;
	s14 =	sand.u32 $0x2000, s14;
	v5 =	vld [tilespmem:s11+$0x50]  }
0x3ca: {  	s14 =	sor.u32 s15, s14;
	s15 =	sand.u32 $0x380, s16;
	[tilespmem:s11+$0x18020] =	vst v1;
	v0 =	vadd.f32 v3, v0;
	v1 =	vld [tilespmem:s11+$0x8060]  }
0x3cb: {  	s14 =	sor.u32 s15, s14;
	v3 =	vld [tilespmem:s11+$0x60]  }
0x3cc: {  	v7 =	vld [tilespmem:s14+$0x8070];
	[tilespmem:s11+$0x18030] =	vst v0;
	v0 =	vadd.f32 v6, v2  }
0x3cd: {  	v2 =	vld [tilespmem:s14+$0x70]  }
0x3ce: {  	v6 =	vld [tilespmem:s14+$0x8000];
	[tilespmem:s11+$0x18040] =	vst v0;
	v0 =	vadd.f32 v5, v4  }
0x3cf: {  	v5 =	vld [tilespmem:s14+$0x0]  }
0x3d0: {  	v8 =	vld [tilespmem:s14+$0x8010];
	[tilespmem:s11+$0x18050] =	vst v0;
	v0 =	vadd.f32 v3, v1  }
0x3d1: {  	v9 =	vld [tilespmem:s14+$0x10]  }
.Ltmp19:
0x3d2: {  	v1 =	vld [tilespmem:s14+$0x8020];
	v2 =	vadd.f32 v2, v7;
	[tilespmem:s11+$0x18060] =	vst v0;
	s11 =	smov.u32 s14;
	(pc) =	sbr.rel @p0 .LBB2_40-.Ltmp19, $4  }
0x3d3: {  	v4 =	vld [tilespmem:s11+$0x20]  }
0x3d4: {  	v5 =	vadd.f32 v5, v6;
	v0 =	vld [tilespmem:s11+$0x8030];
	[tilespmem:s11+$0x18070] =	vst v2  }
0x3d5: {  	v3 =	vld [tilespmem:s11+$0x30]  }
0x3d6: {  	[tilespmem:s11+$0x18000] =	vst v5;
	v5 =	vadd.f32 v9, v8;
	v2 =	vld [tilespmem:s11+$0x8040]  }
0x3d7: {  	v6 =	vld [tilespmem:s11+$0x40]  }
0x3d8: {  	v7 =	vld [tilespmem:s11+$0x8050]  }
0x3d9: {  	v8 =	vld [tilespmem:s11+$0x50]  }
0x3da: {  	v9 =	vld [tilespmem:s11+$0x8060]  }
0x3db: {  	v10 =	vld [tilespmem:s11+$0x60]  }
0x3dc: {  	v1 =	vadd.f32 v4, v1  }
0x3dd: {  	[tilespmem:s11+$0x18010] =	vst v5;
	v0 =	vadd.f32 v3, v0  }
0x3de: {  	[tilespmem:s11+$0x18020] =	vst v1;
	v1 =	vadd.f32 v6, v2  }
0x3df: {  	[tilespmem:s11+$0x18030] =	vst v0;
	v0 =	vadd.f32 v8, v7  }
0x3e0: {  	[tilespmem:s11+$0x18040] =	vst v1;
	v1 =	vadd.f32 v10, v9  }
0x3e1: {  	[tilespmem:s11+$0x18050] =	vst v0  }
0x3e2: {  	[tilespmem:s11+$0x18060] =	vst v1;
	s11 =	simm.s32 $0x0  }
0x3e3: {  	[hbm4b:s18+s11] =	stream.linear.scatter [tilespmem:s5], [sflag:$0x7], $0x2000, $0x38;
	[tilespmem:$0x1C000] =	vst v63  }
0x3e4: {  	s12 =	rddreg [dreg:$0x1e]  }
0x3e5: {  	[tilespmem:s25], [sflag:$0x3] =	stream.linear.gather [hbm4b:s12+s11], $0x4000, $0x38;
	[tilespmem:$0x1C000] =	vst v63  }
0x3e6: {  	_ =	swait.ge [sflag:s3], $0x4000  }
0x3e7: {  	[sflag:s3] =	ssyncset.done $0x0  }
0x3e8: {  	[sflag:s3] =	ssyncadd.s32 $0xFFFFC000  }
0x3e9: {  	s17 =	sand.u32 $0x1C00, s11;
	_ =	swait.ge [sflag:s7], $0x4000  }
0x3ea: {  	s13 =	sor.u32 s17, s11;
	[sflag:s7] =	ssyncset.done $0x0  }
0x3eb: {  	s13 =	sor.u32 $0x70, s13;
	[sflag:s7] =	ssyncadd.s32 $0xFFFFC000  }
0x3ec: {  	s14 =	sand.u32 $0x380, s11;
	v0 =	vld [tilespmem:s13+$0xC000]  }
0x3ed: {  	s12 =	sor.u32 s14, s17;
	v1 =	vld [tilespmem:s13+$0x0]  }
0x3ee: {  	v2 =	vld [tilespmem:s12+$0xC000]  }
0x3ef: {  	v3 =	vld [tilespmem:s12+$0x0]  }
0x3f0: {  	v5 =	vld [tilespmem:s12+$0xC010]  }
0x3f1: {  	v6 =	vld [tilespmem:s12+$0x10]  }
0x3f2: {  	v7 =	vld [tilespmem:s12+$0xC020]  }
0x3f3: {  	v63 =	vld [tilespmem:s12+$0x20]  }
0x3f4: {  	v4 =	vld [tilespmem:s12+$0x30];
	v1 =	vadd.f32 v1, v0  }
0x3f5: {  	v0 =	vld [tilespmem:s12+$0xC030];
	v2 =	vadd.f32 v3, v2  }
0x3f6: {  	v3 =	vadd.f32 v6, v5;
	[tilespmem:s13+$0x14000] =	vst v1;
	v1 =	vld [tilespmem:s12+$0xC040]  }
0x3f7: {  	[tilespmem:s12+$0x14000] =	vst v2;
	v2 =	vld [tilespmem:s12+$0x40]  }
0x3f8: {  	s14 =	simm.s32 $0x400;
	v5 =	vadd.f32 v63, v7;
	s13 =	simm.s32 $0x0;
	[tilespmem:s12+$0x14010] =	vst v3;
	v3 =	vld [tilespmem:s12+$0xC050]  }
.LBB2_42:
0x3f9: {  	s15 =	sand.u32 $0x1C00, s14;
	v6 =	vld [tilespmem:s12+$0x50];
	s11 =	sadd.s32 $0x10, s11  }
0x3fa: {  	s13 =	sadd.s32 $0x8, s13;
	s16 =	sand.u32 $0x380, s11;
	s17 =	sor.u32 s15, s11;
	[tilespmem:s12+$0x14020] =	vst v5;
	v0 =	vadd.f32 v4, v0;
	v4 =	vld [tilespmem:s12+$0xC060]  }
0x3fb: {  	p0 =	slt.u32 s13, $0x1F8;
	s15 =	sor.u32 s16, s15;
	s16 =	sor.u32 $0x70, s17;
	v5 =	vld [tilespmem:s12+$0x60]  }
0x3fc: {  	v7 =	vld [tilespmem:s16+$0xC000];
	[tilespmem:s12+$0x14030] =	vst v0;
	v0 =	vadd.f32 v2, v1  }
0x3fd: {  	v1 =	vld [tilespmem:s16+$0x0]  }
0x3fe: {  	v2 =	vld [tilespmem:s15+$0xC000];
	[tilespmem:s12+$0x14040] =	vst v0;
	v0 =	vadd.f32 v6, v3  }
0x3ff: {  	v3 =	vld [tilespmem:s15+$0x0]  }
0x400: {  	v6 =	vld [tilespmem:s15+$0xC010];
	[tilespmem:s12+$0x14050] =	vst v0;
	v0 =	vadd.f32 v5, v4  }
0x401: {  	v5 =	vld [tilespmem:s15+$0x10]  }
0x402: {  	v8 =	vld [tilespmem:s15+$0xC020];
	v1 =	vadd.f32 v1, v7;
	[tilespmem:s12+$0x14060] =	vst v0;
	s12 =	smov.u32 s15  }
0x403: {  	v7 =	vld [tilespmem:s12+$0x20]  }
.Ltmp20:
0x404: {  	v2 =	vadd.f32 v3, v2;
	v0 =	vld [tilespmem:s12+$0xC030];
	[tilespmem:s16+$0x14000] =	vst v1;
	(pc) =	sbr.rel @p0 .LBB2_42-.Ltmp20, $4  }
0x405: {  	v4 =	vld [tilespmem:s12+$0x30]  }
0x406: {  	[tilespmem:s12+$0x14000] =	vst v2;
	v3 =	vadd.f32 v5, v6;
	v1 =	vld [tilespmem:s12+$0xC040]  }
0x407: {  	v2 =	vld [tilespmem:s12+$0x40]  }
0x408: {  	s14 =	sadd.s32 $0x400, s14;
	[tilespmem:s12+$0x14010] =	vst v3;
	v5 =	vadd.f32 v7, v8;
	v3 =	vld [tilespmem:s12+$0xC050]  }
0x409: {  	v6 =	vld [tilespmem:s12+$0x50]  }
0x40a: {  	v7 =	vld [tilespmem:s12+$0xC060]  }
0x40b: {  	v8 =	vld [tilespmem:s12+$0x60];
	_ =	sdelay $0x1  }
0x40c: {  	v0 =	vadd.f32 v4, v0  }
0x40d: {  	[tilespmem:s12+$0x14020] =	vst v5;
	v1 =	vadd.f32 v2, v1  }
0x40e: {  	[tilespmem:s12+$0x14030] =	vst v0;
	v0 =	vadd.f32 v6, v3  }
0x40f: {  	[tilespmem:s12+$0x14040] =	vst v1;
	v1 =	vadd.f32 v8, v7  }
0x410: {  	[tilespmem:s12+$0x14050] =	vst v0  }
0x411: {  	[tilespmem:s12+$0x14060] =	vst v1  }
0x412: {  	s16 =	simm.s32 $0x2000;
	s12 =	simm.s32 $0x10000;
	s11 =	rddreg [dreg:$0x1b]  }
0x413: {  	[hbm4b:s11+s1] =	stream.linear.scatter [tilespmem:s31], [sflag:$0x6], $0x2000, $0x38;
	[tilespmem:$0x1C000] =	vst v63  }
0x414: {  	s14 =	simm.s32 $0x400;
	s13 =	sand.u32 $0x1C00, s12;
	s11 =	sand.u32 $0x2000, s16  }
0x415: {  	s17 =	sand.u32 $0x380, s14;
	s11 =	sor.u32 s13, s11  }
0x416: {  	s11 =	sor.u32 s17, s11  }
0x417: {  	v0 =	vld [tilespmem:s11+$0xC070]  }
0x418: {  	v2 =	vld [tilespmem:s11+$0x70]  }
0x419: {  	v3 =	vld [tilespmem:s11+$0xC000]  }
0x41a: {  	v5 =	vld [tilespmem:s11+$0x0]  }
0x41b: {  	v6 =	vld [tilespmem:s11+$0xC010]  }
0x41c: {  	v7 =	vld [tilespmem:s11+$0x10]  }
0x41d: {  	v1 =	vld [tilespmem:s11+$0xC020]  }
0x41e: {  	v4 =	vld [tilespmem:s11+$0x20];
	v2 =	vadd.f32 v2, v0  }
0x41f: {  	v5 =	vadd.f32 v5, v3;
	v0 =	vld [tilespmem:s11+$0xC030]  }
0x420: {  	v3 =	vld [tilespmem:s11+$0x30];
	[tilespmem:s11+$0x14070] =	vst v2  }
0x421: {  	s13 =	simm.s32 $0x200;
	[tilespmem:s11+$0x14000] =	vst v5;
	v5 =	vadd.f32 v7, v6;
	v2 =	vld [tilespmem:s11+$0xC040]  }
.LBB2_44:
0x422: {  	s13 =	sadd.s32 $0x8, s13;
	v6 =	vld [tilespmem:s11+$0x40]  }
0x423: {  	s12 =	sadd.s32 $0x400, s12;
	s14 =	sshll.u32 s13, $0x4;
	p0 =	slt.u32 s13, $0x3F8;
	[tilespmem:s11+$0x14010] =	vst v5;
	v1 =	vadd.f32 v4, v1;
	v4 =	vld [tilespmem:s11+$0xC050]  }
0x424: {  	s15 =	sand.u32 $0x1C00, s12;
	s16 =	sshll.u32 s13, $0x1;
	s14 =	sand.u32 $0x2000, s14;
	v5 =	vld [tilespmem:s11+$0x50]  }
0x425: {  	s14 =	sor.u32 s15, s14;
	s15 =	sand.u32 $0x380, s16;
	[tilespmem:s11+$0x14020] =	vst v1;
	v0 =	vadd.f32 v3, v0;
	v1 =	vld [tilespmem:s11+$0xC060]  }
0x426: {  	s14 =	sor.u32 s15, s14;
	v3 =	vld [tilespmem:s11+$0x60]  }
0x427: {  	v7 =	vld [tilespmem:s14+$0xC070];
	[tilespmem:s11+$0x14030] =	vst v0;
	v0 =	vadd.f32 v6, v2  }
0x428: {  	v2 =	vld [tilespmem:s14+$0x70]  }
0x429: {  	v6 =	vld [tilespmem:s14+$0xC000];
	[tilespmem:s11+$0x14040] =	vst v0;
	v0 =	vadd.f32 v5, v4  }
0x42a: {  	v5 =	vld [tilespmem:s14+$0x0]  }
0x42b: {  	v8 =	vld [tilespmem:s14+$0xC010];
	[tilespmem:s11+$0x14050] =	vst v0;
	v0 =	vadd.f32 v3, v1  }
0x42c: {  	v9 =	vld [tilespmem:s14+$0x10]  }
.Ltmp21:
0x42d: {  	v1 =	vld [tilespmem:s14+$0xC020];
	v2 =	vadd.f32 v2, v7;
	[tilespmem:s11+$0x14060] =	vst v0;
	s11 =	smov.u32 s14;
	(pc) =	sbr.rel @p0 .LBB2_44-.Ltmp21, $4  }
0x42e: {  	v4 =	vld [tilespmem:s11+$0x20]  }
0x42f: {  	v5 =	vadd.f32 v5, v6;
	v0 =	vld [tilespmem:s11+$0xC030];
	[tilespmem:s11+$0x14070] =	vst v2  }
0x430: {  	v3 =	vld [tilespmem:s11+$0x30]  }
0x431: {  	[tilespmem:s11+$0x14000] =	vst v5;
	v5 =	vadd.f32 v9, v8;
	v2 =	vld [tilespmem:s11+$0xC040]  }
0x432: {  	v6 =	vld [tilespmem:s11+$0x40]  }
0x433: {  	v7 =	vld [tilespmem:s11+$0xC050]  }
0x434: {  	v8 =	vld [tilespmem:s11+$0x50]  }
0x435: {  	v9 =	vld [tilespmem:s11+$0xC060]  }
0x436: {  	v10 =	vld [tilespmem:s11+$0x60]  }
0x437: {  	v1 =	vadd.f32 v4, v1  }
0x438: {  	[tilespmem:s11+$0x14010] =	vst v5;
	v0 =	vadd.f32 v3, v0  }
0x439: {  	[tilespmem:s11+$0x14020] =	vst v1;
	v1 =	vadd.f32 v6, v2  }
0x43a: {  	[tilespmem:s11+$0x14030] =	vst v0;
	v0 =	vadd.f32 v8, v7  }
0x43b: {  	[tilespmem:s11+$0x14040] =	vst v1;
	v1 =	vadd.f32 v10, v9  }
0x43c: {  	[tilespmem:s11+$0x14050] =	vst v0  }
0x43d: {  	[tilespmem:s11+$0x14060] =	vst v1  }
0x43e: {  	s11 =	simm.s32 $0x0;
	s12 =	sld [smem:$0x7EE]  }
0x43f: {  	[hbm4b:s19+s11] =	stream.linear.scatter [tilespmem:s2], [sflag:$0x6], $0x2000, $0x38;
	[tilespmem:$0x1C000] =	vst v63  }
0x440: {  	_ = 	snop  }
0x441: {  	[tilespmem:s26], [sflag:$0x4] =	stream.linear.gather [hbm4b:s12+s11], $0x4000, $0x38;
	[tilespmem:$0x1C000] =	vst v63  }
0x442: {  	_ =	swait.ge [sflag:s6], $0x4000  }
0x443: {  	[sflag:s6] =	ssyncset.done $0x0  }
0x444: {  	[sflag:s6] =	ssyncadd.s32 $0xFFFFC000  }
0x445: {  	s17 =	sand.u32 $0x1C00, s11;
	_ =	swait.ge [sflag:s8], $0x4000  }
0x446: {  	s13 =	sor.u32 s17, s11;
	[sflag:s8] =	ssyncset.done $0x0  }
0x447: {  	s13 =	sor.u32 $0x70, s13;
	[sflag:s8] =	ssyncadd.s32 $0xFFFFC000  }
0x448: {  	s14 =	sand.u32 $0x380, s11;
	v0 =	vld [tilespmem:s13+$0x10000]  }
0x449: {  	s12 =	sor.u32 s14, s17;
	v1 =	vld [tilespmem:s13+$0x0]  }
0x44a: {  	v2 =	vld [tilespmem:s12+$0x10000]  }
0x44b: {  	v3 =	vld [tilespmem:s12+$0x0]  }
0x44c: {  	v5 =	vld [tilespmem:s12+$0x10010]  }
0x44d: {  	v6 =	vld [tilespmem:s12+$0x10]  }
0x44e: {  	v7 =	vld [tilespmem:s12+$0x10020]  }
0x44f: {  	v63 =	vld [tilespmem:s12+$0x20]  }
0x450: {  	v4 =	vld [tilespmem:s12+$0x30];
	v1 =	vadd.f32 v1, v0  }
0x451: {  	v0 =	vld [tilespmem:s12+$0x10030];
	v2 =	vadd.f32 v3, v2  }
0x452: {  	v3 =	vadd.f32 v6, v5;
	[tilespmem:s13+$0x18000] =	vst v1;
	v1 =	vld [tilespmem:s12+$0x10040]  }
0x453: {  	[tilespmem:s12+$0x18000] =	vst v2;
	v2 =	vld [tilespmem:s12+$0x40]  }
0x454: {  	s14 =	simm.s32 $0x400;
	v5 =	vadd.f32 v63, v7;
	s13 =	simm.s32 $0x0;
	[tilespmem:s12+$0x18010] =	vst v3;
	v3 =	vld [tilespmem:s12+$0x10050]  }
.LBB2_46:
0x455: {  	s15 =	sand.u32 $0x1C00, s14;
	v6 =	vld [tilespmem:s12+$0x50];
	s11 =	sadd.s32 $0x10, s11  }
0x456: {  	s13 =	sadd.s32 $0x8, s13;
	s16 =	sand.u32 $0x380, s11;
	s17 =	sor.u32 s15, s11;
	[tilespmem:s12+$0x18020] =	vst v5;
	v0 =	vadd.f32 v4, v0;
	v4 =	vld [tilespmem:s12+$0x10060]  }
0x457: {  	p0 =	slt.u32 s13, $0x1F8;
	s15 =	sor.u32 s16, s15;
	s16 =	sor.u32 $0x70, s17;
	v5 =	vld [tilespmem:s12+$0x60]  }
0x458: {  	v7 =	vld [tilespmem:s16+$0x10000];
	[tilespmem:s12+$0x18030] =	vst v0;
	v0 =	vadd.f32 v2, v1  }
0x459: {  	v1 =	vld [tilespmem:s16+$0x0]  }
0x45a: {  	v2 =	vld [tilespmem:s15+$0x10000];
	[tilespmem:s12+$0x18040] =	vst v0;
	v0 =	vadd.f32 v6, v3  }
0x45b: {  	v3 =	vld [tilespmem:s15+$0x0]  }
0x45c: {  	v6 =	vld [tilespmem:s15+$0x10010];
	[tilespmem:s12+$0x18050] =	vst v0;
	v0 =	vadd.f32 v5, v4  }
0x45d: {  	v5 =	vld [tilespmem:s15+$0x10]  }
0x45e: {  	v8 =	vld [tilespmem:s15+$0x10020];
	v1 =	vadd.f32 v1, v7;
	[tilespmem:s12+$0x18060] =	vst v0;
	s12 =	smov.u32 s15  }
0x45f: {  	v7 =	vld [tilespmem:s12+$0x20]  }
.Ltmp22:
0x460: {  	v2 =	vadd.f32 v3, v2;
	v0 =	vld [tilespmem:s12+$0x10030];
	[tilespmem:s16+$0x18000] =	vst v1;
	(pc) =	sbr.rel @p0 .LBB2_46-.Ltmp22, $4  }
0x461: {  	v4 =	vld [tilespmem:s12+$0x30]  }
0x462: {  	[tilespmem:s12+$0x18000] =	vst v2;
	v3 =	vadd.f32 v5, v6;
	v1 =	vld [tilespmem:s12+$0x10040]  }
0x463: {  	v2 =	vld [tilespmem:s12+$0x40]  }
0x464: {  	s14 =	sadd.s32 $0x400, s14;
	[tilespmem:s12+$0x18010] =	vst v3;
	v5 =	vadd.f32 v7, v8;
	v3 =	vld [tilespmem:s12+$0x10050]  }
0x465: {  	v6 =	vld [tilespmem:s12+$0x50]  }
0x466: {  	v7 =	vld [tilespmem:s12+$0x10060]  }
0x467: {  	v8 =	vld [tilespmem:s12+$0x60];
	_ =	sdelay $0x1  }
0x468: {  	v0 =	vadd.f32 v4, v0  }
0x469: {  	[tilespmem:s12+$0x18020] =	vst v5;
	v1 =	vadd.f32 v2, v1  }
0x46a: {  	[tilespmem:s12+$0x18030] =	vst v0;
	v0 =	vadd.f32 v6, v3  }
0x46b: {  	[tilespmem:s12+$0x18040] =	vst v1;
	v1 =	vadd.f32 v8, v7  }
0x46c: {  	[tilespmem:s12+$0x18050] =	vst v0  }
0x46d: {  	[tilespmem:s12+$0x18060] =	vst v1  }
0x46e: {  	s16 =	simm.s32 $0x2000;
	s12 =	simm.s32 $0x10000;
	s11 =	rddreg [dreg:$0x1d]  }
0x46f: {  	[hbm4b:s11+s1] =	stream.linear.scatter [tilespmem:s4], [sflag:$0x7], $0x2000, $0x38;
	[tilespmem:$0x1C000] =	vst v63  }
0x470: {  	s14 =	simm.s32 $0x400;
	s13 =	sand.u32 $0x1C00, s12;
	s11 =	sand.u32 $0x2000, s16  }
0x471: {  	s17 =	sand.u32 $0x380, s14;
	s11 =	sor.u32 s13, s11  }
0x472: {  	s11 =	sor.u32 s17, s11  }
0x473: {  	v0 =	vld [tilespmem:s11+$0x10070]  }
0x474: {  	v2 =	vld [tilespmem:s11+$0x70]  }
0x475: {  	v3 =	vld [tilespmem:s11+$0x10000]  }
0x476: {  	v5 =	vld [tilespmem:s11+$0x0]  }
0x477: {  	v6 =	vld [tilespmem:s11+$0x10010]  }
0x478: {  	v7 =	vld [tilespmem:s11+$0x10]  }
0x479: {  	v1 =	vld [tilespmem:s11+$0x10020]  }
0x47a: {  	v4 =	vld [tilespmem:s11+$0x20];
	v2 =	vadd.f32 v2, v0  }
0x47b: {  	v5 =	vadd.f32 v5, v3;
	v0 =	vld [tilespmem:s11+$0x10030]  }
0x47c: {  	v3 =	vld [tilespmem:s11+$0x30];
	[tilespmem:s11+$0x18070] =	vst v2  }
0x47d: {  	s13 =	simm.s32 $0x200;
	[tilespmem:s11+$0x18000] =	vst v5;
	v5 =	vadd.f32 v7, v6;
	v2 =	vld [tilespmem:s11+$0x10040]  }
.LBB2_48:
0x47e: {  	s13 =	sadd.s32 $0x8, s13;
	v6 =	vld [tilespmem:s11+$0x40]  }
0x47f: {  	s12 =	sadd.s32 $0x400, s12;
	s14 =	sshll.u32 s13, $0x4;
	p0 =	slt.u32 s13, $0x3F8;
	[tilespmem:s11+$0x18010] =	vst v5;
	v1 =	vadd.f32 v4, v1;
	v4 =	vld [tilespmem:s11+$0x10050]  }
0x480: {  	s15 =	sand.u32 $0x1C00, s12;
	s16 =	sshll.u32 s13, $0x1;
	s14 =	sand.u32 $0x2000, s14;
	v5 =	vld [tilespmem:s11+$0x50]  }
0x481: {  	s14 =	sor.u32 s15, s14;
	s15 =	sand.u32 $0x380, s16;
	[tilespmem:s11+$0x18020] =	vst v1;
	v0 =	vadd.f32 v3, v0;
	v1 =	vld [tilespmem:s11+$0x10060]  }
0x482: {  	s14 =	sor.u32 s15, s14;
	v3 =	vld [tilespmem:s11+$0x60]  }
0x483: {  	v7 =	vld [tilespmem:s14+$0x10070];
	[tilespmem:s11+$0x18030] =	vst v0;
	v0 =	vadd.f32 v6, v2  }
0x484: {  	v2 =	vld [tilespmem:s14+$0x70]  }
0x485: {  	v6 =	vld [tilespmem:s14+$0x10000];
	[tilespmem:s11+$0x18040] =	vst v0;
	v0 =	vadd.f32 v5, v4  }
0x486: {  	v5 =	vld [tilespmem:s14+$0x0]  }
0x487: {  	v8 =	vld [tilespmem:s14+$0x10010];
	[tilespmem:s11+$0x18050] =	vst v0;
	v0 =	vadd.f32 v3, v1  }
0x488: {  	v9 =	vld [tilespmem:s14+$0x10]  }
.Ltmp23:
0x489: {  	v1 =	vld [tilespmem:s14+$0x10020];
	v2 =	vadd.f32 v2, v7;
	[tilespmem:s11+$0x18060] =	vst v0;
	s11 =	smov.u32 s14;
	(pc) =	sbr.rel @p0 .LBB2_48-.Ltmp23, $4  }
0x48a: {  	v4 =	vld [tilespmem:s11+$0x20]  }
0x48b: {  	v5 =	vadd.f32 v5, v6;
	v0 =	vld [tilespmem:s11+$0x10030];
	[tilespmem:s11+$0x18070] =	vst v2  }
0x48c: {  	v3 =	vld [tilespmem:s11+$0x30]  }
0x48d: {  	[tilespmem:s11+$0x18000] =	vst v5;
	v5 =	vadd.f32 v9, v8;
	v2 =	vld [tilespmem:s11+$0x10040]  }
0x48e: {  	v6 =	vld [tilespmem:s11+$0x40]  }
0x48f: {  	v7 =	vld [tilespmem:s11+$0x10050]  }
0x490: {  	v8 =	vld [tilespmem:s11+$0x50]  }
0x491: {  	v9 =	vld [tilespmem:s11+$0x10060]  }
0x492: {  	v10 =	vld [tilespmem:s11+$0x60]  }
0x493: {  	v1 =	vadd.f32 v4, v1  }
0x494: {  	[tilespmem:s11+$0x18010] =	vst v5;
	v0 =	vadd.f32 v3, v0  }
0x495: {  	[tilespmem:s11+$0x18020] =	vst v1;
	v1 =	vadd.f32 v6, v2  }
0x496: {  	[tilespmem:s11+$0x18030] =	vst v0;
	v0 =	vadd.f32 v8, v7  }
0x497: {  	[tilespmem:s11+$0x18040] =	vst v1;
	v1 =	vadd.f32 v10, v9  }
0x498: {  	[tilespmem:s11+$0x18050] =	vst v0  }
0x499: {  	[tilespmem:s11+$0x18060] =	vst v1  }
0x49a: {  	s11 =	simm.s32 $0x0;
	s12 =	sld [smem:$0x7EF]  }
0x49b: {  	[hbm4b:s20+s11] =	stream.linear.scatter [tilespmem:s5], [sflag:$0x7], $0x2000, $0x38;
	[tilespmem:$0x1C000] =	vst v63  }
0x49c: {  	_ = 	snop  }
0x49d: {  	[tilespmem:s28], [sflag:$0x5] =	stream.linear.gather [hbm4b:s12+s11], $0x4000, $0x38;
	[tilespmem:$0x1C000] =	vst v63  }
0x49e: {  	_ =	swait.ge [sflag:s9], $0x4000  }
0x49f: {  	[sflag:s9] =	ssyncset.done $0x0  }
0x4a0: {  	[sflag:s9] =	ssyncadd.s32 $0xFFFFC000  }
0x4a1: {  	_ =	swait.ge [sflag:s30], $0x4000  }
0x4a2: {  	[sflag:s30] =	ssyncset.done $0x0  }
0x4a3: {  	[sflag:s30] =	ssyncadd.s32 $0xFFFFC000  }
0x4a4: {  	s17 =	sand.u32 $0x1C00, s11;
	_ =	swait.ge [sflag:s7], $0x4000  }
0x4a5: {  	s13 =	sor.u32 s17, s11;
	[sflag:s7] =	ssyncset.done $0x0  }
0x4a6: {  	s13 =	sor.u32 $0x70, s13;
	[sflag:s7] =	ssyncadd.s32 $0xFFFFC000  }
0x4a7: {  	s14 =	sand.u32 $0x380, s11;
	v0 =	vld [tilespmem:s13+$0x8000]  }
0x4a8: {  	s12 =	sor.u32 s14, s17;
	v1 =	vld [tilespmem:s13+$0x4000]  }
0x4a9: {  	v2 =	vld [tilespmem:s12+$0x8000]  }
0x4aa: {  	v3 =	vld [tilespmem:s12+$0x4000]  }
0x4ab: {  	v5 =	vld [tilespmem:s12+$0x8010]  }
0x4ac: {  	v6 =	vld [tilespmem:s12+$0x4010]  }
0x4ad: {  	v7 =	vld [tilespmem:s12+$0x8020]  }
0x4ae: {  	v63 =	vld [tilespmem:s12+$0x4020]  }
0x4af: {  	v4 =	vld [tilespmem:s12+$0x4030];
	v1 =	vadd.f32 v1, v0  }
0x4b0: {  	v0 =	vld [tilespmem:s12+$0x8030];
	v2 =	vadd.f32 v3, v2  }
0x4b1: {  	v3 =	vadd.f32 v6, v5;
	[tilespmem:s13+$0x14000] =	vst v1;
	v1 =	vld [tilespmem:s12+$0x8040]  }
0x4b2: {  	[tilespmem:s12+$0x14000] =	vst v2;
	v2 =	vld [tilespmem:s12+$0x4040]  }
0x4b3: {  	s14 =	simm.s32 $0x400;
	v5 =	vadd.f32 v63, v7;
	s13 =	simm.s32 $0x0;
	[tilespmem:s12+$0x14010] =	vst v3;
	v3 =	vld [tilespmem:s12+$0x8050]  }
.LBB2_50:
0x4b4: {  	s15 =	sand.u32 $0x1C00, s14;
	v6 =	vld [tilespmem:s12+$0x4050];
	s11 =	sadd.s32 $0x10, s11  }
0x4b5: {  	s13 =	sadd.s32 $0x8, s13;
	s16 =	sand.u32 $0x380, s11;
	s17 =	sor.u32 s15, s11;
	[tilespmem:s12+$0x14020] =	vst v5;
	v0 =	vadd.f32 v4, v0;
	v4 =	vld [tilespmem:s12+$0x8060]  }
0x4b6: {  	p0 =	slt.u32 s13, $0x1F8;
	s15 =	sor.u32 s16, s15;
	s16 =	sor.u32 $0x70, s17;
	v5 =	vld [tilespmem:s12+$0x4060]  }
0x4b7: {  	v7 =	vld [tilespmem:s16+$0x8000];
	[tilespmem:s12+$0x14030] =	vst v0;
	v0 =	vadd.f32 v2, v1  }
0x4b8: {  	v1 =	vld [tilespmem:s16+$0x4000]  }
0x4b9: {  	v2 =	vld [tilespmem:s15+$0x8000];
	[tilespmem:s12+$0x14040] =	vst v0;
	v0 =	vadd.f32 v6, v3  }
0x4ba: {  	v3 =	vld [tilespmem:s15+$0x4000]  }
0x4bb: {  	v6 =	vld [tilespmem:s15+$0x8010];
	[tilespmem:s12+$0x14050] =	vst v0;
	v0 =	vadd.f32 v5, v4  }
0x4bc: {  	v5 =	vld [tilespmem:s15+$0x4010]  }
0x4bd: {  	v8 =	vld [tilespmem:s15+$0x8020];
	v1 =	vadd.f32 v1, v7;
	[tilespmem:s12+$0x14060] =	vst v0;
	s12 =	smov.u32 s15  }
0x4be: {  	v7 =	vld [tilespmem:s12+$0x4020]  }
.Ltmp24:
0x4bf: {  	v2 =	vadd.f32 v3, v2;
	v0 =	vld [tilespmem:s12+$0x8030];
	[tilespmem:s16+$0x14000] =	vst v1;
	(pc) =	sbr.rel @p0 .LBB2_50-.Ltmp24, $4  }
0x4c0: {  	v4 =	vld [tilespmem:s12+$0x4030]  }
0x4c1: {  	[tilespmem:s12+$0x14000] =	vst v2;
	v3 =	vadd.f32 v5, v6;
	v1 =	vld [tilespmem:s12+$0x8040]  }
0x4c2: {  	v2 =	vld [tilespmem:s12+$0x4040]  }
0x4c3: {  	s14 =	sadd.s32 $0x400, s14;
	[tilespmem:s12+$0x14010] =	vst v3;
	v5 =	vadd.f32 v7, v8;
	v3 =	vld [tilespmem:s12+$0x8050]  }
0x4c4: {  	v6 =	vld [tilespmem:s12+$0x4050]  }
0x4c5: {  	v7 =	vld [tilespmem:s12+$0x8060]  }
0x4c6: {  	v8 =	vld [tilespmem:s12+$0x4060];
	_ =	sdelay $0x1  }
0x4c7: {  	v0 =	vadd.f32 v4, v0  }
0x4c8: {  	[tilespmem:s12+$0x14020] =	vst v5;
	v1 =	vadd.f32 v2, v1  }
0x4c9: {  	[tilespmem:s12+$0x14030] =	vst v0;
	v0 =	vadd.f32 v6, v3  }
0x4ca: {  	[tilespmem:s12+$0x14040] =	vst v1;
	v1 =	vadd.f32 v8, v7  }
0x4cb: {  	[tilespmem:s12+$0x14050] =	vst v0  }
0x4cc: {  	[tilespmem:s12+$0x14060] =	vst v1  }
0x4cd: {  	s16 =	simm.s32 $0x2000;
	s12 =	simm.s32 $0x10000;
	s11 =	rddreg [dreg:$0x1f]  }
0x4ce: {  	[hbm4b:s11+s1] =	stream.linear.scatter [tilespmem:s31], [sflag:$0x6], $0x2000, $0x38;
	[tilespmem:$0x1C000] =	vst v63  }
0x4cf: {  	s14 =	simm.s32 $0x400;
	s13 =	sand.u32 $0x1C00, s12;
	s11 =	sand.u32 $0x2000, s16  }
0x4d0: {  	s17 =	sand.u32 $0x380, s14;
	s11 =	sor.u32 s13, s11  }
0x4d1: {  	s11 =	sor.u32 s17, s11  }
0x4d2: {  	v0 =	vld [tilespmem:s11+$0x8070]  }
0x4d3: {  	v2 =	vld [tilespmem:s11+$0x4070]  }
0x4d4: {  	v3 =	vld [tilespmem:s11+$0x8000]  }
0x4d5: {  	v5 =	vld [tilespmem:s11+$0x4000]  }
0x4d6: {  	v6 =	vld [tilespmem:s11+$0x8010]  }
0x4d7: {  	v7 =	vld [tilespmem:s11+$0x4010]  }
0x4d8: {  	v1 =	vld [tilespmem:s11+$0x8020]  }
0x4d9: {  	v4 =	vld [tilespmem:s11+$0x4020];
	v2 =	vadd.f32 v2, v0  }
0x4da: {  	v5 =	vadd.f32 v5, v3;
	v0 =	vld [tilespmem:s11+$0x8030]  }
0x4db: {  	v3 =	vld [tilespmem:s11+$0x4030];
	[tilespmem:s11+$0x14070] =	vst v2  }
0x4dc: {  	s13 =	simm.s32 $0x200;
	[tilespmem:s11+$0x14000] =	vst v5;
	v5 =	vadd.f32 v7, v6;
	v2 =	vld [tilespmem:s11+$0x8040]  }
.LBB2_52:
0x4dd: {  	s13 =	sadd.s32 $0x8, s13;
	v6 =	vld [tilespmem:s11+$0x4040]  }
0x4de: {  	s12 =	sadd.s32 $0x400, s12;
	s14 =	sshll.u32 s13, $0x4;
	p0 =	slt.u32 s13, $0x3F8;
	[tilespmem:s11+$0x14010] =	vst v5;
	v1 =	vadd.f32 v4, v1;
	v4 =	vld [tilespmem:s11+$0x8050]  }
0x4df: {  	s15 =	sand.u32 $0x1C00, s12;
	s16 =	sshll.u32 s13, $0x1;
	s14 =	sand.u32 $0x2000, s14;
	v5 =	vld [tilespmem:s11+$0x4050]  }
0x4e0: {  	s14 =	sor.u32 s15, s14;
	s15 =	sand.u32 $0x380, s16;
	[tilespmem:s11+$0x14020] =	vst v1;
	v0 =	vadd.f32 v3, v0;
	v1 =	vld [tilespmem:s11+$0x8060]  }
0x4e1: {  	s14 =	sor.u32 s15, s14;
	v3 =	vld [tilespmem:s11+$0x4060]  }
0x4e2: {  	v7 =	vld [tilespmem:s14+$0x8070];
	[tilespmem:s11+$0x14030] =	vst v0;
	v0 =	vadd.f32 v6, v2  }
0x4e3: {  	v2 =	vld [tilespmem:s14+$0x4070]  }
0x4e4: {  	v6 =	vld [tilespmem:s14+$0x8000];
	[tilespmem:s11+$0x14040] =	vst v0;
	v0 =	vadd.f32 v5, v4  }
0x4e5: {  	v5 =	vld [tilespmem:s14+$0x4000]  }
0x4e6: {  	v8 =	vld [tilespmem:s14+$0x8010];
	[tilespmem:s11+$0x14050] =	vst v0;
	v0 =	vadd.f32 v3, v1  }
0x4e7: {  	v9 =	vld [tilespmem:s14+$0x4010]  }
.Ltmp25:
0x4e8: {  	v1 =	vld [tilespmem:s14+$0x8020];
	v2 =	vadd.f32 v2, v7;
	[tilespmem:s11+$0x14060] =	vst v0;
	s11 =	smov.u32 s14;
	(pc) =	sbr.rel @p0 .LBB2_52-.Ltmp25, $4  }
0x4e9: {  	v4 =	vld [tilespmem:s11+$0x4020]  }
0x4ea: {  	v5 =	vadd.f32 v5, v6;
	v0 =	vld [tilespmem:s11+$0x8030];
	[tilespmem:s11+$0x14070] =	vst v2  }
0x4eb: {  	v3 =	vld [tilespmem:s11+$0x4030]  }
0x4ec: {  	[tilespmem:s11+$0x14000] =	vst v5;
	v5 =	vadd.f32 v9, v8;
	v2 =	vld [tilespmem:s11+$0x8040]  }
0x4ed: {  	v6 =	vld [tilespmem:s11+$0x4040]  }
0x4ee: {  	v7 =	vld [tilespmem:s11+$0x8050]  }
0x4ef: {  	v8 =	vld [tilespmem:s11+$0x4050]  }
0x4f0: {  	v9 =	vld [tilespmem:s11+$0x8060]  }
0x4f1: {  	v10 =	vld [tilespmem:s11+$0x4060]  }
0x4f2: {  	v1 =	vadd.f32 v4, v1  }
0x4f3: {  	[tilespmem:s11+$0x14010] =	vst v5;
	v0 =	vadd.f32 v3, v0  }
0x4f4: {  	[tilespmem:s11+$0x14020] =	vst v1;
	v1 =	vadd.f32 v6, v2  }
0x4f5: {  	[tilespmem:s11+$0x14030] =	vst v0;
	v0 =	vadd.f32 v8, v7  }
0x4f6: {  	[tilespmem:s11+$0x14040] =	vst v1;
	v1 =	vadd.f32 v10, v9  }
0x4f7: {  	[tilespmem:s11+$0x14050] =	vst v0  }
0x4f8: {  	[tilespmem:s11+$0x14060] =	vst v1  }
0x4f9: {  	s11 =	simm.s32 $0x0;
	s12 =	sld [smem:$0x7F0]  }
0x4fa: {  	[hbm4b:s21+s11] =	stream.linear.scatter [tilespmem:s2], [sflag:$0x6], $0x2000, $0x38;
	[tilespmem:$0x1C000] =	vst v63  }
0x4fb: {  	_ = 	snop  }
0x4fc: {  	[tilespmem:s25], [sflag:$0x3] =	stream.linear.gather [hbm4b:s12+s11], $0x4000, $0x38;
	[tilespmem:$0x1C000] =	vst v63  }
0x4fd: {  	_ =	swait.ge [sflag:s3], $0x4000  }
0x4fe: {  	[sflag:s3] =	ssyncset.done $0x0  }
0x4ff: {  	[sflag:s3] =	ssyncadd.s32 $0xFFFFC000  }
0x500: {  	s17 =	sand.u32 $0x1C00, s11;
	_ =	swait.ge [sflag:s8], $0x4000  }
0x501: {  	s13 =	sor.u32 s17, s11;
	[sflag:s8] =	ssyncset.done $0x0  }
0x502: {  	s13 =	sor.u32 $0x70, s13;
	[sflag:s8] =	ssyncadd.s32 $0xFFFFC000  }
0x503: {  	s14 =	sand.u32 $0x380, s11;
	v0 =	vld [tilespmem:s13+$0xC000]  }
0x504: {  	s12 =	sor.u32 s14, s17;
	v1 =	vld [tilespmem:s13+$0x4000]  }
0x505: {  	v2 =	vld [tilespmem:s12+$0xC000]  }
0x506: {  	v3 =	vld [tilespmem:s12+$0x4000]  }
0x507: {  	v5 =	vld [tilespmem:s12+$0xC010]  }
0x508: {  	v6 =	vld [tilespmem:s12+$0x4010]  }
0x509: {  	v7 =	vld [tilespmem:s12+$0xC020]  }
0x50a: {  	v63 =	vld [tilespmem:s12+$0x4020]  }
0x50b: {  	v4 =	vld [tilespmem:s12+$0x4030];
	v1 =	vadd.f32 v1, v0  }
0x50c: {  	v0 =	vld [tilespmem:s12+$0xC030];
	v2 =	vadd.f32 v3, v2  }
0x50d: {  	v3 =	vadd.f32 v6, v5;
	[tilespmem:s13+$0x18000] =	vst v1;
	v1 =	vld [tilespmem:s12+$0xC040]  }
0x50e: {  	[tilespmem:s12+$0x18000] =	vst v2;
	v2 =	vld [tilespmem:s12+$0x4040]  }
0x50f: {  	s14 =	simm.s32 $0x400;
	v5 =	vadd.f32 v63, v7;
	s13 =	simm.s32 $0x0;
	[tilespmem:s12+$0x18010] =	vst v3;
	v3 =	vld [tilespmem:s12+$0xC050]  }
.LBB2_54:
0x510: {  	s15 =	sand.u32 $0x1C00, s14;
	v6 =	vld [tilespmem:s12+$0x4050];
	s11 =	sadd.s32 $0x10, s11  }
0x511: {  	s13 =	sadd.s32 $0x8, s13;
	s16 =	sand.u32 $0x380, s11;
	s17 =	sor.u32 s15, s11;
	[tilespmem:s12+$0x18020] =	vst v5;
	v0 =	vadd.f32 v4, v0;
	v4 =	vld [tilespmem:s12+$0xC060]  }
0x512: {  	p0 =	slt.u32 s13, $0x1F8;
	s15 =	sor.u32 s16, s15;
	s16 =	sor.u32 $0x70, s17;
	v5 =	vld [tilespmem:s12+$0x4060]  }
0x513: {  	v7 =	vld [tilespmem:s16+$0xC000];
	[tilespmem:s12+$0x18030] =	vst v0;
	v0 =	vadd.f32 v2, v1  }
0x514: {  	v1 =	vld [tilespmem:s16+$0x4000]  }
0x515: {  	v2 =	vld [tilespmem:s15+$0xC000];
	[tilespmem:s12+$0x18040] =	vst v0;
	v0 =	vadd.f32 v6, v3  }
0x516: {  	v3 =	vld [tilespmem:s15+$0x4000]  }
0x517: {  	v6 =	vld [tilespmem:s15+$0xC010];
	[tilespmem:s12+$0x18050] =	vst v0;
	v0 =	vadd.f32 v5, v4  }
0x518: {  	v5 =	vld [tilespmem:s15+$0x4010]  }
0x519: {  	v8 =	vld [tilespmem:s15+$0xC020];
	v1 =	vadd.f32 v1, v7;
	[tilespmem:s12+$0x18060] =	vst v0;
	s12 =	smov.u32 s15  }
0x51a: {  	v7 =	vld [tilespmem:s12+$0x4020]  }
.Ltmp26:
0x51b: {  	v2 =	vadd.f32 v3, v2;
	v0 =	vld [tilespmem:s12+$0xC030];
	[tilespmem:s16+$0x18000] =	vst v1;
	(pc) =	sbr.rel @p0 .LBB2_54-.Ltmp26, $4  }
0x51c: {  	v4 =	vld [tilespmem:s12+$0x4030]  }
0x51d: {  	[tilespmem:s12+$0x18000] =	vst v2;
	v3 =	vadd.f32 v5, v6;
	v1 =	vld [tilespmem:s12+$0xC040]  }
0x51e: {  	v2 =	vld [tilespmem:s12+$0x4040]  }
0x51f: {  	s14 =	sadd.s32 $0x400, s14;
	[tilespmem:s12+$0x18010] =	vst v3;
	v5 =	vadd.f32 v7, v8;
	v3 =	vld [tilespmem:s12+$0xC050]  }
0x520: {  	v6 =	vld [tilespmem:s12+$0x4050]  }
0x521: {  	v7 =	vld [tilespmem:s12+$0xC060]  }
0x522: {  	v8 =	vld [tilespmem:s12+$0x4060];
	_ =	sdelay $0x1  }
0x523: {  	v0 =	vadd.f32 v4, v0  }
0x524: {  	[tilespmem:s12+$0x18020] =	vst v5;
	v1 =	vadd.f32 v2, v1  }
0x525: {  	[tilespmem:s12+$0x18030] =	vst v0;
	v0 =	vadd.f32 v6, v3  }
0x526: {  	[tilespmem:s12+$0x18040] =	vst v1;
	v1 =	vadd.f32 v8, v7  }
0x527: {  	[tilespmem:s12+$0x18050] =	vst v0  }
0x528: {  	[tilespmem:s12+$0x18060] =	vst v1  }
0x529: {  	s11 =	sld [smem:$0x7F1];
	_ =	sdelay $0x1  }
0x52a: {  	s16 =	simm.s32 $0x2000;
	s12 =	simm.s32 $0x10000  }
0x52b: {  	[hbm4b:s11+s1] =	stream.linear.scatter [tilespmem:s4], [sflag:$0x7], $0x2000, $0x38;
	[tilespmem:$0x1C000] =	vst v63  }
0x52c: {  	s14 =	simm.s32 $0x400;
	s13 =	sand.u32 $0x1C00, s12;
	s11 =	sand.u32 $0x2000, s16  }
0x52d: {  	s17 =	sand.u32 $0x380, s14;
	s11 =	sor.u32 s13, s11  }
0x52e: {  	s11 =	sor.u32 s17, s11  }
0x52f: {  	v0 =	vld [tilespmem:s11+$0xC070]  }
0x530: {  	v2 =	vld [tilespmem:s11+$0x4070]  }
0x531: {  	v3 =	vld [tilespmem:s11+$0xC000]  }
0x532: {  	v5 =	vld [tilespmem:s11+$0x4000]  }
0x533: {  	v6 =	vld [tilespmem:s11+$0xC010]  }
0x534: {  	v7 =	vld [tilespmem:s11+$0x4010]  }
0x535: {  	v1 =	vld [tilespmem:s11+$0xC020]  }
0x536: {  	v4 =	vld [tilespmem:s11+$0x4020];
	v2 =	vadd.f32 v2, v0  }
0x537: {  	v5 =	vadd.f32 v5, v3;
	v0 =	vld [tilespmem:s11+$0xC030]  }
0x538: {  	v3 =	vld [tilespmem:s11+$0x4030];
	[tilespmem:s11+$0x18070] =	vst v2  }
0x539: {  	s13 =	simm.s32 $0x200;
	[tilespmem:s11+$0x18000] =	vst v5;
	v5 =	vadd.f32 v7, v6;
	v2 =	vld [tilespmem:s11+$0xC040]  }
.LBB2_56:
0x53a: {  	s13 =	sadd.s32 $0x8, s13;
	v6 =	vld [tilespmem:s11+$0x4040]  }
0x53b: {  	s12 =	sadd.s32 $0x400, s12;
	s14 =	sshll.u32 s13, $0x4;
	p0 =	slt.u32 s13, $0x3F8;
	[tilespmem:s11+$0x18010] =	vst v5;
	v1 =	vadd.f32 v4, v1;
	v4 =	vld [tilespmem:s11+$0xC050]  }
0x53c: {  	s15 =	sand.u32 $0x1C00, s12;
	s16 =	sshll.u32 s13, $0x1;
	s14 =	sand.u32 $0x2000, s14;
	v5 =	vld [tilespmem:s11+$0x4050]  }
0x53d: {  	s14 =	sor.u32 s15, s14;
	s15 =	sand.u32 $0x380, s16;
	[tilespmem:s11+$0x18020] =	vst v1;
	v0 =	vadd.f32 v3, v0;
	v1 =	vld [tilespmem:s11+$0xC060]  }
0x53e: {  	s14 =	sor.u32 s15, s14;
	v3 =	vld [tilespmem:s11+$0x4060]  }
0x53f: {  	v7 =	vld [tilespmem:s14+$0xC070];
	[tilespmem:s11+$0x18030] =	vst v0;
	v0 =	vadd.f32 v6, v2  }
0x540: {  	v2 =	vld [tilespmem:s14+$0x4070]  }
0x541: {  	v6 =	vld [tilespmem:s14+$0xC000];
	[tilespmem:s11+$0x18040] =	vst v0;
	v0 =	vadd.f32 v5, v4  }
0x542: {  	v5 =	vld [tilespmem:s14+$0x4000]  }
0x543: {  	v8 =	vld [tilespmem:s14+$0xC010];
	[tilespmem:s11+$0x18050] =	vst v0;
	v0 =	vadd.f32 v3, v1  }
0x544: {  	v9 =	vld [tilespmem:s14+$0x4010]  }
.Ltmp27:
0x545: {  	v1 =	vld [tilespmem:s14+$0xC020];
	v2 =	vadd.f32 v2, v7;
	[tilespmem:s11+$0x18060] =	vst v0;
	s11 =	smov.u32 s14;
	(pc) =	sbr.rel @p0 .LBB2_56-.Ltmp27, $4  }
0x546: {  	v4 =	vld [tilespmem:s11+$0x4020]  }
0x547: {  	v5 =	vadd.f32 v5, v6;
	v0 =	vld [tilespmem:s11+$0xC030];
	[tilespmem:s11+$0x18070] =	vst v2  }
0x548: {  	v3 =	vld [tilespmem:s11+$0x4030]  }
0x549: {  	[tilespmem:s11+$0x18000] =	vst v5;
	v5 =	vadd.f32 v9, v8;
	v2 =	vld [tilespmem:s11+$0xC040]  }
0x54a: {  	v6 =	vld [tilespmem:s11+$0x4040]  }
0x54b: {  	v7 =	vld [tilespmem:s11+$0xC050]  }
0x54c: {  	v8 =	vld [tilespmem:s11+$0x4050]  }
0x54d: {  	v9 =	vld [tilespmem:s11+$0xC060]  }
0x54e: {  	v10 =	vld [tilespmem:s11+$0x4060]  }
0x54f: {  	v1 =	vadd.f32 v4, v1  }
0x550: {  	[tilespmem:s11+$0x18010] =	vst v5;
	v0 =	vadd.f32 v3, v0  }
0x551: {  	[tilespmem:s11+$0x18020] =	vst v1;
	v1 =	vadd.f32 v6, v2  }
0x552: {  	[tilespmem:s11+$0x18030] =	vst v0;
	v0 =	vadd.f32 v8, v7  }
0x553: {  	[tilespmem:s11+$0x18040] =	vst v1;
	v1 =	vadd.f32 v10, v9  }
0x554: {  	[tilespmem:s11+$0x18050] =	vst v0  }
0x555: {  	[tilespmem:s11+$0x18060] =	vst v1;
	s11 =	simm.s32 $0x0  }
0x556: {  	[hbm4b:s22+s11] =	stream.linear.scatter [tilespmem:s5], [sflag:$0x7], $0x2000, $0x38;
	[tilespmem:$0x1C000] =	vst v63  }
0x557: {  	_ =	swait.ge [sflag:s6], $0x4000  }
0x558: {  	[sflag:s6] =	ssyncset.done $0x0  }
0x559: {  	[sflag:s6] =	ssyncadd.s32 $0xFFFFC000  }
0x55a: {  	s12 =	sand.u32 $0x1C00, s11;
	_ =	swait.ge [sflag:s7], $0x4000  }
0x55b: {  	s13 =	sor.u32 s12, s11;
	[sflag:s7] =	ssyncset.done $0x0  }
0x55c: {  	s13 =	sor.u32 $0x70, s13;
	[sflag:s7] =	ssyncadd.s32 $0xFFFFC000  }
0x55d: {  	s14 =	sand.u32 $0x380, s11;
	v0 =	vld [tilespmem:s13+$0x10000]  }
0x55e: {  	s12 =	sor.u32 s14, s12;
	v1 =	vld [tilespmem:s13+$0x4000]  }
0x55f: {  	v2 =	vld [tilespmem:s12+$0x10000]  }
0x560: {  	v3 =	vld [tilespmem:s12+$0x4000]  }
0x561: {  	v5 =	vld [tilespmem:s12+$0x10010]  }
0x562: {  	v6 =	vld [tilespmem:s12+$0x4010]  }
0x563: {  	v7 =	vld [tilespmem:s12+$0x10020]  }
0x564: {  	v63 =	vld [tilespmem:s12+$0x4020]  }
0x565: {  	v4 =	vld [tilespmem:s12+$0x4030];
	v1 =	vadd.f32 v1, v0  }
0x566: {  	v0 =	vld [tilespmem:s12+$0x10030];
	v2 =	vadd.f32 v3, v2  }
0x567: {  	v3 =	vadd.f32 v6, v5;
	[tilespmem:s13+$0x14000] =	vst v1;
	v1 =	vld [tilespmem:s12+$0x10040]  }
0x568: {  	[tilespmem:s12+$0x14000] =	vst v2;
	v2 =	vld [tilespmem:s12+$0x4040]  }
0x569: {  	s14 =	simm.s32 $0x400;
	v5 =	vadd.f32 v63, v7;
	s13 =	simm.s32 $0x0;
	[tilespmem:s12+$0x14010] =	vst v3;
	v3 =	vld [tilespmem:s12+$0x10050]  }
.LBB2_58:
0x56a: {  	s15 =	sand.u32 $0x1C00, s14;
	v6 =	vld [tilespmem:s12+$0x4050];
	s11 =	sadd.s32 $0x10, s11  }
0x56b: {  	s13 =	sadd.s32 $0x8, s13;
	s16 =	sand.u32 $0x380, s11;
	s17 =	sor.u32 s15, s11;
	[tilespmem:s12+$0x14020] =	vst v5;
	v0 =	vadd.f32 v4, v0;
	v4 =	vld [tilespmem:s12+$0x10060]  }
0x56c: {  	p0 =	slt.u32 s13, $0x1F8;
	s15 =	sor.u32 s16, s15;
	s16 =	sor.u32 $0x70, s17;
	v5 =	vld [tilespmem:s12+$0x4060]  }
0x56d: {  	v7 =	vld [tilespmem:s16+$0x10000];
	[tilespmem:s12+$0x14030] =	vst v0;
	v0 =	vadd.f32 v2, v1  }
0x56e: {  	v1 =	vld [tilespmem:s16+$0x4000]  }
0x56f: {  	v2 =	vld [tilespmem:s15+$0x10000];
	[tilespmem:s12+$0x14040] =	vst v0;
	v0 =	vadd.f32 v6, v3  }
0x570: {  	v3 =	vld [tilespmem:s15+$0x4000]  }
0x571: {  	v6 =	vld [tilespmem:s15+$0x10010];
	[tilespmem:s12+$0x14050] =	vst v0;
	v0 =	vadd.f32 v5, v4  }
0x572: {  	v5 =	vld [tilespmem:s15+$0x4010]  }
0x573: {  	v8 =	vld [tilespmem:s15+$0x10020];
	v1 =	vadd.f32 v1, v7;
	[tilespmem:s12+$0x14060] =	vst v0;
	s12 =	smov.u32 s15  }
0x574: {  	v7 =	vld [tilespmem:s12+$0x4020]  }
.Ltmp28:
0x575: {  	v2 =	vadd.f32 v3, v2;
	v0 =	vld [tilespmem:s12+$0x10030];
	[tilespmem:s16+$0x14000] =	vst v1;
	(pc) =	sbr.rel @p0 .LBB2_58-.Ltmp28, $4  }
0x576: {  	v4 =	vld [tilespmem:s12+$0x4030]  }
0x577: {  	[tilespmem:s12+$0x14000] =	vst v2;
	v3 =	vadd.f32 v5, v6;
	v1 =	vld [tilespmem:s12+$0x10040]  }
0x578: {  	v2 =	vld [tilespmem:s12+$0x4040]  }
0x579: {  	s14 =	sadd.s32 $0x400, s14;
	[tilespmem:s12+$0x14010] =	vst v3;
	v5 =	vadd.f32 v7, v8;
	v3 =	vld [tilespmem:s12+$0x10050]  }
0x57a: {  	v6 =	vld [tilespmem:s12+$0x4050]  }
0x57b: {  	v7 =	vld [tilespmem:s12+$0x10060]  }
0x57c: {  	v8 =	vld [tilespmem:s12+$0x4060];
	_ =	sdelay $0x1  }
0x57d: {  	v0 =	vadd.f32 v4, v0  }
0x57e: {  	[tilespmem:s12+$0x14020] =	vst v5;
	v1 =	vadd.f32 v2, v1  }
0x57f: {  	[tilespmem:s12+$0x14030] =	vst v0;
	v0 =	vadd.f32 v6, v3  }
0x580: {  	[tilespmem:s12+$0x14040] =	vst v1;
	v1 =	vadd.f32 v8, v7  }
0x581: {  	[tilespmem:s12+$0x14050] =	vst v0  }
0x582: {  	[tilespmem:s12+$0x14060] =	vst v1  }
0x583: {  	s11 =	sld [smem:$0x7F2];
	_ =	sdelay $0x1  }
0x584: {  	s16 =	simm.s32 $0x2000;
	s12 =	simm.s32 $0x10000  }
0x585: {  	[hbm4b:s11+s1] =	stream.linear.scatter [tilespmem:s31], [sflag:$0x6], $0x2000, $0x38;
	[tilespmem:$0x1C000] =	vst v63  }
0x586: {  	s14 =	simm.s32 $0x400;
	s13 =	sand.u32 $0x1C00, s12;
	s11 =	sand.u32 $0x2000, s16  }
0x587: {  	s17 =	sand.u32 $0x380, s14;
	s11 =	sor.u32 s13, s11  }
0x588: {  	s11 =	sor.u32 s17, s11  }
0x589: {  	v0 =	vld [tilespmem:s11+$0x10070]  }
0x58a: {  	v2 =	vld [tilespmem:s11+$0x4070]  }
0x58b: {  	v3 =	vld [tilespmem:s11+$0x10000]  }
0x58c: {  	v5 =	vld [tilespmem:s11+$0x4000]  }
0x58d: {  	v6 =	vld [tilespmem:s11+$0x10010]  }
0x58e: {  	v7 =	vld [tilespmem:s11+$0x4010]  }
0x58f: {  	v1 =	vld [tilespmem:s11+$0x10020]  }
0x590: {  	v4 =	vld [tilespmem:s11+$0x4020];
	v2 =	vadd.f32 v2, v0  }
0x591: {  	v5 =	vadd.f32 v5, v3;
	v0 =	vld [tilespmem:s11+$0x10030]  }
0x592: {  	v3 =	vld [tilespmem:s11+$0x4030];
	[tilespmem:s11+$0x14070] =	vst v2  }
0x593: {  	s13 =	simm.s32 $0x200;
	[tilespmem:s11+$0x14000] =	vst v5;
	v5 =	vadd.f32 v7, v6;
	v2 =	vld [tilespmem:s11+$0x10040]  }
.LBB2_60:
0x594: {  	s13 =	sadd.s32 $0x8, s13;
	v6 =	vld [tilespmem:s11+$0x4040]  }
0x595: {  	s12 =	sadd.s32 $0x400, s12;
	s14 =	sshll.u32 s13, $0x4;
	p0 =	slt.u32 s13, $0x3F8;
	[tilespmem:s11+$0x14010] =	vst v5;
	v1 =	vadd.f32 v4, v1;
	v4 =	vld [tilespmem:s11+$0x10050]  }
0x596: {  	s15 =	sand.u32 $0x1C00, s12;
	s16 =	sshll.u32 s13, $0x1;
	s14 =	sand.u32 $0x2000, s14;
	v5 =	vld [tilespmem:s11+$0x4050]  }
0x597: {  	s14 =	sor.u32 s15, s14;
	s15 =	sand.u32 $0x380, s16;
	[tilespmem:s11+$0x14020] =	vst v1;
	v0 =	vadd.f32 v3, v0;
	v1 =	vld [tilespmem:s11+$0x10060]  }
0x598: {  	s14 =	sor.u32 s15, s14;
	v3 =	vld [tilespmem:s11+$0x4060]  }
0x599: {  	v7 =	vld [tilespmem:s14+$0x10070];
	[tilespmem:s11+$0x14030] =	vst v0;
	v0 =	vadd.f32 v6, v2  }
0x59a: {  	v2 =	vld [tilespmem:s14+$0x4070]  }
0x59b: {  	v6 =	vld [tilespmem:s14+$0x10000];
	[tilespmem:s11+$0x14040] =	vst v0;
	v0 =	vadd.f32 v5, v4  }
0x59c: {  	v5 =	vld [tilespmem:s14+$0x4000]  }
0x59d: {  	v8 =	vld [tilespmem:s14+$0x10010];
	[tilespmem:s11+$0x14050] =	vst v0;
	v0 =	vadd.f32 v3, v1  }
0x59e: {  	v9 =	vld [tilespmem:s14+$0x4010]  }
.Ltmp29:
0x59f: {  	v1 =	vld [tilespmem:s14+$0x10020];
	v2 =	vadd.f32 v2, v7;
	[tilespmem:s11+$0x14060] =	vst v0;
	s11 =	smov.u32 s14;
	(pc) =	sbr.rel @p0 .LBB2_60-.Ltmp29, $4  }
0x5a0: {  	v4 =	vld [tilespmem:s11+$0x4020]  }
0x5a1: {  	v5 =	vadd.f32 v5, v6;
	v0 =	vld [tilespmem:s11+$0x10030];
	[tilespmem:s11+$0x14070] =	vst v2  }
0x5a2: {  	v3 =	vld [tilespmem:s11+$0x4030]  }
0x5a3: {  	[tilespmem:s11+$0x14000] =	vst v5;
	v5 =	vadd.f32 v9, v8;
	v2 =	vld [tilespmem:s11+$0x10040]  }
0x5a4: {  	v6 =	vld [tilespmem:s11+$0x4040]  }
0x5a5: {  	v7 =	vld [tilespmem:s11+$0x10050]  }
0x5a6: {  	v8 =	vld [tilespmem:s11+$0x4050]  }
0x5a7: {  	v9 =	vld [tilespmem:s11+$0x10060]  }
0x5a8: {  	v10 =	vld [tilespmem:s11+$0x4060]  }
0x5a9: {  	v1 =	vadd.f32 v4, v1  }
0x5aa: {  	[tilespmem:s11+$0x14010] =	vst v5;
	v0 =	vadd.f32 v3, v0  }
0x5ab: {  	[tilespmem:s11+$0x14020] =	vst v1;
	v1 =	vadd.f32 v6, v2  }
0x5ac: {  	[tilespmem:s11+$0x14030] =	vst v0;
	v0 =	vadd.f32 v8, v7  }
0x5ad: {  	[tilespmem:s11+$0x14040] =	vst v1;
	v1 =	vadd.f32 v10, v9  }
0x5ae: {  	[tilespmem:s11+$0x14050] =	vst v0  }
0x5af: {  	[tilespmem:s11+$0x14060] =	vst v1;
	s11 =	simm.s32 $0x0  }
0x5b0: {  	[hbm4b:s23+s11] =	stream.linear.scatter [tilespmem:s2], [sflag:$0x6], $0x2000, $0x38;
	[tilespmem:$0x1C000] =	vst v63  }
0x5b1: {  	_ =	swait.ge [sflag:s30], $0x4000  }
0x5b2: {  	[sflag:s30] =	ssyncset.done $0x0  }
0x5b3: {  	[sflag:s30] =	ssyncadd.s32 $0xFFFFC000  }
0x5b4: {  	s12 =	sand.u32 $0x1C00, s11;
	_ =	swait.ge [sflag:s8], $0x4000  }
0x5b5: {  	s13 =	sor.u32 s12, s11;
	[sflag:s8] =	ssyncset.done $0x0  }
0x5b6: {  	s13 =	sor.u32 $0x70, s13;
	[sflag:s8] =	ssyncadd.s32 $0xFFFFC000  }
0x5b7: {  	s14 =	sand.u32 $0x380, s11;
	v0 =	vld [tilespmem:s13+$0x8000]  }
0x5b8: {  	s12 =	sor.u32 s14, s12;
	v1 =	vld [tilespmem:s13+$0x4000]  }
0x5b9: {  	v2 =	vld [tilespmem:s12+$0x8000]  }
0x5ba: {  	v3 =	vld [tilespmem:s12+$0x4000]  }
0x5bb: {  	v5 =	vld [tilespmem:s12+$0x8010]  }
0x5bc: {  	v6 =	vld [tilespmem:s12+$0x4010]  }
0x5bd: {  	v7 =	vld [tilespmem:s12+$0x8020]  }
0x5be: {  	v63 =	vld [tilespmem:s12+$0x4020]  }
0x5bf: {  	v4 =	vld [tilespmem:s12+$0x4030];
	v1 =	vadd.f32 v1, v0  }
0x5c0: {  	v0 =	vld [tilespmem:s12+$0x8030];
	v2 =	vadd.f32 v3, v2  }
0x5c1: {  	v3 =	vadd.f32 v6, v5;
	[tilespmem:s13+$0x18000] =	vst v1;
	v1 =	vld [tilespmem:s12+$0x8040]  }
0x5c2: {  	[tilespmem:s12+$0x18000] =	vst v2;
	v2 =	vld [tilespmem:s12+$0x4040]  }
0x5c3: {  	s14 =	simm.s32 $0x400;
	v5 =	vadd.f32 v63, v7;
	s13 =	simm.s32 $0x0;
	[tilespmem:s12+$0x18010] =	vst v3;
	v3 =	vld [tilespmem:s12+$0x8050]  }
.LBB2_62:
0x5c4: {  	s15 =	sand.u32 $0x1C00, s14;
	v6 =	vld [tilespmem:s12+$0x4050];
	s11 =	sadd.s32 $0x10, s11  }
0x5c5: {  	s13 =	sadd.s32 $0x8, s13;
	s16 =	sand.u32 $0x380, s11;
	s17 =	sor.u32 s15, s11;
	[tilespmem:s12+$0x18020] =	vst v5;
	v0 =	vadd.f32 v4, v0;
	v4 =	vld [tilespmem:s12+$0x8060]  }
0x5c6: {  	p0 =	slt.u32 s13, $0x1F8;
	s15 =	sor.u32 s16, s15;
	s16 =	sor.u32 $0x70, s17;
	v5 =	vld [tilespmem:s12+$0x4060]  }
0x5c7: {  	v7 =	vld [tilespmem:s16+$0x8000];
	[tilespmem:s12+$0x18030] =	vst v0;
	v0 =	vadd.f32 v2, v1  }
0x5c8: {  	v1 =	vld [tilespmem:s16+$0x4000]  }
0x5c9: {  	v2 =	vld [tilespmem:s15+$0x8000];
	[tilespmem:s12+$0x18040] =	vst v0;
	v0 =	vadd.f32 v6, v3  }
0x5ca: {  	v3 =	vld [tilespmem:s15+$0x4000]  }
0x5cb: {  	v6 =	vld [tilespmem:s15+$0x8010];
	[tilespmem:s12+$0x18050] =	vst v0;
	v0 =	vadd.f32 v5, v4  }
0x5cc: {  	v5 =	vld [tilespmem:s15+$0x4010]  }
0x5cd: {  	v8 =	vld [tilespmem:s15+$0x8020];
	v1 =	vadd.f32 v1, v7;
	[tilespmem:s12+$0x18060] =	vst v0;
	s12 =	smov.u32 s15  }
0x5ce: {  	v7 =	vld [tilespmem:s12+$0x4020]  }
.Ltmp30:
0x5cf: {  	v2 =	vadd.f32 v3, v2;
	v0 =	vld [tilespmem:s12+$0x8030];
	[tilespmem:s16+$0x18000] =	vst v1;
	(pc) =	sbr.rel @p0 .LBB2_62-.Ltmp30, $4  }
0x5d0: {  	v4 =	vld [tilespmem:s12+$0x4030]  }
0x5d1: {  	[tilespmem:s12+$0x18000] =	vst v2;
	v3 =	vadd.f32 v5, v6;
	v1 =	vld [tilespmem:s12+$0x8040]  }
0x5d2: {  	v2 =	vld [tilespmem:s12+$0x4040]  }
0x5d3: {  	s14 =	sadd.s32 $0x400, s14;
	[tilespmem:s12+$0x18010] =	vst v3;
	v5 =	vadd.f32 v7, v8;
	v3 =	vld [tilespmem:s12+$0x8050]  }
0x5d4: {  	v6 =	vld [tilespmem:s12+$0x4050]  }
0x5d5: {  	v7 =	vld [tilespmem:s12+$0x8060]  }
0x5d6: {  	v8 =	vld [tilespmem:s12+$0x4060];
	_ =	sdelay $0x1  }
0x5d7: {  	v0 =	vadd.f32 v4, v0  }
0x5d8: {  	[tilespmem:s12+$0x18020] =	vst v5;
	v1 =	vadd.f32 v2, v1  }
0x5d9: {  	[tilespmem:s12+$0x18030] =	vst v0;
	v0 =	vadd.f32 v6, v3  }
0x5da: {  	[tilespmem:s12+$0x18040] =	vst v1;
	v1 =	vadd.f32 v8, v7  }
0x5db: {  	[tilespmem:s12+$0x18050] =	vst v0  }
0x5dc: {  	[tilespmem:s12+$0x18060] =	vst v1  }
0x5dd: {  	s11 =	sld [smem:$0x7F3];
	_ =	sdelay $0x1  }
0x5de: {  	s16 =	simm.s32 $0x2000;
	s12 =	simm.s32 $0x10000  }
0x5df: {  	[hbm4b:s11+s1] =	stream.linear.scatter [tilespmem:s4], [sflag:$0x7], $0x2000, $0x38;
	[tilespmem:$0x1C000] =	vst v63  }
0x5e0: {  	s14 =	simm.s32 $0x400;
	s13 =	sand.u32 $0x1C00, s12;
	s11 =	sand.u32 $0x2000, s16  }
0x5e1: {  	s17 =	sand.u32 $0x380, s14;
	s11 =	sor.u32 s13, s11  }
0x5e2: {  	s11 =	sor.u32 s17, s11  }
0x5e3: {  	v0 =	vld [tilespmem:s11+$0x8070]  }
0x5e4: {  	v2 =	vld [tilespmem:s11+$0x4070]  }
0x5e5: {  	v3 =	vld [tilespmem:s11+$0x8000]  }
0x5e6: {  	v5 =	vld [tilespmem:s11+$0x4000]  }
0x5e7: {  	v6 =	vld [tilespmem:s11+$0x8010]  }
0x5e8: {  	v7 =	vld [tilespmem:s11+$0x4010]  }
0x5e9: {  	v1 =	vld [tilespmem:s11+$0x8020]  }
0x5ea: {  	v4 =	vld [tilespmem:s11+$0x4020];
	v2 =	vadd.f32 v2, v0  }
0x5eb: {  	v5 =	vadd.f32 v5, v3;
	v0 =	vld [tilespmem:s11+$0x8030]  }
0x5ec: {  	v3 =	vld [tilespmem:s11+$0x4030];
	[tilespmem:s11+$0x18070] =	vst v2  }
0x5ed: {  	s13 =	simm.s32 $0x200;
	[tilespmem:s11+$0x18000] =	vst v5;
	v5 =	vadd.f32 v7, v6;
	v2 =	vld [tilespmem:s11+$0x8040]  }
.LBB2_64:
0x5ee: {  	s13 =	sadd.s32 $0x8, s13;
	v6 =	vld [tilespmem:s11+$0x4040]  }
0x5ef: {  	s12 =	sadd.s32 $0x400, s12;
	s14 =	sshll.u32 s13, $0x4;
	p0 =	slt.u32 s13, $0x3F8;
	[tilespmem:s11+$0x18010] =	vst v5;
	v1 =	vadd.f32 v4, v1;
	v4 =	vld [tilespmem:s11+$0x8050]  }
0x5f0: {  	s15 =	sand.u32 $0x1C00, s12;
	s16 =	sshll.u32 s13, $0x1;
	s14 =	sand.u32 $0x2000, s14;
	v5 =	vld [tilespmem:s11+$0x4050]  }
0x5f1: {  	s14 =	sor.u32 s15, s14;
	s15 =	sand.u32 $0x380, s16;
	[tilespmem:s11+$0x18020] =	vst v1;
	v0 =	vadd.f32 v3, v0;
	v1 =	vld [tilespmem:s11+$0x8060]  }
0x5f2: {  	s14 =	sor.u32 s15, s14;
	v3 =	vld [tilespmem:s11+$0x4060]  }
0x5f3: {  	v7 =	vld [tilespmem:s14+$0x8070];
	[tilespmem:s11+$0x18030] =	vst v0;
	v0 =	vadd.f32 v6, v2  }
0x5f4: {  	v2 =	vld [tilespmem:s14+$0x4070]  }
0x5f5: {  	v6 =	vld [tilespmem:s14+$0x8000];
	[tilespmem:s11+$0x18040] =	vst v0;
	v0 =	vadd.f32 v5, v4  }
0x5f6: {  	v5 =	vld [tilespmem:s14+$0x4000]  }
0x5f7: {  	v8 =	vld [tilespmem:s14+$0x8010];
	[tilespmem:s11+$0x18050] =	vst v0;
	v0 =	vadd.f32 v3, v1  }
0x5f8: {  	v9 =	vld [tilespmem:s14+$0x4010]  }
.Ltmp31:
0x5f9: {  	v1 =	vld [tilespmem:s14+$0x8020];
	v2 =	vadd.f32 v2, v7;
	[tilespmem:s11+$0x18060] =	vst v0;
	s11 =	smov.u32 s14;
	(pc) =	sbr.rel @p0 .LBB2_64-.Ltmp31, $4  }
0x5fa: {  	v4 =	vld [tilespmem:s11+$0x4020]  }
0x5fb: {  	v5 =	vadd.f32 v5, v6;
	v0 =	vld [tilespmem:s11+$0x8030];
	[tilespmem:s11+$0x18070] =	vst v2  }
0x5fc: {  	v3 =	vld [tilespmem:s11+$0x4030]  }
0x5fd: {  	[tilespmem:s11+$0x18000] =	vst v5;
	v5 =	vadd.f32 v9, v8;
	v2 =	vld [tilespmem:s11+$0x8040]  }
0x5fe: {  	v6 =	vld [tilespmem:s11+$0x4040]  }
0x5ff: {  	v7 =	vld [tilespmem:s11+$0x8050]  }
0x600: {  	v8 =	vld [tilespmem:s11+$0x4050]  }
0x601: {  	v9 =	vld [tilespmem:s11+$0x8060]  }
0x602: {  	v10 =	vld [tilespmem:s11+$0x4060]  }
0x603: {  	v1 =	vadd.f32 v4, v1  }
0x604: {  	[tilespmem:s11+$0x18010] =	vst v5;
	v0 =	vadd.f32 v3, v0  }
0x605: {  	[tilespmem:s11+$0x18020] =	vst v1;
	v61 =	vadd.f32 v6, v2  }
0x606: {  	[tilespmem:s11+$0x18030] =	vst v0;
	v62 =	vadd.f32 v8, v7  }
0x607: {  	v63 =	vadd.f32 v10, v9;
	[tilespmem:s11+$0x18040] =	vst v61  }
0x608: {  	[tilespmem:s11+$0x18050] =	vst v62  }
0x609: {  	[tilespmem:s11+$0x18060] =	vst v63  }
0x60a: {  	[hbm4b:s24+s1] =	stream.linear.scatter [tilespmem:s5], [sflag:$0x7], $0x2000, $0x38;
	[tilespmem:$0x1C000] =	vst v63  }
0x60b: {  	_ =	swait.ge [sflag:s7], $0x4000  }
0x60c: {  	[sflag:s7] =	ssyncset.done $0x0  }
0x60d: {  	[sflag:s7] =	ssyncadd.s32 $0xFFFFC000  }
0x60e: {  	_ =	swait.ge [sflag:s8], $0x4000  }
0x60f: {  	s17 =	sld [smem:$0x7F4];
	_ =	sdelay $0x1  }
0x610: {  	s10 =	sadd.s32 $0x1, s10  }
0x611: {  	p0 =	sne.s32 s10, s17  }
.Ltmp32:
0x612: {  	_ = 	snop;
	(pc) =	sbr.rel @p0 .LBB2_1-.Ltmp32, $3  }
0x613: {  	_ =	sdelay $0x1  }
0x614: {  	[sflag:s8] =	ssyncset.done $0x0  }
0x615: {  	[sflag:s8] =	ssyncadd.s32 $0xFFFFC000  }
0x616: {  	_ =	sfence.sel $0x180000  }
0x617: {  	[bflag:$0x0] =	sbarrier.arrive $0xFFFF  }
0x618: {  	_ =	strace $0x90000047  }
0x619: {  	s0 =	stileid.u32;
	[bflag:$0x2] =	sbarrier.arrive $0xFFFF  }
0x61a: {  	p0 =	sne.s32 s0, $0x0;
	s0 =	rddreg [dreg:$0x3]  }
0x61b: {  	s0 =	sadd.s32 @!p0 $0x100000, s0  }
0x61c: {  	[sflag:s0] =	ssyncadd.tile.s32 @!p0 $0x1;
	_ =	shalt  }
.Lfunc_end2:
_tile_overlayer_lowered:
.L_overlay_start_2:
0x61d: {  	(tag) =	ssettag $0x2  }
0x61e: {  	s0 =	rddreg [dreg:$0x0];
	s2 =	stileid.u32  }
0x61f: {  	s1 =	rddreg [dreg:$0x1];
	p0 =	sne.s32 s2, $0x0  }
0x620: {  	s3 =	rddreg [dreg:$0x2];
	[bflag:$0x3] =	sbarrier.arrive $0xFFFF;
	s2 =	simm.s32 @!p0 $0x1C08  }
0x621: {  	[timem:s3], [sflag:s2] =	dma.local @!p0 [hbm:s0], s1  }
0x622: {  	s0 =	simm.s32 @!p0 $0x8  }
0x623: {  	_ =	swait.ge @!p0 [sflag:s0], s1  }
0x624: {  	s1 =	ssub.s32 @!p0 $0x0, s1;
	[sflag:s0] =	ssyncset.done @!p0 $0x0  }
0x625: {  	[sflag:s0] =	ssyncadd.s32 @!p0 s1  }
0x626: {  	[bflag:$0x3] =	sbarrier.arrive $0xFFFF  }
0x627: {  	_ =	shalt  }

</sc_bundles>
